<compile_context>
chip_gen: v7x
topology: tpu7x:2x2x1
jax: 0.10.2.dev20260603
libtpu: 0.0.44.dev20260713+nightly
codegen_flags: <defaults>
</compile_context>

<pallas_src>
import functools

import jax
import jax.numpy as jnp
from jax import lax
from jax.experimental import pallas as pl
from jax.experimental.pallas import tpu as pltpu
from jax.experimental.pallas import tpu_sc as plsc

N_FEATURES = 100000
N_FIELDS = 26
EMB_D1 = 33
ROW_W = 64
BATCH = 4096
N_PAIRS = (N_FIELDS * (N_FIELDS - 1)) // 2

N_SPLIT = 2
BHALF = BATCH // N_SPLIT
TOTAL_H = BHALF * N_FIELDS
NW = 32
PER_W = TOTAL_H // NW
CHUNK = 128
N_CHUNKS = PER_W // CHUNK

NBUF = 2


def _sc_gather_body(feat_hbm, tbl_hbm, emb_out, idx_v, ebuf,
                    sem_g0, sem_g1, sem_o):
    cid = lax.axis_index("c")
    sid = lax.axis_index("s")
    wid = sid * 2 + cid
    base = wid * PER_W
    pltpu.sync_copy(feat_hbm.at[pl.ds(base, PER_W)], idx_v)

    sem_g = (sem_g0, sem_g1)

    def fire_gather(j):
        idx_j = idx_v.at[pl.ds(j * CHUNK, CHUNK)]
        pltpu.async_copy(tbl_hbm.at[idx_j], ebuf.at[j % NBUF], sem_g[j % 2])

    def wait_gather(j):
        pltpu.make_async_copy(
            tbl_hbm.at[idx_v.at[pl.ds(0, CHUNK)]],
            ebuf.at[j % NBUF], sem_g[j % 2]).wait()

    def fire_copyout(j):
        n0 = base + j * CHUNK
        f = n0 // BHALF
        b0 = n0 % BHALF
        pltpu.async_copy(
            ebuf.at[j % NBUF], emb_out.at[f, pl.ds(b0, CHUNK)], sem_o)

    def wait_copyout():
        pltpu.make_async_copy(
            ebuf.at[0], emb_out.at[0, pl.ds(0, CHUNK)], sem_o).wait()

    fire_gather(0)
    for j in range(N_CHUNKS):
        if j + 1 < N_CHUNKS:
            if j >= 1:
                wait_copyout()
            fire_gather(j + 1)
        wait_gather(j)
        fire_copyout(j)
    wait_copyout()
    wait_copyout()


@functools.cache
def _sc_gather_kernel():
    mesh = plsc.VectorSubcoreMesh(core_axis_name="c", subcore_axis_name="s")
    return pl.kernel(
        _sc_gather_body,
        out_type=jax.ShapeDtypeStruct((N_FIELDS, BHALF, ROW_W), jnp.float32),
        mesh=mesh,
        scratch_types=[
            pltpu.VMEM((PER_W,), jnp.int32),
            pltpu.VMEM((NBUF, CHUNK, ROW_W), jnp.float32),
            pltpu.SemaphoreType.DMA,
            pltpu.SemaphoreType.DMA,
            pltpu.SemaphoreType.DMA,
        ],
        compiler_params=pltpu.CompilerParams(use_tc_tiling_on_sc=False),
    )


BBLK = 256
GRID = BHALF // BBLK
PACK = 128 // ROW_W
B2 = BBLK // PACK


def _tc_body(scal_ref, emb_ref, out_ref):
    x = emb_ref[...]
    beta_v = scal_ref[0]
    c_v = scal_ref[1]
    bias_v = scal_ref[2]
    col = lax.broadcasted_iota(jnp.int32, (1, EMB_D1, 1), 1)
    halves = []
    for h in range(PACK):
        xh = x[:, :, h * ROW_W:(h + 1) * ROW_W]
        xt = jnp.swapaxes(xh, 1, 2)
        x3 = xt[:, :EMB_D1, :]
        xw = jnp.where(col == 0, x3, -x3)
        x6 = jnp.concatenate([x3, x3], axis=0)
        tot = jnp.zeros((B2,), jnp.float32)
        def acosh(d):
            d = jnp.maximum(d, 1.0)
            y = jnp.maximum(d * d - 1.0, 1e-30)
            return jnp.log(d + y * lax.rsqrt(y))

        for o in range(1, 13):
            rolled = x6[o:o + N_FIELDS]
            d = jnp.sum(xw * rolled, axis=1)
            tot = tot + jnp.sum(acosh(d), axis=0)
        d = jnp.sum(xw[:13] * x3[13:], axis=1)
        tot = tot + jnp.sum(acosh(d), axis=0)
        lin = jnp.sum(xt[:, EMB_D1, :], axis=0)
        res = beta_v * tot + (c_v * float(N_PAIRS) + bias_v) + lin
        halves.append(res.reshape(1, 1, B2))
    out_ref[...] = jnp.concatenate(halves, axis=1)


_tc_pairwise = pl.pallas_call(
    _tc_body,
    grid=(GRID,),
    in_specs=[
        pl.BlockSpec(memory_space=pltpu.SMEM),
        pl.BlockSpec((N_FIELDS, BBLK // PACK, 128), lambda i: (0, i, 0)),
    ],
    out_specs=pl.BlockSpec((1, PACK, B2), lambda i: (i, 0, 0)),
    out_shape=jax.ShapeDtypeStruct((GRID, PACK, B2), jnp.float32),
)


def kernel(features, emb_table, coeff_table, bias, beta, c):
    merged = jnp.concatenate(
        [emb_table, coeff_table,
         jnp.zeros((N_FEATURES, ROW_W - EMB_D1 - 1), jnp.float32)], axis=1)
    scal = jnp.concatenate([beta, c, bias]).astype(jnp.float32)
    featT = features.T
    sc = _sc_gather_kernel()
    outs = []
    for s in range(N_SPLIT):
        feat_h = featT[:, s * BHALF:(s + 1) * BHALF].reshape(TOTAL_H)
        emb_g = sc(feat_h, merged)
        out_h = _tc_pairwise(
            scal, emb_g.reshape(N_FIELDS, BHALF // PACK, 128))
        outs.append(out_h)
    out2 = jnp.concatenate(outs, axis=0)
    return jnp.swapaxes(out2, 1, 2).reshape(BATCH)

# --- scband reference (transcript-rebuilt; emitter-appended) ---
"""Pipeline reference for scband-hyper-fm-15272903705282 (READ-ONLY COPY).

The authoritative reference and input builder live on the scoring server;
editing this copy changes nothing except your own understanding.
"""

import jax, jax.numpy as jnp
import numpy as np

N_FEATURES = 100000
N_FIELDS = 26
EMB_DIM = 32
BATCH = 4096

TRIU_I, TRIU_J = np.triu_indices(N_FIELDS, k=1)
TRIU_I = jnp.asarray(TRIU_I)
TRIU_J = jnp.asarray(TRIU_J)


def _ldot(u, v):
    # Lorentzian scalar product: negate the time-like (first) coordinate
    return jnp.sum(u * v, axis=-1) - 2.0 * u[..., 0] * v[..., 0]


def setup_inputs(seed: int = 0) -> dict:
    key = jax.random.key(seed)
    k1, k2, k3 = jax.random.split(key, 3)
    features = jax.random.randint(k1, (BATCH, N_FIELDS), 0, N_FEATURES, dtype=jnp.int32)
    # feature_embedding.weight.data.uniform_(-0.001, 0.001) then project onto hyperboloid
    table = jax.random.uniform(k2, (N_FEATURES, 1 + EMB_DIM), minval=-0.001, maxval=0.001, dtype=jnp.float32)
    narrowed = table[:, 1:]
    x0 = jnp.sqrt(1.0 + jnp.sum(narrowed ** 2, axis=-1, keepdims=True))
    emb_table = jnp.concatenate([x0, narrowed], axis=-1)
    coeff_table = jax.random.normal(k3, (N_FEATURES, 1), dtype=jnp.float32) * 0.001
    bias = jnp.zeros((1,), dtype=jnp.float32)
    beta = jnp.zeros((1,), dtype=jnp.float32)
    c = jnp.zeros((1,), dtype=jnp.float32)
    return {"features": features, "emb_table": emb_table, "coeff_table": coeff_table,
            "bias": bias, "beta": beta, "c": c}


def reference(features, emb_table, coeff_table, bias, beta, c):
    emb = jnp.take(emb_table, features, axis=0)      # (B, F, 1+D)
    coeff = jnp.take(coeff_table, features, axis=0)  # (B, F, 1)
    u = emb[:, TRIU_I, :]  # (B, P, 1+D)
    v = emb[:, TRIU_J, :]  # (B, P, 1+D)
    d = -_ldot(u, v)       # (B, P)
    d = jnp.maximum(d, 1.0)
    dist = jnp.log(d + jnp.sqrt(d * d - 1.0))  # acosh
    interactions = beta * dist + c              # matching_layer == 'linear'
    interaction_part = jnp.sum(interactions, axis=1)
    linear_part = jnp.sum(coeff, axis=(1, 2))
    output = interaction_part + linear_part + bias
    return output

if __name__ == "__main__":
    import jax
    _d = setup_inputs()
    print(jax.jit(kernel)(*tuple(_d.values())))

</pallas_src>

<mosaic_0001>
#map = affine_map<(d0, d1) -> (0)>
#map1 = affine_map<(d0, d1) -> (0, 0)>
#map2 = affine_map<(d0, d1) -> (0, 0, 0)>
module attributes {stable_mosaic.version = 14 : i64} {
  func.func @_sc_gather_body(%arg0: i32, %arg1: i32, %arg2: memref<53248xi32, #tpu.memory_space<hbm>>, %arg3: memref<100000x64xf32, #tpu.memory_space<hbm>>, %arg4: memref<26x2048x64xf32, #tpu.memory_space<hbm>>, %arg5: memref<1664xi32, #tpu.memory_space<vmem>>, %arg6: memref<2x128x64xf32, #tpu.memory_space<vmem>>, %arg7: memref<!tpu.dma_semaphore, #tpu.memory_space<semaphore_mem>>, %arg8: memref<!tpu.dma_semaphore, #tpu.memory_space<semaphore_mem>>, %arg9: memref<!tpu.dma_semaphore, #tpu.memory_space<semaphore_mem>>) attributes {dimension_semantics = [#tpu.dimension_semantics<core_parallel>, #tpu.dimension_semantics<subcore_parallel>], iteration_bounds = array<i64: 2, 16>, scalar_prefetch = 0 : i64, scratch_operands = 5 : i64, tpu.core_type = #tpu.core_type<sc_vector_subcore>, window_params = [{transform_indices = #map}, {transform_indices = #map1}, {transform_indices = #map2}]} {
    %mul3A = arith.constant 2 : i32
    %mul3A_0 = arith.muli %arg1, %mul3A : i32
    %add3A = arith.addi %mul3A_0, %arg0 : i32
    %mul3A_1 = arith.constant 1664 : i32
    %mul3A_2 = arith.muli %add3A, %mul3A_1 : i32
    "tpu.region"() ({
      %run_scoped3A = tpu.sem_alloc : memref<!tpu.dma_semaphore, #tpu.memory_space<semaphore_mem>>
      %dma_start3A_1226 = tpu.memref_slice %arg2[%mul3A_2] : memref<53248xi32, #tpu.memory_space<hbm>> -> memref<1664xi32, #tpu.memory_space<hbm>>
      %dma_start3A_1227 = tpu.memref_slice %arg2[%mul3A_2] : memref<53248xi32, #tpu.memory_space<hbm>> -> memref<1664xi32, #tpu.memory_space<hbm>>
      tpu.enqueue_dma source(%dma_start3A_1227 : memref<1664xi32, #tpu.memory_space<hbm>>) target(%arg5 : memref<1664xi32, #tpu.memory_space<vmem>>) target_semaphore(%run_scoped3A : memref<!tpu.dma_semaphore, #tpu.memory_space<semaphore_mem>>)
      %dma_wait3A_1228 = tpu.memref_slice %arg2[%mul3A_2] : memref<53248xi32, #tpu.memory_space<hbm>> -> memref<1664xi32, #tpu.memory_space<hbm>>
      %dma_wait3A_1229 = tpu.memref_slice %arg2[%mul3A_2] : memref<53248xi32, #tpu.memory_space<hbm>> -> memref<1664xi32, #tpu.memory_space<hbm>>
      tpu.wait_dma2 semaphore(%run_scoped3A : memref<!tpu.dma_semaphore, #tpu.memory_space<semaphore_mem>>) src(%dma_wait3A_1229 : memref<1664xi32, #tpu.memory_space<hbm>>) dst(%arg5 : memref<1664xi32, #tpu.memory_space<vmem>>)
      tpu.yield
    }) : () -> ()
    %dma_start3A = arith.constant 0 : i32
    %dma_start3A_3 = arith.constant 0 : i32
    %dma_start3A_4 = arith.constant 0 : i32
    %dma_start3A_5 = tpu.memref_slice %arg6[%dma_start3A, %dma_start3A_3, %dma_start3A_4] : memref<2x128x64xf32, #tpu.memory_space<vmem>> -> memref<1x128x64xf32, #tpu.memory_space<vmem>>
    %dma_start3A_6 = tpu.memref_squeeze %dma_start3A_5 : memref<1x128x64xf32, #tpu.memory_space<vmem>> -> memref<128x64xf32, #tpu.memory_space<vmem>>
    %dma_start3A_7 = arith.constant 0 : i32
    %dma_start3A_8 = tpu.memref_slice %arg5[%dma_start3A_7] : memref<1664xi32, #tpu.memory_space<vmem>> -> memref<128xi32, #tpu.memory_space<vmem>>
    %dma_start3A_9 = arith.constant 0 : i32
    %dma_start3A_10 = arith.constant 0 : i32
    %dma_start3A_11 = tpu.memref_slice %arg3[%dma_start3A_9, %dma_start3A_10] : memref<100000x64xf32, #tpu.memory_space<hbm>> -> memref<100000x64xf32, #tpu.memory_space<hbm>>
    tpu.enqueue_indirect_dma source(%dma_start3A_11 : memref<100000x64xf32, #tpu.memory_space<hbm>>) target(%dma_start3A_6 : memref<128x64xf32, #tpu.memory_space<vmem>>) offsets(%dma_start3A_8 : memref<128xi32, #tpu.memory_space<vmem>>) semaphore(%arg7 : memref<!tpu.dma_semaphore, #tpu.memory_space<semaphore_mem>>)
    %dma_start3A_12 = arith.constant 1 : i32
    %dma_start3A_13 = arith.constant 0 : i32
    %dma_start3A_14 = arith.constant 0 : i32
    %dma_start3A_15 = tpu.memref_slice %arg6[%dma_start3A_12, %dma_start3A_13, %dma_start3A_14] : memref<2x128x64xf32, #tpu.memory_space<vmem>> -> memref<1x128x64xf32, #tpu.memory_space<vmem>>
    %dma_start3A_16 = tpu.memref_squeeze %dma_start3A_15 : memref<1x128x64xf32, #tpu.memory_space<vmem>> -> memref<128x64xf32, #tpu.memory_space<vmem>>
    %dma_start3A_17 = arith.constant 128 : i32
    %dma_start3A_18 = tpu.memref_slice %arg5[%dma_start3A_17] : memref<1664xi32, #tpu.memory_space<vmem>> -> memref<128xi32, #tpu.memory_space<vmem>>
    %dma_start3A_19 = arith.constant 0 : i32
    %dma_start3A_20 = arith.constant 0 : i32
    %dma_start3A_21 = tpu.memref_slice %arg3[%dma_start3A_19, %dma_start3A_20] : memref<100000x64xf32, #tpu.memory_space<hbm>> -> memref<100000x64xf32, #tpu.memory_space<hbm>>
    tpu.enqueue_indirect_dma source(%dma_start3A_21 : memref<100000x64xf32, #tpu.memory_space<hbm>>) target(%dma_start3A_16 : memref<128x64xf32, #tpu.memory_space<vmem>>) offsets(%dma_start3A_18 : memref<128xi32, #tpu.memory_space<vmem>>) semaphore(%arg8 : memref<!tpu.dma_semaphore, #tpu.memory_space<semaphore_mem>>)
    %dma_wait3A = arith.constant 0 : i32
    %dma_wait3A_22 = arith.constant 0 : i32
    %dma_wait3A_23 = arith.constant 0 : i32
    %dma_wait3A_24 = tpu.memref_slice %arg6[%dma_wait3A, %dma_wait3A_22, %dma_wait3A_23] : memref<2x128x64xf32, #tpu.memory_space<vmem>> -> memref<1x128x64xf32, #tpu.memory_space<vmem>>
    %dma_wait3A_25 = tpu.memref_squeeze %dma_wait3A_24 : memref<1x128x64xf32, #tpu.memory_space<vmem>> -> memref<128x64xf32, #tpu.memory_space<vmem>>
    %dma_wait3A_26 = arith.constant 0 : i32
    %dma_wait3A_27 = tpu.memref_slice %arg5[%dma_wait3A_26] : memref<1664xi32, #tpu.memory_space<vmem>> -> memref<128xi32, #tpu.memory_space<vmem>>
    %dma_wait3A_28 = arith.constant 0 : i32
    %dma_wait3A_29 = arith.constant 0 : i32
    %dma_wait3A_30 = tpu.memref_slice %arg3[%dma_wait3A_28, %dma_wait3A_29] : memref<100000x64xf32, #tpu.memory_space<hbm>> -> memref<100000x64xf32, #tpu.memory_space<hbm>>
    tpu.wait_indirect_dma semaphore(%arg7 : memref<!tpu.dma_semaphore, #tpu.memory_space<semaphore_mem>>) src(%dma_wait3A_30 : memref<100000x64xf32, #tpu.memory_space<hbm>>) dst(%dma_wait3A_25 : memref<128x64xf32, #tpu.memory_space<vmem>>)
    %add3A_31 = arith.constant 0 : i32
    %add3A_32 = arith.addi %mul3A_2, %add3A_31 : i32
    %jit3A = arith.constant 2048 : i32
    %div3A = arith.divsi %add3A_32, %jit3A : i32
    %sign3A = arith.constant 0 : i32
    %sign3A_33 = arith.cmpi sgt, %add3A_32, %sign3A : i32
    %sign3A_34 = arith.extui %sign3A_33 : i1 to i32
    %sign3A_35 = arith.constant 0 : i32
    %sign3A_36 = arith.cmpi slt, %add3A_32, %sign3A_35 : i32
    %sign3A_37 = arith.extui %sign3A_36 : i1 to i32
    %sign3A_38 = arith.subi %sign3A_34, %sign3A_37 : i32
    %sign3A_39 = arith.constant 0 : i32
    %sign3A_40 = arith.cmpi sgt, %jit3A, %sign3A_39 : i32
    %sign3A_41 = arith.extui %sign3A_40 : i1 to i32
    %sign3A_42 = arith.constant 0 : i32
    %sign3A_43 = arith.cmpi slt, %jit3A, %sign3A_42 : i32
    %sign3A_44 = arith.extui %sign3A_43 : i1 to i32
    %sign3A_45 = arith.subi %sign3A_41, %sign3A_44 : i32
    %ne3A = arith.cmpi ne, %sign3A_38, %sign3A_45 : i32
    %rem3A = arith.remsi %add3A_32, %jit3A : i32
    %ne3A_46 = arith.constant 0 : i32
    %ne3A_47 = arith.cmpi ne, %rem3A, %ne3A_46 : i32
    %and3A = arith.andi %ne3A, %ne3A_47 : i1
    %sub3A = arith.constant 1 : i32
    %sub3A_48 = arith.subi %div3A, %sub3A : i32
    %select_n3A = arith.select %and3A, %sub3A_48, %div3A : i32
    %jit3A_49 = arith.constant 2048 : i32
    %eq3A = arith.constant 0 : i32
    %eq3A_50 = arith.cmpi eq, %jit3A_49, %eq3A : i32
    %jit3A_51 = arith.constant 1 : i32
    %select_n3A_52 = arith.select %eq3A_50, %jit3A_51, %jit3A_49 : i32
    %rem3A_53 = arith.remsi %add3A_32, %select_n3A_52 : i32
    %ne3A_54 = arith.constant 0 : i32
    %ne3A_55 = arith.cmpi ne, %rem3A_53, %ne3A_54 : i32
    %lt3A = arith.constant 0 : i32
    %lt3A_56 = arith.cmpi slt, %rem3A_53, %lt3A : i32
    %lt3A_57 = arith.constant 0 : i32
    %lt3A_58 = arith.cmpi slt, %select_n3A_52, %lt3A_57 : i32
    %ne3A_59 = arith.xori %lt3A_56, %lt3A_58 : i1
    %and3A_60 = arith.andi %ne3A_59, %ne3A_55 : i1
    %add3A_61 = arith.addi %rem3A_53, %select_n3A_52 : i32
    %select_n3A_62 = arith.select %and3A_60, %add3A_61, %rem3A_53 : i32
    %dma_start3A_63 = arith.constant 0 : i32
    %dma_start3A_64 = arith.constant 0 : i32
    %dma_start3A_65 = arith.constant 0 : i32
    %dma_start3A_66 = tpu.memref_slice %arg6[%dma_start3A_63, %dma_start3A_64, %dma_start3A_65] : memref<2x128x64xf32, #tpu.memory_space<vmem>> -> memref<1x128x64xf32, #tpu.memory_space<vmem>>
    %dma_start3A_67 = tpu.memref_squeeze %dma_start3A_66 : memref<1x128x64xf32, #tpu.memory_space<vmem>> -> memref<128x64xf32, #tpu.memory_space<vmem>>
    %dma_start3A_68 = arith.constant 0 : i32
    %dma_start3A_69 = tpu.memref_slice %arg4[%select_n3A, %select_n3A_62, %dma_start3A_68] : memref<26x2048x64xf32, #tpu.memory_space<hbm>> -> memref<1x128x64xf32, #tpu.memory_space<hbm>>
    %dma_start3A_70 = tpu.memref_squeeze %dma_start3A_69 : memref<1x128x64xf32, #tpu.memory_space<hbm>> -> memref<128x64xf32, #tpu.memory_space<hbm>>
    %dma_start3A_71 = arith.constant 0 : i32
    %dma_start3A_72 = tpu.memref_slice %arg4[%select_n3A, %select_n3A_62, %dma_start3A_71] : memref<26x2048x64xf32, #tpu.memory_space<hbm>> -> memref<1x128x64xf32, #tpu.memory_space<hbm>>
    %dma_start3A_73 = tpu.memref_squeeze %dma_start3A_72 : memref<1x128x64xf32, #tpu.memory_space<hbm>> -> memref<128x64xf32, #tpu.memory_space<hbm>>
    %dma_start3A_74 = arith.constant 0 : i32
    %dma_start3A_75 = arith.constant 0 : i32
    %dma_start3A_76 = tpu.memref_slice %arg6[%dma_start3A_63, %dma_start3A_74, %dma_start3A_75] : memref<2x128x64xf32, #tpu.memory_space<vmem>> -> memref<1x128x64xf32, #tpu.memory_space<vmem>>
    %dma_start3A_77 = tpu.memref_squeeze %dma_start3A_76 : memref<1x128x64xf32, #tpu.memory_space<vmem>> -> memref<128x64xf32, #tpu.memory_space<vmem>>
    tpu.enqueue_dma source(%dma_start3A_77 : memref<128x64xf32, #tpu.memory_space<vmem>>) target(%dma_start3A_73 : memref<128x64xf32, #tpu.memory_space<hbm>>) target_semaphore(%arg9 : memref<!tpu.dma_semaphore, #tpu.memory_space<semaphore_mem>>)
    %dma_wait3A_78 = arith.constant 0 : i32
    %dma_wait3A_79 = arith.constant 0 : i32
    %dma_wait3A_80 = arith.constant 0 : i32
    %dma_wait3A_81 = arith.constant 0 : i32
    %dma_wait3A_82 = tpu.memref_slice %arg6[%dma_wait3A_78, %dma_wait3A_80, %dma_wait3A_81] : memref<2x128x64xf32, #tpu.memory_space<vmem>> -> memref<1x128x64xf32, #tpu.memory_space<vmem>>
    %dma_wait3A_83 = tpu.memref_squeeze %dma_wait3A_82 : memref<1x128x64xf32, #tpu.memory_space<vmem>> -> memref<128x64xf32, #tpu.memory_space<vmem>>
    %dma_wait3A_84 = arith.constant 0 : i32
    %dma_wait3A_85 = arith.constant 0 : i32
    %dma_wait3A_86 = tpu.memref_slice %arg4[%dma_wait3A_79, %dma_wait3A_84, %dma_wait3A_85] : memref<26x2048x64xf32, #tpu.memory_space<hbm>> -> memref<1x128x64xf32, #tpu.memory_space<hbm>>
    %dma_wait3A_87 = tpu.memref_squeeze %dma_wait3A_86 : memref<1x128x64xf32, #tpu.memory_space<hbm>> -> memref<128x64xf32, #tpu.memory_space<hbm>>
    %dma_wait3A_88 = arith.constant 0 : i32
    %dma_wait3A_89 = arith.constant 0 : i32
    %dma_wait3A_90 = tpu.memref_slice %arg4[%dma_wait3A_79, %dma_wait3A_88, %dma_wait3A_89] : memref<26x2048x64xf32, #tpu.memory_space<hbm>> -> memref<1x128x64xf32, #tpu.memory_space<hbm>>
    %dma_wait3A_91 = tpu.memref_squeeze %dma_wait3A_90 : memref<1x128x64xf32, #tpu.memory_space<hbm>> -> memref<128x64xf32, #tpu.memory_space<hbm>>
    %dma_wait3A_92 = arith.constant 0 : i32
    %dma_wait3A_93 = arith.constant 0 : i32
    %dma_wait3A_94 = tpu.memref_slice %arg6[%dma_wait3A_78, %dma_wait3A_92, %dma_wait3A_93] : memref<2x128x64xf32, #tpu.memory_space<vmem>> -> memref<1x128x64xf32, #tpu.memory_space<vmem>>
    %dma_wait3A_95 = tpu.memref_squeeze %dma_wait3A_94 : memref<1x128x64xf32, #tpu.memory_space<vmem>> -> memref<128x64xf32, #tpu.memory_space<vmem>>
    tpu.wait_dma2 semaphore(%arg9 : memref<!tpu.dma_semaphore, #tpu.memory_space<semaphore_mem>>) src(%dma_wait3A_95 : memref<128x64xf32, #tpu.memory_space<vmem>>) dst(%dma_wait3A_91 : memref<128x64xf32, #tpu.memory_space<hbm>>)
    %dma_start3A_96 = arith.constant 0 : i32
    %dma_start3A_97 = arith.constant 0 : i32
    %dma_start3A_98 = arith.constant 0 : i32
    %dma_start3A_99 = tpu.memref_slice %arg6[%dma_start3A_96, %dma_start3A_97, %dma_start3A_98] : memref<2x128x64xf32, #tpu.memory_space<vmem>> -> memref<1x128x64xf32, #tpu.memory_space<vmem>>
    %dma_start3A_100 = tpu.memref_squeeze %dma_start3A_99 : memref<1x128x64xf32, #tpu.memory_space<vmem>> -> memref<128x64xf32, #tpu.memory_space<vmem>>
    %dma_start3A_101 = arith.constant 256 : i32
    %dma_start3A_102 = tpu.memref_slice %arg5[%dma_start3A_101] : memref<1664xi32, #tpu.memory_space<vmem>> -> memref<128xi32, #tpu.memory_space<vmem>>
    %dma_start3A_103 = arith.constant 0 : i32
    %dma_start3A_104 = arith.constant 0 : i32
    %dma_start3A_105 = tpu.memref_slice %arg3[%dma_start3A_103, %dma_start3A_104] : memref<100000x64xf32, #tpu.memory_space<hbm>> -> memref<100000x64xf32, #tpu.memory_space<hbm>>
    tpu.enqueue_indirect_dma source(%dma_start3A_105 : memref<100000x64xf32, #tpu.memory_space<hbm>>) target(%dma_start3A_100 : memref<128x64xf32, #tpu.memory_space<vmem>>) offsets(%dma_start3A_102 : memref<128xi32, #tpu.memory_space<vmem>>) semaphore(%arg7 : memref<!tpu.dma_semaphore, #tpu.memory_space<semaphore_mem>>)
    %dma_wait3A_106 = arith.constant 1 : i32
    %dma_wait3A_107 = arith.constant 0 : i32
    %dma_wait3A_108 = arith.constant 0 : i32
    %dma_wait3A_109 = tpu.memref_slice %arg6[%dma_wait3A_106, %dma_wait3A_107, %dma_wait3A_108] : memref<2x128x64xf32, #tpu.memory_space<vmem>> -> memref<1x128x64xf32, #tpu.memory_space<vmem>>
    %dma_wait3A_110 = tpu.memref_squeeze %dma_wait3A_109 : memref<1x128x64xf32, #tpu.memory_space<vmem>> -> memref<128x64xf32, #tpu.memory_space<vmem>>
    %dma_wait3A_111 = arith.constant 0 : i32
    %dma_wait3A_112 = tpu.memref_slice %arg5[%dma_wait3A_111] : memref<1664xi32, #tpu.memory_space<vmem>> -> memref<128xi32, #tpu.memory_space<vmem>>
    %dma_wait3A_113 = arith.constant 0 : i32
    %dma_wait3A_114 = arith.constant 0 : i32
    %dma_wait3A_115 = tpu.memref_slice %arg3[%dma_wait3A_113, %dma_wait3A_114] : memref<100000x64xf32, #tpu.memory_space<hbm>> -> memref<100000x64xf32, #tpu.memory_space<hbm>>
    tpu.wait_indirect_dma semaphore(%arg8 : memref<!tpu.dma_semaphore, #tpu.memory_space<semaphore_mem>>) src(%dma_wait3A_115 : memref<100000x64xf32, #tpu.memory_space<hbm>>) dst(%dma_wait3A_110 : memref<128x64xf32, #tpu.memory_space<vmem>>)
    %add3A_116 = arith.constant 128 : i32
    %add3A_117 = arith.addi %mul3A_2, %add3A_116 : i32
    %jit3A_118 = arith.constant 2048 : i32
    %div3A_119 = arith.divsi %add3A_117, %jit3A_118 : i32
    %sign3A_120 = arith.constant 0 : i32
    %sign3A_121 = arith.cmpi sgt, %add3A_117, %sign3A_120 : i32
    %sign3A_122 = arith.extui %sign3A_121 : i1 to i32
    %sign3A_123 = arith.constant 0 : i32
    %sign3A_124 = arith.cmpi slt, %add3A_117, %sign3A_123 : i32
    %sign3A_125 = arith.extui %sign3A_124 : i1 to i32
    %sign3A_126 = arith.subi %sign3A_122, %sign3A_125 : i32
    %sign3A_127 = arith.constant 0 : i32
    %sign3A_128 = arith.cmpi sgt, %jit3A_118, %sign3A_127 : i32
    %sign3A_129 = arith.extui %sign3A_128 : i1 to i32
    %sign3A_130 = arith.constant 0 : i32
    %sign3A_131 = arith.cmpi slt, %jit3A_118, %sign3A_130 : i32
    %sign3A_132 = arith.extui %sign3A_131 : i1 to i32
    %sign3A_133 = arith.subi %sign3A_129, %sign3A_132 : i32
    %ne3A_134 = arith.cmpi ne, %sign3A_126, %sign3A_133 : i32
    %rem3A_135 = arith.remsi %add3A_117, %jit3A_118 : i32
    %ne3A_136 = arith.constant 0 : i32
    %ne3A_137 = arith.cmpi ne, %rem3A_135, %ne3A_136 : i32
    %and3A_138 = arith.andi %ne3A_134, %ne3A_137 : i1
    %sub3A_139 = arith.constant 1 : i32
    %sub3A_140 = arith.subi %div3A_119, %sub3A_139 : i32
    %select_n3A_141 = arith.select %and3A_138, %sub3A_140, %div3A_119 : i32
    %jit3A_142 = arith.constant 2048 : i32
    %eq3A_143 = arith.constant 0 : i32
    %eq3A_144 = arith.cmpi eq, %jit3A_142, %eq3A_143 : i32
    %jit3A_145 = arith.constant 1 : i32
    %select_n3A_146 = arith.select %eq3A_144, %jit3A_145, %jit3A_142 : i32
    %rem3A_147 = arith.remsi %add3A_117, %select_n3A_146 : i32
    %ne3A_148 = arith.constant 0 : i32
    %ne3A_149 = arith.cmpi ne, %rem3A_147, %ne3A_148 : i32
    %lt3A_150 = arith.constant 0 : i32
    %lt3A_151 = arith.cmpi slt, %rem3A_147, %lt3A_150 : i32
    %lt3A_152 = arith.constant 0 : i32
    %lt3A_153 = arith.cmpi slt, %select_n3A_146, %lt3A_152 : i32
    %ne3A_154 = arith.xori %lt3A_151, %lt3A_153 : i1
    %and3A_155 = arith.andi %ne3A_154, %ne3A_149 : i1
    %add3A_156 = arith.addi %rem3A_147, %select_n3A_146 : i32
    %select_n3A_157 = arith.select %and3A_155, %add3A_156, %rem3A_147 : i32
    %dma_start3A_158 = arith.constant 1 : i32
    %dma_start3A_159 = arith.constant 0 : i32
    %dma_start3A_160 = arith.constant 0 : i32
    %dma_start3A_161 = tpu.memref_slice %arg6[%dma_start3A_158, %dma_start3A_159, %dma_start3A_160] : memref<2x128x64xf32, #tpu.memory_space<vmem>> -> memref<1x128x64xf32, #tpu.memory_space<vmem>>
    %dma_start3A_162 = tpu.memref_squeeze %dma_start3A_161 : memref<1x128x64xf32, #tpu.memory_space<vmem>> -> memref<128x64xf32, #tpu.memory_space<vmem>>
    %dma_start3A_163 = arith.constant 0 : i32
    %dma_start3A_164 = tpu.memref_slice %arg4[%select_n3A_141, %select_n3A_157, %dma_start3A_163] : memref<26x2048x64xf32, #tpu.memory_space<hbm>> -> memref<1x128x64xf32, #tpu.memory_space<hbm>>
    %dma_start3A_165 = tpu.memref_squeeze %dma_start3A_164 : memref<1x128x64xf32, #tpu.memory_space<hbm>> -> memref<128x64xf32, #tpu.memory_space<hbm>>
    %dma_start3A_166 = arith.constant 0 : i32
    %dma_start3A_167 = tpu.memref_slice %arg4[%select_n3A_141, %select_n3A_157, %dma_start3A_166] : memref<26x2048x64xf32, #tpu.memory_space<hbm>> -> memref<1x128x64xf32, #tpu.memory_space<hbm>>
    %dma_start3A_168 = tpu.memref_squeeze %dma_start3A_167 : memref<1x128x64xf32, #tpu.memory_space<hbm>> -> memref<128x64xf32, #tpu.memory_space<hbm>>
    %dma_start3A_169 = arith.constant 0 : i32
    %dma_start3A_170 = arith.constant 0 : i32
    %dma_start3A_171 = tpu.memref_slice %arg6[%dma_start3A_158, %dma_start3A_169, %dma_start3A_170] : memref<2x128x64xf32, #tpu.memory_space<vmem>> -> memref<1x128x64xf32, #tpu.memory_space<vmem>>
    %dma_start3A_172 = tpu.memref_squeeze %dma_start3A_171 : memref<1x128x64xf32, #tpu.memory_space<vmem>> -> memref<128x64xf32, #tpu.memory_space<vmem>>
    tpu.enqueue_dma source(%dma_start3A_172 : memref<128x64xf32, #tpu.memory_space<vmem>>) target(%dma_start3A_168 : memref<128x64xf32, #tpu.memory_space<hbm>>) target_semaphore(%arg9 : memref<!tpu.dma_semaphore, #tpu.memory_space<semaphore_mem>>)
    %dma_wait3A_173 = arith.constant 0 : i32
    %dma_wait3A_174 = arith.constant 0 : i32
    %dma_wait3A_175 = arith.constant 0 : i32
    %dma_wait3A_176 = arith.constant 0 : i32
    %dma_wait3A_177 = tpu.memref_slice %arg6[%dma_wait3A_173, %dma_wait3A_175, %dma_wait3A_176] : memref<2x128x64xf32, #tpu.memory_space<vmem>> -> memref<1x128x64xf32, #tpu.memory_space<vmem>>
    %dma_wait3A_178 = tpu.memref_squeeze %dma_wait3A_177 : memref<1x128x64xf32, #tpu.memory_space<vmem>> -> memref<128x64xf32, #tpu.memory_space<vmem>>
    %dma_wait3A_179 = arith.constant 0 : i32
    %dma_wait3A_180 = arith.constant 0 : i32
    %dma_wait3A_181 = tpu.memref_slice %arg4[%dma_wait3A_174, %dma_wait3A_179, %dma_wait3A_180] : memref<26x2048x64xf32, #tpu.memory_space<hbm>> -> memref<1x128x64xf32, #tpu.memory_space<hbm>>
    %dma_wait3A_182 = tpu.memref_squeeze %dma_wait3A_181 : memref<1x128x64xf32, #tpu.memory_space<hbm>> -> memref<128x64xf32, #tpu.memory_space<hbm>>
    %dma_wait3A_183 = arith.constant 0 : i32
    %dma_wait3A_184 = arith.constant 0 : i32
    %dma_wait3A_185 = tpu.memref_slice %arg4[%dma_wait3A_174, %dma_wait3A_183, %dma_wait3A_184] : memref<26x2048x64xf32, #tpu.memory_space<hbm>> -> memref<1x128x64xf32, #tpu.memory_space<hbm>>
    %dma_wait3A_186 = tpu.memref_squeeze %dma_wait3A_185 : memref<1x128x64xf32, #tpu.memory_space<hbm>> -> memref<128x64xf32, #tpu.memory_space<hbm>>
    %dma_wait3A_187 = arith.constant 0 : i32
    %dma_wait3A_188 = arith.constant 0 : i32
    %dma_wait3A_189 = tpu.memref_slice %arg6[%dma_wait3A_173, %dma_wait3A_187, %dma_wait3A_188] : memref<2x128x64xf32, #tpu.memory_space<vmem>> -> memref<1x128x64xf32, #tpu.memory_space<vmem>>
    %dma_wait3A_190 = tpu.memref_squeeze %dma_wait3A_189 : memref<1x128x64xf32, #tpu.memory_space<vmem>> -> memref<128x64xf32, #tpu.memory_space<vmem>>
    tpu.wait_dma2 semaphore(%arg9 : memref<!tpu.dma_semaphore, #tpu.memory_space<semaphore_mem>>) src(%dma_wait3A_190 : memref<128x64xf32, #tpu.memory_space<vmem>>) dst(%dma_wait3A_186 : memref<128x64xf32, #tpu.memory_space<hbm>>)
    %dma_start3A_191 = arith.constant 1 : i32
    %dma_start3A_192 = arith.constant 0 : i32
    %dma_start3A_193 = arith.constant 0 : i32
    %dma_start3A_194 = tpu.memref_slice %arg6[%dma_start3A_191, %dma_start3A_192, %dma_start3A_193] : memref<2x128x64xf32, #tpu.memory_space<vmem>> -> memref<1x128x64xf32, #tpu.memory_space<vmem>>
    %dma_start3A_195 = tpu.memref_squeeze %dma_start3A_194 : memref<1x128x64xf32, #tpu.memory_space<vmem>> -> memref<128x64xf32, #tpu.memory_space<vmem>>
    %dma_start3A_196 = arith.constant 384 : i32
    %dma_start3A_197 = tpu.memref_slice %arg5[%dma_start3A_196] : memref<1664xi32, #tpu.memory_space<vmem>> -> memref<128xi32, #tpu.memory_space<vmem>>
    %dma_start3A_198 = arith.constant 0 : i32
    %dma_start3A_199 = arith.constant 0 : i32
    %dma_start3A_200 = tpu.memref_slice %arg3[%dma_start3A_198, %dma_start3A_199] : memref<100000x64xf32, #tpu.memory_space<hbm>> -> memref<100000x64xf32, #tpu.memory_space<hbm>>
    tpu.enqueue_indirect_dma source(%dma_start3A_200 : memref<100000x64xf32, #tpu.memory_space<hbm>>) target(%dma_start3A_195 : memref<128x64xf32, #tpu.memory_space<vmem>>) offsets(%dma_start3A_197 : memref<128xi32, #tpu.memory_space<vmem>>) semaphore(%arg8 : memref<!tpu.dma_semaphore, #tpu.memory_space<semaphore_mem>>)
    %dma_wait3A_201 = arith.constant 0 : i32
    %dma_wait3A_202 = arith.constant 0 : i32
    %dma_wait3A_203 = arith.constant 0 : i32
    %dma_wait3A_204 = tpu.memref_slice %arg6[%dma_wait3A_201, %dma_wait3A_202, %dma_wait3A_203] : memref<2x128x64xf32, #tpu.memory_space<vmem>> -> memref<1x128x64xf32, #tpu.memory_space<vmem>>
    %dma_wait3A_205 = tpu.memref_squeeze %dma_wait3A_204 : memref<1x128x64xf32, #tpu.memory_space<vmem>> -> memref<128x64xf32, #tpu.memory_space<vmem>>
    %dma_wait3A_206 = arith.constant 0 : i32
    %dma_wait3A_207 = tpu.memref_slice %arg5[%dma_wait3A_206] : memref<1664xi32, #tpu.memory_space<vmem>> -> memref<128xi32, #tpu.memory_space<vmem>>
    %dma_wait3A_208 = arith.constant 0 : i32
    %dma_wait3A_209 = arith.constant 0 : i32
    %dma_wait3A_210 = tpu.memref_slice %arg3[%dma_wait3A_208, %dma_wait3A_209] : memref<100000x64xf32, #tpu.memory_space<hbm>> -> memref<100000x64xf32, #tpu.memory_space<hbm>>
    tpu.wait_indirect_dma semaphore(%arg7 : memref<!tpu.dma_semaphore, #tpu.memory_space<semaphore_mem>>) src(%dma_wait3A_210 : memref<100000x64xf32, #tpu.memory_space<hbm>>) dst(%dma_wait3A_205 : memref<128x64xf32, #tpu.memory_space<vmem>>)
    %add3A_211 = arith.constant 256 : i32
    %add3A_212 = arith.addi %mul3A_2, %add3A_211 : i32
    %jit3A_213 = arith.constant 2048 : i32
    %div3A_214 = arith.divsi %add3A_212, %jit3A_213 : i32
    %sign3A_215 = arith.constant 0 : i32
    %sign3A_216 = arith.cmpi sgt, %add3A_212, %sign3A_215 : i32
    %sign3A_217 = arith.extui %sign3A_216 : i1 to i32
    %sign3A_218 = arith.constant 0 : i32
    %sign3A_219 = arith.cmpi slt, %add3A_212, %sign3A_218 : i32
    %sign3A_220 = arith.extui %sign3A_219 : i1 to i32
    %sign3A_221 = arith.subi %sign3A_217, %sign3A_220 : i32
    %sign3A_222 = arith.constant 0 : i32
    %sign3A_223 = arith.cmpi sgt, %jit3A_213, %sign3A_222 : i32
    %sign3A_224 = arith.extui %sign3A_223 : i1 to i32
    %sign3A_225 = arith.constant 0 : i32
    %sign3A_226 = arith.cmpi slt, %jit3A_213, %sign3A_225 : i32
    %sign3A_227 = arith.extui %sign3A_226 : i1 to i32
    %sign3A_228 = arith.subi %sign3A_224, %sign3A_227 : i32
    %ne3A_229 = arith.cmpi ne, %sign3A_221, %sign3A_228 : i32
    %rem3A_230 = arith.remsi %add3A_212, %jit3A_213 : i32
    %ne3A_231 = arith.constant 0 : i32
    %ne3A_232 = arith.cmpi ne, %rem3A_230, %ne3A_231 : i32
    %and3A_233 = arith.andi %ne3A_229, %ne3A_232 : i1
    %sub3A_234 = arith.constant 1 : i32
    %sub3A_235 = arith.subi %div3A_214, %sub3A_234 : i32
    %select_n3A_236 = arith.select %and3A_233, %sub3A_235, %div3A_214 : i32
    %jit3A_237 = arith.constant 2048 : i32
    %eq3A_238 = arith.constant 0 : i32
    %eq3A_239 = arith.cmpi eq, %jit3A_237, %eq3A_238 : i32
    %jit3A_240 = arith.constant 1 : i32
    %select_n3A_241 = arith.select %eq3A_239, %jit3A_240, %jit3A_237 : i32
    %rem3A_242 = arith.remsi %add3A_212, %select_n3A_241 : i32
    %ne3A_243 = arith.constant 0 : i32
    %ne3A_244 = arith.cmpi ne, %rem3A_242, %ne3A_243 : i32
    %lt3A_245 = arith.constant 0 : i32
    %lt3A_246 = arith.cmpi slt, %rem3A_242, %lt3A_245 : i32
    %lt3A_247 = arith.constant 0 : i32
    %lt3A_248 = arith.cmpi slt, %select_n3A_241, %lt3A_247 : i32
    %ne3A_249 = arith.xori %lt3A_246, %lt3A_248 : i1
    %and3A_250 = arith.andi %ne3A_249, %ne3A_244 : i1
    %add3A_251 = arith.addi %rem3A_242, %select_n3A_241 : i32
    %select_n3A_252 = arith.select %and3A_250, %add3A_251, %rem3A_242 : i32
    %dma_start3A_253 = arith.constant 0 : i32
    %dma_start3A_254 = arith.constant 0 : i32
    %dma_start3A_255 = arith.constant 0 : i32
    %dma_start3A_256 = tpu.memref_slice %arg6[%dma_start3A_253, %dma_start3A_254, %dma_start3A_255] : memref<2x128x64xf32, #tpu.memory_space<vmem>> -> memref<1x128x64xf32, #tpu.memory_space<vmem>>
    %dma_start3A_257 = tpu.memref_squeeze %dma_start3A_256 : memref<1x128x64xf32, #tpu.memory_space<vmem>> -> memref<128x64xf32, #tpu.memory_space<vmem>>
    %dma_start3A_258 = arith.constant 0 : i32
    %dma_start3A_259 = tpu.memref_slice %arg4[%select_n3A_236, %select_n3A_252, %dma_start3A_258] : memref<26x2048x64xf32, #tpu.memory_space<hbm>> -> memref<1x128x64xf32, #tpu.memory_space<hbm>>
    %dma_start3A_260 = tpu.memref_squeeze %dma_start3A_259 : memref<1x128x64xf32, #tpu.memory_space<hbm>> -> memref<128x64xf32, #tpu.memory_space<hbm>>
    %dma_start3A_261 = arith.constant 0 : i32
    %dma_start3A_262 = tpu.memref_slice %arg4[%select_n3A_236, %select_n3A_252, %dma_start3A_261] : memref<26x2048x64xf32, #tpu.memory_space<hbm>> -> memref<1x128x64xf32, #tpu.memory_space<hbm>>
    %dma_start3A_263 = tpu.memref_squeeze %dma_start3A_262 : memref<1x128x64xf32, #tpu.memory_space<hbm>> -> memref<128x64xf32, #tpu.memory_space<hbm>>
    %dma_start3A_264 = arith.constant 0 : i32
    %dma_start3A_265 = arith.constant 0 : i32
    %dma_start3A_266 = tpu.memref_slice %arg6[%dma_start3A_253, %dma_start3A_264, %dma_start3A_265] : memref<2x128x64xf32, #tpu.memory_space<vmem>> -> memref<1x128x64xf32, #tpu.memory_space<vmem>>
    %dma_start3A_267 = tpu.memref_squeeze %dma_start3A_266 : memref<1x128x64xf32, #tpu.memory_space<vmem>> -> memref<128x64xf32, #tpu.memory_space<vmem>>
    tpu.enqueue_dma source(%dma_start3A_267 : memref<128x64xf32, #tpu.memory_space<vmem>>) target(%dma_start3A_263 : memref<128x64xf32, #tpu.memory_space<hbm>>) target_semaphore(%arg9 : memref<!tpu.dma_semaphore, #tpu.memory_space<semaphore_mem>>)
    %dma_wait3A_268 = arith.constant 0 : i32
    %dma_wait3A_269 = arith.constant 0 : i32
    %dma_wait3A_270 = arith.constant 0 : i32
    %dma_wait3A_271 = arith.constant 0 : i32
    %dma_wait3A_272 = tpu.memref_slice %arg6[%dma_wait3A_268, %dma_wait3A_270, %dma_wait3A_271] : memref<2x128x64xf32, #tpu.memory_space<vmem>> -> memref<1x128x64xf32, #tpu.memory_space<vmem>>
    %dma_wait3A_273 = tpu.memref_squeeze %dma_wait3A_272 : memref<1x128x64xf32, #tpu.memory_space<vmem>> -> memref<128x64xf32, #tpu.memory_space<vmem>>
    %dma_wait3A_274 = arith.constant 0 : i32
    %dma_wait3A_275 = arith.constant 0 : i32
    %dma_wait3A_276 = tpu.memref_slice %arg4[%dma_wait3A_269, %dma_wait3A_274, %dma_wait3A_275] : memref<26x2048x64xf32, #tpu.memory_space<hbm>> -> memref<1x128x64xf32, #tpu.memory_space<hbm>>
    %dma_wait3A_277 = tpu.memref_squeeze %dma_wait3A_276 : memref<1x128x64xf32, #tpu.memory_space<hbm>> -> memref<128x64xf32, #tpu.memory_space<hbm>>
    %dma_wait3A_278 = arith.constant 0 : i32
    %dma_wait3A_279 = arith.constant 0 : i32
    %dma_wait3A_280 = tpu.memref_slice %arg4[%dma_wait3A_269, %dma_wait3A_278, %dma_wait3A_279] : memref<26x2048x64xf32, #tpu.memory_space<hbm>> -> memref<1x128x64xf32, #tpu.memory_space<hbm>>
    %dma_wait3A_281 = tpu.memref_squeeze %dma_wait3A_280 : memref<1x128x64xf32, #tpu.memory_space<hbm>> -> memref<128x64xf32, #tpu.memory_space<hbm>>
    %dma_wait3A_282 = arith.constant 0 : i32
    %dma_wait3A_283 = arith.constant 0 : i32
    %dma_wait3A_284 = tpu.memref_slice %arg6[%dma_wait3A_268, %dma_wait3A_282, %dma_wait3A_283] : memref<2x128x64xf32, #tpu.memory_space<vmem>> -> memref<1x128x64xf32, #tpu.memory_space<vmem>>
    %dma_wait3A_285 = tpu.memref_squeeze %dma_wait3A_284 : memref<1x128x64xf32, #tpu.memory_space<vmem>> -> memref<128x64xf32, #tpu.memory_space<vmem>>
    tpu.wait_dma2 semaphore(%arg9 : memref<!tpu.dma_semaphore, #tpu.memory_space<semaphore_mem>>) src(%dma_wait3A_285 : memref<128x64xf32, #tpu.memory_space<vmem>>) dst(%dma_wait3A_281 : memref<128x64xf32, #tpu.memory_space<hbm>>)
    %dma_start3A_286 = arith.constant 0 : i32
    %dma_start3A_287 = arith.constant 0 : i32
    %dma_start3A_288 = arith.constant 0 : i32
    %dma_start3A_289 = tpu.memref_slice %arg6[%dma_start3A_286, %dma_start3A_287, %dma_start3A_288] : memref<2x128x64xf32, #tpu.memory_space<vmem>> -> memref<1x128x64xf32, #tpu.memory_space<vmem>>
    %dma_start3A_290 = tpu.memref_squeeze %dma_start3A_289 : memref<1x128x64xf32, #tpu.memory_space<vmem>> -> memref<128x64xf32, #tpu.memory_space<vmem>>
    %dma_start3A_291 = arith.constant 512 : i32
    %dma_start3A_292 = tpu.memref_slice %arg5[%dma_start3A_291] : memref<1664xi32, #tpu.memory_space<vmem>> -> memref<128xi32, #tpu.memory_space<vmem>>
    %dma_start3A_293 = arith.constant 0 : i32
    %dma_start3A_294 = arith.constant 0 : i32
    %dma_start3A_295 = tpu.memref_slice %arg3[%dma_start3A_293, %dma_start3A_294] : memref<100000x64xf32, #tpu.memory_space<hbm>> -> memref<100000x64xf32, #tpu.memory_space<hbm>>
    tpu.enqueue_indirect_dma source(%dma_start3A_295 : memref<100000x64xf32, #tpu.memory_space<hbm>>) target(%dma_start3A_290 : memref<128x64xf32, #tpu.memory_space<vmem>>) offsets(%dma_start3A_292 : memref<128xi32, #tpu.memory_space<vmem>>) semaphore(%arg7 : memref<!tpu.dma_semaphore, #tpu.memory_space<semaphore_mem>>)
    %dma_wait3A_296 = arith.constant 1 : i32
    %dma_wait3A_297 = arith.constant 0 : i32
    %dma_wait3A_298 = arith.constant 0 : i32
    %dma_wait3A_299 = tpu.memref_slice %arg6[%dma_wait3A_296, %dma_wait3A_297, %dma_wait3A_298] : memref<2x128x64xf32, #tpu.memory_space<vmem>> -> memref<1x128x64xf32, #tpu.memory_space<vmem>>
    %dma_wait3A_300 = tpu.memref_squeeze %dma_wait3A_299 : memref<1x128x64xf32, #tpu.memory_space<vmem>> -> memref<128x64xf32, #tpu.memory_space<vmem>>
    %dma_wait3A_301 = arith.constant 0 : i32
    %dma_wait3A_302 = tpu.memref_slice %arg5[%dma_wait3A_301] : memref<1664xi32, #tpu.memory_space<vmem>> -> memref<128xi32, #tpu.memory_space<vmem>>
    %dma_wait3A_303 = arith.constant 0 : i32
    %dma_wait3A_304 = arith.constant 0 : i32
    %dma_wait3A_305 = tpu.memref_slice %arg3[%dma_wait3A_303, %dma_wait3A_304] : memref<100000x64xf32, #tpu.memory_space<hbm>> -> memref<100000x64xf32, #tpu.memory_space<hbm>>
    tpu.wait_indirect_dma semaphore(%arg8 : memref<!tpu.dma_semaphore, #tpu.memory_space<semaphore_mem>>) src(%dma_wait3A_305 : memref<100000x64xf32, #tpu.memory_space<hbm>>) dst(%dma_wait3A_300 : memref<128x64xf32, #tpu.memory_space<vmem>>)
    %add3A_306 = arith.constant 384 : i32
    %add3A_307 = arith.addi %mul3A_2, %add3A_306 : i32
    %jit3A_308 = arith.constant 2048 : i32
    %div3A_309 = arith.divsi %add3A_307, %jit3A_308 : i32
    %sign3A_310 = arith.constant 0 : i32
    %sign3A_311 = arith.cmpi sgt, %add3A_307, %sign3A_310 : i32
    %sign3A_312 = arith.extui %sign3A_311 : i1 to i32
    %sign3A_313 = arith.constant 0 : i32
    %sign3A_314 = arith.cmpi slt, %add3A_307, %sign3A_313 : i32
    %sign3A_315 = arith.extui %sign3A_314 : i1 to i32
    %sign3A_316 = arith.subi %sign3A_312, %sign3A_315 : i32
    %sign3A_317 = arith.constant 0 : i32
    %sign3A_318 = arith.cmpi sgt, %jit3A_308, %sign3A_317 : i32
    %sign3A_319 = arith.extui %sign3A_318 : i1 to i32
    %sign3A_320 = arith.constant 0 : i32
    %sign3A_321 = arith.cmpi slt, %jit3A_308, %sign3A_320 : i32
    %sign3A_322 = arith.extui %sign3A_321 : i1 to i32
    %sign3A_323 = arith.subi %sign3A_319, %sign3A_322 : i32
    %ne3A_324 = arith.cmpi ne, %sign3A_316, %sign3A_323 : i32
    %rem3A_325 = arith.remsi %add3A_307, %jit3A_308 : i32
    %ne3A_326 = arith.constant 0 : i32
    %ne3A_327 = arith.cmpi ne, %rem3A_325, %ne3A_326 : i32
    %and3A_328 = arith.andi %ne3A_324, %ne3A_327 : i1
    %sub3A_329 = arith.constant 1 : i32
    %sub3A_330 = arith.subi %div3A_309, %sub3A_329 : i32
    %select_n3A_331 = arith.select %and3A_328, %sub3A_330, %div3A_309 : i32
    %jit3A_332 = arith.constant 2048 : i32
    %eq3A_333 = arith.constant 0 : i32
    %eq3A_334 = arith.cmpi eq, %jit3A_332, %eq3A_333 : i32
    %jit3A_335 = arith.constant 1 : i32
    %select_n3A_336 = arith.select %eq3A_334, %jit3A_335, %jit3A_332 : i32
    %rem3A_337 = arith.remsi %add3A_307, %select_n3A_336 : i32
    %ne3A_338 = arith.constant 0 : i32
    %ne3A_339 = arith.cmpi ne, %rem3A_337, %ne3A_338 : i32
    %lt3A_340 = arith.constant 0 : i32
    %lt3A_341 = arith.cmpi slt, %rem3A_337, %lt3A_340 : i32
    %lt3A_342 = arith.constant 0 : i32
    %lt3A_343 = arith.cmpi slt, %select_n3A_336, %lt3A_342 : i32
    %ne3A_344 = arith.xori %lt3A_341, %lt3A_343 : i1
    %and3A_345 = arith.andi %ne3A_344, %ne3A_339 : i1
    %add3A_346 = arith.addi %rem3A_337, %select_n3A_336 : i32
    %select_n3A_347 = arith.select %and3A_345, %add3A_346, %rem3A_337 : i32
    %dma_start3A_348 = arith.constant 1 : i32
    %dma_start3A_349 = arith.constant 0 : i32
    %dma_start3A_350 = arith.constant 0 : i32
    %dma_start3A_351 = tpu.memref_slice %arg6[%dma_start3A_348, %dma_start3A_349, %dma_start3A_350] : memref<2x128x64xf32, #tpu.memory_space<vmem>> -> memref<1x128x64xf32, #tpu.memory_space<vmem>>
    %dma_start3A_352 = tpu.memref_squeeze %dma_start3A_351 : memref<1x128x64xf32, #tpu.memory_space<vmem>> -> memref<128x64xf32, #tpu.memory_space<vmem>>
    %dma_start3A_353 = arith.constant 0 : i32
    %dma_start3A_354 = tpu.memref_slice %arg4[%select_n3A_331, %select_n3A_347, %dma_start3A_353] : memref<26x2048x64xf32, #tpu.memory_space<hbm>> -> memref<1x128x64xf32, #tpu.memory_space<hbm>>
    %dma_start3A_355 = tpu.memref_squeeze %dma_start3A_354 : memref<1x128x64xf32, #tpu.memory_space<hbm>> -> memref<128x64xf32, #tpu.memory_space<hbm>>
    %dma_start3A_356 = arith.constant 0 : i32
    %dma_start3A_357 = tpu.memref_slice %arg4[%select_n3A_331, %select_n3A_347, %dma_start3A_356] : memref<26x2048x64xf32, #tpu.memory_space<hbm>> -> memref<1x128x64xf32, #tpu.memory_space<hbm>>
    %dma_start3A_358 = tpu.memref_squeeze %dma_start3A_357 : memref<1x128x64xf32, #tpu.memory_space<hbm>> -> memref<128x64xf32, #tpu.memory_space<hbm>>
    %dma_start3A_359 = arith.constant 0 : i32
    %dma_start3A_360 = arith.constant 0 : i32
    %dma_start3A_361 = tpu.memref_slice %arg6[%dma_start3A_348, %dma_start3A_359, %dma_start3A_360] : memref<2x128x64xf32, #tpu.memory_space<vmem>> -> memref<1x128x64xf32, #tpu.memory_space<vmem>>
    %dma_start3A_362 = tpu.memref_squeeze %dma_start3A_361 : memref<1x128x64xf32, #tpu.memory_space<vmem>> -> memref<128x64xf32, #tpu.memory_space<vmem>>
    tpu.enqueue_dma source(%dma_start3A_362 : memref<128x64xf32, #tpu.memory_space<vmem>>) target(%dma_start3A_358 : memref<128x64xf32, #tpu.memory_space<hbm>>) target_semaphore(%arg9 : memref<!tpu.dma_semaphore, #tpu.memory_space<semaphore_mem>>)
    %dma_wait3A_363 = arith.constant 0 : i32
    %dma_wait3A_364 = arith.constant 0 : i32
    %dma_wait3A_365 = arith.constant 0 : i32
    %dma_wait3A_366 = arith.constant 0 : i32
    %dma_wait3A_367 = tpu.memref_slice %arg6[%dma_wait3A_363, %dma_wait3A_365, %dma_wait3A_366] : memref<2x128x64xf32, #tpu.memory_space<vmem>> -> memref<1x128x64xf32, #tpu.memory_space<vmem>>
    %dma_wait3A_368 = tpu.memref_squeeze %dma_wait3A_367 : memref<1x128x64xf32, #tpu.memory_space<vmem>> -> memref<128x64xf32, #tpu.memory_space<vmem>>
    %dma_wait3A_369 = arith.constant 0 : i32
    %dma_wait3A_370 = arith.constant 0 : i32
    %dma_wait3A_371 = tpu.memref_slice %arg4[%dma_wait3A_364, %dma_wait3A_369, %dma_wait3A_370] : memref<26x2048x64xf32, #tpu.memory_space<hbm>> -> memref<1x128x64xf32, #tpu.memory_space<hbm>>
    %dma_wait3A_372 = tpu.memref_squeeze %dma_wait3A_371 : memref<1x128x64xf32, #tpu.memory_space<hbm>> -> memref<128x64xf32, #tpu.memory_space<hbm>>
    %dma_wait3A_373 = arith.constant 0 : i32
    %dma_wait3A_374 = arith.constant 0 : i32
    %dma_wait3A_375 = tpu.memref_slice %arg4[%dma_wait3A_364, %dma_wait3A_373, %dma_wait3A_374] : memref<26x2048x64xf32, #tpu.memory_space<hbm>> -> memref<1x128x64xf32, #tpu.memory_space<hbm>>
    %dma_wait3A_376 = tpu.memref_squeeze %dma_wait3A_375 : memref<1x128x64xf32, #tpu.memory_space<hbm>> -> memref<128x64xf32, #tpu.memory_space<hbm>>
    %dma_wait3A_377 = arith.constant 0 : i32
    %dma_wait3A_378 = arith.constant 0 : i32
    %dma_wait3A_379 = tpu.memref_slice %arg6[%dma_wait3A_363, %dma_wait3A_377, %dma_wait3A_378] : memref<2x128x64xf32, #tpu.memory_space<vmem>> -> memref<1x128x64xf32, #tpu.memory_space<vmem>>
    %dma_wait3A_380 = tpu.memref_squeeze %dma_wait3A_379 : memref<1x128x64xf32, #tpu.memory_space<vmem>> -> memref<128x64xf32, #tpu.memory_space<vmem>>
    tpu.wait_dma2 semaphore(%arg9 : memref<!tpu.dma_semaphore, #tpu.memory_space<semaphore_mem>>) src(%dma_wait3A_380 : memref<128x64xf32, #tpu.memory_space<vmem>>) dst(%dma_wait3A_376 : memref<128x64xf32, #tpu.memory_space<hbm>>)
    %dma_start3A_381 = arith.constant 1 : i32
    %dma_start3A_382 = arith.constant 0 : i32
    %dma_start3A_383 = arith.constant 0 : i32
    %dma_start3A_384 = tpu.memref_slice %arg6[%dma_start3A_381, %dma_start3A_382, %dma_start3A_383] : memref<2x128x64xf32, #tpu.memory_space<vmem>> -> memref<1x128x64xf32, #tpu.memory_space<vmem>>
    %dma_start3A_385 = tpu.memref_squeeze %dma_start3A_384 : memref<1x128x64xf32, #tpu.memory_space<vmem>> -> memref<128x64xf32, #tpu.memory_space<vmem>>
    %dma_start3A_386 = arith.constant 640 : i32
    %dma_start3A_387 = tpu.memref_slice %arg5[%dma_start3A_386] : memref<1664xi32, #tpu.memory_space<vmem>> -> memref<128xi32, #tpu.memory_space<vmem>>
    %dma_start3A_388 = arith.constant 0 : i32
    %dma_start3A_389 = arith.constant 0 : i32
    %dma_start3A_390 = tpu.memref_slice %arg3[%dma_start3A_388, %dma_start3A_389] : memref<100000x64xf32, #tpu.memory_space<hbm>> -> memref<100000x64xf32, #tpu.memory_space<hbm>>
    tpu.enqueue_indirect_dma source(%dma_start3A_390 : memref<100000x64xf32, #tpu.memory_space<hbm>>) target(%dma_start3A_385 : memref<128x64xf32, #tpu.memory_space<vmem>>) offsets(%dma_start3A_387 : memref<128xi32, #tpu.memory_space<vmem>>) semaphore(%arg8 : memref<!tpu.dma_semaphore, #tpu.memory_space<semaphore_mem>>)
    %dma_wait3A_391 = arith.constant 0 : i32
    %dma_wait3A_392 = arith.constant 0 : i32
    %dma_wait3A_393 = arith.constant 0 : i32
    %dma_wait3A_394 = tpu.memref_slice %arg6[%dma_wait3A_391, %dma_wait3A_392, %dma_wait3A_393] : memref<2x128x64xf32, #tpu.memory_space<vmem>> -> memref<1x128x64xf32, #tpu.memory_space<vmem>>
    %dma_wait3A_395 = tpu.memref_squeeze %dma_wait3A_394 : memref<1x128x64xf32, #tpu.memory_space<vmem>> -> memref<128x64xf32, #tpu.memory_space<vmem>>
    %dma_wait3A_396 = arith.constant 0 : i32
    %dma_wait3A_397 = tpu.memref_slice %arg5[%dma_wait3A_396] : memref<1664xi32, #tpu.memory_space<vmem>> -> memref<128xi32, #tpu.memory_space<vmem>>
    %dma_wait3A_398 = arith.constant 0 : i32
    %dma_wait3A_399 = arith.constant 0 : i32
    %dma_wait3A_400 = tpu.memref_slice %arg3[%dma_wait3A_398, %dma_wait3A_399] : memref<100000x64xf32, #tpu.memory_space<hbm>> -> memref<100000x64xf32, #tpu.memory_space<hbm>>
    tpu.wait_indirect_dma semaphore(%arg7 : memref<!tpu.dma_semaphore, #tpu.memory_space<semaphore_mem>>) src(%dma_wait3A_400 : memref<100000x64xf32, #tpu.memory_space<hbm>>) dst(%dma_wait3A_395 : memref<128x64xf32, #tpu.memory_space<vmem>>)
    %add3A_401 = arith.constant 512 : i32
    %add3A_402 = arith.addi %mul3A_2, %add3A_401 : i32
    %jit3A_403 = arith.constant 2048 : i32
    %div3A_404 = arith.divsi %add3A_402, %jit3A_403 : i32
    %sign3A_405 = arith.constant 0 : i32
    %sign3A_406 = arith.cmpi sgt, %add3A_402, %sign3A_405 : i32
    %sign3A_407 = arith.extui %sign3A_406 : i1 to i32
    %sign3A_408 = arith.constant 0 : i32
    %sign3A_409 = arith.cmpi slt, %add3A_402, %sign3A_408 : i32
    %sign3A_410 = arith.extui %sign3A_409 : i1 to i32
    %sign3A_411 = arith.subi %sign3A_407, %sign3A_410 : i32
    %sign3A_412 = arith.constant 0 : i32
    %sign3A_413 = arith.cmpi sgt, %jit3A_403, %sign3A_412 : i32
    %sign3A_414 = arith.extui %sign3A_413 : i1 to i32
    %sign3A_415 = arith.constant 0 : i32
    %sign3A_416 = arith.cmpi slt, %jit3A_403, %sign3A_415 : i32
    %sign3A_417 = arith.extui %sign3A_416 : i1 to i32
    %sign3A_418 = arith.subi %sign3A_414, %sign3A_417 : i32
    %ne3A_419 = arith.cmpi ne, %sign3A_411, %sign3A_418 : i32
    %rem3A_420 = arith.remsi %add3A_402, %jit3A_403 : i32
    %ne3A_421 = arith.constant 0 : i32
    %ne3A_422 = arith.cmpi ne, %rem3A_420, %ne3A_421 : i32
    %and3A_423 = arith.andi %ne3A_419, %ne3A_422 : i1
    %sub3A_424 = arith.constant 1 : i32
    %sub3A_425 = arith.subi %div3A_404, %sub3A_424 : i32
    %select_n3A_426 = arith.select %and3A_423, %sub3A_425, %div3A_404 : i32
    %jit3A_427 = arith.constant 2048 : i32
    %eq3A_428 = arith.constant 0 : i32
    %eq3A_429 = arith.cmpi eq, %jit3A_427, %eq3A_428 : i32
    %jit3A_430 = arith.constant 1 : i32
    %select_n3A_431 = arith.select %eq3A_429, %jit3A_430, %jit3A_427 : i32
    %rem3A_432 = arith.remsi %add3A_402, %select_n3A_431 : i32
    %ne3A_433 = arith.constant 0 : i32
    %ne3A_434 = arith.cmpi ne, %rem3A_432, %ne3A_433 : i32
    %lt3A_435 = arith.constant 0 : i32
    %lt3A_436 = arith.cmpi slt, %rem3A_432, %lt3A_435 : i32
    %lt3A_437 = arith.constant 0 : i32
    %lt3A_438 = arith.cmpi slt, %select_n3A_431, %lt3A_437 : i32
    %ne3A_439 = arith.xori %lt3A_436, %lt3A_438 : i1
    %and3A_440 = arith.andi %ne3A_439, %ne3A_434 : i1
    %add3A_441 = arith.addi %rem3A_432, %select_n3A_431 : i32
    %select_n3A_442 = arith.select %and3A_440, %add3A_441, %rem3A_432 : i32
    %dma_start3A_443 = arith.constant 0 : i32
    %dma_start3A_444 = arith.constant 0 : i32
    %dma_start3A_445 = arith.constant 0 : i32
    %dma_start3A_446 = tpu.memref_slice %arg6[%dma_start3A_443, %dma_start3A_444, %dma_start3A_445] : memref<2x128x64xf32, #tpu.memory_space<vmem>> -> memref<1x128x64xf32, #tpu.memory_space<vmem>>
    %dma_start3A_447 = tpu.memref_squeeze %dma_start3A_446 : memref<1x128x64xf32, #tpu.memory_space<vmem>> -> memref<128x64xf32, #tpu.memory_space<vmem>>
    %dma_start3A_448 = arith.constant 0 : i32
    %dma_start3A_449 = tpu.memref_slice %arg4[%select_n3A_426, %select_n3A_442, %dma_start3A_448] : memref<26x2048x64xf32, #tpu.memory_space<hbm>> -> memref<1x128x64xf32, #tpu.memory_space<hbm>>
    %dma_start3A_450 = tpu.memref_squeeze %dma_start3A_449 : memref<1x128x64xf32, #tpu.memory_space<hbm>> -> memref<128x64xf32, #tpu.memory_space<hbm>>
    %dma_start3A_451 = arith.constant 0 : i32
    %dma_start3A_452 = tpu.memref_slice %arg4[%select_n3A_426, %select_n3A_442, %dma_start3A_451] : memref<26x2048x64xf32, #tpu.memory_space<hbm>> -> memref<1x128x64xf32, #tpu.memory_space<hbm>>
    %dma_start3A_453 = tpu.memref_squeeze %dma_start3A_452 : memref<1x128x64xf32, #tpu.memory_space<hbm>> -> memref<128x64xf32, #tpu.memory_space<hbm>>
    %dma_start3A_454 = arith.constant 0 : i32
    %dma_start3A_455 = arith.constant 0 : i32
    %dma_start3A_456 = tpu.memref_slice %arg6[%dma_start3A_443, %dma_start3A_454, %dma_start3A_455] : memref<2x128x64xf32, #tpu.memory_space<vmem>> -> memref<1x128x64xf32, #tpu.memory_space<vmem>>
    %dma_start3A_457 = tpu.memref_squeeze %dma_start3A_456 : memref<1x128x64xf32, #tpu.memory_space<vmem>> -> memref<128x64xf32, #tpu.memory_space<vmem>>
    tpu.enqueue_dma source(%dma_start3A_457 : memref<128x64xf32, #tpu.memory_space<vmem>>) target(%dma_start3A_453 : memref<128x64xf32, #tpu.memory_space<hbm>>) target_semaphore(%arg9 : memref<!tpu.dma_semaphore, #tpu.memory_space<semaphore_mem>>)
    %dma_wait3A_458 = arith.constant 0 : i32
    %dma_wait3A_459 = arith.constant 0 : i32
    %dma_wait3A_460 = arith.constant 0 : i32
    %dma_wait3A_461 = arith.constant 0 : i32
    %dma_wait3A_462 = tpu.memref_slice %arg6[%dma_wait3A_458, %dma_wait3A_460, %dma_wait3A_461] : memref<2x128x64xf32, #tpu.memory_space<vmem>> -> memref<1x128x64xf32, #tpu.memory_space<vmem>>
    %dma_wait3A_463 = tpu.memref_squeeze %dma_wait3A_462 : memref<1x128x64xf32, #tpu.memory_space<vmem>> -> memref<128x64xf32, #tpu.memory_space<vmem>>
    %dma_wait3A_464 = arith.constant 0 : i32
    %dma_wait3A_465 = arith.constant 0 : i32
    %dma_wait3A_466 = tpu.memref_slice %arg4[%dma_wait3A_459, %dma_wait3A_464, %dma_wait3A_465] : memref<26x2048x64xf32, #tpu.memory_space<hbm>> -> memref<1x128x64xf32, #tpu.memory_space<hbm>>
    %dma_wait3A_467 = tpu.memref_squeeze %dma_wait3A_466 : memref<1x128x64xf32, #tpu.memory_space<hbm>> -> memref<128x64xf32, #tpu.memory_space<hbm>>
    %dma_wait3A_468 = arith.constant 0 : i32
    %dma_wait3A_469 = arith.constant 0 : i32
    %dma_wait3A_470 = tpu.memref_slice %arg4[%dma_wait3A_459, %dma_wait3A_468, %dma_wait3A_469] : memref<26x2048x64xf32, #tpu.memory_space<hbm>> -> memref<1x128x64xf32, #tpu.memory_space<hbm>>
    %dma_wait3A_471 = tpu.memref_squeeze %dma_wait3A_470 : memref<1x128x64xf32, #tpu.memory_space<hbm>> -> memref<128x64xf32, #tpu.memory_space<hbm>>
    %dma_wait3A_472 = arith.constant 0 : i32
    %dma_wait3A_473 = arith.constant 0 : i32
    %dma_wait3A_474 = tpu.memref_slice %arg6[%dma_wait3A_458, %dma_wait3A_472, %dma_wait3A_473] : memref<2x128x64xf32, #tpu.memory_space<vmem>> -> memref<1x128x64xf32, #tpu.memory_space<vmem>>
    %dma_wait3A_475 = tpu.memref_squeeze %dma_wait3A_474 : memref<1x128x64xf32, #tpu.memory_space<vmem>> -> memref<128x64xf32, #tpu.memory_space<vmem>>
    tpu.wait_dma2 semaphore(%arg9 : memref<!tpu.dma_semaphore, #tpu.memory_space<semaphore_mem>>) src(%dma_wait3A_475 : memref<128x64xf32, #tpu.memory_space<vmem>>) dst(%dma_wait3A_471 : memref<128x64xf32, #tpu.memory_space<hbm>>)
    %dma_start3A_476 = arith.constant 0 : i32
    %dma_start3A_477 = arith.constant 0 : i32
    %dma_start3A_478 = arith.constant 0 : i32
    %dma_start3A_479 = tpu.memref_slice %arg6[%dma_start3A_476, %dma_start3A_477, %dma_start3A_478] : memref<2x128x64xf32, #tpu.memory_space<vmem>> -> memref<1x128x64xf32, #tpu.memory_space<vmem>>
    %dma_start3A_480 = tpu.memref_squeeze %dma_start3A_479 : memref<1x128x64xf32, #tpu.memory_space<vmem>> -> memref<128x64xf32, #tpu.memory_space<vmem>>
    %dma_start3A_481 = arith.constant 768 : i32
    %dma_start3A_482 = tpu.memref_slice %arg5[%dma_start3A_481] : memref<1664xi32, #tpu.memory_space<vmem>> -> memref<128xi32, #tpu.memory_space<vmem>>
    %dma_start3A_483 = arith.constant 0 : i32
    %dma_start3A_484 = arith.constant 0 : i32
    %dma_start3A_485 = tpu.memref_slice %arg3[%dma_start3A_483, %dma_start3A_484] : memref<100000x64xf32, #tpu.memory_space<hbm>> -> memref<100000x64xf32, #tpu.memory_space<hbm>>
    tpu.enqueue_indirect_dma source(%dma_start3A_485 : memref<100000x64xf32, #tpu.memory_space<hbm>>) target(%dma_start3A_480 : memref<128x64xf32, #tpu.memory_space<vmem>>) offsets(%dma_start3A_482 : memref<128xi32, #tpu.memory_space<vmem>>) semaphore(%arg7 : memref<!tpu.dma_semaphore, #tpu.memory_space<semaphore_mem>>)
    %dma_wait3A_486 = arith.constant 1 : i32
    %dma_wait3A_487 = arith.constant 0 : i32
    %dma_wait3A_488 = arith.constant 0 : i32
    %dma_wait3A_489 = tpu.memref_slice %arg6[%dma_wait3A_486, %dma_wait3A_487, %dma_wait3A_488] : memref<2x128x64xf32, #tpu.memory_space<vmem>> -> memref<1x128x64xf32, #tpu.memory_space<vmem>>
    %dma_wait3A_490 = tpu.memref_squeeze %dma_wait3A_489 : memref<1x128x64xf32, #tpu.memory_space<vmem>> -> memref<128x64xf32, #tpu.memory_space<vmem>>
    %dma_wait3A_491 = arith.constant 0 : i32
    %dma_wait3A_492 = tpu.memref_slice %arg5[%dma_wait3A_491] : memref<1664xi32, #tpu.memory_space<vmem>> -> memref<128xi32, #tpu.memory_space<vmem>>
    %dma_wait3A_493 = arith.constant 0 : i32
    %dma_wait3A_494 = arith.constant 0 : i32
    %dma_wait3A_495 = tpu.memref_slice %arg3[%dma_wait3A_493, %dma_wait3A_494] : memref<100000x64xf32, #tpu.memory_space<hbm>> -> memref<100000x64xf32, #tpu.memory_space<hbm>>
    tpu.wait_indirect_dma semaphore(%arg8 : memref<!tpu.dma_semaphore, #tpu.memory_space<semaphore_mem>>) src(%dma_wait3A_495 : memref<100000x64xf32, #tpu.memory_space<hbm>>) dst(%dma_wait3A_490 : memref<128x64xf32, #tpu.memory_space<vmem>>)
    %add3A_496 = arith.constant 640 : i32
    %add3A_497 = arith.addi %mul3A_2, %add3A_496 : i32
    %jit3A_498 = arith.constant 2048 : i32
    %div3A_499 = arith.divsi %add3A_497, %jit3A_498 : i32
    %sign3A_500 = arith.constant 0 : i32
    %sign3A_501 = arith.cmpi sgt, %add3A_497, %sign3A_500 : i32
    %sign3A_502 = arith.extui %sign3A_501 : i1 to i32
    %sign3A_503 = arith.constant 0 : i32
    %sign3A_504 = arith.cmpi slt, %add3A_497, %sign3A_503 : i32
    %sign3A_505 = arith.extui %sign3A_504 : i1 to i32
    %sign3A_506 = arith.subi %sign3A_502, %sign3A_505 : i32
    %sign3A_507 = arith.constant 0 : i32
    %sign3A_508 = arith.cmpi sgt, %jit3A_498, %sign3A_507 : i32
    %sign3A_509 = arith.extui %sign3A_508 : i1 to i32
    %sign3A_510 = arith.constant 0 : i32
    %sign3A_511 = arith.cmpi slt, %jit3A_498, %sign3A_510 : i32
    %sign3A_512 = arith.extui %sign3A_511 : i1 to i32
    %sign3A_513 = arith.subi %sign3A_509, %sign3A_512 : i32
    %ne3A_514 = arith.cmpi ne, %sign3A_506, %sign3A_513 : i32
    %rem3A_515 = arith.remsi %add3A_497, %jit3A_498 : i32
    %ne3A_516 = arith.constant 0 : i32
    %ne3A_517 = arith.cmpi ne, %rem3A_515, %ne3A_516 : i32
    %and3A_518 = arith.andi %ne3A_514, %ne3A_517 : i1
    %sub3A_519 = arith.constant 1 : i32
    %sub3A_520 = arith.subi %div3A_499, %sub3A_519 : i32
    %select_n3A_521 = arith.select %and3A_518, %sub3A_520, %div3A_499 : i32
    %jit3A_522 = arith.constant 2048 : i32
    %eq3A_523 = arith.constant 0 : i32
    %eq3A_524 = arith.cmpi eq, %jit3A_522, %eq3A_523 : i32
    %jit3A_525 = arith.constant 1 : i32
    %select_n3A_526 = arith.select %eq3A_524, %jit3A_525, %jit3A_522 : i32
    %rem3A_527 = arith.remsi %add3A_497, %select_n3A_526 : i32
    %ne3A_528 = arith.constant 0 : i32
    %ne3A_529 = arith.cmpi ne, %rem3A_527, %ne3A_528 : i32
    %lt3A_530 = arith.constant 0 : i32
    %lt3A_531 = arith.cmpi slt, %rem3A_527, %lt3A_530 : i32
    %lt3A_532 = arith.constant 0 : i32
    %lt3A_533 = arith.cmpi slt, %select_n3A_526, %lt3A_532 : i32
    %ne3A_534 = arith.xori %lt3A_531, %lt3A_533 : i1
    %and3A_535 = arith.andi %ne3A_534, %ne3A_529 : i1
    %add3A_536 = arith.addi %rem3A_527, %select_n3A_526 : i32
    %select_n3A_537 = arith.select %and3A_535, %add3A_536, %rem3A_527 : i32
    %dma_start3A_538 = arith.constant 1 : i32
    %dma_start3A_539 = arith.constant 0 : i32
    %dma_start3A_540 = arith.constant 0 : i32
    %dma_start3A_541 = tpu.memref_slice %arg6[%dma_start3A_538, %dma_start3A_539, %dma_start3A_540] : memref<2x128x64xf32, #tpu.memory_space<vmem>> -> memref<1x128x64xf32, #tpu.memory_space<vmem>>
    %dma_start3A_542 = tpu.memref_squeeze %dma_start3A_541 : memref<1x128x64xf32, #tpu.memory_space<vmem>> -> memref<128x64xf32, #tpu.memory_space<vmem>>
    %dma_start3A_543 = arith.constant 0 : i32
    %dma_start3A_544 = tpu.memref_slice %arg4[%select_n3A_521, %select_n3A_537, %dma_start3A_543] : memref<26x2048x64xf32, #tpu.memory_space<hbm>> -> memref<1x128x64xf32, #tpu.memory_space<hbm>>
    %dma_start3A_545 = tpu.memref_squeeze %dma_start3A_544 : memref<1x128x64xf32, #tpu.memory_space<hbm>> -> memref<128x64xf32, #tpu.memory_space<hbm>>
    %dma_start3A_546 = arith.constant 0 : i32
    %dma_start3A_547 = tpu.memref_slice %arg4[%select_n3A_521, %select_n3A_537, %dma_start3A_546] : memref<26x2048x64xf32, #tpu.memory_space<hbm>> -> memref<1x128x64xf32, #tpu.memory_space<hbm>>
    %dma_start3A_548 = tpu.memref_squeeze %dma_start3A_547 : memref<1x128x64xf32, #tpu.memory_space<hbm>> -> memref<128x64xf32, #tpu.memory_space<hbm>>
    %dma_start3A_549 = arith.constant 0 : i32
    %dma_start3A_550 = arith.constant 0 : i32
    %dma_start3A_551 = tpu.memref_slice %arg6[%dma_start3A_538, %dma_start3A_549, %dma_start3A_550] : memref<2x128x64xf32, #tpu.memory_space<vmem>> -> memref<1x128x64xf32, #tpu.memory_space<vmem>>
    %dma_start3A_552 = tpu.memref_squeeze %dma_start3A_551 : memref<1x128x64xf32, #tpu.memory_space<vmem>> -> memref<128x64xf32, #tpu.memory_space<vmem>>
    tpu.enqueue_dma source(%dma_start3A_552 : memref<128x64xf32, #tpu.memory_space<vmem>>) target(%dma_start3A_548 : memref<128x64xf32, #tpu.memory_space<hbm>>) target_semaphore(%arg9 : memref<!tpu.dma_semaphore, #tpu.memory_space<semaphore_mem>>)
    %dma_wait3A_553 = arith.constant 0 : i32
    %dma_wait3A_554 = arith.constant 0 : i32
    %dma_wait3A_555 = arith.constant 0 : i32
    %dma_wait3A_556 = arith.constant 0 : i32
    %dma_wait3A_557 = tpu.memref_slice %arg6[%dma_wait3A_553, %dma_wait3A_555, %dma_wait3A_556] : memref<2x128x64xf32, #tpu.memory_space<vmem>> -> memref<1x128x64xf32, #tpu.memory_space<vmem>>
    %dma_wait3A_558 = tpu.memref_squeeze %dma_wait3A_557 : memref<1x128x64xf32, #tpu.memory_space<vmem>> -> memref<128x64xf32, #tpu.memory_space<vmem>>
    %dma_wait3A_559 = arith.constant 0 : i32
    %dma_wait3A_560 = arith.constant 0 : i32
    %dma_wait3A_561 = tpu.memref_slice %arg4[%dma_wait3A_554, %dma_wait3A_559, %dma_wait3A_560] : memref<26x2048x64xf32, #tpu.memory_space<hbm>> -> memref<1x128x64xf32, #tpu.memory_space<hbm>>
    %dma_wait3A_562 = tpu.memref_squeeze %dma_wait3A_561 : memref<1x128x64xf32, #tpu.memory_space<hbm>> -> memref<128x64xf32, #tpu.memory_space<hbm>>
    %dma_wait3A_563 = arith.constant 0 : i32
    %dma_wait3A_564 = arith.constant 0 : i32
    %dma_wait3A_565 = tpu.memref_slice %arg4[%dma_wait3A_554, %dma_wait3A_563, %dma_wait3A_564] : memref<26x2048x64xf32, #tpu.memory_space<hbm>> -> memref<1x128x64xf32, #tpu.memory_space<hbm>>
    %dma_wait3A_566 = tpu.memref_squeeze %dma_wait3A_565 : memref<1x128x64xf32, #tpu.memory_space<hbm>> -> memref<128x64xf32, #tpu.memory_space<hbm>>
    %dma_wait3A_567 = arith.constant 0 : i32
    %dma_wait3A_568 = arith.constant 0 : i32
    %dma_wait3A_569 = tpu.memref_slice %arg6[%dma_wait3A_553, %dma_wait3A_567, %dma_wait3A_568] : memref<2x128x64xf32, #tpu.memory_space<vmem>> -> memref<1x128x64xf32, #tpu.memory_space<vmem>>
    %dma_wait3A_570 = tpu.memref_squeeze %dma_wait3A_569 : memref<1x128x64xf32, #tpu.memory_space<vmem>> -> memref<128x64xf32, #tpu.memory_space<vmem>>
    tpu.wait_dma2 semaphore(%arg9 : memref<!tpu.dma_semaphore, #tpu.memory_space<semaphore_mem>>) src(%dma_wait3A_570 : memref<128x64xf32, #tpu.memory_space<vmem>>) dst(%dma_wait3A_566 : memref<128x64xf32, #tpu.memory_space<hbm>>)
    %dma_start3A_571 = arith.constant 1 : i32
    %dma_start3A_572 = arith.constant 0 : i32
    %dma_start3A_573 = arith.constant 0 : i32
    %dma_start3A_574 = tpu.memref_slice %arg6[%dma_start3A_571, %dma_start3A_572, %dma_start3A_573] : memref<2x128x64xf32, #tpu.memory_space<vmem>> -> memref<1x128x64xf32, #tpu.memory_space<vmem>>
    %dma_start3A_575 = tpu.memref_squeeze %dma_start3A_574 : memref<1x128x64xf32, #tpu.memory_space<vmem>> -> memref<128x64xf32, #tpu.memory_space<vmem>>
    %dma_start3A_576 = arith.constant 896 : i32
    %dma_start3A_577 = tpu.memref_slice %arg5[%dma_start3A_576] : memref<1664xi32, #tpu.memory_space<vmem>> -> memref<128xi32, #tpu.memory_space<vmem>>
    %dma_start3A_578 = arith.constant 0 : i32
    %dma_start3A_579 = arith.constant 0 : i32
    %dma_start3A_580 = tpu.memref_slice %arg3[%dma_start3A_578, %dma_start3A_579] : memref<100000x64xf32, #tpu.memory_space<hbm>> -> memref<100000x64xf32, #tpu.memory_space<hbm>>
    tpu.enqueue_indirect_dma source(%dma_start3A_580 : memref<100000x64xf32, #tpu.memory_space<hbm>>) target(%dma_start3A_575 : memref<128x64xf32, #tpu.memory_space<vmem>>) offsets(%dma_start3A_577 : memref<128xi32, #tpu.memory_space<vmem>>) semaphore(%arg8 : memref<!tpu.dma_semaphore, #tpu.memory_space<semaphore_mem>>)
    %dma_wait3A_581 = arith.constant 0 : i32
    %dma_wait3A_582 = arith.constant 0 : i32
    %dma_wait3A_583 = arith.constant 0 : i32
    %dma_wait3A_584 = tpu.memref_slice %arg6[%dma_wait3A_581, %dma_wait3A_582, %dma_wait3A_583] : memref<2x128x64xf32, #tpu.memory_space<vmem>> -> memref<1x128x64xf32, #tpu.memory_space<vmem>>
    %dma_wait3A_585 = tpu.memref_squeeze %dma_wait3A_584 : memref<1x128x64xf32, #tpu.memory_space<vmem>> -> memref<128x64xf32, #tpu.memory_space<vmem>>
    %dma_wait3A_586 = arith.constant 0 : i32
    %dma_wait3A_587 = tpu.memref_slice %arg5[%dma_wait3A_586] : memref<1664xi32, #tpu.memory_space<vmem>> -> memref<128xi32, #tpu.memory_space<vmem>>
    %dma_wait3A_588 = arith.constant 0 : i32
    %dma_wait3A_589 = arith.constant 0 : i32
    %dma_wait3A_590 = tpu.memref_slice %arg3[%dma_wait3A_588, %dma_wait3A_589] : memref<100000x64xf32, #tpu.memory_space<hbm>> -> memref<100000x64xf32, #tpu.memory_space<hbm>>
    tpu.wait_indirect_dma semaphore(%arg7 : memref<!tpu.dma_semaphore, #tpu.memory_space<semaphore_mem>>) src(%dma_wait3A_590 : memref<100000x64xf32, #tpu.memory_space<hbm>>) dst(%dma_wait3A_585 : memref<128x64xf32, #tpu.memory_space<vmem>>)
    %add3A_591 = arith.constant 768 : i32
    %add3A_592 = arith.addi %mul3A_2, %add3A_591 : i32
    %jit3A_593 = arith.constant 2048 : i32
    %div3A_594 = arith.divsi %add3A_592, %jit3A_593 : i32
    %sign3A_595 = arith.constant 0 : i32
    %sign3A_596 = arith.cmpi sgt, %add3A_592, %sign3A_595 : i32
    %sign3A_597 = arith.extui %sign3A_596 : i1 to i32
    %sign3A_598 = arith.constant 0 : i32
    %sign3A_599 = arith.cmpi slt, %add3A_592, %sign3A_598 : i32
    %sign3A_600 = arith.extui %sign3A_599 : i1 to i32
    %sign3A_601 = arith.subi %sign3A_597, %sign3A_600 : i32
    %sign3A_602 = arith.constant 0 : i32
    %sign3A_603 = arith.cmpi sgt, %jit3A_593, %sign3A_602 : i32
    %sign3A_604 = arith.extui %sign3A_603 : i1 to i32
    %sign3A_605 = arith.constant 0 : i32
    %sign3A_606 = arith.cmpi slt, %jit3A_593, %sign3A_605 : i32
    %sign3A_607 = arith.extui %sign3A_606 : i1 to i32
    %sign3A_608 = arith.subi %sign3A_604, %sign3A_607 : i32
    %ne3A_609 = arith.cmpi ne, %sign3A_601, %sign3A_608 : i32
    %rem3A_610 = arith.remsi %add3A_592, %jit3A_593 : i32
    %ne3A_611 = arith.constant 0 : i32
    %ne3A_612 = arith.cmpi ne, %rem3A_610, %ne3A_611 : i32
    %and3A_613 = arith.andi %ne3A_609, %ne3A_612 : i1
    %sub3A_614 = arith.constant 1 : i32
    %sub3A_615 = arith.subi %div3A_594, %sub3A_614 : i32
    %select_n3A_616 = arith.select %and3A_613, %sub3A_615, %div3A_594 : i32
    %jit3A_617 = arith.constant 2048 : i32
    %eq3A_618 = arith.constant 0 : i32
    %eq3A_619 = arith.cmpi eq, %jit3A_617, %eq3A_618 : i32
    %jit3A_620 = arith.constant 1 : i32
    %select_n3A_621 = arith.select %eq3A_619, %jit3A_620, %jit3A_617 : i32
    %rem3A_622 = arith.remsi %add3A_592, %select_n3A_621 : i32
    %ne3A_623 = arith.constant 0 : i32
    %ne3A_624 = arith.cmpi ne, %rem3A_622, %ne3A_623 : i32
    %lt3A_625 = arith.constant 0 : i32
    %lt3A_626 = arith.cmpi slt, %rem3A_622, %lt3A_625 : i32
    %lt3A_627 = arith.constant 0 : i32
    %lt3A_628 = arith.cmpi slt, %select_n3A_621, %lt3A_627 : i32
    %ne3A_629 = arith.xori %lt3A_626, %lt3A_628 : i1
    %and3A_630 = arith.andi %ne3A_629, %ne3A_624 : i1
    %add3A_631 = arith.addi %rem3A_622, %select_n3A_621 : i32
    %select_n3A_632 = arith.select %and3A_630, %add3A_631, %rem3A_622 : i32
    %dma_start3A_633 = arith.constant 0 : i32
    %dma_start3A_634 = arith.constant 0 : i32
    %dma_start3A_635 = arith.constant 0 : i32
    %dma_start3A_636 = tpu.memref_slice %arg6[%dma_start3A_633, %dma_start3A_634, %dma_start3A_635] : memref<2x128x64xf32, #tpu.memory_space<vmem>> -> memref<1x128x64xf32, #tpu.memory_space<vmem>>
    %dma_start3A_637 = tpu.memref_squeeze %dma_start3A_636 : memref<1x128x64xf32, #tpu.memory_space<vmem>> -> memref<128x64xf32, #tpu.memory_space<vmem>>
    %dma_start3A_638 = arith.constant 0 : i32
    %dma_start3A_639 = tpu.memref_slice %arg4[%select_n3A_616, %select_n3A_632, %dma_start3A_638] : memref<26x2048x64xf32, #tpu.memory_space<hbm>> -> memref<1x128x64xf32, #tpu.memory_space<hbm>>
    %dma_start3A_640 = tpu.memref_squeeze %dma_start3A_639 : memref<1x128x64xf32, #tpu.memory_space<hbm>> -> memref<128x64xf32, #tpu.memory_space<hbm>>
    %dma_start3A_641 = arith.constant 0 : i32
    %dma_start3A_642 = tpu.memref_slice %arg4[%select_n3A_616, %select_n3A_632, %dma_start3A_641] : memref<26x2048x64xf32, #tpu.memory_space<hbm>> -> memref<1x128x64xf32, #tpu.memory_space<hbm>>
    %dma_start3A_643 = tpu.memref_squeeze %dma_start3A_642 : memref<1x128x64xf32, #tpu.memory_space<hbm>> -> memref<128x64xf32, #tpu.memory_space<hbm>>
    %dma_start3A_644 = arith.constant 0 : i32
    %dma_start3A_645 = arith.constant 0 : i32
    %dma_start3A_646 = tpu.memref_slice %arg6[%dma_start3A_633, %dma_start3A_644, %dma_start3A_645] : memref<2x128x64xf32, #tpu.memory_space<vmem>> -> memref<1x128x64xf32, #tpu.memory_space<vmem>>
    %dma_start3A_647 = tpu.memref_squeeze %dma_start3A_646 : memref<1x128x64xf32, #tpu.memory_space<vmem>> -> memref<128x64xf32, #tpu.memory_space<vmem>>
    tpu.enqueue_dma source(%dma_start3A_647 : memref<128x64xf32, #tpu.memory_space<vmem>>) target(%dma_start3A_643 : memref<128x64xf32, #tpu.memory_space<hbm>>) target_semaphore(%arg9 : memref<!tpu.dma_semaphore, #tpu.memory_space<semaphore_mem>>)
    %dma_wait3A_648 = arith.constant 0 : i32
    %dma_wait3A_649 = arith.constant 0 : i32
    %dma_wait3A_650 = arith.constant 0 : i32
    %dma_wait3A_651 = arith.constant 0 : i32
    %dma_wait3A_652 = tpu.memref_slice %arg6[%dma_wait3A_648, %dma_wait3A_650, %dma_wait3A_651] : memref<2x128x64xf32, #tpu.memory_space<vmem>> -> memref<1x128x64xf32, #tpu.memory_space<vmem>>
    %dma_wait3A_653 = tpu.memref_squeeze %dma_wait3A_652 : memref<1x128x64xf32, #tpu.memory_space<vmem>> -> memref<128x64xf32, #tpu.memory_space<vmem>>
    %dma_wait3A_654 = arith.constant 0 : i32
    %dma_wait3A_655 = arith.constant 0 : i32
    %dma_wait3A_656 = tpu.memref_slice %arg4[%dma_wait3A_649, %dma_wait3A_654, %dma_wait3A_655] : memref<26x2048x64xf32, #tpu.memory_space<hbm>> -> memref<1x128x64xf32, #tpu.memory_space<hbm>>
    %dma_wait3A_657 = tpu.memref_squeeze %dma_wait3A_656 : memref<1x128x64xf32, #tpu.memory_space<hbm>> -> memref<128x64xf32, #tpu.memory_space<hbm>>
    %dma_wait3A_658 = arith.constant 0 : i32
    %dma_wait3A_659 = arith.constant 0 : i32
    %dma_wait3A_660 = tpu.memref_slice %arg4[%dma_wait3A_649, %dma_wait3A_658, %dma_wait3A_659] : memref<26x2048x64xf32, #tpu.memory_space<hbm>> -> memref<1x128x64xf32, #tpu.memory_space<hbm>>
    %dma_wait3A_661 = tpu.memref_squeeze %dma_wait3A_660 : memref<1x128x64xf32, #tpu.memory_space<hbm>> -> memref<128x64xf32, #tpu.memory_space<hbm>>
    %dma_wait3A_662 = arith.constant 0 : i32
    %dma_wait3A_663 = arith.constant 0 : i32
    %dma_wait3A_664 = tpu.memref_slice %arg6[%dma_wait3A_648, %dma_wait3A_662, %dma_wait3A_663] : memref<2x128x64xf32, #tpu.memory_space<vmem>> -> memref<1x128x64xf32, #tpu.memory_space<vmem>>
    %dma_wait3A_665 = tpu.memref_squeeze %dma_wait3A_664 : memref<1x128x64xf32, #tpu.memory_space<vmem>> -> memref<128x64xf32, #tpu.memory_space<vmem>>
    tpu.wait_dma2 semaphore(%arg9 : memref<!tpu.dma_semaphore, #tpu.memory_space<semaphore_mem>>) src(%dma_wait3A_665 : memref<128x64xf32, #tpu.memory_space<vmem>>) dst(%dma_wait3A_661 : memref<128x64xf32, #tpu.memory_space<hbm>>)
    %dma_start3A_666 = arith.constant 0 : i32
    %dma_start3A_667 = arith.constant 0 : i32
    %dma_start3A_668 = arith.constant 0 : i32
    %dma_start3A_669 = tpu.memref_slice %arg6[%dma_start3A_666, %dma_start3A_667, %dma_start3A_668] : memref<2x128x64xf32, #tpu.memory_space<vmem>> -> memref<1x128x64xf32, #tpu.memory_space<vmem>>
    %dma_start3A_670 = tpu.memref_squeeze %dma_start3A_669 : memref<1x128x64xf32, #tpu.memory_space<vmem>> -> memref<128x64xf32, #tpu.memory_space<vmem>>
    %dma_start3A_671 = arith.constant 1024 : i32
    %dma_start3A_672 = tpu.memref_slice %arg5[%dma_start3A_671] : memref<1664xi32, #tpu.memory_space<vmem>> -> memref<128xi32, #tpu.memory_space<vmem>>
    %dma_start3A_673 = arith.constant 0 : i32
    %dma_start3A_674 = arith.constant 0 : i32
    %dma_start3A_675 = tpu.memref_slice %arg3[%dma_start3A_673, %dma_start3A_674] : memref<100000x64xf32, #tpu.memory_space<hbm>> -> memref<100000x64xf32, #tpu.memory_space<hbm>>
    tpu.enqueue_indirect_dma source(%dma_start3A_675 : memref<100000x64xf32, #tpu.memory_space<hbm>>) target(%dma_start3A_670 : memref<128x64xf32, #tpu.memory_space<vmem>>) offsets(%dma_start3A_672 : memref<128xi32, #tpu.memory_space<vmem>>) semaphore(%arg7 : memref<!tpu.dma_semaphore, #tpu.memory_space<semaphore_mem>>)
    %dma_wait3A_676 = arith.constant 1 : i32
    %dma_wait3A_677 = arith.constant 0 : i32
    %dma_wait3A_678 = arith.constant 0 : i32
    %dma_wait3A_679 = tpu.memref_slice %arg6[%dma_wait3A_676, %dma_wait3A_677, %dma_wait3A_678] : memref<2x128x64xf32, #tpu.memory_space<vmem>> -> memref<1x128x64xf32, #tpu.memory_space<vmem>>
    %dma_wait3A_680 = tpu.memref_squeeze %dma_wait3A_679 : memref<1x128x64xf32, #tpu.memory_space<vmem>> -> memref<128x64xf32, #tpu.memory_space<vmem>>
    %dma_wait3A_681 = arith.constant 0 : i32
    %dma_wait3A_682 = tpu.memref_slice %arg5[%dma_wait3A_681] : memref<1664xi32, #tpu.memory_space<vmem>> -> memref<128xi32, #tpu.memory_space<vmem>>
    %dma_wait3A_683 = arith.constant 0 : i32
    %dma_wait3A_684 = arith.constant 0 : i32
    %dma_wait3A_685 = tpu.memref_slice %arg3[%dma_wait3A_683, %dma_wait3A_684] : memref<100000x64xf32, #tpu.memory_space<hbm>> -> memref<100000x64xf32, #tpu.memory_space<hbm>>
    tpu.wait_indirect_dma semaphore(%arg8 : memref<!tpu.dma_semaphore, #tpu.memory_space<semaphore_mem>>) src(%dma_wait3A_685 : memref<100000x64xf32, #tpu.memory_space<hbm>>) dst(%dma_wait3A_680 : memref<128x64xf32, #tpu.memory_space<vmem>>)
    %add3A_686 = arith.constant 896 : i32
    %add3A_687 = arith.addi %mul3A_2, %add3A_686 : i32
    %jit3A_688 = arith.constant 2048 : i32
    %div3A_689 = arith.divsi %add3A_687, %jit3A_688 : i32
    %sign3A_690 = arith.constant 0 : i32
    %sign3A_691 = arith.cmpi sgt, %add3A_687, %sign3A_690 : i32
    %sign3A_692 = arith.extui %sign3A_691 : i1 to i32
    %sign3A_693 = arith.constant 0 : i32
    %sign3A_694 = arith.cmpi slt, %add3A_687, %sign3A_693 : i32
    %sign3A_695 = arith.extui %sign3A_694 : i1 to i32
    %sign3A_696 = arith.subi %sign3A_692, %sign3A_695 : i32
    %sign3A_697 = arith.constant 0 : i32
    %sign3A_698 = arith.cmpi sgt, %jit3A_688, %sign3A_697 : i32
    %sign3A_699 = arith.extui %sign3A_698 : i1 to i32
    %sign3A_700 = arith.constant 0 : i32
    %sign3A_701 = arith.cmpi slt, %jit3A_688, %sign3A_700 : i32
    %sign3A_702 = arith.extui %sign3A_701 : i1 to i32
    %sign3A_703 = arith.subi %sign3A_699, %sign3A_702 : i32
    %ne3A_704 = arith.cmpi ne, %sign3A_696, %sign3A_703 : i32
    %rem3A_705 = arith.remsi %add3A_687, %jit3A_688 : i32
    %ne3A_706 = arith.constant 0 : i32
    %ne3A_707 = arith.cmpi ne, %rem3A_705, %ne3A_706 : i32
    %and3A_708 = arith.andi %ne3A_704, %ne3A_707 : i1
    %sub3A_709 = arith.constant 1 : i32
    %sub3A_710 = arith.subi %div3A_689, %sub3A_709 : i32
    %select_n3A_711 = arith.select %and3A_708, %sub3A_710, %div3A_689 : i32
    %jit3A_712 = arith.constant 2048 : i32
    %eq3A_713 = arith.constant 0 : i32
    %eq3A_714 = arith.cmpi eq, %jit3A_712, %eq3A_713 : i32
    %jit3A_715 = arith.constant 1 : i32
    %select_n3A_716 = arith.select %eq3A_714, %jit3A_715, %jit3A_712 : i32
    %rem3A_717 = arith.remsi %add3A_687, %select_n3A_716 : i32
    %ne3A_718 = arith.constant 0 : i32
    %ne3A_719 = arith.cmpi ne, %rem3A_717, %ne3A_718 : i32
    %lt3A_720 = arith.constant 0 : i32
    %lt3A_721 = arith.cmpi slt, %rem3A_717, %lt3A_720 : i32
    %lt3A_722 = arith.constant 0 : i32
    %lt3A_723 = arith.cmpi slt, %select_n3A_716, %lt3A_722 : i32
    %ne3A_724 = arith.xori %lt3A_721, %lt3A_723 : i1
    %and3A_725 = arith.andi %ne3A_724, %ne3A_719 : i1
    %add3A_726 = arith.addi %rem3A_717, %select_n3A_716 : i32
    %select_n3A_727 = arith.select %and3A_725, %add3A_726, %rem3A_717 : i32
    %dma_start3A_728 = arith.constant 1 : i32
    %dma_start3A_729 = arith.constant 0 : i32
    %dma_start3A_730 = arith.constant 0 : i32
    %dma_start3A_731 = tpu.memref_slice %arg6[%dma_start3A_728, %dma_start3A_729, %dma_start3A_730] : memref<2x128x64xf32, #tpu.memory_space<vmem>> -> memref<1x128x64xf32, #tpu.memory_space<vmem>>
    %dma_start3A_732 = tpu.memref_squeeze %dma_start3A_731 : memref<1x128x64xf32, #tpu.memory_space<vmem>> -> memref<128x64xf32, #tpu.memory_space<vmem>>
    %dma_start3A_733 = arith.constant 0 : i32
    %dma_start3A_734 = tpu.memref_slice %arg4[%select_n3A_711, %select_n3A_727, %dma_start3A_733] : memref<26x2048x64xf32, #tpu.memory_space<hbm>> -> memref<1x128x64xf32, #tpu.memory_space<hbm>>
    %dma_start3A_735 = tpu.memref_squeeze %dma_start3A_734 : memref<1x128x64xf32, #tpu.memory_space<hbm>> -> memref<128x64xf32, #tpu.memory_space<hbm>>
    %dma_start3A_736 = arith.constant 0 : i32
    %dma_start3A_737 = tpu.memref_slice %arg4[%select_n3A_711, %select_n3A_727, %dma_start3A_736] : memref<26x2048x64xf32, #tpu.memory_space<hbm>> -> memref<1x128x64xf32, #tpu.memory_space<hbm>>
    %dma_start3A_738 = tpu.memref_squeeze %dma_start3A_737 : memref<1x128x64xf32, #tpu.memory_space<hbm>> -> memref<128x64xf32, #tpu.memory_space<hbm>>
    %dma_start3A_739 = arith.constant 0 : i32
    %dma_start3A_740 = arith.constant 0 : i32
    %dma_start3A_741 = tpu.memref_slice %arg6[%dma_start3A_728, %dma_start3A_739, %dma_start3A_740] : memref<2x128x64xf32, #tpu.memory_space<vmem>> -> memref<1x128x64xf32, #tpu.memory_space<vmem>>
    %dma_start3A_742 = tpu.memref_squeeze %dma_start3A_741 : memref<1x128x64xf32, #tpu.memory_space<vmem>> -> memref<128x64xf32, #tpu.memory_space<vmem>>
    tpu.enqueue_dma source(%dma_start3A_742 : memref<128x64xf32, #tpu.memory_space<vmem>>) target(%dma_start3A_738 : memref<128x64xf32, #tpu.memory_space<hbm>>) target_semaphore(%arg9 : memref<!tpu.dma_semaphore, #tpu.memory_space<semaphore_mem>>)
    %dma_wait3A_743 = arith.constant 0 : i32
    %dma_wait3A_744 = arith.constant 0 : i32
    %dma_wait3A_745 = arith.constant 0 : i32
    %dma_wait3A_746 = arith.constant 0 : i32
    %dma_wait3A_747 = tpu.memref_slice %arg6[%dma_wait3A_743, %dma_wait3A_745, %dma_wait3A_746] : memref<2x128x64xf32, #tpu.memory_space<vmem>> -> memref<1x128x64xf32, #tpu.memory_space<vmem>>
    %dma_wait3A_748 = tpu.memref_squeeze %dma_wait3A_747 : memref<1x128x64xf32, #tpu.memory_space<vmem>> -> memref<128x64xf32, #tpu.memory_space<vmem>>
    %dma_wait3A_749 = arith.constant 0 : i32
    %dma_wait3A_750 = arith.constant 0 : i32
    %dma_wait3A_751 = tpu.memref_slice %arg4[%dma_wait3A_744, %dma_wait3A_749, %dma_wait3A_750] : memref<26x2048x64xf32, #tpu.memory_space<hbm>> -> memref<1x128x64xf32, #tpu.memory_space<hbm>>
    %dma_wait3A_752 = tpu.memref_squeeze %dma_wait3A_751 : memref<1x128x64xf32, #tpu.memory_space<hbm>> -> memref<128x64xf32, #tpu.memory_space<hbm>>
    %dma_wait3A_753 = arith.constant 0 : i32
    %dma_wait3A_754 = arith.constant 0 : i32
    %dma_wait3A_755 = tpu.memref_slice %arg4[%dma_wait3A_744, %dma_wait3A_753, %dma_wait3A_754] : memref<26x2048x64xf32, #tpu.memory_space<hbm>> -> memref<1x128x64xf32, #tpu.memory_space<hbm>>
    %dma_wait3A_756 = tpu.memref_squeeze %dma_wait3A_755 : memref<1x128x64xf32, #tpu.memory_space<hbm>> -> memref<128x64xf32, #tpu.memory_space<hbm>>
    %dma_wait3A_757 = arith.constant 0 : i32
    %dma_wait3A_758 = arith.constant 0 : i32
    %dma_wait3A_759 = tpu.memref_slice %arg6[%dma_wait3A_743, %dma_wait3A_757, %dma_wait3A_758] : memref<2x128x64xf32, #tpu.memory_space<vmem>> -> memref<1x128x64xf32, #tpu.memory_space<vmem>>
    %dma_wait3A_760 = tpu.memref_squeeze %dma_wait3A_759 : memref<1x128x64xf32, #tpu.memory_space<vmem>> -> memref<128x64xf32, #tpu.memory_space<vmem>>
    tpu.wait_dma2 semaphore(%arg9 : memref<!tpu.dma_semaphore, #tpu.memory_space<semaphore_mem>>) src(%dma_wait3A_760 : memref<128x64xf32, #tpu.memory_space<vmem>>) dst(%dma_wait3A_756 : memref<128x64xf32, #tpu.memory_space<hbm>>)
    %dma_start3A_761 = arith.constant 1 : i32
    %dma_start3A_762 = arith.constant 0 : i32
    %dma_start3A_763 = arith.constant 0 : i32
    %dma_start3A_764 = tpu.memref_slice %arg6[%dma_start3A_761, %dma_start3A_762, %dma_start3A_763] : memref<2x128x64xf32, #tpu.memory_space<vmem>> -> memref<1x128x64xf32, #tpu.memory_space<vmem>>
    %dma_start3A_765 = tpu.memref_squeeze %dma_start3A_764 : memref<1x128x64xf32, #tpu.memory_space<vmem>> -> memref<128x64xf32, #tpu.memory_space<vmem>>
    %dma_start3A_766 = arith.constant 1152 : i32
    %dma_start3A_767 = tpu.memref_slice %arg5[%dma_start3A_766] : memref<1664xi32, #tpu.memory_space<vmem>> -> memref<128xi32, #tpu.memory_space<vmem>>
    %dma_start3A_768 = arith.constant 0 : i32
    %dma_start3A_769 = arith.constant 0 : i32
    %dma_start3A_770 = tpu.memref_slice %arg3[%dma_start3A_768, %dma_start3A_769] : memref<100000x64xf32, #tpu.memory_space<hbm>> -> memref<100000x64xf32, #tpu.memory_space<hbm>>
    tpu.enqueue_indirect_dma source(%dma_start3A_770 : memref<100000x64xf32, #tpu.memory_space<hbm>>) target(%dma_start3A_765 : memref<128x64xf32, #tpu.memory_space<vmem>>) offsets(%dma_start3A_767 : memref<128xi32, #tpu.memory_space<vmem>>) semaphore(%arg8 : memref<!tpu.dma_semaphore, #tpu.memory_space<semaphore_mem>>)
    %dma_wait3A_771 = arith.constant 0 : i32
    %dma_wait3A_772 = arith.constant 0 : i32
    %dma_wait3A_773 = arith.constant 0 : i32
    %dma_wait3A_774 = tpu.memref_slice %arg6[%dma_wait3A_771, %dma_wait3A_772, %dma_wait3A_773] : memref<2x128x64xf32, #tpu.memory_space<vmem>> -> memref<1x128x64xf32, #tpu.memory_space<vmem>>
    %dma_wait3A_775 = tpu.memref_squeeze %dma_wait3A_774 : memref<1x128x64xf32, #tpu.memory_space<vmem>> -> memref<128x64xf32, #tpu.memory_space<vmem>>
    %dma_wait3A_776 = arith.constant 0 : i32
    %dma_wait3A_777 = tpu.memref_slice %arg5[%dma_wait3A_776] : memref<1664xi32, #tpu.memory_space<vmem>> -> memref<128xi32, #tpu.memory_space<vmem>>
    %dma_wait3A_778 = arith.constant 0 : i32
    %dma_wait3A_779 = arith.constant 0 : i32
    %dma_wait3A_780 = tpu.memref_slice %arg3[%dma_wait3A_778, %dma_wait3A_779] : memref<100000x64xf32, #tpu.memory_space<hbm>> -> memref<100000x64xf32, #tpu.memory_space<hbm>>
    tpu.wait_indirect_dma semaphore(%arg7 : memref<!tpu.dma_semaphore, #tpu.memory_space<semaphore_mem>>) src(%dma_wait3A_780 : memref<100000x64xf32, #tpu.memory_space<hbm>>) dst(%dma_wait3A_775 : memref<128x64xf32, #tpu.memory_space<vmem>>)
    %add3A_781 = arith.constant 1024 : i32
    %add3A_782 = arith.addi %mul3A_2, %add3A_781 : i32
    %jit3A_783 = arith.constant 2048 : i32
    %div3A_784 = arith.divsi %add3A_782, %jit3A_783 : i32
    %sign3A_785 = arith.constant 0 : i32
    %sign3A_786 = arith.cmpi sgt, %add3A_782, %sign3A_785 : i32
    %sign3A_787 = arith.extui %sign3A_786 : i1 to i32
    %sign3A_788 = arith.constant 0 : i32
    %sign3A_789 = arith.cmpi slt, %add3A_782, %sign3A_788 : i32
    %sign3A_790 = arith.extui %sign3A_789 : i1 to i32
    %sign3A_791 = arith.subi %sign3A_787, %sign3A_790 : i32
    %sign3A_792 = arith.constant 0 : i32
    %sign3A_793 = arith.cmpi sgt, %jit3A_783, %sign3A_792 : i32
    %sign3A_794 = arith.extui %sign3A_793 : i1 to i32
    %sign3A_795 = arith.constant 0 : i32
    %sign3A_796 = arith.cmpi slt, %jit3A_783, %sign3A_795 : i32
    %sign3A_797 = arith.extui %sign3A_796 : i1 to i32
    %sign3A_798 = arith.subi %sign3A_794, %sign3A_797 : i32
    %ne3A_799 = arith.cmpi ne, %sign3A_791, %sign3A_798 : i32
    %rem3A_800 = arith.remsi %add3A_782, %jit3A_783 : i32
    %ne3A_801 = arith.constant 0 : i32
    %ne3A_802 = arith.cmpi ne, %rem3A_800, %ne3A_801 : i32
    %and3A_803 = arith.andi %ne3A_799, %ne3A_802 : i1
    %sub3A_804 = arith.constant 1 : i32
    %sub3A_805 = arith.subi %div3A_784, %sub3A_804 : i32
    %select_n3A_806 = arith.select %and3A_803, %sub3A_805, %div3A_784 : i32
    %jit3A_807 = arith.constant 2048 : i32
    %eq3A_808 = arith.constant 0 : i32
    %eq3A_809 = arith.cmpi eq, %jit3A_807, %eq3A_808 : i32
    %jit3A_810 = arith.constant 1 : i32
    %select_n3A_811 = arith.select %eq3A_809, %jit3A_810, %jit3A_807 : i32
    %rem3A_812 = arith.remsi %add3A_782, %select_n3A_811 : i32
    %ne3A_813 = arith.constant 0 : i32
    %ne3A_814 = arith.cmpi ne, %rem3A_812, %ne3A_813 : i32
    %lt3A_815 = arith.constant 0 : i32
    %lt3A_816 = arith.cmpi slt, %rem3A_812, %lt3A_815 : i32
    %lt3A_817 = arith.constant 0 : i32
    %lt3A_818 = arith.cmpi slt, %select_n3A_811, %lt3A_817 : i32
    %ne3A_819 = arith.xori %lt3A_816, %lt3A_818 : i1
    %and3A_820 = arith.andi %ne3A_819, %ne3A_814 : i1
    %add3A_821 = arith.addi %rem3A_812, %select_n3A_811 : i32
    %select_n3A_822 = arith.select %and3A_820, %add3A_821, %rem3A_812 : i32
    %dma_start3A_823 = arith.constant 0 : i32
    %dma_start3A_824 = arith.constant 0 : i32
    %dma_start3A_825 = arith.constant 0 : i32
    %dma_start3A_826 = tpu.memref_slice %arg6[%dma_start3A_823, %dma_start3A_824, %dma_start3A_825] : memref<2x128x64xf32, #tpu.memory_space<vmem>> -> memref<1x128x64xf32, #tpu.memory_space<vmem>>
    %dma_start3A_827 = tpu.memref_squeeze %dma_start3A_826 : memref<1x128x64xf32, #tpu.memory_space<vmem>> -> memref<128x64xf32, #tpu.memory_space<vmem>>
    %dma_start3A_828 = arith.constant 0 : i32
    %dma_start3A_829 = tpu.memref_slice %arg4[%select_n3A_806, %select_n3A_822, %dma_start3A_828] : memref<26x2048x64xf32, #tpu.memory_space<hbm>> -> memref<1x128x64xf32, #tpu.memory_space<hbm>>
    %dma_start3A_830 = tpu.memref_squeeze %dma_start3A_829 : memref<1x128x64xf32, #tpu.memory_space<hbm>> -> memref<128x64xf32, #tpu.memory_space<hbm>>
    %dma_start3A_831 = arith.constant 0 : i32
    %dma_start3A_832 = tpu.memref_slice %arg4[%select_n3A_806, %select_n3A_822, %dma_start3A_831] : memref<26x2048x64xf32, #tpu.memory_space<hbm>> -> memref<1x128x64xf32, #tpu.memory_space<hbm>>
    %dma_start3A_833 = tpu.memref_squeeze %dma_start3A_832 : memref<1x128x64xf32, #tpu.memory_space<hbm>> -> memref<128x64xf32, #tpu.memory_space<hbm>>
    %dma_start3A_834 = arith.constant 0 : i32
    %dma_start3A_835 = arith.constant 0 : i32
    %dma_start3A_836 = tpu.memref_slice %arg6[%dma_start3A_823, %dma_start3A_834, %dma_start3A_835] : memref<2x128x64xf32, #tpu.memory_space<vmem>> -> memref<1x128x64xf32, #tpu.memory_space<vmem>>
    %dma_start3A_837 = tpu.memref_squeeze %dma_start3A_836 : memref<1x128x64xf32, #tpu.memory_space<vmem>> -> memref<128x64xf32, #tpu.memory_space<vmem>>
    tpu.enqueue_dma source(%dma_start3A_837 : memref<128x64xf32, #tpu.memory_space<vmem>>) target(%dma_start3A_833 : memref<128x64xf32, #tpu.memory_space<hbm>>) target_semaphore(%arg9 : memref<!tpu.dma_semaphore, #tpu.memory_space<semaphore_mem>>)
    %dma_wait3A_838 = arith.constant 0 : i32
    %dma_wait3A_839 = arith.constant 0 : i32
    %dma_wait3A_840 = arith.constant 0 : i32
    %dma_wait3A_841 = arith.constant 0 : i32
    %dma_wait3A_842 = tpu.memref_slice %arg6[%dma_wait3A_838, %dma_wait3A_840, %dma_wait3A_841] : memref<2x128x64xf32, #tpu.memory_space<vmem>> -> memref<1x128x64xf32, #tpu.memory_space<vmem>>
    %dma_wait3A_843 = tpu.memref_squeeze %dma_wait3A_842 : memref<1x128x64xf32, #tpu.memory_space<vmem>> -> memref<128x64xf32, #tpu.memory_space<vmem>>
    %dma_wait3A_844 = arith.constant 0 : i32
    %dma_wait3A_845 = arith.constant 0 : i32
    %dma_wait3A_846 = tpu.memref_slice %arg4[%dma_wait3A_839, %dma_wait3A_844, %dma_wait3A_845] : memref<26x2048x64xf32, #tpu.memory_space<hbm>> -> memref<1x128x64xf32, #tpu.memory_space<hbm>>
    %dma_wait3A_847 = tpu.memref_squeeze %dma_wait3A_846 : memref<1x128x64xf32, #tpu.memory_space<hbm>> -> memref<128x64xf32, #tpu.memory_space<hbm>>
    %dma_wait3A_848 = arith.constant 0 : i32
    %dma_wait3A_849 = arith.constant 0 : i32
    %dma_wait3A_850 = tpu.memref_slice %arg4[%dma_wait3A_839, %dma_wait3A_848, %dma_wait3A_849] : memref<26x2048x64xf32, #tpu.memory_space<hbm>> -> memref<1x128x64xf32, #tpu.memory_space<hbm>>
    %dma_wait3A_851 = tpu.memref_squeeze %dma_wait3A_850 : memref<1x128x64xf32, #tpu.memory_space<hbm>> -> memref<128x64xf32, #tpu.memory_space<hbm>>
    %dma_wait3A_852 = arith.constant 0 : i32
    %dma_wait3A_853 = arith.constant 0 : i32
    %dma_wait3A_854 = tpu.memref_slice %arg6[%dma_wait3A_838, %dma_wait3A_852, %dma_wait3A_853] : memref<2x128x64xf32, #tpu.memory_space<vmem>> -> memref<1x128x64xf32, #tpu.memory_space<vmem>>
    %dma_wait3A_855 = tpu.memref_squeeze %dma_wait3A_854 : memref<1x128x64xf32, #tpu.memory_space<vmem>> -> memref<128x64xf32, #tpu.memory_space<vmem>>
    tpu.wait_dma2 semaphore(%arg9 : memref<!tpu.dma_semaphore, #tpu.memory_space<semaphore_mem>>) src(%dma_wait3A_855 : memref<128x64xf32, #tpu.memory_space<vmem>>) dst(%dma_wait3A_851 : memref<128x64xf32, #tpu.memory_space<hbm>>)
    %dma_start3A_856 = arith.constant 0 : i32
    %dma_start3A_857 = arith.constant 0 : i32
    %dma_start3A_858 = arith.constant 0 : i32
    %dma_start3A_859 = tpu.memref_slice %arg6[%dma_start3A_856, %dma_start3A_857, %dma_start3A_858] : memref<2x128x64xf32, #tpu.memory_space<vmem>> -> memref<1x128x64xf32, #tpu.memory_space<vmem>>
    %dma_start3A_860 = tpu.memref_squeeze %dma_start3A_859 : memref<1x128x64xf32, #tpu.memory_space<vmem>> -> memref<128x64xf32, #tpu.memory_space<vmem>>
    %dma_start3A_861 = arith.constant 1280 : i32
    %dma_start3A_862 = tpu.memref_slice %arg5[%dma_start3A_861] : memref<1664xi32, #tpu.memory_space<vmem>> -> memref<128xi32, #tpu.memory_space<vmem>>
    %dma_start3A_863 = arith.constant 0 : i32
    %dma_start3A_864 = arith.constant 0 : i32
    %dma_start3A_865 = tpu.memref_slice %arg3[%dma_start3A_863, %dma_start3A_864] : memref<100000x64xf32, #tpu.memory_space<hbm>> -> memref<100000x64xf32, #tpu.memory_space<hbm>>
    tpu.enqueue_indirect_dma source(%dma_start3A_865 : memref<100000x64xf32, #tpu.memory_space<hbm>>) target(%dma_start3A_860 : memref<128x64xf32, #tpu.memory_space<vmem>>) offsets(%dma_start3A_862 : memref<128xi32, #tpu.memory_space<vmem>>) semaphore(%arg7 : memref<!tpu.dma_semaphore, #tpu.memory_space<semaphore_mem>>)
    %dma_wait3A_866 = arith.constant 1 : i32
    %dma_wait3A_867 = arith.constant 0 : i32
    %dma_wait3A_868 = arith.constant 0 : i32
    %dma_wait3A_869 = tpu.memref_slice %arg6[%dma_wait3A_866, %dma_wait3A_867, %dma_wait3A_868] : memref<2x128x64xf32, #tpu.memory_space<vmem>> -> memref<1x128x64xf32, #tpu.memory_space<vmem>>
    %dma_wait3A_870 = tpu.memref_squeeze %dma_wait3A_869 : memref<1x128x64xf32, #tpu.memory_space<vmem>> -> memref<128x64xf32, #tpu.memory_space<vmem>>
    %dma_wait3A_871 = arith.constant 0 : i32
    %dma_wait3A_872 = tpu.memref_slice %arg5[%dma_wait3A_871] : memref<1664xi32, #tpu.memory_space<vmem>> -> memref<128xi32, #tpu.memory_space<vmem>>
    %dma_wait3A_873 = arith.constant 0 : i32
    %dma_wait3A_874 = arith.constant 0 : i32
    %dma_wait3A_875 = tpu.memref_slice %arg3[%dma_wait3A_873, %dma_wait3A_874] : memref<100000x64xf32, #tpu.memory_space<hbm>> -> memref<100000x64xf32, #tpu.memory_space<hbm>>
    tpu.wait_indirect_dma semaphore(%arg8 : memref<!tpu.dma_semaphore, #tpu.memory_space<semaphore_mem>>) src(%dma_wait3A_875 : memref<100000x64xf32, #tpu.memory_space<hbm>>) dst(%dma_wait3A_870 : memref<128x64xf32, #tpu.memory_space<vmem>>)
    %add3A_876 = arith.constant 1152 : i32
    %add3A_877 = arith.addi %mul3A_2, %add3A_876 : i32
    %jit3A_878 = arith.constant 2048 : i32
    %div3A_879 = arith.divsi %add3A_877, %jit3A_878 : i32
    %sign3A_880 = arith.constant 0 : i32
    %sign3A_881 = arith.cmpi sgt, %add3A_877, %sign3A_880 : i32
    %sign3A_882 = arith.extui %sign3A_881 : i1 to i32
    %sign3A_883 = arith.constant 0 : i32
    %sign3A_884 = arith.cmpi slt, %add3A_877, %sign3A_883 : i32
    %sign3A_885 = arith.extui %sign3A_884 : i1 to i32
    %sign3A_886 = arith.subi %sign3A_882, %sign3A_885 : i32
    %sign3A_887 = arith.constant 0 : i32
    %sign3A_888 = arith.cmpi sgt, %jit3A_878, %sign3A_887 : i32
    %sign3A_889 = arith.extui %sign3A_888 : i1 to i32
    %sign3A_890 = arith.constant 0 : i32
    %sign3A_891 = arith.cmpi slt, %jit3A_878, %sign3A_890 : i32
    %sign3A_892 = arith.extui %sign3A_891 : i1 to i32
    %sign3A_893 = arith.subi %sign3A_889, %sign3A_892 : i32
    %ne3A_894 = arith.cmpi ne, %sign3A_886, %sign3A_893 : i32
    %rem3A_895 = arith.remsi %add3A_877, %jit3A_878 : i32
    %ne3A_896 = arith.constant 0 : i32
    %ne3A_897 = arith.cmpi ne, %rem3A_895, %ne3A_896 : i32
    %and3A_898 = arith.andi %ne3A_894, %ne3A_897 : i1
    %sub3A_899 = arith.constant 1 : i32
    %sub3A_900 = arith.subi %div3A_879, %sub3A_899 : i32
    %select_n3A_901 = arith.select %and3A_898, %sub3A_900, %div3A_879 : i32
    %jit3A_902 = arith.constant 2048 : i32
    %eq3A_903 = arith.constant 0 : i32
    %eq3A_904 = arith.cmpi eq, %jit3A_902, %eq3A_903 : i32
    %jit3A_905 = arith.constant 1 : i32
    %select_n3A_906 = arith.select %eq3A_904, %jit3A_905, %jit3A_902 : i32
    %rem3A_907 = arith.remsi %add3A_877, %select_n3A_906 : i32
    %ne3A_908 = arith.constant 0 : i32
    %ne3A_909 = arith.cmpi ne, %rem3A_907, %ne3A_908 : i32
    %lt3A_910 = arith.constant 0 : i32
    %lt3A_911 = arith.cmpi slt, %rem3A_907, %lt3A_910 : i32
    %lt3A_912 = arith.constant 0 : i32
    %lt3A_913 = arith.cmpi slt, %select_n3A_906, %lt3A_912 : i32
    %ne3A_914 = arith.xori %lt3A_911, %lt3A_913 : i1
    %and3A_915 = arith.andi %ne3A_914, %ne3A_909 : i1
    %add3A_916 = arith.addi %rem3A_907, %select_n3A_906 : i32
    %select_n3A_917 = arith.select %and3A_915, %add3A_916, %rem3A_907 : i32
    %dma_start3A_918 = arith.constant 1 : i32
    %dma_start3A_919 = arith.constant 0 : i32
    %dma_start3A_920 = arith.constant 0 : i32
    %dma_start3A_921 = tpu.memref_slice %arg6[%dma_start3A_918, %dma_start3A_919, %dma_start3A_920] : memref<2x128x64xf32, #tpu.memory_space<vmem>> -> memref<1x128x64xf32, #tpu.memory_space<vmem>>
    %dma_start3A_922 = tpu.memref_squeeze %dma_start3A_921 : memref<1x128x64xf32, #tpu.memory_space<vmem>> -> memref<128x64xf32, #tpu.memory_space<vmem>>
    %dma_start3A_923 = arith.constant 0 : i32
    %dma_start3A_924 = tpu.memref_slice %arg4[%select_n3A_901, %select_n3A_917, %dma_start3A_923] : memref<26x2048x64xf32, #tpu.memory_space<hbm>> -> memref<1x128x64xf32, #tpu.memory_space<hbm>>
    %dma_start3A_925 = tpu.memref_squeeze %dma_start3A_924 : memref<1x128x64xf32, #tpu.memory_space<hbm>> -> memref<128x64xf32, #tpu.memory_space<hbm>>
    %dma_start3A_926 = arith.constant 0 : i32
    %dma_start3A_927 = tpu.memref_slice %arg4[%select_n3A_901, %select_n3A_917, %dma_start3A_926] : memref<26x2048x64xf32, #tpu.memory_space<hbm>> -> memref<1x128x64xf32, #tpu.memory_space<hbm>>
    %dma_start3A_928 = tpu.memref_squeeze %dma_start3A_927 : memref<1x128x64xf32, #tpu.memory_space<hbm>> -> memref<128x64xf32, #tpu.memory_space<hbm>>
    %dma_start3A_929 = arith.constant 0 : i32
    %dma_start3A_930 = arith.constant 0 : i32
    %dma_start3A_931 = tpu.memref_slice %arg6[%dma_start3A_918, %dma_start3A_929, %dma_start3A_930] : memref<2x128x64xf32, #tpu.memory_space<vmem>> -> memref<1x128x64xf32, #tpu.memory_space<vmem>>
    %dma_start3A_932 = tpu.memref_squeeze %dma_start3A_931 : memref<1x128x64xf32, #tpu.memory_space<vmem>> -> memref<128x64xf32, #tpu.memory_space<vmem>>
    tpu.enqueue_dma source(%dma_start3A_932 : memref<128x64xf32, #tpu.memory_space<vmem>>) target(%dma_start3A_928 : memref<128x64xf32, #tpu.memory_space<hbm>>) target_semaphore(%arg9 : memref<!tpu.dma_semaphore, #tpu.memory_space<semaphore_mem>>)
    %dma_wait3A_933 = arith.constant 0 : i32
    %dma_wait3A_934 = arith.constant 0 : i32
    %dma_wait3A_935 = arith.constant 0 : i32
    %dma_wait3A_936 = arith.constant 0 : i32
    %dma_wait3A_937 = tpu.memref_slice %arg6[%dma_wait3A_933, %dma_wait3A_935, %dma_wait3A_936] : memref<2x128x64xf32, #tpu.memory_space<vmem>> -> memref<1x128x64xf32, #tpu.memory_space<vmem>>
    %dma_wait3A_938 = tpu.memref_squeeze %dma_wait3A_937 : memref<1x128x64xf32, #tpu.memory_space<vmem>> -> memref<128x64xf32, #tpu.memory_space<vmem>>
    %dma_wait3A_939 = arith.constant 0 : i32
    %dma_wait3A_940 = arith.constant 0 : i32
    %dma_wait3A_941 = tpu.memref_slice %arg4[%dma_wait3A_934, %dma_wait3A_939, %dma_wait3A_940] : memref<26x2048x64xf32, #tpu.memory_space<hbm>> -> memref<1x128x64xf32, #tpu.memory_space<hbm>>
    %dma_wait3A_942 = tpu.memref_squeeze %dma_wait3A_941 : memref<1x128x64xf32, #tpu.memory_space<hbm>> -> memref<128x64xf32, #tpu.memory_space<hbm>>
    %dma_wait3A_943 = arith.constant 0 : i32
    %dma_wait3A_944 = arith.constant 0 : i32
    %dma_wait3A_945 = tpu.memref_slice %arg4[%dma_wait3A_934, %dma_wait3A_943, %dma_wait3A_944] : memref<26x2048x64xf32, #tpu.memory_space<hbm>> -> memref<1x128x64xf32, #tpu.memory_space<hbm>>
    %dma_wait3A_946 = tpu.memref_squeeze %dma_wait3A_945 : memref<1x128x64xf32, #tpu.memory_space<hbm>> -> memref<128x64xf32, #tpu.memory_space<hbm>>
    %dma_wait3A_947 = arith.constant 0 : i32
    %dma_wait3A_948 = arith.constant 0 : i32
    %dma_wait3A_949 = tpu.memref_slice %arg6[%dma_wait3A_933, %dma_wait3A_947, %dma_wait3A_948] : memref<2x128x64xf32, #tpu.memory_space<vmem>> -> memref<1x128x64xf32, #tpu.memory_space<vmem>>
    %dma_wait3A_950 = tpu.memref_squeeze %dma_wait3A_949 : memref<1x128x64xf32, #tpu.memory_space<vmem>> -> memref<128x64xf32, #tpu.memory_space<vmem>>
    tpu.wait_dma2 semaphore(%arg9 : memref<!tpu.dma_semaphore, #tpu.memory_space<semaphore_mem>>) src(%dma_wait3A_950 : memref<128x64xf32, #tpu.memory_space<vmem>>) dst(%dma_wait3A_946 : memref<128x64xf32, #tpu.memory_space<hbm>>)
    %dma_start3A_951 = arith.constant 1 : i32
    %dma_start3A_952 = arith.constant 0 : i32
    %dma_start3A_953 = arith.constant 0 : i32
    %dma_start3A_954 = tpu.memref_slice %arg6[%dma_start3A_951, %dma_start3A_952, %dma_start3A_953] : memref<2x128x64xf32, #tpu.memory_space<vmem>> -> memref<1x128x64xf32, #tpu.memory_space<vmem>>
    %dma_start3A_955 = tpu.memref_squeeze %dma_start3A_954 : memref<1x128x64xf32, #tpu.memory_space<vmem>> -> memref<128x64xf32, #tpu.memory_space<vmem>>
    %dma_start3A_956 = arith.constant 1408 : i32
    %dma_start3A_957 = tpu.memref_slice %arg5[%dma_start3A_956] : memref<1664xi32, #tpu.memory_space<vmem>> -> memref<128xi32, #tpu.memory_space<vmem>>
    %dma_start3A_958 = arith.constant 0 : i32
    %dma_start3A_959 = arith.constant 0 : i32
    %dma_start3A_960 = tpu.memref_slice %arg3[%dma_start3A_958, %dma_start3A_959] : memref<100000x64xf32, #tpu.memory_space<hbm>> -> memref<100000x64xf32, #tpu.memory_space<hbm>>
    tpu.enqueue_indirect_dma source(%dma_start3A_960 : memref<100000x64xf32, #tpu.memory_space<hbm>>) target(%dma_start3A_955 : memref<128x64xf32, #tpu.memory_space<vmem>>) offsets(%dma_start3A_957 : memref<128xi32, #tpu.memory_space<vmem>>) semaphore(%arg8 : memref<!tpu.dma_semaphore, #tpu.memory_space<semaphore_mem>>)
    %dma_wait3A_961 = arith.constant 0 : i32
    %dma_wait3A_962 = arith.constant 0 : i32
    %dma_wait3A_963 = arith.constant 0 : i32
    %dma_wait3A_964 = tpu.memref_slice %arg6[%dma_wait3A_961, %dma_wait3A_962, %dma_wait3A_963] : memref<2x128x64xf32, #tpu.memory_space<vmem>> -> memref<1x128x64xf32, #tpu.memory_space<vmem>>
    %dma_wait3A_965 = tpu.memref_squeeze %dma_wait3A_964 : memref<1x128x64xf32, #tpu.memory_space<vmem>> -> memref<128x64xf32, #tpu.memory_space<vmem>>
    %dma_wait3A_966 = arith.constant 0 : i32
    %dma_wait3A_967 = tpu.memref_slice %arg5[%dma_wait3A_966] : memref<1664xi32, #tpu.memory_space<vmem>> -> memref<128xi32, #tpu.memory_space<vmem>>
    %dma_wait3A_968 = arith.constant 0 : i32
    %dma_wait3A_969 = arith.constant 0 : i32
    %dma_wait3A_970 = tpu.memref_slice %arg3[%dma_wait3A_968, %dma_wait3A_969] : memref<100000x64xf32, #tpu.memory_space<hbm>> -> memref<100000x64xf32, #tpu.memory_space<hbm>>
    tpu.wait_indirect_dma semaphore(%arg7 : memref<!tpu.dma_semaphore, #tpu.memory_space<semaphore_mem>>) src(%dma_wait3A_970 : memref<100000x64xf32, #tpu.memory_space<hbm>>) dst(%dma_wait3A_965 : memref<128x64xf32, #tpu.memory_space<vmem>>)
    %add3A_971 = arith.constant 1280 : i32
    %add3A_972 = arith.addi %mul3A_2, %add3A_971 : i32
    %jit3A_973 = arith.constant 2048 : i32
    %div3A_974 = arith.divsi %add3A_972, %jit3A_973 : i32
    %sign3A_975 = arith.constant 0 : i32
    %sign3A_976 = arith.cmpi sgt, %add3A_972, %sign3A_975 : i32
    %sign3A_977 = arith.extui %sign3A_976 : i1 to i32
    %sign3A_978 = arith.constant 0 : i32
    %sign3A_979 = arith.cmpi slt, %add3A_972, %sign3A_978 : i32
    %sign3A_980 = arith.extui %sign3A_979 : i1 to i32
    %sign3A_981 = arith.subi %sign3A_977, %sign3A_980 : i32
    %sign3A_982 = arith.constant 0 : i32
    %sign3A_983 = arith.cmpi sgt, %jit3A_973, %sign3A_982 : i32
    %sign3A_984 = arith.extui %sign3A_983 : i1 to i32
    %sign3A_985 = arith.constant 0 : i32
    %sign3A_986 = arith.cmpi slt, %jit3A_973, %sign3A_985 : i32
    %sign3A_987 = arith.extui %sign3A_986 : i1 to i32
    %sign3A_988 = arith.subi %sign3A_984, %sign3A_987 : i32
    %ne3A_989 = arith.cmpi ne, %sign3A_981, %sign3A_988 : i32
    %rem3A_990 = arith.remsi %add3A_972, %jit3A_973 : i32
    %ne3A_991 = arith.constant 0 : i32
    %ne3A_992 = arith.cmpi ne, %rem3A_990, %ne3A_991 : i32
    %and3A_993 = arith.andi %ne3A_989, %ne3A_992 : i1
    %sub3A_994 = arith.constant 1 : i32
    %sub3A_995 = arith.subi %div3A_974, %sub3A_994 : i32
    %select_n3A_996 = arith.select %and3A_993, %sub3A_995, %div3A_974 : i32
    %jit3A_997 = arith.constant 2048 : i32
    %eq3A_998 = arith.constant 0 : i32
    %eq3A_999 = arith.cmpi eq, %jit3A_997, %eq3A_998 : i32
    %jit3A_1000 = arith.constant 1 : i32
    %select_n3A_1001 = arith.select %eq3A_999, %jit3A_1000, %jit3A_997 : i32
    %rem3A_1002 = arith.remsi %add3A_972, %select_n3A_1001 : i32
    %ne3A_1003 = arith.constant 0 : i32
    %ne3A_1004 = arith.cmpi ne, %rem3A_1002, %ne3A_1003 : i32
    %lt3A_1005 = arith.constant 0 : i32
    %lt3A_1006 = arith.cmpi slt, %rem3A_1002, %lt3A_1005 : i32
    %lt3A_1007 = arith.constant 0 : i32
    %lt3A_1008 = arith.cmpi slt, %select_n3A_1001, %lt3A_1007 : i32
    %ne3A_1009 = arith.xori %lt3A_1006, %lt3A_1008 : i1
    %and3A_1010 = arith.andi %ne3A_1009, %ne3A_1004 : i1
    %add3A_1011 = arith.addi %rem3A_1002, %select_n3A_1001 : i32
    %select_n3A_1012 = arith.select %and3A_1010, %add3A_1011, %rem3A_1002 : i32
    %dma_start3A_1013 = arith.constant 0 : i32
    %dma_start3A_1014 = arith.constant 0 : i32
    %dma_start3A_1015 = arith.constant 0 : i32
    %dma_start3A_1016 = tpu.memref_slice %arg6[%dma_start3A_1013, %dma_start3A_1014, %dma_start3A_1015] : memref<2x128x64xf32, #tpu.memory_space<vmem>> -> memref<1x128x64xf32, #tpu.memory_space<vmem>>
    %dma_start3A_1017 = tpu.memref_squeeze %dma_start3A_1016 : memref<1x128x64xf32, #tpu.memory_space<vmem>> -> memref<128x64xf32, #tpu.memory_space<vmem>>
    %dma_start3A_1018 = arith.constant 0 : i32
    %dma_start3A_1019 = tpu.memref_slice %arg4[%select_n3A_996, %select_n3A_1012, %dma_start3A_1018] : memref<26x2048x64xf32, #tpu.memory_space<hbm>> -> memref<1x128x64xf32, #tpu.memory_space<hbm>>
    %dma_start3A_1020 = tpu.memref_squeeze %dma_start3A_1019 : memref<1x128x64xf32, #tpu.memory_space<hbm>> -> memref<128x64xf32, #tpu.memory_space<hbm>>
    %dma_start3A_1021 = arith.constant 0 : i32
    %dma_start3A_1022 = tpu.memref_slice %arg4[%select_n3A_996, %select_n3A_1012, %dma_start3A_1021] : memref<26x2048x64xf32, #tpu.memory_space<hbm>> -> memref<1x128x64xf32, #tpu.memory_space<hbm>>
    %dma_start3A_1023 = tpu.memref_squeeze %dma_start3A_1022 : memref<1x128x64xf32, #tpu.memory_space<hbm>> -> memref<128x64xf32, #tpu.memory_space<hbm>>
    %dma_start3A_1024 = arith.constant 0 : i32
    %dma_start3A_1025 = arith.constant 0 : i32
    %dma_start3A_1026 = tpu.memref_slice %arg6[%dma_start3A_1013, %dma_start3A_1024, %dma_start3A_1025] : memref<2x128x64xf32, #tpu.memory_space<vmem>> -> memref<1x128x64xf32, #tpu.memory_space<vmem>>
    %dma_start3A_1027 = tpu.memref_squeeze %dma_start3A_1026 : memref<1x128x64xf32, #tpu.memory_space<vmem>> -> memref<128x64xf32, #tpu.memory_space<vmem>>
    tpu.enqueue_dma source(%dma_start3A_1027 : memref<128x64xf32, #tpu.memory_space<vmem>>) target(%dma_start3A_1023 : memref<128x64xf32, #tpu.memory_space<hbm>>) target_semaphore(%arg9 : memref<!tpu.dma_semaphore, #tpu.memory_space<semaphore_mem>>)
    %dma_wait3A_1028 = arith.constant 0 : i32
    %dma_wait3A_1029 = arith.constant 0 : i32
    %dma_wait3A_1030 = arith.constant 0 : i32
    %dma_wait3A_1031 = arith.constant 0 : i32
    %dma_wait3A_1032 = tpu.memref_slice %arg6[%dma_wait3A_1028, %dma_wait3A_1030, %dma_wait3A_1031] : memref<2x128x64xf32, #tpu.memory_space<vmem>> -> memref<1x128x64xf32, #tpu.memory_space<vmem>>
    %dma_wait3A_1033 = tpu.memref_squeeze %dma_wait3A_1032 : memref<1x128x64xf32, #tpu.memory_space<vmem>> -> memref<128x64xf32, #tpu.memory_space<vmem>>
    %dma_wait3A_1034 = arith.constant 0 : i32
    %dma_wait3A_1035 = arith.constant 0 : i32
    %dma_wait3A_1036 = tpu.memref_slice %arg4[%dma_wait3A_1029, %dma_wait3A_1034, %dma_wait3A_1035] : memref<26x2048x64xf32, #tpu.memory_space<hbm>> -> memref<1x128x64xf32, #tpu.memory_space<hbm>>
    %dma_wait3A_1037 = tpu.memref_squeeze %dma_wait3A_1036 : memref<1x128x64xf32, #tpu.memory_space<hbm>> -> memref<128x64xf32, #tpu.memory_space<hbm>>
    %dma_wait3A_1038 = arith.constant 0 : i32
    %dma_wait3A_1039 = arith.constant 0 : i32
    %dma_wait3A_1040 = tpu.memref_slice %arg4[%dma_wait3A_1029, %dma_wait3A_1038, %dma_wait3A_1039] : memref<26x2048x64xf32, #tpu.memory_space<hbm>> -> memref<1x128x64xf32, #tpu.memory_space<hbm>>
    %dma_wait3A_1041 = tpu.memref_squeeze %dma_wait3A_1040 : memref<1x128x64xf32, #tpu.memory_space<hbm>> -> memref<128x64xf32, #tpu.memory_space<hbm>>
    %dma_wait3A_1042 = arith.constant 0 : i32
    %dma_wait3A_1043 = arith.constant 0 : i32
    %dma_wait3A_1044 = tpu.memref_slice %arg6[%dma_wait3A_1028, %dma_wait3A_1042, %dma_wait3A_1043] : memref<2x128x64xf32, #tpu.memory_space<vmem>> -> memref<1x128x64xf32, #tpu.memory_space<vmem>>
    %dma_wait3A_1045 = tpu.memref_squeeze %dma_wait3A_1044 : memref<1x128x64xf32, #tpu.memory_space<vmem>> -> memref<128x64xf32, #tpu.memory_space<vmem>>
    tpu.wait_dma2 semaphore(%arg9 : memref<!tpu.dma_semaphore, #tpu.memory_space<semaphore_mem>>) src(%dma_wait3A_1045 : memref<128x64xf32, #tpu.memory_space<vmem>>) dst(%dma_wait3A_1041 : memref<128x64xf32, #tpu.memory_space<hbm>>)
    %dma_start3A_1046 = arith.constant 0 : i32
    %dma_start3A_1047 = arith.constant 0 : i32
    %dma_start3A_1048 = arith.constant 0 : i32
    %dma_start3A_1049 = tpu.memref_slice %arg6[%dma_start3A_1046, %dma_start3A_1047, %dma_start3A_1048] : memref<2x128x64xf32, #tpu.memory_space<vmem>> -> memref<1x128x64xf32, #tpu.memory_space<vmem>>
    %dma_start3A_1050 = tpu.memref_squeeze %dma_start3A_1049 : memref<1x128x64xf32, #tpu.memory_space<vmem>> -> memref<128x64xf32, #tpu.memory_space<vmem>>
    %dma_start3A_1051 = arith.constant 1536 : i32
    %dma_start3A_1052 = tpu.memref_slice %arg5[%dma_start3A_1051] : memref<1664xi32, #tpu.memory_space<vmem>> -> memref<128xi32, #tpu.memory_space<vmem>>
    %dma_start3A_1053 = arith.constant 0 : i32
    %dma_start3A_1054 = arith.constant 0 : i32
    %dma_start3A_1055 = tpu.memref_slice %arg3[%dma_start3A_1053, %dma_start3A_1054] : memref<100000x64xf32, #tpu.memory_space<hbm>> -> memref<100000x64xf32, #tpu.memory_space<hbm>>
    tpu.enqueue_indirect_dma source(%dma_start3A_1055 : memref<100000x64xf32, #tpu.memory_space<hbm>>) target(%dma_start3A_1050 : memref<128x64xf32, #tpu.memory_space<vmem>>) offsets(%dma_start3A_1052 : memref<128xi32, #tpu.memory_space<vmem>>) semaphore(%arg7 : memref<!tpu.dma_semaphore, #tpu.memory_space<semaphore_mem>>)
    %dma_wait3A_1056 = arith.constant 1 : i32
    %dma_wait3A_1057 = arith.constant 0 : i32
    %dma_wait3A_1058 = arith.constant 0 : i32
    %dma_wait3A_1059 = tpu.memref_slice %arg6[%dma_wait3A_1056, %dma_wait3A_1057, %dma_wait3A_1058] : memref<2x128x64xf32, #tpu.memory_space<vmem>> -> memref<1x128x64xf32, #tpu.memory_space<vmem>>
    %dma_wait3A_1060 = tpu.memref_squeeze %dma_wait3A_1059 : memref<1x128x64xf32, #tpu.memory_space<vmem>> -> memref<128x64xf32, #tpu.memory_space<vmem>>
    %dma_wait3A_1061 = arith.constant 0 : i32
    %dma_wait3A_1062 = tpu.memref_slice %arg5[%dma_wait3A_1061] : memref<1664xi32, #tpu.memory_space<vmem>> -> memref<128xi32, #tpu.memory_space<vmem>>
    %dma_wait3A_1063 = arith.constant 0 : i32
    %dma_wait3A_1064 = arith.constant 0 : i32
    %dma_wait3A_1065 = tpu.memref_slice %arg3[%dma_wait3A_1063, %dma_wait3A_1064] : memref<100000x64xf32, #tpu.memory_space<hbm>> -> memref<100000x64xf32, #tpu.memory_space<hbm>>
    tpu.wait_indirect_dma semaphore(%arg8 : memref<!tpu.dma_semaphore, #tpu.memory_space<semaphore_mem>>) src(%dma_wait3A_1065 : memref<100000x64xf32, #tpu.memory_space<hbm>>) dst(%dma_wait3A_1060 : memref<128x64xf32, #tpu.memory_space<vmem>>)
    %add3A_1066 = arith.constant 1408 : i32
    %add3A_1067 = arith.addi %mul3A_2, %add3A_1066 : i32
    %jit3A_1068 = arith.constant 2048 : i32
    %div3A_1069 = arith.divsi %add3A_1067, %jit3A_1068 : i32
    %sign3A_1070 = arith.constant 0 : i32
    %sign3A_1071 = arith.cmpi sgt, %add3A_1067, %sign3A_1070 : i32
    %sign3A_1072 = arith.extui %sign3A_1071 : i1 to i32
    %sign3A_1073 = arith.constant 0 : i32
    %sign3A_1074 = arith.cmpi slt, %add3A_1067, %sign3A_1073 : i32
    %sign3A_1075 = arith.extui %sign3A_1074 : i1 to i32
    %sign3A_1076 = arith.subi %sign3A_1072, %sign3A_1075 : i32
    %sign3A_1077 = arith.constant 0 : i32
    %sign3A_1078 = arith.cmpi sgt, %jit3A_1068, %sign3A_1077 : i32
    %sign3A_1079 = arith.extui %sign3A_1078 : i1 to i32
    %sign3A_1080 = arith.constant 0 : i32
    %sign3A_1081 = arith.cmpi slt, %jit3A_1068, %sign3A_1080 : i32
    %sign3A_1082 = arith.extui %sign3A_1081 : i1 to i32
    %sign3A_1083 = arith.subi %sign3A_1079, %sign3A_1082 : i32
    %ne3A_1084 = arith.cmpi ne, %sign3A_1076, %sign3A_1083 : i32
    %rem3A_1085 = arith.remsi %add3A_1067, %jit3A_1068 : i32
    %ne3A_1086 = arith.constant 0 : i32
    %ne3A_1087 = arith.cmpi ne, %rem3A_1085, %ne3A_1086 : i32
    %and3A_1088 = arith.andi %ne3A_1084, %ne3A_1087 : i1
    %sub3A_1089 = arith.constant 1 : i32
    %sub3A_1090 = arith.subi %div3A_1069, %sub3A_1089 : i32
    %select_n3A_1091 = arith.select %and3A_1088, %sub3A_1090, %div3A_1069 : i32
    %jit3A_1092 = arith.constant 2048 : i32
    %eq3A_1093 = arith.constant 0 : i32
    %eq3A_1094 = arith.cmpi eq, %jit3A_1092, %eq3A_1093 : i32
    %jit3A_1095 = arith.constant 1 : i32
    %select_n3A_1096 = arith.select %eq3A_1094, %jit3A_1095, %jit3A_1092 : i32
    %rem3A_1097 = arith.remsi %add3A_1067, %select_n3A_1096 : i32
    %ne3A_1098 = arith.constant 0 : i32
    %ne3A_1099 = arith.cmpi ne, %rem3A_1097, %ne3A_1098 : i32
    %lt3A_1100 = arith.constant 0 : i32
    %lt3A_1101 = arith.cmpi slt, %rem3A_1097, %lt3A_1100 : i32
    %lt3A_1102 = arith.constant 0 : i32
    %lt3A_1103 = arith.cmpi slt, %select_n3A_1096, %lt3A_1102 : i32
    %ne3A_1104 = arith.xori %lt3A_1101, %lt3A_1103 : i1
    %and3A_1105 = arith.andi %ne3A_1104, %ne3A_1099 : i1
    %add3A_1106 = arith.addi %rem3A_1097, %select_n3A_1096 : i32
    %select_n3A_1107 = arith.select %and3A_1105, %add3A_1106, %rem3A_1097 : i32
    %dma_start3A_1108 = arith.constant 1 : i32
    %dma_start3A_1109 = arith.constant 0 : i32
    %dma_start3A_1110 = arith.constant 0 : i32
    %dma_start3A_1111 = tpu.memref_slice %arg6[%dma_start3A_1108, %dma_start3A_1109, %dma_start3A_1110] : memref<2x128x64xf32, #tpu.memory_space<vmem>> -> memref<1x128x64xf32, #tpu.memory_space<vmem>>
    %dma_start3A_1112 = tpu.memref_squeeze %dma_start3A_1111 : memref<1x128x64xf32, #tpu.memory_space<vmem>> -> memref<128x64xf32, #tpu.memory_space<vmem>>
    %dma_start3A_1113 = arith.constant 0 : i32
    %dma_start3A_1114 = tpu.memref_slice %arg4[%select_n3A_1091, %select_n3A_1107, %dma_start3A_1113] : memref<26x2048x64xf32, #tpu.memory_space<hbm>> -> memref<1x128x64xf32, #tpu.memory_space<hbm>>
    %dma_start3A_1115 = tpu.memref_squeeze %dma_start3A_1114 : memref<1x128x64xf32, #tpu.memory_space<hbm>> -> memref<128x64xf32, #tpu.memory_space<hbm>>
    %dma_start3A_1116 = arith.constant 0 : i32
    %dma_start3A_1117 = tpu.memref_slice %arg4[%select_n3A_1091, %select_n3A_1107, %dma_start3A_1116] : memref<26x2048x64xf32, #tpu.memory_space<hbm>> -> memref<1x128x64xf32, #tpu.memory_space<hbm>>
    %dma_start3A_1118 = tpu.memref_squeeze %dma_start3A_1117 : memref<1x128x64xf32, #tpu.memory_space<hbm>> -> memref<128x64xf32, #tpu.memory_space<hbm>>
    %dma_start3A_1119 = arith.constant 0 : i32
    %dma_start3A_1120 = arith.constant 0 : i32
    %dma_start3A_1121 = tpu.memref_slice %arg6[%dma_start3A_1108, %dma_start3A_1119, %dma_start3A_1120] : memref<2x128x64xf32, #tpu.memory_space<vmem>> -> memref<1x128x64xf32, #tpu.memory_space<vmem>>
    %dma_start3A_1122 = tpu.memref_squeeze %dma_start3A_1121 : memref<1x128x64xf32, #tpu.memory_space<vmem>> -> memref<128x64xf32, #tpu.memory_space<vmem>>
    tpu.enqueue_dma source(%dma_start3A_1122 : memref<128x64xf32, #tpu.memory_space<vmem>>) target(%dma_start3A_1118 : memref<128x64xf32, #tpu.memory_space<hbm>>) target_semaphore(%arg9 : memref<!tpu.dma_semaphore, #tpu.memory_space<semaphore_mem>>)
    %dma_wait3A_1123 = arith.constant 0 : i32
    %dma_wait3A_1124 = arith.constant 0 : i32
    %dma_wait3A_1125 = arith.constant 0 : i32
    %dma_wait3A_1126 = tpu.memref_slice %arg6[%dma_wait3A_1123, %dma_wait3A_1124, %dma_wait3A_1125] : memref<2x128x64xf32, #tpu.memory_space<vmem>> -> memref<1x128x64xf32, #tpu.memory_space<vmem>>
    %dma_wait3A_1127 = tpu.memref_squeeze %dma_wait3A_1126 : memref<1x128x64xf32, #tpu.memory_space<vmem>> -> memref<128x64xf32, #tpu.memory_space<vmem>>
    %dma_wait3A_1128 = arith.constant 0 : i32
    %dma_wait3A_1129 = tpu.memref_slice %arg5[%dma_wait3A_1128] : memref<1664xi32, #tpu.memory_space<vmem>> -> memref<128xi32, #tpu.memory_space<vmem>>
    %dma_wait3A_1130 = arith.constant 0 : i32
    %dma_wait3A_1131 = arith.constant 0 : i32
    %dma_wait3A_1132 = tpu.memref_slice %arg3[%dma_wait3A_1130, %dma_wait3A_1131] : memref<100000x64xf32, #tpu.memory_space<hbm>> -> memref<100000x64xf32, #tpu.memory_space<hbm>>
    tpu.wait_indirect_dma semaphore(%arg7 : memref<!tpu.dma_semaphore, #tpu.memory_space<semaphore_mem>>) src(%dma_wait3A_1132 : memref<100000x64xf32, #tpu.memory_space<hbm>>) dst(%dma_wait3A_1127 : memref<128x64xf32, #tpu.memory_space<vmem>>)
    %add3A_1133 = arith.constant 1536 : i32
    %add3A_1134 = arith.addi %mul3A_2, %add3A_1133 : i32
    %jit3A_1135 = arith.constant 2048 : i32
    %div3A_1136 = arith.divsi %add3A_1134, %jit3A_1135 : i32
    %sign3A_1137 = arith.constant 0 : i32
    %sign3A_1138 = arith.cmpi sgt, %add3A_1134, %sign3A_1137 : i32
    %sign3A_1139 = arith.extui %sign3A_1138 : i1 to i32
    %sign3A_1140 = arith.constant 0 : i32
    %sign3A_1141 = arith.cmpi slt, %add3A_1134, %sign3A_1140 : i32
    %sign3A_1142 = arith.extui %sign3A_1141 : i1 to i32
    %sign3A_1143 = arith.subi %sign3A_1139, %sign3A_1142 : i32
    %sign3A_1144 = arith.constant 0 : i32
    %sign3A_1145 = arith.cmpi sgt, %jit3A_1135, %sign3A_1144 : i32
    %sign3A_1146 = arith.extui %sign3A_1145 : i1 to i32
    %sign3A_1147 = arith.constant 0 : i32
    %sign3A_1148 = arith.cmpi slt, %jit3A_1135, %sign3A_1147 : i32
    %sign3A_1149 = arith.extui %sign3A_1148 : i1 to i32
    %sign3A_1150 = arith.subi %sign3A_1146, %sign3A_1149 : i32
    %ne3A_1151 = arith.cmpi ne, %sign3A_1143, %sign3A_1150 : i32
    %rem3A_1152 = arith.remsi %add3A_1134, %jit3A_1135 : i32
    %ne3A_1153 = arith.constant 0 : i32
    %ne3A_1154 = arith.cmpi ne, %rem3A_1152, %ne3A_1153 : i32
    %and3A_1155 = arith.andi %ne3A_1151, %ne3A_1154 : i1
    %sub3A_1156 = arith.constant 1 : i32
    %sub3A_1157 = arith.subi %div3A_1136, %sub3A_1156 : i32
    %select_n3A_1158 = arith.select %and3A_1155, %sub3A_1157, %div3A_1136 : i32
    %jit3A_1159 = arith.constant 2048 : i32
    %eq3A_1160 = arith.constant 0 : i32
    %eq3A_1161 = arith.cmpi eq, %jit3A_1159, %eq3A_1160 : i32
    %jit3A_1162 = arith.constant 1 : i32
    %select_n3A_1163 = arith.select %eq3A_1161, %jit3A_1162, %jit3A_1159 : i32
    %rem3A_1164 = arith.remsi %add3A_1134, %select_n3A_1163 : i32
    %ne3A_1165 = arith.constant 0 : i32
    %ne3A_1166 = arith.cmpi ne, %rem3A_1164, %ne3A_1165 : i32
    %lt3A_1167 = arith.constant 0 : i32
    %lt3A_1168 = arith.cmpi slt, %rem3A_1164, %lt3A_1167 : i32
    %lt3A_1169 = arith.constant 0 : i32
    %lt3A_1170 = arith.cmpi slt, %select_n3A_1163, %lt3A_1169 : i32
    %ne3A_1171 = arith.xori %lt3A_1168, %lt3A_1170 : i1
    %and3A_1172 = arith.andi %ne3A_1171, %ne3A_1166 : i1
    %add3A_1173 = arith.addi %rem3A_1164, %select_n3A_1163 : i32
    %select_n3A_1174 = arith.select %and3A_1172, %add3A_1173, %rem3A_1164 : i32
    %dma_start3A_1175 = arith.constant 0 : i32
    %dma_start3A_1176 = arith.constant 0 : i32
    %dma_start3A_1177 = arith.constant 0 : i32
    %dma_start3A_1178 = tpu.memref_slice %arg6[%dma_start3A_1175, %dma_start3A_1176, %dma_start3A_1177] : memref<2x128x64xf32, #tpu.memory_space<vmem>> -> memref<1x128x64xf32, #tpu.memory_space<vmem>>
    %dma_start3A_1179 = tpu.memref_squeeze %dma_start3A_1178 : memref<1x128x64xf32, #tpu.memory_space<vmem>> -> memref<128x64xf32, #tpu.memory_space<vmem>>
    %dma_start3A_1180 = arith.constant 0 : i32
    %dma_start3A_1181 = tpu.memref_slice %arg4[%select_n3A_1158, %select_n3A_1174, %dma_start3A_1180] : memref<26x2048x64xf32, #tpu.memory_space<hbm>> -> memref<1x128x64xf32, #tpu.memory_space<hbm>>
    %dma_start3A_1182 = tpu.memref_squeeze %dma_start3A_1181 : memref<1x128x64xf32, #tpu.memory_space<hbm>> -> memref<128x64xf32, #tpu.memory_space<hbm>>
    %dma_start3A_1183 = arith.constant 0 : i32
    %dma_start3A_1184 = tpu.memref_slice %arg4[%select_n3A_1158, %select_n3A_1174, %dma_start3A_1183] : memref<26x2048x64xf32, #tpu.memory_space<hbm>> -> memref<1x128x64xf32, #tpu.memory_space<hbm>>
    %dma_start3A_1185 = tpu.memref_squeeze %dma_start3A_1184 : memref<1x128x64xf32, #tpu.memory_space<hbm>> -> memref<128x64xf32, #tpu.memory_space<hbm>>
    %dma_start3A_1186 = arith.constant 0 : i32
    %dma_start3A_1187 = arith.constant 0 : i32
    %dma_start3A_1188 = tpu.memref_slice %arg6[%dma_start3A_1175, %dma_start3A_1186, %dma_start3A_1187] : memref<2x128x64xf32, #tpu.memory_space<vmem>> -> memref<1x128x64xf32, #tpu.memory_space<vmem>>
    %dma_start3A_1189 = tpu.memref_squeeze %dma_start3A_1188 : memref<1x128x64xf32, #tpu.memory_space<vmem>> -> memref<128x64xf32, #tpu.memory_space<vmem>>
    tpu.enqueue_dma source(%dma_start3A_1189 : memref<128x64xf32, #tpu.memory_space<vmem>>) target(%dma_start3A_1185 : memref<128x64xf32, #tpu.memory_space<hbm>>) target_semaphore(%arg9 : memref<!tpu.dma_semaphore, #tpu.memory_space<semaphore_mem>>)
    %dma_wait3A_1190 = arith.constant 0 : i32
    %dma_wait3A_1191 = arith.constant 0 : i32
    %dma_wait3A_1192 = arith.constant 0 : i32
    %dma_wait3A_1193 = arith.constant 0 : i32
    %dma_wait3A_1194 = tpu.memref_slice %arg6[%dma_wait3A_1190, %dma_wait3A_1192, %dma_wait3A_1193] : memref<2x128x64xf32, #tpu.memory_space<vmem>> -> memref<1x128x64xf32, #tpu.memory_space<vmem>>
    %dma_wait3A_1195 = tpu.memref_squeeze %dma_wait3A_1194 : memref<1x128x64xf32, #tpu.memory_space<vmem>> -> memref<128x64xf32, #tpu.memory_space<vmem>>
    %dma_wait3A_1196 = arith.constant 0 : i32
    %dma_wait3A_1197 = arith.constant 0 : i32
    %dma_wait3A_1198 = tpu.memref_slice %arg4[%dma_wait3A_1191, %dma_wait3A_1196, %dma_wait3A_1197] : memref<26x2048x64xf32, #tpu.memory_space<hbm>> -> memref<1x128x64xf32, #tpu.memory_space<hbm>>
    %dma_wait3A_1199 = tpu.memref_squeeze %dma_wait3A_1198 : memref<1x128x64xf32, #tpu.memory_space<hbm>> -> memref<128x64xf32, #tpu.memory_space<hbm>>
    %dma_wait3A_1200 = arith.constant 0 : i32
    %dma_wait3A_1201 = arith.constant 0 : i32
    %dma_wait3A_1202 = tpu.memref_slice %arg4[%dma_wait3A_1191, %dma_wait3A_1200, %dma_wait3A_1201] : memref<26x2048x64xf32, #tpu.memory_space<hbm>> -> memref<1x128x64xf32, #tpu.memory_space<hbm>>
    %dma_wait3A_1203 = tpu.memref_squeeze %dma_wait3A_1202 : memref<1x128x64xf32, #tpu.memory_space<hbm>> -> memref<128x64xf32, #tpu.memory_space<hbm>>
    %dma_wait3A_1204 = arith.constant 0 : i32
    %dma_wait3A_1205 = arith.constant 0 : i32
    %dma_wait3A_1206 = tpu.memref_slice %arg6[%dma_wait3A_1190, %dma_wait3A_1204, %dma_wait3A_1205] : memref<2x128x64xf32, #tpu.memory_space<vmem>> -> memref<1x128x64xf32, #tpu.memory_space<vmem>>
    %dma_wait3A_1207 = tpu.memref_squeeze %dma_wait3A_1206 : memref<1x128x64xf32, #tpu.memory_space<vmem>> -> memref<128x64xf32, #tpu.memory_space<vmem>>
    tpu.wait_dma2 semaphore(%arg9 : memref<!tpu.dma_semaphore, #tpu.memory_space<semaphore_mem>>) src(%dma_wait3A_1207 : memref<128x64xf32, #tpu.memory_space<vmem>>) dst(%dma_wait3A_1203 : memref<128x64xf32, #tpu.memory_space<hbm>>)
    %dma_wait3A_1208 = arith.constant 0 : i32
    %dma_wait3A_1209 = arith.constant 0 : i32
    %dma_wait3A_1210 = arith.constant 0 : i32
    %dma_wait3A_1211 = arith.constant 0 : i32
    %dma_wait3A_1212 = tpu.memref_slice %arg6[%dma_wait3A_1208, %dma_wait3A_1210, %dma_wait3A_1211] : memref<2x128x64xf32, #tpu.memory_space<vmem>> -> memref<1x128x64xf32, #tpu.memory_space<vmem>>
    %dma_wait3A_1213 = tpu.memref_squeeze %dma_wait3A_1212 : memref<1x128x64xf32, #tpu.memory_space<vmem>> -> memref<128x64xf32, #tpu.memory_space<vmem>>
    %dma_wait3A_1214 = arith.constant 0 : i32
    %dma_wait3A_1215 = arith.constant 0 : i32
    %dma_wait3A_1216 = tpu.memref_slice %arg4[%dma_wait3A_1209, %dma_wait3A_1214, %dma_wait3A_1215] : memref<26x2048x64xf32, #tpu.memory_space<hbm>> -> memref<1x128x64xf32, #tpu.memory_space<hbm>>
    %dma_wait3A_1217 = tpu.memref_squeeze %dma_wait3A_1216 : memref<1x128x64xf32, #tpu.memory_space<hbm>> -> memref<128x64xf32, #tpu.memory_space<hbm>>
    %dma_wait3A_1218 = arith.constant 0 : i32
    %dma_wait3A_1219 = arith.constant 0 : i32
    %dma_wait3A_1220 = tpu.memref_slice %arg4[%dma_wait3A_1209, %dma_wait3A_1218, %dma_wait3A_1219] : memref<26x2048x64xf32, #tpu.memory_space<hbm>> -> memref<1x128x64xf32, #tpu.memory_space<hbm>>
    %dma_wait3A_1221 = tpu.memref_squeeze %dma_wait3A_1220 : memref<1x128x64xf32, #tpu.memory_space<hbm>> -> memref<128x64xf32, #tpu.memory_space<hbm>>
    %dma_wait3A_1222 = arith.constant 0 : i32
    %dma_wait3A_1223 = arith.constant 0 : i32
    %dma_wait3A_1224 = tpu.memref_slice %arg6[%dma_wait3A_1208, %dma_wait3A_1222, %dma_wait3A_1223] : memref<2x128x64xf32, #tpu.memory_space<vmem>> -> memref<1x128x64xf32, #tpu.memory_space<vmem>>
    %dma_wait3A_1225 = tpu.memref_squeeze %dma_wait3A_1224 : memref<1x128x64xf32, #tpu.memory_space<vmem>> -> memref<128x64xf32, #tpu.memory_space<vmem>>
    tpu.wait_dma2 semaphore(%arg9 : memref<!tpu.dma_semaphore, #tpu.memory_space<semaphore_mem>>) src(%dma_wait3A_1225 : memref<128x64xf32, #tpu.memory_space<vmem>>) dst(%dma_wait3A_1221 : memref<128x64xf32, #tpu.memory_space<hbm>>)
    return
  }
}

#map = affine_map<(d0, d1) -> (0)>
#map1 = affine_map<(d0, d1) -> (0, 0)>
#map2 = affine_map<(d0, d1) -> (0, 0, 0)>
module attributes {stable_mosaic.version = 14 : i64} {
  func.func @_sc_gather_body(%arg0: i32, %arg1: i32, %arg2: memref<53248xi32, #tpu.memory_space<hbm>>, %arg3: memref<100000x64xf32, #tpu.memory_space<hbm>>, %arg4: memref<26x2048x64xf32, #tpu.memory_space<hbm>>, %arg5: memref<1664xi32, #tpu.memory_space<vmem>>, %arg6: memref<2x128x64xf32, #tpu.memory_space<vmem>>, %arg7: memref<!tpu.dma_semaphore, #tpu.memory_space<semaphore_mem>>, %arg8: memref<!tpu.dma_semaphore, #tpu.memory_space<semaphore_mem>>, %arg9: memref<!tpu.dma_semaphore, #tpu.memory_space<semaphore_mem>>) attributes {dimension_semantics = [#tpu.dimension_semantics<core_parallel>, #tpu.dimension_semantics<subcore_parallel>], iteration_bounds = array<i64: 2, 16>, scalar_prefetch = 0 : i64, scratch_operands = 5 : i64, tpu.core_type = #tpu.core_type<sc_vector_subcore>, window_params = [{transform_indices = #map}, {transform_indices = #map1}, {transform_indices = #map2}]} {
    %mul3A = arith.constant 2 : i32
    %mul3A_0 = arith.muli %arg1, %mul3A : i32
    %add3A = arith.addi %mul3A_0, %arg0 : i32
    %mul3A_1 = arith.constant 1664 : i32
    %mul3A_2 = arith.muli %add3A, %mul3A_1 : i32
    "tpu.region"() ({
      %run_scoped3A = tpu.sem_alloc : memref<!tpu.dma_semaphore, #tpu.memory_space<semaphore_mem>>
      %dma_start3A_1226 = tpu.memref_slice %arg2[%mul3A_2] : memref<53248xi32, #tpu.memory_space<hbm>> -> memref<1664xi32, #tpu.memory_space<hbm>>
      %dma_start3A_1227 = tpu.memref_slice %arg2[%mul3A_2] : memref<53248xi32, #tpu.memory_space<hbm>> -> memref<1664xi32, #tpu.memory_space<hbm>>
      tpu.enqueue_dma source(%dma_start3A_1227 : memref<1664xi32, #tpu.memory_space<hbm>>) target(%arg5 : memref<1664xi32, #tpu.memory_space<vmem>>) target_semaphore(%run_scoped3A : memref<!tpu.dma_semaphore, #tpu.memory_space<semaphore_mem>>)
      %dma_wait3A_1228 = tpu.memref_slice %arg2[%mul3A_2] : memref<53248xi32, #tpu.memory_space<hbm>> -> memref<1664xi32, #tpu.memory_space<hbm>>
      %dma_wait3A_1229 = tpu.memref_slice %arg2[%mul3A_2] : memref<53248xi32, #tpu.memory_space<hbm>> -> memref<1664xi32, #tpu.memory_space<hbm>>
      tpu.wait_dma2 semaphore(%run_scoped3A : memref<!tpu.dma_semaphore, #tpu.memory_space<semaphore_mem>>) src(%dma_wait3A_1229 : memref<1664xi32, #tpu.memory_space<hbm>>) dst(%arg5 : memref<1664xi32, #tpu.memory_space<vmem>>)
      tpu.yield
    }) : () -> ()
    %dma_start3A = arith.constant 0 : i32
    %dma_start3A_3 = arith.constant 0 : i32
    %dma_start3A_4 = arith.constant 0 : i32
    %dma_start3A_5 = tpu.memref_slice %arg6[%dma_start3A, %dma_start3A_3, %dma_start3A_4] : memref<2x128x64xf32, #tpu.memory_space<vmem>> -> memref<1x128x64xf32, #tpu.memory_space<vmem>>
    %dma_start3A_6 = tpu.memref_squeeze %dma_start3A_5 : memref<1x128x64xf32, #tpu.memory_space<vmem>> -> memref<128x64xf32, #tpu.memory_space<vmem>>
    %dma_start3A_7 = arith.constant 0 : i32
    %dma_start3A_8 = tpu.memref_slice %arg5[%dma_start3A_7] : memref<1664xi32, #tpu.memory_space<vmem>> -> memref<128xi32, #tpu.memory_space<vmem>>
    %dma_start3A_9 = arith.constant 0 : i32
    %dma_start3A_10 = arith.constant 0 : i32
    %dma_start3A_11 = tpu.memref_slice %arg3[%dma_start3A_9, %dma_start3A_10] : memref<100000x64xf32, #tpu.memory_space<hbm>> -> memref<100000x64xf32, #tpu.memory_space<hbm>>
    tpu.enqueue_indirect_dma source(%dma_start3A_11 : memref<100000x64xf32, #tpu.memory_space<hbm>>) target(%dma_start3A_6 : memref<128x64xf32, #tpu.memory_space<vmem>>) offsets(%dma_start3A_8 : memref<128xi32, #tpu.memory_space<vmem>>) semaphore(%arg7 : memref<!tpu.dma_semaphore, #tpu.memory_space<semaphore_mem>>)
    %dma_start3A_12 = arith.constant 1 : i32
    %dma_start3A_13 = arith.constant 0 : i32
    %dma_start3A_14 = arith.constant 0 : i32
    %dma_start3A_15 = tpu.memref_slice %arg6[%dma_start3A_12, %dma_start3A_13, %dma_start3A_14] : memref<2x128x64xf32, #tpu.memory_space<vmem>> -> memref<1x128x64xf32, #tpu.memory_space<vmem>>
    %dma_start3A_16 = tpu.memref_squeeze %dma_start3A_15 : memref<1x128x64xf32, #tpu.memory_space<vmem>> -> memref<128x64xf32, #tpu.memory_space<vmem>>
    %dma_start3A_17 = arith.constant 128 : i32
    %dma_start3A_18 = tpu.memref_slice %arg5[%dma_start3A_17] : memref<1664xi32, #tpu.memory_space<vmem>> -> memref<128xi32, #tpu.memory_space<vmem>>
    %dma_start3A_19 = arith.constant 0 : i32
    %dma_start3A_20 = arith.constant 0 : i32
    %dma_start3A_21 = tpu.memref_slice %arg3[%dma_start3A_19, %dma_start3A_20] : memref<100000x64xf32, #tpu.memory_space<hbm>> -> memref<100000x64xf32, #tpu.memory_space<hbm>>
    tpu.enqueue_indirect_dma source(%dma_start3A_21 : memref<100000x64xf32, #tpu.memory_space<hbm>>) target(%dma_start3A_16 : memref<128x64xf32, #tpu.memory_space<vmem>>) offsets(%dma_start3A_18 : memref<128xi32, #tpu.memory_space<vmem>>) semaphore(%arg8 : memref<!tpu.dma_semaphore, #tpu.memory_space<semaphore_mem>>)
    %dma_wait3A = arith.constant 0 : i32
    %dma_wait3A_22 = arith.constant 0 : i32
    %dma_wait3A_23 = arith.constant 0 : i32
    %dma_wait3A_24 = tpu.memref_slice %arg6[%dma_wait3A, %dma_wait3A_22, %dma_wait3A_23] : memref<2x128x64xf32, #tpu.memory_space<vmem>> -> memref<1x128x64xf32, #tpu.memory_space<vmem>>
    %dma_wait3A_25 = tpu.memref_squeeze %dma_wait3A_24 : memref<1x128x64xf32, #tpu.memory_space<vmem>> -> memref<128x64xf32, #tpu.memory_space<vmem>>
    %dma_wait3A_26 = arith.constant 0 : i32
    %dma_wait3A_27 = tpu.memref_slice %arg5[%dma_wait3A_26] : memref<1664xi32, #tpu.memory_space<vmem>> -> memref<128xi32, #tpu.memory_space<vmem>>
    %dma_wait3A_28 = arith.constant 0 : i32
    %dma_wait3A_29 = arith.constant 0 : i32
    %dma_wait3A_30 = tpu.memref_slice %arg3[%dma_wait3A_28, %dma_wait3A_29] : memref<100000x64xf32, #tpu.memory_space<hbm>> -> memref<100000x64xf32, #tpu.memory_space<hbm>>
    tpu.wait_indirect_dma semaphore(%arg7 : memref<!tpu.dma_semaphore, #tpu.memory_space<semaphore_mem>>) src(%dma_wait3A_30 : memref<100000x64xf32, #tpu.memory_space<hbm>>) dst(%dma_wait3A_25 : memref<128x64xf32, #tpu.memory_space<vmem>>)
    %add3A_31 = arith.constant 0 : i32
    %add3A_32 = arith.addi %mul3A_2, %add3A_31 : i32
    %jit3A = arith.constant 2048 : i32
    %div3A = arith.divsi %add3A_32, %jit3A : i32
    %sign3A = arith.constant 0 : i32
    %sign3A_33 = arith.cmpi sgt, %add3A_32, %sign3A : i32
    %sign3A_34 = arith.extui %sign3A_33 : i1 to i32
    %sign3A_35 = arith.constant 0 : i32
    %sign3A_36 = arith.cmpi slt, %add3A_32, %sign3A_35 : i32
    %sign3A_37 = arith.extui %sign3A_36 : i1 to i32
    %sign3A_38 = arith.subi %sign3A_34, %sign3A_37 : i32
    %sign3A_39 = arith.constant 0 : i32
    %sign3A_40 = arith.cmpi sgt, %jit3A, %sign3A_39 : i32
    %sign3A_41 = arith.extui %sign3A_40 : i1 to i32
    %sign3A_42 = arith.constant 0 : i32
    %sign3A_43 = arith.cmpi slt, %jit3A, %sign3A_42 : i32
    %sign3A_44 = arith.extui %sign3A_43 : i1 to i32
    %sign3A_45 = arith.subi %sign3A_41, %sign3A_44 : i32
    %ne3A = arith.cmpi ne, %sign3A_38, %sign3A_45 : i32
    %rem3A = arith.remsi %add3A_32, %jit3A : i32
    %ne3A_46 = arith.constant 0 : i32
    %ne3A_47 = arith.cmpi ne, %rem3A, %ne3A_46 : i32
    %and3A = arith.andi %ne3A, %ne3A_47 : i1
    %sub3A = arith.constant 1 : i32
    %sub3A_48 = arith.subi %div3A, %sub3A : i32
    %select_n3A = arith.select %and3A, %sub3A_48, %div3A : i32
    %jit3A_49 = arith.constant 2048 : i32
    %eq3A = arith.constant 0 : i32
    %eq3A_50 = arith.cmpi eq, %jit3A_49, %eq3A : i32
    %jit3A_51 = arith.constant 1 : i32
    %select_n3A_52 = arith.select %eq3A_50, %jit3A_51, %jit3A_49 : i32
    %rem3A_53 = arith.remsi %add3A_32, %select_n3A_52 : i32
    %ne3A_54 = arith.constant 0 : i32
    %ne3A_55 = arith.cmpi ne, %rem3A_53, %ne3A_54 : i32
    %lt3A = arith.constant 0 : i32
    %lt3A_56 = arith.cmpi slt, %rem3A_53, %lt3A : i32
    %lt3A_57 = arith.constant 0 : i32
    %lt3A_58 = arith.cmpi slt, %select_n3A_52, %lt3A_57 : i32
    %ne3A_59 = arith.xori %lt3A_56, %lt3A_58 : i1
    %and3A_60 = arith.andi %ne3A_59, %ne3A_55 : i1
    %add3A_61 = arith.addi %rem3A_53, %select_n3A_52 : i32
    %select_n3A_62 = arith.select %and3A_60, %add3A_61, %rem3A_53 : i32
    %dma_start3A_63 = arith.constant 0 : i32
    %dma_start3A_64 = arith.constant 0 : i32
    %dma_start3A_65 = arith.constant 0 : i32
    %dma_start3A_66 = tpu.memref_slice %arg6[%dma_start3A_63, %dma_start3A_64, %dma_start3A_65] : memref<2x128x64xf32, #tpu.memory_space<vmem>> -> memref<1x128x64xf32, #tpu.memory_space<vmem>>
    %dma_start3A_67 = tpu.memref_squeeze %dma_start3A_66 : memref<1x128x64xf32, #tpu.memory_space<vmem>> -> memref<128x64xf32, #tpu.memory_space<vmem>>
    %dma_start3A_68 = arith.constant 0 : i32
    %dma_start3A_69 = tpu.memref_slice %arg4[%select_n3A, %select_n3A_62, %dma_start3A_68] : memref<26x2048x64xf32, #tpu.memory_space<hbm>> -> memref<1x128x64xf32, #tpu.memory_space<hbm>>
    %dma_start3A_70 = tpu.memref_squeeze %dma_start3A_69 : memref<1x128x64xf32, #tpu.memory_space<hbm>> -> memref<128x64xf32, #tpu.memory_space<hbm>>
    %dma_start3A_71 = arith.constant 0 : i32
    %dma_start3A_72 = tpu.memref_slice %arg4[%select_n3A, %select_n3A_62, %dma_start3A_71] : memref<26x2048x64xf32, #tpu.memory_space<hbm>> -> memref<1x128x64xf32, #tpu.memory_space<hbm>>
    %dma_start3A_73 = tpu.memref_squeeze %dma_start3A_72 : memref<1x128x64xf32, #tpu.memory_space<hbm>> -> memref<128x64xf32, #tpu.memory_space<hbm>>
    %dma_start3A_74 = arith.constant 0 : i32
    %dma_start3A_75 = arith.constant 0 : i32
    %dma_start3A_76 = tpu.memref_slice %arg6[%dma_start3A_63, %dma_start3A_74, %dma_start3A_75] : memref<2x128x64xf32, #tpu.memory_space<vmem>> -> memref<1x128x64xf32, #tpu.memory_space<vmem>>
    %dma_start3A_77 = tpu.memref_squeeze %dma_start3A_76 : memref<1x128x64xf32, #tpu.memory_space<vmem>> -> memref<128x64xf32, #tpu.memory_space<vmem>>
    tpu.enqueue_dma source(%dma_start3A_77 : memref<128x64xf32, #tpu.memory_space<vmem>>) target(%dma_start3A_73 : memref<128x64xf32, #tpu.memory_space<hbm>>) target_semaphore(%arg9 : memref<!tpu.dma_semaphore, #tpu.memory_space<semaphore_mem>>)
    %dma_wait3A_78 = arith.constant 0 : i32
    %dma_wait3A_79 = arith.constant 0 : i32
    %dma_wait3A_80 = arith.constant 0 : i32
    %dma_wait3A_81 = arith.constant 0 : i32
    %dma_wait3A_82 = tpu.memref_slice %arg6[%dma_wait3A_78, %dma_wait3A_80, %dma_wait3A_81] : memref<2x128x64xf32, #tpu.memory_space<vmem>> -> memref<1x128x64xf32, #tpu.memory_space<vmem>>
    %dma_wait3A_83 = tpu.memref_squeeze %dma_wait3A_82 : memref<1x128x64xf32, #tpu.memory_space<vmem>> -> memref<128x64xf32, #tpu.memory_space<vmem>>
    %dma_wait3A_84 = arith.constant 0 : i32
    %dma_wait3A_85 = arith.constant 0 : i32
    %dma_wait3A_86 = tpu.memref_slice %arg4[%dma_wait3A_79, %dma_wait3A_84, %dma_wait3A_85] : memref<26x2048x64xf32, #tpu.memory_space<hbm>> -> memref<1x128x64xf32, #tpu.memory_space<hbm>>
    %dma_wait3A_87 = tpu.memref_squeeze %dma_wait3A_86 : memref<1x128x64xf32, #tpu.memory_space<hbm>> -> memref<128x64xf32, #tpu.memory_space<hbm>>
    %dma_wait3A_88 = arith.constant 0 : i32
    %dma_wait3A_89 = arith.constant 0 : i32
    %dma_wait3A_90 = tpu.memref_slice %arg4[%dma_wait3A_79, %dma_wait3A_88, %dma_wait3A_89] : memref<26x2048x64xf32, #tpu.memory_space<hbm>> -> memref<1x128x64xf32, #tpu.memory_space<hbm>>
    %dma_wait3A_91 = tpu.memref_squeeze %dma_wait3A_90 : memref<1x128x64xf32, #tpu.memory_space<hbm>> -> memref<128x64xf32, #tpu.memory_space<hbm>>
    %dma_wait3A_92 = arith.constant 0 : i32
    %dma_wait3A_93 = arith.constant 0 : i32
    %dma_wait3A_94 = tpu.memref_slice %arg6[%dma_wait3A_78, %dma_wait3A_92, %dma_wait3A_93] : memref<2x128x64xf32, #tpu.memory_space<vmem>> -> memref<1x128x64xf32, #tpu.memory_space<vmem>>
    %dma_wait3A_95 = tpu.memref_squeeze %dma_wait3A_94 : memref<1x128x64xf32, #tpu.memory_space<vmem>> -> memref<128x64xf32, #tpu.memory_space<vmem>>
    tpu.wait_dma2 semaphore(%arg9 : memref<!tpu.dma_semaphore, #tpu.memory_space<semaphore_mem>>) src(%dma_wait3A_95 : memref<128x64xf32, #tpu.memory_space<vmem>>) dst(%dma_wait3A_91 : memref<128x64xf32, #tpu.memory_space<hbm>>)
    %dma_start3A_96 = arith.constant 0 : i32
    %dma_start3A_97 = arith.constant 0 : i32
    %dma_start3A_98 = arith.constant 0 : i32
    %dma_start3A_99 = tpu.memref_slice %arg6[%dma_start3A_96, %dma_start3A_97, %dma_start3A_98] : memref<2x128x64xf32, #tpu.memory_space<vmem>> -> memref<1x128x64xf32, #tpu.memory_space<vmem>>
    %dma_start3A_100 = tpu.memref_squeeze %dma_start3A_99 : memref<1x128x64xf32, #tpu.memory_space<vmem>> -> memref<128x64xf32, #tpu.memory_space<vmem>>
    %dma_start3A_101 = arith.constant 256 : i32
    %dma_start3A_102 = tpu.memref_slice %arg5[%dma_start3A_101] : memref<1664xi32, #tpu.memory_space<vmem>> -> memref<128xi32, #tpu.memory_space<vmem>>
    %dma_start3A_103 = arith.constant 0 : i32
    %dma_start3A_104 = arith.constant 0 : i32
    %dma_start3A_105 = tpu.memref_slice %arg3[%dma_start3A_103, %dma_start3A_104] : memref<100000x64xf32, #tpu.memory_space<hbm>> -> memref<100000x64xf32, #tpu.memory_space<hbm>>
    tpu.enqueue_indirect_dma source(%dma_start3A_105 : memref<100000x64xf32, #tpu.memory_space<hbm>>) target(%dma_start3A_100 : memref<128x64xf32, #tpu.memory_space<vmem>>) offsets(%dma_start3A_102 : memref<128xi32, #tpu.memory_space<vmem>>) semaphore(%arg7 : memref<!tpu.dma_semaphore, #tpu.memory_space<semaphore_mem>>)
    %dma_wait3A_106 = arith.constant 1 : i32
    %dma_wait3A_107 = arith.constant 0 : i32
    %dma_wait3A_108 = arith.constant 0 : i32
    %dma_wait3A_109 = tpu.memref_slice %arg6[%dma_wait3A_106, %dma_wait3A_107, %dma_wait3A_108] : memref<2x128x64xf32, #tpu.memory_space<vmem>> -> memref<1x128x64xf32, #tpu.memory_space<vmem>>
    %dma_wait3A_110 = tpu.memref_squeeze %dma_wait3A_109 : memref<1x128x64xf32, #tpu.memory_space<vmem>> -> memref<128x64xf32, #tpu.memory_space<vmem>>
    %dma_wait3A_111 = arith.constant 0 : i32
    %dma_wait3A_112 = tpu.memref_slice %arg5[%dma_wait3A_111] : memref<1664xi32, #tpu.memory_space<vmem>> -> memref<128xi32, #tpu.memory_space<vmem>>
    %dma_wait3A_113 = arith.constant 0 : i32
    %dma_wait3A_114 = arith.constant 0 : i32
    %dma_wait3A_115 = tpu.memref_slice %arg3[%dma_wait3A_113, %dma_wait3A_114] : memref<100000x64xf32, #tpu.memory_space<hbm>> -> memref<100000x64xf32, #tpu.memory_space<hbm>>
    tpu.wait_indirect_dma semaphore(%arg8 : memref<!tpu.dma_semaphore, #tpu.memory_space<semaphore_mem>>) src(%dma_wait3A_115 : memref<100000x64xf32, #tpu.memory_space<hbm>>) dst(%dma_wait3A_110 : memref<128x64xf32, #tpu.memory_space<vmem>>)
    %add3A_116 = arith.constant 128 : i32
    %add3A_117 = arith.addi %mul3A_2, %add3A_116 : i32
    %jit3A_118 = arith.constant 2048 : i32
    %div3A_119 = arith.divsi %add3A_117, %jit3A_118 : i32
    %sign3A_120 = arith.constant 0 : i32
    %sign3A_121 = arith.cmpi sgt, %add3A_117, %sign3A_120 : i32
    %sign3A_122 = arith.extui %sign3A_121 : i1 to i32
    %sign3A_123 = arith.constant 0 : i32
    %sign3A_124 = arith.cmpi slt, %add3A_117, %sign3A_123 : i32
    %sign3A_125 = arith.extui %sign3A_124 : i1 to i32
    %sign3A_126 = arith.subi %sign3A_122, %sign3A_125 : i32
    %sign3A_127 = arith.constant 0 : i32
    %sign3A_128 = arith.cmpi sgt, %jit3A_118, %sign3A_127 : i32
    %sign3A_129 = arith.extui %sign3A_128 : i1 to i32
    %sign3A_130 = arith.constant 0 : i32
    %sign3A_131 = arith.cmpi slt, %jit3A_118, %sign3A_130 : i32
    %sign3A_132 = arith.extui %sign3A_131 : i1 to i32
    %sign3A_133 = arith.subi %sign3A_129, %sign3A_132 : i32
    %ne3A_134 = arith.cmpi ne, %sign3A_126, %sign3A_133 : i32
    %rem3A_135 = arith.remsi %add3A_117, %jit3A_118 : i32
    %ne3A_136 = arith.constant 0 : i32
    %ne3A_137 = arith.cmpi ne, %rem3A_135, %ne3A_136 : i32
    %and3A_138 = arith.andi %ne3A_134, %ne3A_137 : i1
    %sub3A_139 = arith.constant 1 : i32
    %sub3A_140 = arith.subi %div3A_119, %sub3A_139 : i32
    %select_n3A_141 = arith.select %and3A_138, %sub3A_140, %div3A_119 : i32
    %jit3A_142 = arith.constant 2048 : i32
    %eq3A_143 = arith.constant 0 : i32
    %eq3A_144 = arith.cmpi eq, %jit3A_142, %eq3A_143 : i32
    %jit3A_145 = arith.constant 1 : i32
    %select_n3A_146 = arith.select %eq3A_144, %jit3A_145, %jit3A_142 : i32
    %rem3A_147 = arith.remsi %add3A_117, %select_n3A_146 : i32
    %ne3A_148 = arith.constant 0 : i32
    %ne3A_149 = arith.cmpi ne, %rem3A_147, %ne3A_148 : i32
    %lt3A_150 = arith.constant 0 : i32
    %lt3A_151 = arith.cmpi slt, %rem3A_147, %lt3A_150 : i32
    %lt3A_152 = arith.constant 0 : i32
    %lt3A_153 = arith.cmpi slt, %select_n3A_146, %lt3A_152 : i32
    %ne3A_154 = arith.xori %lt3A_151, %lt3A_153 : i1
    %and3A_155 = arith.andi %ne3A_154, %ne3A_149 : i1
    %add3A_156 = arith.addi %rem3A_147, %select_n3A_146 : i32
    %select_n3A_157 = arith.select %and3A_155, %add3A_156, %rem3A_147 : i32
    %dma_start3A_158 = arith.constant 1 : i32
    %dma_start3A_159 = arith.constant 0 : i32
    %dma_start3A_160 = arith.constant 0 : i32
    %dma_start3A_161 = tpu.memref_slice %arg6[%dma_start3A_158, %dma_start3A_159, %dma_start3A_160] : memref<2x128x64xf32, #tpu.memory_space<vmem>> -> memref<1x128x64xf32, #tpu.memory_space<vmem>>
    %dma_start3A_162 = tpu.memref_squeeze %dma_start3A_161 : memref<1x128x64xf32, #tpu.memory_space<vmem>> -> memref<128x64xf32, #tpu.memory_space<vmem>>
    %dma_start3A_163 = arith.constant 0 : i32
    %dma_start3A_164 = tpu.memref_slice %arg4[%select_n3A_141, %select_n3A_157, %dma_start3A_163] : memref<26x2048x64xf32, #tpu.memory_space<hbm>> -> memref<1x128x64xf32, #tpu.memory_space<hbm>>
    %dma_start3A_165 = tpu.memref_squeeze %dma_start3A_164 : memref<1x128x64xf32, #tpu.memory_space<hbm>> -> memref<128x64xf32, #tpu.memory_space<hbm>>
    %dma_start3A_166 = arith.constant 0 : i32
    %dma_start3A_167 = tpu.memref_slice %arg4[%select_n3A_141, %select_n3A_157, %dma_start3A_166] : memref<26x2048x64xf32, #tpu.memory_space<hbm>> -> memref<1x128x64xf32, #tpu.memory_space<hbm>>
    %dma_start3A_168 = tpu.memref_squeeze %dma_start3A_167 : memref<1x128x64xf32, #tpu.memory_space<hbm>> -> memref<128x64xf32, #tpu.memory_space<hbm>>
    %dma_start3A_169 = arith.constant 0 : i32
    %dma_start3A_170 = arith.constant 0 : i32
    %dma_start3A_171 = tpu.memref_slice %arg6[%dma_start3A_158, %dma_start3A_169, %dma_start3A_170] : memref<2x128x64xf32, #tpu.memory_space<vmem>> -> memref<1x128x64xf32, #tpu.memory_space<vmem>>
    %dma_start3A_172 = tpu.memref_squeeze %dma_start3A_171 : memref<1x128x64xf32, #tpu.memory_space<vmem>> -> memref<128x64xf32, #tpu.memory_space<vmem>>
    tpu.enqueue_dma source(%dma_start3A_172 : memref<128x64xf32, #tpu.memory_space<vmem>>) target(%dma_start3A_168 : memref<128x64xf32, #tpu.memory_space<hbm>>) target_semaphore(%arg9 : memref<!tpu.dma_semaphore, #tpu.memory_space<semaphore_mem>>)
    %dma_wait3A_173 = arith.constant 0 : i32
    %dma_wait3A_174 = arith.constant 0 : i32
    %dma_wait3A_175 = arith.constant 0 : i32
    %dma_wait3A_176 = arith.constant 0 : i32
    %dma_wait3A_177 = tpu.memref_slice %arg6[%dma_wait3A_173, %dma_wait3A_175, %dma_wait3A_176] : memref<2x128x64xf32, #tpu.memory_space<vmem>> -> memref<1x128x64xf32, #tpu.memory_space<vmem>>
    %dma_wait3A_178 = tpu.memref_squeeze %dma_wait3A_177 : memref<1x128x64xf32, #tpu.memory_space<vmem>> -> memref<128x64xf32, #tpu.memory_space<vmem>>
    %dma_wait3A_179 = arith.constant 0 : i32
    %dma_wait3A_180 = arith.constant 0 : i32
    %dma_wait3A_181 = tpu.memref_slice %arg4[%dma_wait3A_174, %dma_wait3A_179, %dma_wait3A_180] : memref<26x2048x64xf32, #tpu.memory_space<hbm>> -> memref<1x128x64xf32, #tpu.memory_space<hbm>>
    %dma_wait3A_182 = tpu.memref_squeeze %dma_wait3A_181 : memref<1x128x64xf32, #tpu.memory_space<hbm>> -> memref<128x64xf32, #tpu.memory_space<hbm>>
    %dma_wait3A_183 = arith.constant 0 : i32
    %dma_wait3A_184 = arith.constant 0 : i32
    %dma_wait3A_185 = tpu.memref_slice %arg4[%dma_wait3A_174, %dma_wait3A_183, %dma_wait3A_184] : memref<26x2048x64xf32, #tpu.memory_space<hbm>> -> memref<1x128x64xf32, #tpu.memory_space<hbm>>
    %dma_wait3A_186 = tpu.memref_squeeze %dma_wait3A_185 : memref<1x128x64xf32, #tpu.memory_space<hbm>> -> memref<128x64xf32, #tpu.memory_space<hbm>>
    %dma_wait3A_187 = arith.constant 0 : i32
    %dma_wait3A_188 = arith.constant 0 : i32
    %dma_wait3A_189 = tpu.memref_slice %arg6[%dma_wait3A_173, %dma_wait3A_187, %dma_wait3A_188] : memref<2x128x64xf32, #tpu.memory_space<vmem>> -> memref<1x128x64xf32, #tpu.memory_space<vmem>>
    %dma_wait3A_190 = tpu.memref_squeeze %dma_wait3A_189 : memref<1x128x64xf32, #tpu.memory_space<vmem>> -> memref<128x64xf32, #tpu.memory_space<vmem>>
    tpu.wait_dma2 semaphore(%arg9 : memref<!tpu.dma_semaphore, #tpu.memory_space<semaphore_mem>>) src(%dma_wait3A_190 : memref<128x64xf32, #tpu.memory_space<vmem>>) dst(%dma_wait3A_186 : memref<128x64xf32, #tpu.memory_space<hbm>>)
    %dma_start3A_191 = arith.constant 1 : i32
    %dma_start3A_192 = arith.constant 0 : i32
    %dma_start3A_193 = arith.constant 0 : i32
    %dma_start3A_194 = tpu.memref_slice %arg6[%dma_start3A_191, %dma_start3A_192, %dma_start3A_193] : memref<2x128x64xf32, #tpu.memory_space<vmem>> -> memref<1x128x64xf32, #tpu.memory_space<vmem>>
    %dma_start3A_195 = tpu.memref_squeeze %dma_start3A_194 : memref<1x128x64xf32, #tpu.memory_space<vmem>> -> memref<128x64xf32, #tpu.memory_space<vmem>>
    %dma_start3A_196 = arith.constant 384 : i32
    %dma_start3A_197 = tpu.memref_slice %arg5[%dma_start3A_196] : memref<1664xi32, #tpu.memory_space<vmem>> -> memref<128xi32, #tpu.memory_space<vmem>>
    %dma_start3A_198 = arith.constant 0 : i32
    %dma_start3A_199 = arith.constant 0 : i32
    %dma_start3A_200 = tpu.memref_slice %arg3[%dma_start3A_198, %dma_start3A_199] : memref<100000x64xf32, #tpu.memory_space<hbm>> -> memref<100000x64xf32, #tpu.memory_space<hbm>>
    tpu.enqueue_indirect_dma source(%dma_start3A_200 : memref<100000x64xf32, #tpu.memory_space<hbm>>) target(%dma_start3A_195 : memref<128x64xf32, #tpu.memory_space<vmem>>) offsets(%dma_start3A_197 : memref<128xi32, #tpu.memory_space<vmem>>) semaphore(%arg8 : memref<!tpu.dma_semaphore, #tpu.memory_space<semaphore_mem>>)
    %dma_wait3A_201 = arith.constant 0 : i32
    %dma_wait3A_202 = arith.constant 0 : i32
    %dma_wait3A_203 = arith.constant 0 : i32
    %dma_wait3A_204 = tpu.memref_slice %arg6[%dma_wait3A_201, %dma_wait3A_202, %dma_wait3A_203] : memref<2x128x64xf32, #tpu.memory_space<vmem>> -> memref<1x128x64xf32, #tpu.memory_space<vmem>>
    %dma_wait3A_205 = tpu.memref_squeeze %dma_wait3A_204 : memref<1x128x64xf32, #tpu.memory_space<vmem>> -> memref<128x64xf32, #tpu.memory_space<vmem>>
    %dma_wait3A_206 = arith.constant 0 : i32
    %dma_wait3A_207 = tpu.memref_slice %arg5[%dma_wait3A_206] : memref<1664xi32, #tpu.memory_space<vmem>> -> memref<128xi32, #tpu.memory_space<vmem>>
    %dma_wait3A_208 = arith.constant 0 : i32
    %dma_wait3A_209 = arith.constant 0 : i32
    %dma_wait3A_210 = tpu.memref_slice %arg3[%dma_wait3A_208, %dma_wait3A_209] : memref<100000x64xf32, #tpu.memory_space<hbm>> -> memref<100000x64xf32, #tpu.memory_space<hbm>>
    tpu.wait_indirect_dma semaphore(%arg7 : memref<!tpu.dma_semaphore, #tpu.memory_space<semaphore_mem>>) src(%dma_wait3A_210 : memref<100000x64xf32, #tpu.memory_space<hbm>>) dst(%dma_wait3A_205 : memref<128x64xf32, #tpu.memory_space<vmem>>)
    %add3A_211 = arith.constant 256 : i32
    %add3A_212 = arith.addi %mul3A_2, %add3A_211 : i32
    %jit3A_213 = arith.constant 2048 : i32
    %div3A_214 = arith.divsi %add3A_212, %jit3A_213 : i32
    %sign3A_215 = arith.constant 0 : i32
    %sign3A_216 = arith.cmpi sgt, %add3A_212, %sign3A_215 : i32
    %sign3A_217 = arith.extui %sign3A_216 : i1 to i32
    %sign3A_218 = arith.constant 0 : i32
    %sign3A_219 = arith.cmpi slt, %add3A_212, %sign3A_218 : i32
    %sign3A_220 = arith.extui %sign3A_219 : i1 to i32
    %sign3A_221 = arith.subi %sign3A_217, %sign3A_220 : i32
    %sign3A_222 = arith.constant 0 : i32
    %sign3A_223 = arith.cmpi sgt, %jit3A_213, %sign3A_222 : i32
    %sign3A_224 = arith.extui %sign3A_223 : i1 to i32
    %sign3A_225 = arith.constant 0 : i32
    %sign3A_226 = arith.cmpi slt, %jit3A_213, %sign3A_225 : i32
    %sign3A_227 = arith.extui %sign3A_226 : i1 to i32
    %sign3A_228 = arith.subi %sign3A_224, %sign3A_227 : i32
    %ne3A_229 = arith.cmpi ne, %sign3A_221, %sign3A_228 : i32
    %rem3A_230 = arith.remsi %add3A_212, %jit3A_213 : i32
    %ne3A_231 = arith.constant 0 : i32
    %ne3A_232 = arith.cmpi ne, %rem3A_230, %ne3A_231 : i32
    %and3A_233 = arith.andi %ne3A_229, %ne3A_232 : i1
    %sub3A_234 = arith.constant 1 : i32
    %sub3A_235 = arith.subi %div3A_214, %sub3A_234 : i32
    %select_n3A_236 = arith.select %and3A_233, %sub3A_235, %div3A_214 : i32
    %jit3A_237 = arith.constant 2048 : i32
    %eq3A_238 = arith.constant 0 : i32
    %eq3A_239 = arith.cmpi eq, %jit3A_237, %eq3A_238 : i32
    %jit3A_240 = arith.constant 1 : i32
    %select_n3A_241 = arith.select %eq3A_239, %jit3A_240, %jit3A_237 : i32
    %rem3A_242 = arith.remsi %add3A_212, %select_n3A_241 : i32
    %ne3A_243 = arith.constant 0 : i32
    %ne3A_244 = arith.cmpi ne, %rem3A_242, %ne3A_243 : i32
    %lt3A_245 = arith.constant 0 : i32
    %lt3A_246 = arith.cmpi slt, %rem3A_242, %lt3A_245 : i32
    %lt3A_247 = arith.constant 0 : i32
    %lt3A_248 = arith.cmpi slt, %select_n3A_241, %lt3A_247 : i32
    %ne3A_249 = arith.xori %lt3A_246, %lt3A_248 : i1
    %and3A_250 = arith.andi %ne3A_249, %ne3A_244 : i1
    %add3A_251 = arith.addi %rem3A_242, %select_n3A_241 : i32
    %select_n3A_252 = arith.select %and3A_250, %add3A_251, %rem3A_242 : i32
    %dma_start3A_253 = arith.constant 0 : i32
    %dma_start3A_254 = arith.constant 0 : i32
    %dma_start3A_255 = arith.constant 0 : i32
    %dma_start3A_256 = tpu.memref_slice %arg6[%dma_start3A_253, %dma_start3A_254, %dma_start3A_255] : memref<2x128x64xf32, #tpu.memory_space<vmem>> -> memref<1x128x64xf32, #tpu.memory_space<vmem>>
    %dma_start3A_257 = tpu.memref_squeeze %dma_start3A_256 : memref<1x128x64xf32, #tpu.memory_space<vmem>> -> memref<128x64xf32, #tpu.memory_space<vmem>>
    %dma_start3A_258 = arith.constant 0 : i32
    %dma_start3A_259 = tpu.memref_slice %arg4[%select_n3A_236, %select_n3A_252, %dma_start3A_258] : memref<26x2048x64xf32, #tpu.memory_space<hbm>> -> memref<1x128x64xf32, #tpu.memory_space<hbm>>
    %dma_start3A_260 = tpu.memref_squeeze %dma_start3A_259 : memref<1x128x64xf32, #tpu.memory_space<hbm>> -> memref<128x64xf32, #tpu.memory_space<hbm>>
    %dma_start3A_261 = arith.constant 0 : i32
    %dma_start3A_262 = tpu.memref_slice %arg4[%select_n3A_236, %select_n3A_252, %dma_start3A_261] : memref<26x2048x64xf32, #tpu.memory_space<hbm>> -> memref<1x128x64xf32, #tpu.memory_space<hbm>>
    %dma_start3A_263 = tpu.memref_squeeze %dma_start3A_262 : memref<1x128x64xf32, #tpu.memory_space<hbm>> -> memref<128x64xf32, #tpu.memory_space<hbm>>
    %dma_start3A_264 = arith.constant 0 : i32
    %dma_start3A_265 = arith.constant 0 : i32
    %dma_start3A_266 = tpu.memref_slice %arg6[%dma_start3A_253, %dma_start3A_264, %dma_start3A_265] : memref<2x128x64xf32, #tpu.memory_space<vmem>> -> memref<1x128x64xf32, #tpu.memory_space<vmem>>
    %dma_start3A_267 = tpu.memref_squeeze %dma_start3A_266 : memref<1x128x64xf32, #tpu.memory_space<vmem>> -> memref<128x64xf32, #tpu.memory_space<vmem>>
    tpu.enqueue_dma source(%dma_start3A_267 : memref<128x64xf32, #tpu.memory_space<vmem>>) target(%dma_start3A_263 : memref<128x64xf32, #tpu.memory_space<hbm>>) target_semaphore(%arg9 : memref<!tpu.dma_semaphore, #tpu.memory_space<semaphore_mem>>)
    %dma_wait3A_268 = arith.constant 0 : i32
    %dma_wait3A_269 = arith.constant 0 : i32
    %dma_wait3A_270 = arith.constant 0 : i32
    %dma_wait3A_271 = arith.constant 0 : i32
    %dma_wait3A_272 = tpu.memref_slice %arg6[%dma_wait3A_268, %dma_wait3A_270, %dma_wait3A_271] : memref<2x128x64xf32, #tpu.memory_space<vmem>> -> memref<1x128x64xf32, #tpu.memory_space<vmem>>
    %dma_wait3A_273 = tpu.memref_squeeze %dma_wait3A_272 : memref<1x128x64xf32, #tpu.memory_space<vmem>> -> memref<128x64xf32, #tpu.memory_space<vmem>>
    %dma_wait3A_274 = arith.constant 0 : i32
    %dma_wait3A_275 = arith.constant 0 : i32
    %dma_wait3A_276 = tpu.memref_slice %arg4[%dma_wait3A_269, %dma_wait3A_274, %dma_wait3A_275] : memref<26x2048x64xf32, #tpu.memory_space<hbm>> -> memref<1x128x64xf32, #tpu.memory_space<hbm>>
    %dma_wait3A_277 = tpu.memref_squeeze %dma_wait3A_276 : memref<1x128x64xf32, #tpu.memory_space<hbm>> -> memref<128x64xf32, #tpu.memory_space<hbm>>
    %dma_wait3A_278 = arith.constant 0 : i32
    %dma_wait3A_279 = arith.constant 0 : i32
    %dma_wait3A_280 = tpu.memref_slice %arg4[%dma_wait3A_269, %dma_wait3A_278, %dma_wait3A_279] : memref<26x2048x64xf32, #tpu.memory_space<hbm>> -> memref<1x128x64xf32, #tpu.memory_space<hbm>>
    %dma_wait3A_281 = tpu.memref_squeeze %dma_wait3A_280 : memref<1x128x64xf32, #tpu.memory_space<hbm>> -> memref<128x64xf32, #tpu.memory_space<hbm>>
    %dma_wait3A_282 = arith.constant 0 : i32
    %dma_wait3A_283 = arith.constant 0 : i32
    %dma_wait3A_284 = tpu.memref_slice %arg6[%dma_wait3A_268, %dma_wait3A_282, %dma_wait3A_283] : memref<2x128x64xf32, #tpu.memory_space<vmem>> -> memref<1x128x64xf32, #tpu.memory_space<vmem>>
    %dma_wait3A_285 = tpu.memref_squeeze %dma_wait3A_284 : memref<1x128x64xf32, #tpu.memory_space<vmem>> -> memref<128x64xf32, #tpu.memory_space<vmem>>
    tpu.wait_dma2 semaphore(%arg9 : memref<!tpu.dma_semaphore, #tpu.memory_space<semaphore_mem>>) src(%dma_wait3A_285 : memref<128x64xf32, #tpu.memory_space<vmem>>) dst(%dma_wait3A_281 : memref<128x64xf32, #tpu.memory_space<hbm>>)
    %dma_start3A_286 = arith.constant 0 : i32
    %dma_start3A_287 = arith.constant 0 : i32
    %dma_start3A_288 = arith.constant 0 : i32
    %dma_start3A_289 = tpu.memref_slice %arg6[%dma_start3A_286, %dma_start3A_287, %dma_start3A_288] : memref<2x128x64xf32, #tpu.memory_space<vmem>> -> memref<1x128x64xf32, #tpu.memory_space<vmem>>
    %dma_start3A_290 = tpu.memref_squeeze %dma_start3A_289 : memref<1x128x64xf32, #tpu.memory_space<vmem>> -> memref<128x64xf32, #tpu.memory_space<vmem>>
    %dma_start3A_291 = arith.constant 512 : i32
    %dma_start3A_292 = tpu.memref_slice %arg5[%dma_start3A_291] : memref<1664xi32, #tpu.memory_space<vmem>> -> memref<128xi32, #tpu.memory_space<vmem>>
    %dma_start3A_293 = arith.constant 0 : i32
    %dma_start3A_294 = arith.constant 0 : i32
    %dma_start3A_295 = tpu.memref_slice %arg3[%dma_start3A_293, %dma_start3A_294] : memref<100000x64xf32, #tpu.memory_space<hbm>> -> memref<100000x64xf32, #tpu.memory_space<hbm>>
    tpu.enqueue_indirect_dma source(%dma_start3A_295 : memref<100000x64xf32, #tpu.memory_space<hbm>>) target(%dma_start3A_290 : memref<128x64xf32, #tpu.memory_space<vmem>>) offsets(%dma_start3A_292 : memref<128xi32, #tpu.memory_space<vmem>>) semaphore(%arg7 : memref<!tpu.dma_semaphore, #tpu.memory_space<semaphore_mem>>)
    %dma_wait3A_296 = arith.constant 1 : i32
    %dma_wait3A_297 = arith.constant 0 : i32
    %dma_wait3A_298 = arith.constant 0 : i32
    %dma_wait3A_299 = tpu.memref_slice %arg6[%dma_wait3A_296, %dma_wait3A_297, %dma_wait3A_298] : memref<2x128x64xf32, #tpu.memory_space<vmem>> -> memref<1x128x64xf32, #tpu.memory_space<vmem>>
    %dma_wait3A_300 = tpu.memref_squeeze %dma_wait3A_299 : memref<1x128x64xf32, #tpu.memory_space<vmem>> -> memref<128x64xf32, #tpu.memory_space<vmem>>
    %dma_wait3A_301 = arith.constant 0 : i32
    %dma_wait3A_302 = tpu.memref_slice %arg5[%dma_wait3A_301] : memref<1664xi32, #tpu.memory_space<vmem>> -> memref<128xi32, #tpu.memory_space<vmem>>
    %dma_wait3A_303 = arith.constant 0 : i32
    %dma_wait3A_304 = arith.constant 0 : i32
    %dma_wait3A_305 = tpu.memref_slice %arg3[%dma_wait3A_303, %dma_wait3A_304] : memref<100000x64xf32, #tpu.memory_space<hbm>> -> memref<100000x64xf32, #tpu.memory_space<hbm>>
    tpu.wait_indirect_dma semaphore(%arg8 : memref<!tpu.dma_semaphore, #tpu.memory_space<semaphore_mem>>) src(%dma_wait3A_305 : memref<100000x64xf32, #tpu.memory_space<hbm>>) dst(%dma_wait3A_300 : memref<128x64xf32, #tpu.memory_space<vmem>>)
    %add3A_306 = arith.constant 384 : i32
    %add3A_307 = arith.addi %mul3A_2, %add3A_306 : i32
    %jit3A_308 = arith.constant 2048 : i32
    %div3A_309 = arith.divsi %add3A_307, %jit3A_308 : i32
    %sign3A_310 = arith.constant 0 : i32
    %sign3A_311 = arith.cmpi sgt, %add3A_307, %sign3A_310 : i32
    %sign3A_312 = arith.extui %sign3A_311 : i1 to i32
    %sign3A_313 = arith.constant 0 : i32
    %sign3A_314 = arith.cmpi slt, %add3A_307, %sign3A_313 : i32
    %sign3A_315 = arith.extui %sign3A_314 : i1 to i32
    %sign3A_316 = arith.subi %sign3A_312, %sign3A_315 : i32
    %sign3A_317 = arith.constant 0 : i32
    %sign3A_318 = arith.cmpi sgt, %jit3A_308, %sign3A_317 : i32
    %sign3A_319 = arith.extui %sign3A_318 : i1 to i32
    %sign3A_320 = arith.constant 0 : i32
    %sign3A_321 = arith.cmpi slt, %jit3A_308, %sign3A_320 : i32
    %sign3A_322 = arith.extui %sign3A_321 : i1 to i32
    %sign3A_323 = arith.subi %sign3A_319, %sign3A_322 : i32
    %ne3A_324 = arith.cmpi ne, %sign3A_316, %sign3A_323 : i32
    %rem3A_325 = arith.remsi %add3A_307, %jit3A_308 : i32
    %ne3A_326 = arith.constant 0 : i32
    %ne3A_327 = arith.cmpi ne, %rem3A_325, %ne3A_326 : i32
    %and3A_328 = arith.andi %ne3A_324, %ne3A_327 : i1
    %sub3A_329 = arith.constant 1 : i32
    %sub3A_330 = arith.subi %div3A_309, %sub3A_329 : i32
    %select_n3A_331 = arith.select %and3A_328, %sub3A_330, %div3A_309 : i32
    %jit3A_332 = arith.constant 2048 : i32
    %eq3A_333 = arith.constant 0 : i32
    %eq3A_334 = arith.cmpi eq, %jit3A_332, %eq3A_333 : i32
    %jit3A_335 = arith.constant 1 : i32
    %select_n3A_336 = arith.select %eq3A_334, %jit3A_335, %jit3A_332 : i32
    %rem3A_337 = arith.remsi %add3A_307, %select_n3A_336 : i32
    %ne3A_338 = arith.constant 0 : i32
    %ne3A_339 = arith.cmpi ne, %rem3A_337, %ne3A_338 : i32
    %lt3A_340 = arith.constant 0 : i32
    %lt3A_341 = arith.cmpi slt, %rem3A_337, %lt3A_340 : i32
    %lt3A_342 = arith.constant 0 : i32
    %lt3A_343 = arith.cmpi slt, %select_n3A_336, %lt3A_342 : i32
    %ne3A_344 = arith.xori %lt3A_341, %lt3A_343 : i1
    %and3A_345 = arith.andi %ne3A_344, %ne3A_339 : i1
    %add3A_346 = arith.addi %rem3A_337, %select_n3A_336 : i32
    %select_n3A_347 = arith.select %and3A_345, %add3A_346, %rem3A_337 : i32
    %dma_start3A_348 = arith.constant 1 : i32
    %dma_start3A_349 = arith.constant 0 : i32
    %dma_start3A_350 = arith.constant 0 : i32
    %dma_start3A_351 = tpu.memref_slice %arg6[%dma_start3A_348, %dma_start3A_349, %dma_start3A_350] : memref<2x128x64xf32, #tpu.memory_space<vmem>> -> memref<1x128x64xf32, #tpu.memory_space<vmem>>
    %dma_start3A_352 = tpu.memref_squeeze %dma_start3A_351 : memref<1x128x64xf32, #tpu.memory_space<vmem>> -> memref<128x64xf32, #tpu.memory_space<vmem>>
    %dma_start3A_353 = arith.constant 0 : i32
    %dma_start3A_354 = tpu.memref_slice %arg4[%select_n3A_331, %select_n3A_347, %dma_start3A_353] : memref<26x2048x64xf32, #tpu.memory_space<hbm>> -> memref<1x128x64xf32, #tpu.memory_space<hbm>>
    %dma_start3A_355 = tpu.memref_squeeze %dma_start3A_354 : memref<1x128x64xf32, #tpu.memory_space<hbm>> -> memref<128x64xf32, #tpu.memory_space<hbm>>
    %dma_start3A_356 = arith.constant 0 : i32
    %dma_start3A_357 = tpu.memref_slice %arg4[%select_n3A_331, %select_n3A_347, %dma_start3A_356] : memref<26x2048x64xf32, #tpu.memory_space<hbm>> -> memref<1x128x64xf32, #tpu.memory_space<hbm>>
    %dma_start3A_358 = tpu.memref_squeeze %dma_start3A_357 : memref<1x128x64xf32, #tpu.memory_space<hbm>> -> memref<128x64xf32, #tpu.memory_space<hbm>>
    %dma_start3A_359 = arith.constant 0 : i32
    %dma_start3A_360 = arith.constant 0 : i32
    %dma_start3A_361 = tpu.memref_slice %arg6[%dma_start3A_348, %dma_start3A_359, %dma_start3A_360] : memref<2x128x64xf32, #tpu.memory_space<vmem>> -> memref<1x128x64xf32, #tpu.memory_space<vmem>>
    %dma_start3A_362 = tpu.memref_squeeze %dma_start3A_361 : memref<1x128x64xf32, #tpu.memory_space<vmem>> -> memref<128x64xf32, #tpu.memory_space<vmem>>
    tpu.enqueue_dma source(%dma_start3A_362 : memref<128x64xf32, #tpu.memory_space<vmem>>) target(%dma_start3A_358 : memref<128x64xf32, #tpu.memory_space<hbm>>) target_semaphore(%arg9 : memref<!tpu.dma_semaphore, #tpu.memory_space<semaphore_mem>>)
    %dma_wait3A_363 = arith.constant 0 : i32
    %dma_wait3A_364 = arith.constant 0 : i32
    %dma_wait3A_365 = arith.constant 0 : i32
    %dma_wait3A_366 = arith.constant 0 : i32
    %dma_wait3A_367 = tpu.memref_slice %arg6[%dma_wait3A_363, %dma_wait3A_365, %dma_wait3A_366] : memref<2x128x64xf32, #tpu.memory_space<vmem>> -> memref<1x128x64xf32, #tpu.memory_space<vmem>>
    %dma_wait3A_368 = tpu.memref_squeeze %dma_wait3A_367 : memref<1x128x64xf32, #tpu.memory_space<vmem>> -> memref<128x64xf32, #tpu.memory_space<vmem>>
    %dma_wait3A_369 = arith.constant 0 : i32
    %dma_wait3A_370 = arith.constant 0 : i32
    %dma_wait3A_371 = tpu.memref_slice %arg4[%dma_wait3A_364, %dma_wait3A_369, %dma_wait3A_370] : memref<26x2048x64xf32, #tpu.memory_space<hbm>> -> memref<1x128x64xf32, #tpu.memory_space<hbm>>
    %dma_wait3A_372 = tpu.memref_squeeze %dma_wait3A_371 : memref<1x128x64xf32, #tpu.memory_space<hbm>> -> memref<128x64xf32, #tpu.memory_space<hbm>>
    %dma_wait3A_373 = arith.constant 0 : i32
    %dma_wait3A_374 = arith.constant 0 : i32
    %dma_wait3A_375 = tpu.memref_slice %arg4[%dma_wait3A_364, %dma_wait3A_373, %dma_wait3A_374] : memref<26x2048x64xf32, #tpu.memory_space<hbm>> -> memref<1x128x64xf32, #tpu.memory_space<hbm>>
    %dma_wait3A_376 = tpu.memref_squeeze %dma_wait3A_375 : memref<1x128x64xf32, #tpu.memory_space<hbm>> -> memref<128x64xf32, #tpu.memory_space<hbm>>
    %dma_wait3A_377 = arith.constant 0 : i32
    %dma_wait3A_378 = arith.constant 0 : i32
    %dma_wait3A_379 = tpu.memref_slice %arg6[%dma_wait3A_363, %dma_wait3A_377, %dma_wait3A_378] : memref<2x128x64xf32, #tpu.memory_space<vmem>> -> memref<1x128x64xf32, #tpu.memory_space<vmem>>
    %dma_wait3A_380 = tpu.memref_squeeze %dma_wait3A_379 : memref<1x128x64xf32, #tpu.memory_space<vmem>> -> memref<128x64xf32, #tpu.memory_space<vmem>>
    tpu.wait_dma2 semaphore(%arg9 : memref<!tpu.dma_semaphore, #tpu.memory_space<semaphore_mem>>) src(%dma_wait3A_380 : memref<128x64xf32, #tpu.memory_space<vmem>>) dst(%dma_wait3A_376 : memref<128x64xf32, #tpu.memory_space<hbm>>)
    %dma_start3A_381 = arith.constant 1 : i32
    %dma_start3A_382 = arith.constant 0 : i32
    %dma_start3A_383 = arith.constant 0 : i32
    %dma_start3A_384 = tpu.memref_slice %arg6[%dma_start3A_381, %dma_start3A_382, %dma_start3A_383] : memref<2x128x64xf32, #tpu.memory_space<vmem>> -> memref<1x128x64xf32, #tpu.memory_space<vmem>>
    %dma_start3A_385 = tpu.memref_squeeze %dma_start3A_384 : memref<1x128x64xf32, #tpu.memory_space<vmem>> -> memref<128x64xf32, #tpu.memory_space<vmem>>
    %dma_start3A_386 = arith.constant 640 : i32
    %dma_start3A_387 = tpu.memref_slice %arg5[%dma_start3A_386] : memref<1664xi32, #tpu.memory_space<vmem>> -> memref<128xi32, #tpu.memory_space<vmem>>
    %dma_start3A_388 = arith.constant 0 : i32
    %dma_start3A_389 = arith.constant 0 : i32
    %dma_start3A_390 = tpu.memref_slice %arg3[%dma_start3A_388, %dma_start3A_389] : memref<100000x64xf32, #tpu.memory_space<hbm>> -> memref<100000x64xf32, #tpu.memory_space<hbm>>
    tpu.enqueue_indirect_dma source(%dma_start3A_390 : memref<100000x64xf32, #tpu.memory_space<hbm>>) target(%dma_start3A_385 : memref<128x64xf32, #tpu.memory_space<vmem>>) offsets(%dma_start3A_387 : memref<128xi32, #tpu.memory_space<vmem>>) semaphore(%arg8 : memref<!tpu.dma_semaphore, #tpu.memory_space<semaphore_mem>>)
    %dma_wait3A_391 = arith.constant 0 : i32
    %dma_wait3A_392 = arith.constant 0 : i32
    %dma_wait3A_393 = arith.constant 0 : i32
    %dma_wait3A_394 = tpu.memref_slice %arg6[%dma_wait3A_391, %dma_wait3A_392, %dma_wait3A_393] : memref<2x128x64xf32, #tpu.memory_space<vmem>> -> memref<1x128x64xf32, #tpu.memory_space<vmem>>
    %dma_wait3A_395 = tpu.memref_squeeze %dma_wait3A_394 : memref<1x128x64xf32, #tpu.memory_space<vmem>> -> memref<128x64xf32, #tpu.memory_space<vmem>>
    %dma_wait3A_396 = arith.constant 0 : i32
    %dma_wait3A_397 = tpu.memref_slice %arg5[%dma_wait3A_396] : memref<1664xi32, #tpu.memory_space<vmem>> -> memref<128xi32, #tpu.memory_space<vmem>>
    %dma_wait3A_398 = arith.constant 0 : i32
    %dma_wait3A_399 = arith.constant 0 : i32
    %dma_wait3A_400 = tpu.memref_slice %arg3[%dma_wait3A_398, %dma_wait3A_399] : memref<100000x64xf32, #tpu.memory_space<hbm>> -> memref<100000x64xf32, #tpu.memory_space<hbm>>
    tpu.wait_indirect_dma semaphore(%arg7 : memref<!tpu.dma_semaphore, #tpu.memory_space<semaphore_mem>>) src(%dma_wait3A_400 : memref<100000x64xf32, #tpu.memory_space<hbm>>) dst(%dma_wait3A_395 : memref<128x64xf32, #tpu.memory_space<vmem>>)
    %add3A_401 = arith.constant 512 : i32
    %add3A_402 = arith.addi %mul3A_2, %add3A_401 : i32
    %jit3A_403 = arith.constant 2048 : i32
    %div3A_404 = arith.divsi %add3A_402, %jit3A_403 : i32
    %sign3A_405 = arith.constant 0 : i32
    %sign3A_406 = arith.cmpi sgt, %add3A_402, %sign3A_405 : i32
    %sign3A_407 = arith.extui %sign3A_406 : i1 to i32
    %sign3A_408 = arith.constant 0 : i32
    %sign3A_409 = arith.cmpi slt, %add3A_402, %sign3A_408 : i32
    %sign3A_410 = arith.extui %sign3A_409 : i1 to i32
    %sign3A_411 = arith.subi %sign3A_407, %sign3A_410 : i32
    %sign3A_412 = arith.constant 0 : i32
    %sign3A_413 = arith.cmpi sgt, %jit3A_403, %sign3A_412 : i32
    %sign3A_414 = arith.extui %sign3A_413 : i1 to i32
    %sign3A_415 = arith.constant 0 : i32
    %sign3A_416 = arith.cmpi slt, %jit3A_403, %sign3A_415 : i32
    %sign3A_417 = arith.extui %sign3A_416 : i1 to i32
    %sign3A_418 = arith.subi %sign3A_414, %sign3A_417 : i32
    %ne3A_419 = arith.cmpi ne, %sign3A_411, %sign3A_418 : i32
    %rem3A_420 = arith.remsi %add3A_402, %jit3A_403 : i32
    %ne3A_421 = arith.constant 0 : i32
    %ne3A_422 = arith.cmpi ne, %rem3A_420, %ne3A_421 : i32
    %and3A_423 = arith.andi %ne3A_419, %ne3A_422 : i1
    %sub3A_424 = arith.constant 1 : i32
    %sub3A_425 = arith.subi %div3A_404, %sub3A_424 : i32
    %select_n3A_426 = arith.select %and3A_423, %sub3A_425, %div3A_404 : i32
    %jit3A_427 = arith.constant 2048 : i32
    %eq3A_428 = arith.constant 0 : i32
    %eq3A_429 = arith.cmpi eq, %jit3A_427, %eq3A_428 : i32
    %jit3A_430 = arith.constant 1 : i32
    %select_n3A_431 = arith.select %eq3A_429, %jit3A_430, %jit3A_427 : i32
    %rem3A_432 = arith.remsi %add3A_402, %select_n3A_431 : i32
    %ne3A_433 = arith.constant 0 : i32
    %ne3A_434 = arith.cmpi ne, %rem3A_432, %ne3A_433 : i32
    %lt3A_435 = arith.constant 0 : i32
    %lt3A_436 = arith.cmpi slt, %rem3A_432, %lt3A_435 : i32
    %lt3A_437 = arith.constant 0 : i32
    %lt3A_438 = arith.cmpi slt, %select_n3A_431, %lt3A_437 : i32
    %ne3A_439 = arith.xori %lt3A_436, %lt3A_438 : i1
    %and3A_440 = arith.andi %ne3A_439, %ne3A_434 : i1
    %add3A_441 = arith.addi %rem3A_432, %select_n3A_431 : i32
    %select_n3A_442 = arith.select %and3A_440, %add3A_441, %rem3A_432 : i32
    %dma_start3A_443 = arith.constant 0 : i32
    %dma_start3A_444 = arith.constant 0 : i32
    %dma_start3A_445 = arith.constant 0 : i32
    %dma_start3A_446 = tpu.memref_slice %arg6[%dma_start3A_443, %dma_start3A_444, %dma_start3A_445] : memref<2x128x64xf32, #tpu.memory_space<vmem>> -> memref<1x128x64xf32, #tpu.memory_space<vmem>>
    %dma_start3A_447 = tpu.memref_squeeze %dma_start3A_446 : memref<1x128x64xf32, #tpu.memory_space<vmem>> -> memref<128x64xf32, #tpu.memory_space<vmem>>
    %dma_start3A_448 = arith.constant 0 : i32
    %dma_start3A_449 = tpu.memref_slice %arg4[%select_n3A_426, %select_n3A_442, %dma_start3A_448] : memref<26x2048x64xf32, #tpu.memory_space<hbm>> -> memref<1x128x64xf32, #tpu.memory_space<hbm>>
    %dma_start3A_450 = tpu.memref_squeeze %dma_start3A_449 : memref<1x128x64xf32, #tpu.memory_space<hbm>> -> memref<128x64xf32, #tpu.memory_space<hbm>>
    %dma_start3A_451 = arith.constant 0 : i32
    %dma_start3A_452 = tpu.memref_slice %arg4[%select_n3A_426, %select_n3A_442, %dma_start3A_451] : memref<26x2048x64xf32, #tpu.memory_space<hbm>> -> memref<1x128x64xf32, #tpu.memory_space<hbm>>
    %dma_start3A_453 = tpu.memref_squeeze %dma_start3A_452 : memref<1x128x64xf32, #tpu.memory_space<hbm>> -> memref<128x64xf32, #tpu.memory_space<hbm>>
    %dma_start3A_454 = arith.constant 0 : i32
    %dma_start3A_455 = arith.constant 0 : i32
    %dma_start3A_456 = tpu.memref_slice %arg6[%dma_start3A_443, %dma_start3A_454, %dma_start3A_455] : memref<2x128x64xf32, #tpu.memory_space<vmem>> -> memref<1x128x64xf32, #tpu.memory_space<vmem>>
    %dma_start3A_457 = tpu.memref_squeeze %dma_start3A_456 : memref<1x128x64xf32, #tpu.memory_space<vmem>> -> memref<128x64xf32, #tpu.memory_space<vmem>>
    tpu.enqueue_dma source(%dma_start3A_457 : memref<128x64xf32, #tpu.memory_space<vmem>>) target(%dma_start3A_453 : memref<128x64xf32, #tpu.memory_space<hbm>>) target_semaphore(%arg9 : memref<!tpu.dma_semaphore, #tpu.memory_space<semaphore_mem>>)
    %dma_wait3A_458 = arith.constant 0 : i32
    %dma_wait3A_459 = arith.constant 0 : i32
    %dma_wait3A_460 = arith.constant 0 : i32
    %dma_wait3A_461 = arith.constant 0 : i32
    %dma_wait3A_462 = tpu.memref_slice %arg6[%dma_wait3A_458, %dma_wait3A_460, %dma_wait3A_461] : memref<2x128x64xf32, #tpu.memory_space<vmem>> -> memref<1x128x64xf32, #tpu.memory_space<vmem>>
    %dma_wait3A_463 = tpu.memref_squeeze %dma_wait3A_462 : memref<1x128x64xf32, #tpu.memory_space<vmem>> -> memref<128x64xf32, #tpu.memory_space<vmem>>
    %dma_wait3A_464 = arith.constant 0 : i32
    %dma_wait3A_465 = arith.constant 0 : i32
    %dma_wait3A_466 = tpu.memref_slice %arg4[%dma_wait3A_459, %dma_wait3A_464, %dma_wait3A_465] : memref<26x2048x64xf32, #tpu.memory_space<hbm>> -> memref<1x128x64xf32, #tpu.memory_space<hbm>>
    %dma_wait3A_467 = tpu.memref_squeeze %dma_wait3A_466 : memref<1x128x64xf32, #tpu.memory_space<hbm>> -> memref<128x64xf32, #tpu.memory_space<hbm>>
    %dma_wait3A_468 = arith.constant 0 : i32
    %dma_wait3A_469 = arith.constant 0 : i32
    %dma_wait3A_470 = tpu.memref_slice %arg4[%dma_wait3A_459, %dma_wait3A_468, %dma_wait3A_469] : memref<26x2048x64xf32, #tpu.memory_space<hbm>> -> memref<1x128x64xf32, #tpu.memory_space<hbm>>
    %dma_wait3A_471 = tpu.memref_squeeze %dma_wait3A_470 : memref<1x128x64xf32, #tpu.memory_space<hbm>> -> memref<128x64xf32, #tpu.memory_space<hbm>>
    %dma_wait3A_472 = arith.constant 0 : i32
    %dma_wait3A_473 = arith.constant 0 : i32
    %dma_wait3A_474 = tpu.memref_slice %arg6[%dma_wait3A_458, %dma_wait3A_472, %dma_wait3A_473] : memref<2x128x64xf32, #tpu.memory_space<vmem>> -> memref<1x128x64xf32, #tpu.memory_space<vmem>>
    %dma_wait3A_475 = tpu.memref_squeeze %dma_wait3A_474 : memref<1x128x64xf32, #tpu.memory_space<vmem>> -> memref<128x64xf32, #tpu.memory_space<vmem>>
    tpu.wait_dma2 semaphore(%arg9 : memref<!tpu.dma_semaphore, #tpu.memory_space<semaphore_mem>>) src(%dma_wait3A_475 : memref<128x64xf32, #tpu.memory_space<vmem>>) dst(%dma_wait3A_471 : memref<128x64xf32, #tpu.memory_space<hbm>>)
    %dma_start3A_476 = arith.constant 0 : i32
    %dma_start3A_477 = arith.constant 0 : i32
    %dma_start3A_478 = arith.constant 0 : i32
    %dma_start3A_479 = tpu.memref_slice %arg6[%dma_start3A_476, %dma_start3A_477, %dma_start3A_478] : memref<2x128x64xf32, #tpu.memory_space<vmem>> -> memref<1x128x64xf32, #tpu.memory_space<vmem>>
    %dma_start3A_480 = tpu.memref_squeeze %dma_start3A_479 : memref<1x128x64xf32, #tpu.memory_space<vmem>> -> memref<128x64xf32, #tpu.memory_space<vmem>>
    %dma_start3A_481 = arith.constant 768 : i32
    %dma_start3A_482 = tpu.memref_slice %arg5[%dma_start3A_481] : memref<1664xi32, #tpu.memory_space<vmem>> -> memref<128xi32, #tpu.memory_space<vmem>>
    %dma_start3A_483 = arith.constant 0 : i32
    %dma_start3A_484 = arith.constant 0 : i32
    %dma_start3A_485 = tpu.memref_slice %arg3[%dma_start3A_483, %dma_start3A_484] : memref<100000x64xf32, #tpu.memory_space<hbm>> -> memref<100000x64xf32, #tpu.memory_space<hbm>>
    tpu.enqueue_indirect_dma source(%dma_start3A_485 : memref<100000x64xf32, #tpu.memory_space<hbm>>) target(%dma_start3A_480 : memref<128x64xf32, #tpu.memory_space<vmem>>) offsets(%dma_start3A_482 : memref<128xi32, #tpu.memory_space<vmem>>) semaphore(%arg7 : memref<!tpu.dma_semaphore, #tpu.memory_space<semaphore_mem>>)
    %dma_wait3A_486 = arith.constant 1 : i32
    %dma_wait3A_487 = arith.constant 0 : i32
    %dma_wait3A_488 = arith.constant 0 : i32
    %dma_wait3A_489 = tpu.memref_slice %arg6[%dma_wait3A_486, %dma_wait3A_487, %dma_wait3A_488] : memref<2x128x64xf32, #tpu.memory_space<vmem>> -> memref<1x128x64xf32, #tpu.memory_space<vmem>>
    %dma_wait3A_490 = tpu.memref_squeeze %dma_wait3A_489 : memref<1x128x64xf32, #tpu.memory_space<vmem>> -> memref<128x64xf32, #tpu.memory_space<vmem>>
    %dma_wait3A_491 = arith.constant 0 : i32
    %dma_wait3A_492 = tpu.memref_slice %arg5[%dma_wait3A_491] : memref<1664xi32, #tpu.memory_space<vmem>> -> memref<128xi32, #tpu.memory_space<vmem>>
    %dma_wait3A_493 = arith.constant 0 : i32
    %dma_wait3A_494 = arith.constant 0 : i32
    %dma_wait3A_495 = tpu.memref_slice %arg3[%dma_wait3A_493, %dma_wait3A_494] : memref<100000x64xf32, #tpu.memory_space<hbm>> -> memref<100000x64xf32, #tpu.memory_space<hbm>>
    tpu.wait_indirect_dma semaphore(%arg8 : memref<!tpu.dma_semaphore, #tpu.memory_space<semaphore_mem>>) src(%dma_wait3A_495 : memref<100000x64xf32, #tpu.memory_space<hbm>>) dst(%dma_wait3A_490 : memref<128x64xf32, #tpu.memory_space<vmem>>)
    %add3A_496 = arith.constant 640 : i32
    %add3A_497 = arith.addi %mul3A_2, %add3A_496 : i32
    %jit3A_498 = arith.constant 2048 : i32
    %div3A_499 = arith.divsi %add3A_497, %jit3A_498 : i32
    %sign3A_500 = arith.constant 0 : i32
    %sign3A_501 = arith.cmpi sgt, %add3A_497, %sign3A_500 : i32
    %sign3A_502 = arith.extui %sign3A_501 : i1 to i32
    %sign3A_503 = arith.constant 0 : i32
    %sign3A_504 = arith.cmpi slt, %add3A_497, %sign3A_503 : i32
    %sign3A_505 = arith.extui %sign3A_504 : i1 to i32
    %sign3A_506 = arith.subi %sign3A_502, %sign3A_505 : i32
    %sign3A_507 = arith.constant 0 : i32
    %sign3A_508 = arith.cmpi sgt, %jit3A_498, %sign3A_507 : i32
    %sign3A_509 = arith.extui %sign3A_508 : i1 to i32
    %sign3A_510 = arith.constant 0 : i32
    %sign3A_511 = arith.cmpi slt, %jit3A_498, %sign3A_510 : i32
    %sign3A_512 = arith.extui %sign3A_511 : i1 to i32
    %sign3A_513 = arith.subi %sign3A_509, %sign3A_512 : i32
    %ne3A_514 = arith.cmpi ne, %sign3A_506, %sign3A_513 : i32
    %rem3A_515 = arith.remsi %add3A_497, %jit3A_498 : i32
    %ne3A_516 = arith.constant 0 : i32
    %ne3A_517 = arith.cmpi ne, %rem3A_515, %ne3A_516 : i32
    %and3A_518 = arith.andi %ne3A_514, %ne3A_517 : i1
    %sub3A_519 = arith.constant 1 : i32
    %sub3A_520 = arith.subi %div3A_499, %sub3A_519 : i32
    %select_n3A_521 = arith.select %and3A_518, %sub3A_520, %div3A_499 : i32
    %jit3A_522 = arith.constant 2048 : i32
    %eq3A_523 = arith.constant 0 : i32
    %eq3A_524 = arith.cmpi eq, %jit3A_522, %eq3A_523 : i32
    %jit3A_525 = arith.constant 1 : i32
    %select_n3A_526 = arith.select %eq3A_524, %jit3A_525, %jit3A_522 : i32
    %rem3A_527 = arith.remsi %add3A_497, %select_n3A_526 : i32
    %ne3A_528 = arith.constant 0 : i32
    %ne3A_529 = arith.cmpi ne, %rem3A_527, %ne3A_528 : i32
    %lt3A_530 = arith.constant 0 : i32
    %lt3A_531 = arith.cmpi slt, %rem3A_527, %lt3A_530 : i32
    %lt3A_532 = arith.constant 0 : i32
    %lt3A_533 = arith.cmpi slt, %select_n3A_526, %lt3A_532 : i32
    %ne3A_534 = arith.xori %lt3A_531, %lt3A_533 : i1
    %and3A_535 = arith.andi %ne3A_534, %ne3A_529 : i1
    %add3A_536 = arith.addi %rem3A_527, %select_n3A_526 : i32
    %select_n3A_537 = arith.select %and3A_535, %add3A_536, %rem3A_527 : i32
    %dma_start3A_538 = arith.constant 1 : i32
    %dma_start3A_539 = arith.constant 0 : i32
    %dma_start3A_540 = arith.constant 0 : i32
    %dma_start3A_541 = tpu.memref_slice %arg6[%dma_start3A_538, %dma_start3A_539, %dma_start3A_540] : memref<2x128x64xf32, #tpu.memory_space<vmem>> -> memref<1x128x64xf32, #tpu.memory_space<vmem>>
    %dma_start3A_542 = tpu.memref_squeeze %dma_start3A_541 : memref<1x128x64xf32, #tpu.memory_space<vmem>> -> memref<128x64xf32, #tpu.memory_space<vmem>>
    %dma_start3A_543 = arith.constant 0 : i32
    %dma_start3A_544 = tpu.memref_slice %arg4[%select_n3A_521, %select_n3A_537, %dma_start3A_543] : memref<26x2048x64xf32, #tpu.memory_space<hbm>> -> memref<1x128x64xf32, #tpu.memory_space<hbm>>
    %dma_start3A_545 = tpu.memref_squeeze %dma_start3A_544 : memref<1x128x64xf32, #tpu.memory_space<hbm>> -> memref<128x64xf32, #tpu.memory_space<hbm>>
    %dma_start3A_546 = arith.constant 0 : i32
    %dma_start3A_547 = tpu.memref_slice %arg4[%select_n3A_521, %select_n3A_537, %dma_start3A_546] : memref<26x2048x64xf32, #tpu.memory_space<hbm>> -> memref<1x128x64xf32, #tpu.memory_space<hbm>>
    %dma_start3A_548 = tpu.memref_squeeze %dma_start3A_547 : memref<1x128x64xf32, #tpu.memory_space<hbm>> -> memref<128x64xf32, #tpu.memory_space<hbm>>
    %dma_start3A_549 = arith.constant 0 : i32
    %dma_start3A_550 = arith.constant 0 : i32
    %dma_start3A_551 = tpu.memref_slice %arg6[%dma_start3A_538, %dma_start3A_549, %dma_start3A_550] : memref<2x128x64xf32, #tpu.memory_space<vmem>> -> memref<1x128x64xf32, #tpu.memory_space<vmem>>
    %dma_start3A_552 = tpu.memref_squeeze %dma_start3A_551 : memref<1x128x64xf32, #tpu.memory_space<vmem>> -> memref<128x64xf32, #tpu.memory_space<vmem>>
    tpu.enqueue_dma source(%dma_start3A_552 : memref<128x64xf32, #tpu.memory_space<vmem>>) target(%dma_start3A_548 : memref<128x64xf32, #tpu.memory_space<hbm>>) target_semaphore(%arg9 : memref<!tpu.dma_semaphore, #tpu.memory_space<semaphore_mem>>)
    %dma_wait3A_553 = arith.constant 0 : i32
    %dma_wait3A_554 = arith.constant 0 : i32
    %dma_wait3A_555 = arith.constant 0 : i32
    %dma_wait3A_556 = arith.constant 0 : i32
    %dma_wait3A_557 = tpu.memref_slice %arg6[%dma_wait3A_553, %dma_wait3A_555, %dma_wait3A_556] : memref<2x128x64xf32, #tpu.memory_space<vmem>> -> memref<1x128x64xf32, #tpu.memory_space<vmem>>
    %dma_wait3A_558 = tpu.memref_squeeze %dma_wait3A_557 : memref<1x128x64xf32, #tpu.memory_space<vmem>> -> memref<128x64xf32, #tpu.memory_space<vmem>>
    %dma_wait3A_559 = arith.constant 0 : i32
    %dma_wait3A_560 = arith.constant 0 : i32
    %dma_wait3A_561 = tpu.memref_slice %arg4[%dma_wait3A_554, %dma_wait3A_559, %dma_wait3A_560] : memref<26x2048x64xf32, #tpu.memory_space<hbm>> -> memref<1x128x64xf32, #tpu.memory_space<hbm>>
    %dma_wait3A_562 = tpu.memref_squeeze %dma_wait3A_561 : memref<1x128x64xf32, #tpu.memory_space<hbm>> -> memref<128x64xf32, #tpu.memory_space<hbm>>
    %dma_wait3A_563 = arith.constant 0 : i32
    %dma_wait3A_564 = arith.constant 0 : i32
    %dma_wait3A_565 = tpu.memref_slice %arg4[%dma_wait3A_554, %dma_wait3A_563, %dma_wait3A_564] : memref<26x2048x64xf32, #tpu.memory_space<hbm>> -> memref<1x128x64xf32, #tpu.memory_space<hbm>>
    %dma_wait3A_566 = tpu.memref_squeeze %dma_wait3A_565 : memref<1x128x64xf32, #tpu.memory_space<hbm>> -> memref<128x64xf32, #tpu.memory_space<hbm>>
    %dma_wait3A_567 = arith.constant 0 : i32
    %dma_wait3A_568 = arith.constant 0 : i32
    %dma_wait3A_569 = tpu.memref_slice %arg6[%dma_wait3A_553, %dma_wait3A_567, %dma_wait3A_568] : memref<2x128x64xf32, #tpu.memory_space<vmem>> -> memref<1x128x64xf32, #tpu.memory_space<vmem>>
    %dma_wait3A_570 = tpu.memref_squeeze %dma_wait3A_569 : memref<1x128x64xf32, #tpu.memory_space<vmem>> -> memref<128x64xf32, #tpu.memory_space<vmem>>
    tpu.wait_dma2 semaphore(%arg9 : memref<!tpu.dma_semaphore, #tpu.memory_space<semaphore_mem>>) src(%dma_wait3A_570 : memref<128x64xf32, #tpu.memory_space<vmem>>) dst(%dma_wait3A_566 : memref<128x64xf32, #tpu.memory_space<hbm>>)
    %dma_start3A_571 = arith.constant 1 : i32
    %dma_start3A_572 = arith.constant 0 : i32
    %dma_start3A_573 = arith.constant 0 : i32
    %dma_start3A_574 = tpu.memref_slice %arg6[%dma_start3A_571, %dma_start3A_572, %dma_start3A_573] : memref<2x128x64xf32, #tpu.memory_space<vmem>> -> memref<1x128x64xf32, #tpu.memory_space<vmem>>
    %dma_start3A_575 = tpu.memref_squeeze %dma_start3A_574 : memref<1x128x64xf32, #tpu.memory_space<vmem>> -> memref<128x64xf32, #tpu.memory_space<vmem>>
    %dma_start3A_576 = arith.constant 896 : i32
    %dma_start3A_577 = tpu.memref_slice %arg5[%dma_start3A_576] : memref<1664xi32, #tpu.memory_space<vmem>> -> memref<128xi32, #tpu.memory_space<vmem>>
    %dma_start3A_578 = arith.constant 0 : i32
    %dma_start3A_579 = arith.constant 0 : i32
    %dma_start3A_580 = tpu.memref_slice %arg3[%dma_start3A_578, %dma_start3A_579] : memref<100000x64xf32, #tpu.memory_space<hbm>> -> memref<100000x64xf32, #tpu.memory_space<hbm>>
    tpu.enqueue_indirect_dma source(%dma_start3A_580 : memref<100000x64xf32, #tpu.memory_space<hbm>>) target(%dma_start3A_575 : memref<128x64xf32, #tpu.memory_space<vmem>>) offsets(%dma_start3A_577 : memref<128xi32, #tpu.memory_space<vmem>>) semaphore(%arg8 : memref<!tpu.dma_semaphore, #tpu.memory_space<semaphore_mem>>)
    %dma_wait3A_581 = arith.constant 0 : i32
    %dma_wait3A_582 = arith.constant 0 : i32
    %dma_wait3A_583 = arith.constant 0 : i32
    %dma_wait3A_584 = tpu.memref_slice %arg6[%dma_wait3A_581, %dma_wait3A_582, %dma_wait3A_583] : memref<2x128x64xf32, #tpu.memory_space<vmem>> -> memref<1x128x64xf32, #tpu.memory_space<vmem>>
    %dma_wait3A_585 = tpu.memref_squeeze %dma_wait3A_584 : memref<1x128x64xf32, #tpu.memory_space<vmem>> -> memref<128x64xf32, #tpu.memory_space<vmem>>
    %dma_wait3A_586 = arith.constant 0 : i32
    %dma_wait3A_587 = tpu.memref_slice %arg5[%dma_wait3A_586] : memref<1664xi32, #tpu.memory_space<vmem>> -> memref<128xi32, #tpu.memory_space<vmem>>
    %dma_wait3A_588 = arith.constant 0 : i32
    %dma_wait3A_589 = arith.constant 0 : i32
    %dma_wait3A_590 = tpu.memref_slice %arg3[%dma_wait3A_588, %dma_wait3A_589] : memref<100000x64xf32, #tpu.memory_space<hbm>> -> memref<100000x64xf32, #tpu.memory_space<hbm>>
    tpu.wait_indirect_dma semaphore(%arg7 : memref<!tpu.dma_semaphore, #tpu.memory_space<semaphore_mem>>) src(%dma_wait3A_590 : memref<100000x64xf32, #tpu.memory_space<hbm>>) dst(%dma_wait3A_585 : memref<128x64xf32, #tpu.memory_space<vmem>>)
    %add3A_591 = arith.constant 768 : i32
    %add3A_592 = arith.addi %mul3A_2, %add3A_591 : i32
    %jit3A_593 = arith.constant 2048 : i32
    %div3A_594 = arith.divsi %add3A_592, %jit3A_593 : i32
    %sign3A_595 = arith.constant 0 : i32
    %sign3A_596 = arith.cmpi sgt, %add3A_592, %sign3A_595 : i32
    %sign3A_597 = arith.extui %sign3A_596 : i1 to i32
    %sign3A_598 = arith.constant 0 : i32
    %sign3A_599 = arith.cmpi slt, %add3A_592, %sign3A_598 : i32
    %sign3A_600 = arith.extui %sign3A_599 : i1 to i32
    %sign3A_601 = arith.subi %sign3A_597, %sign3A_600 : i32
    %sign3A_602 = arith.constant 0 : i32
    %sign3A_603 = arith.cmpi sgt, %jit3A_593, %sign3A_602 : i32
    %sign3A_604 = arith.extui %sign3A_603 : i1 to i32
    %sign3A_605 = arith.constant 0 : i32
    %sign3A_606 = arith.cmpi slt, %jit3A_593, %sign3A_605 : i32
    %sign3A_607 = arith.extui %sign3A_606 : i1 to i32
    %sign3A_608 = arith.subi %sign3A_604, %sign3A_607 : i32
    %ne3A_609 = arith.cmpi ne, %sign3A_601, %sign3A_608 : i32
    %rem3A_610 = arith.remsi %add3A_592, %jit3A_593 : i32
    %ne3A_611 = arith.constant 0 : i32
    %ne3A_612 = arith.cmpi ne, %rem3A_610, %ne3A_611 : i32
    %and3A_613 = arith.andi %ne3A_609, %ne3A_612 : i1
    %sub3A_614 = arith.constant 1 : i32
    %sub3A_615 = arith.subi %div3A_594, %sub3A_614 : i32
    %select_n3A_616 = arith.select %and3A_613, %sub3A_615, %div3A_594 : i32
    %jit3A_617 = arith.constant 2048 : i32
    %eq3A_618 = arith.constant 0 : i32
    %eq3A_619 = arith.cmpi eq, %jit3A_617, %eq3A_618 : i32
    %jit3A_620 = arith.constant 1 : i32
    %select_n3A_621 = arith.select %eq3A_619, %jit3A_620, %jit3A_617 : i32
    %rem3A_622 = arith.remsi %add3A_592, %select_n3A_621 : i32
    %ne3A_623 = arith.constant 0 : i32
    %ne3A_624 = arith.cmpi ne, %rem3A_622, %ne3A_623 : i32
    %lt3A_625 = arith.constant 0 : i32
    %lt3A_626 = arith.cmpi slt, %rem3A_622, %lt3A_625 : i32
    %lt3A_627 = arith.constant 0 : i32
    %lt3A_628 = arith.cmpi slt, %select_n3A_621, %lt3A_627 : i32
    %ne3A_629 = arith.xori %lt3A_626, %lt3A_628 : i1
    %and3A_630 = arith.andi %ne3A_629, %ne3A_624 : i1
    %add3A_631 = arith.addi %rem3A_622, %select_n3A_621 : i32
    %select_n3A_632 = arith.select %and3A_630, %add3A_631, %rem3A_622 : i32
    %dma_start3A_633 = arith.constant 0 : i32
    %dma_start3A_634 = arith.constant 0 : i32
    %dma_start3A_635 = arith.constant 0 : i32
    %dma_start3A_636 = tpu.memref_slice %arg6[%dma_start3A_633, %dma_start3A_634, %dma_start3A_635] : memref<2x128x64xf32, #tpu.memory_space<vmem>> -> memref<1x128x64xf32, #tpu.memory_space<vmem>>
    %dma_start3A_637 = tpu.memref_squeeze %dma_start3A_636 : memref<1x128x64xf32, #tpu.memory_space<vmem>> -> memref<128x64xf32, #tpu.memory_space<vmem>>
    %dma_start3A_638 = arith.constant 0 : i32
    %dma_start3A_639 = tpu.memref_slice %arg4[%select_n3A_616, %select_n3A_632, %dma_start3A_638] : memref<26x2048x64xf32, #tpu.memory_space<hbm>> -> memref<1x128x64xf32, #tpu.memory_space<hbm>>
    %dma_start3A_640 = tpu.memref_squeeze %dma_start3A_639 : memref<1x128x64xf32, #tpu.memory_space<hbm>> -> memref<128x64xf32, #tpu.memory_space<hbm>>
    %dma_start3A_641 = arith.constant 0 : i32
    %dma_start3A_642 = tpu.memref_slice %arg4[%select_n3A_616, %select_n3A_632, %dma_start3A_641] : memref<26x2048x64xf32, #tpu.memory_space<hbm>> -> memref<1x128x64xf32, #tpu.memory_space<hbm>>
    %dma_start3A_643 = tpu.memref_squeeze %dma_start3A_642 : memref<1x128x64xf32, #tpu.memory_space<hbm>> -> memref<128x64xf32, #tpu.memory_space<hbm>>
    %dma_start3A_644 = arith.constant 0 : i32
    %dma_start3A_645 = arith.constant 0 : i32
    %dma_start3A_646 = tpu.memref_slice %arg6[%dma_start3A_633, %dma_start3A_644, %dma_start3A_645] : memref<2x128x64xf32, #tpu.memory_space<vmem>> -> memref<1x128x64xf32, #tpu.memory_space<vmem>>
    %dma_start3A_647 = tpu.memref_squeeze %dma_start3A_646 : memref<1x128x64xf32, #tpu.memory_space<vmem>> -> memref<128x64xf32, #tpu.memory_space<vmem>>
    tpu.enqueue_dma source(%dma_start3A_647 : memref<128x64xf32, #tpu.memory_space<vmem>>) target(%dma_start3A_643 : memref<128x64xf32, #tpu.memory_space<hbm>>) target_semaphore(%arg9 : memref<!tpu.dma_semaphore, #tpu.memory_space<semaphore_mem>>)
    %dma_wait3A_648 = arith.constant 0 : i32
    %dma_wait3A_649 = arith.constant 0 : i32
    %dma_wait3A_650 = arith.constant 0 : i32
    %dma_wait3A_651 = arith.constant 0 : i32
    %dma_wait3A_652 = tpu.memref_slice %arg6[%dma_wait3A_648, %dma_wait3A_650, %dma_wait3A_651] : memref<2x128x64xf32, #tpu.memory_space<vmem>> -> memref<1x128x64xf32, #tpu.memory_space<vmem>>
    %dma_wait3A_653 = tpu.memref_squeeze %dma_wait3A_652 : memref<1x128x64xf32, #tpu.memory_space<vmem>> -> memref<128x64xf32, #tpu.memory_space<vmem>>
    %dma_wait3A_654 = arith.constant 0 : i32
    %dma_wait3A_655 = arith.constant 0 : i32
    %dma_wait3A_656 = tpu.memref_slice %arg4[%dma_wait3A_649, %dma_wait3A_654, %dma_wait3A_655] : memref<26x2048x64xf32, #tpu.memory_space<hbm>> -> memref<1x128x64xf32, #tpu.memory_space<hbm>>
    %dma_wait3A_657 = tpu.memref_squeeze %dma_wait3A_656 : memref<1x128x64xf32, #tpu.memory_space<hbm>> -> memref<128x64xf32, #tpu.memory_space<hbm>>
    %dma_wait3A_658 = arith.constant 0 : i32
    %dma_wait3A_659 = arith.constant 0 : i32
    %dma_wait3A_660 = tpu.memref_slice %arg4[%dma_wait3A_649, %dma_wait3A_658, %dma_wait3A_659] : memref<26x2048x64xf32, #tpu.memory_space<hbm>> -> memref<1x128x64xf32, #tpu.memory_space<hbm>>
    %dma_wait3A_661 = tpu.memref_squeeze %dma_wait3A_660 : memref<1x128x64xf32, #tpu.memory_space<hbm>> -> memref<128x64xf32, #tpu.memory_space<hbm>>
    %dma_wait3A_662 = arith.constant 0 : i32
    %dma_wait3A_663 = arith.constant 0 : i32
    %dma_wait3A_664 = tpu.memref_slice %arg6[%dma_wait3A_648, %dma_wait3A_662, %dma_wait3A_663] : memref<2x128x64xf32, #tpu.memory_space<vmem>> -> memref<1x128x64xf32, #tpu.memory_space<vmem>>
    %dma_wait3A_665 = tpu.memref_squeeze %dma_wait3A_664 : memref<1x128x64xf32, #tpu.memory_space<vmem>> -> memref<128x64xf32, #tpu.memory_space<vmem>>
    tpu.wait_dma2 semaphore(%arg9 : memref<!tpu.dma_semaphore, #tpu.memory_space<semaphore_mem>>) src(%dma_wait3A_665 : memref<128x64xf32, #tpu.memory_space<vmem>>) dst(%dma_wait3A_661 : memref<128x64xf32, #tpu.memory_space<hbm>>)
    %dma_start3A_666 = arith.constant 0 : i32
    %dma_start3A_667 = arith.constant 0 : i32
    %dma_start3A_668 = arith.constant 0 : i32
    %dma_start3A_669 = tpu.memref_slice %arg6[%dma_start3A_666, %dma_start3A_667, %dma_start3A_668] : memref<2x128x64xf32, #tpu.memory_space<vmem>> -> memref<1x128x64xf32, #tpu.memory_space<vmem>>
    %dma_start3A_670 = tpu.memref_squeeze %dma_start3A_669 : memref<1x128x64xf32, #tpu.memory_space<vmem>> -> memref<128x64xf32, #tpu.memory_space<vmem>>
    %dma_start3A_671 = arith.constant 1024 : i32
    %dma_start3A_672 = tpu.memref_slice %arg5[%dma_start3A_671] : memref<1664xi32, #tpu.memory_space<vmem>> -> memref<128xi32, #tpu.memory_space<vmem>>
    %dma_start3A_673 = arith.constant 0 : i32
    %dma_start3A_674 = arith.constant 0 : i32
    %dma_start3A_675 = tpu.memref_slice %arg3[%dma_start3A_673, %dma_start3A_674] : memref<100000x64xf32, #tpu.memory_space<hbm>> -> memref<100000x64xf32, #tpu.memory_space<hbm>>
    tpu.enqueue_indirect_dma source(%dma_start3A_675 : memref<100000x64xf32, #tpu.memory_space<hbm>>) target(%dma_start3A_670 : memref<128x64xf32, #tpu.memory_space<vmem>>) offsets(%dma_start3A_672 : memref<128xi32, #tpu.memory_space<vmem>>) semaphore(%arg7 : memref<!tpu.dma_semaphore, #tpu.memory_space<semaphore_mem>>)
    %dma_wait3A_676 = arith.constant 1 : i32
    %dma_wait3A_677 = arith.constant 0 : i32
    %dma_wait3A_678 = arith.constant 0 : i32
    %dma_wait3A_679 = tpu.memref_slice %arg6[%dma_wait3A_676, %dma_wait3A_677, %dma_wait3A_678] : memref<2x128x64xf32, #tpu.memory_space<vmem>> -> memref<1x128x64xf32, #tpu.memory_space<vmem>>
    %dma_wait3A_680 = tpu.memref_squeeze %dma_wait3A_679 : memref<1x128x64xf32, #tpu.memory_space<vmem>> -> memref<128x64xf32, #tpu.memory_space<vmem>>
    %dma_wait3A_681 = arith.constant 0 : i32
    %dma_wait3A_682 = tpu.memref_slice %arg5[%dma_wait3A_681] : memref<1664xi32, #tpu.memory_space<vmem>> -> memref<128xi32, #tpu.memory_space<vmem>>
    %dma_wait3A_683 = arith.constant 0 : i32
    %dma_wait3A_684 = arith.constant 0 : i32
    %dma_wait3A_685 = tpu.memref_slice %arg3[%dma_wait3A_683, %dma_wait3A_684] : memref<100000x64xf32, #tpu.memory_space<hbm>> -> memref<100000x64xf32, #tpu.memory_space<hbm>>
    tpu.wait_indirect_dma semaphore(%arg8 : memref<!tpu.dma_semaphore, #tpu.memory_space<semaphore_mem>>) src(%dma_wait3A_685 : memref<100000x64xf32, #tpu.memory_space<hbm>>) dst(%dma_wait3A_680 : memref<128x64xf32, #tpu.memory_space<vmem>>)
    %add3A_686 = arith.constant 896 : i32
    %add3A_687 = arith.addi %mul3A_2, %add3A_686 : i32
    %jit3A_688 = arith.constant 2048 : i32
    %div3A_689 = arith.divsi %add3A_687, %jit3A_688 : i32
    %sign3A_690 = arith.constant 0 : i32
    %sign3A_691 = arith.cmpi sgt, %add3A_687, %sign3A_690 : i32
    %sign3A_692 = arith.extui %sign3A_691 : i1 to i32
    %sign3A_693 = arith.constant 0 : i32
    %sign3A_694 = arith.cmpi slt, %add3A_687, %sign3A_693 : i32
    %sign3A_695 = arith.extui %sign3A_694 : i1 to i32
    %sign3A_696 = arith.subi %sign3A_692, %sign3A_695 : i32
    %sign3A_697 = arith.constant 0 : i32
    %sign3A_698 = arith.cmpi sgt, %jit3A_688, %sign3A_697 : i32
    %sign3A_699 = arith.extui %sign3A_698 : i1 to i32
    %sign3A_700 = arith.constant 0 : i32
    %sign3A_701 = arith.cmpi slt, %jit3A_688, %sign3A_700 : i32
    %sign3A_702 = arith.extui %sign3A_701 : i1 to i32
    %sign3A_703 = arith.subi %sign3A_699, %sign3A_702 : i32
    %ne3A_704 = arith.cmpi ne, %sign3A_696, %sign3A_703 : i32
    %rem3A_705 = arith.remsi %add3A_687, %jit3A_688 : i32
    %ne3A_706 = arith.constant 0 : i32
    %ne3A_707 = arith.cmpi ne, %rem3A_705, %ne3A_706 : i32
    %and3A_708 = arith.andi %ne3A_704, %ne3A_707 : i1
    %sub3A_709 = arith.constant 1 : i32
    %sub3A_710 = arith.subi %div3A_689, %sub3A_709 : i32
    %select_n3A_711 = arith.select %and3A_708, %sub3A_710, %div3A_689 : i32
    %jit3A_712 = arith.constant 2048 : i32
    %eq3A_713 = arith.constant 0 : i32
    %eq3A_714 = arith.cmpi eq, %jit3A_712, %eq3A_713 : i32
    %jit3A_715 = arith.constant 1 : i32
    %select_n3A_716 = arith.select %eq3A_714, %jit3A_715, %jit3A_712 : i32
    %rem3A_717 = arith.remsi %add3A_687, %select_n3A_716 : i32
    %ne3A_718 = arith.constant 0 : i32
    %ne3A_719 = arith.cmpi ne, %rem3A_717, %ne3A_718 : i32
    %lt3A_720 = arith.constant 0 : i32
    %lt3A_721 = arith.cmpi slt, %rem3A_717, %lt3A_720 : i32
    %lt3A_722 = arith.constant 0 : i32
    %lt3A_723 = arith.cmpi slt, %select_n3A_716, %lt3A_722 : i32
    %ne3A_724 = arith.xori %lt3A_721, %lt3A_723 : i1
    %and3A_725 = arith.andi %ne3A_724, %ne3A_719 : i1
    %add3A_726 = arith.addi %rem3A_717, %select_n3A_716 : i32
    %select_n3A_727 = arith.select %and3A_725, %add3A_726, %rem3A_717 : i32
    %dma_start3A_728 = arith.constant 1 : i32
    %dma_start3A_729 = arith.constant 0 : i32
    %dma_start3A_730 = arith.constant 0 : i32
    %dma_start3A_731 = tpu.memref_slice %arg6[%dma_start3A_728, %dma_start3A_729, %dma_start3A_730] : memref<2x128x64xf32, #tpu.memory_space<vmem>> -> memref<1x128x64xf32, #tpu.memory_space<vmem>>
    %dma_start3A_732 = tpu.memref_squeeze %dma_start3A_731 : memref<1x128x64xf32, #tpu.memory_space<vmem>> -> memref<128x64xf32, #tpu.memory_space<vmem>>
    %dma_start3A_733 = arith.constant 0 : i32
    %dma_start3A_734 = tpu.memref_slice %arg4[%select_n3A_711, %select_n3A_727, %dma_start3A_733] : memref<26x2048x64xf32, #tpu.memory_space<hbm>> -> memref<1x128x64xf32, #tpu.memory_space<hbm>>
    %dma_start3A_735 = tpu.memref_squeeze %dma_start3A_734 : memref<1x128x64xf32, #tpu.memory_space<hbm>> -> memref<128x64xf32, #tpu.memory_space<hbm>>
    %dma_start3A_736 = arith.constant 0 : i32
    %dma_start3A_737 = tpu.memref_slice %arg4[%select_n3A_711, %select_n3A_727, %dma_start3A_736] : memref<26x2048x64xf32, #tpu.memory_space<hbm>> -> memref<1x128x64xf32, #tpu.memory_space<hbm>>
    %dma_start3A_738 = tpu.memref_squeeze %dma_start3A_737 : memref<1x128x64xf32, #tpu.memory_space<hbm>> -> memref<128x64xf32, #tpu.memory_space<hbm>>
    %dma_start3A_739 = arith.constant 0 : i32
    %dma_start3A_740 = arith.constant 0 : i32
    %dma_start3A_741 = tpu.memref_slice %arg6[%dma_start3A_728, %dma_start3A_739, %dma_start3A_740] : memref<2x128x64xf32, #tpu.memory_space<vmem>> -> memref<1x128x64xf32, #tpu.memory_space<vmem>>
    %dma_start3A_742 = tpu.memref_squeeze %dma_start3A_741 : memref<1x128x64xf32, #tpu.memory_space<vmem>> -> memref<128x64xf32, #tpu.memory_space<vmem>>
    tpu.enqueue_dma source(%dma_start3A_742 : memref<128x64xf32, #tpu.memory_space<vmem>>) target(%dma_start3A_738 : memref<128x64xf32, #tpu.memory_space<hbm>>) target_semaphore(%arg9 : memref<!tpu.dma_semaphore, #tpu.memory_space<semaphore_mem>>)
    %dma_wait3A_743 = arith.constant 0 : i32
    %dma_wait3A_744 = arith.constant 0 : i32
    %dma_wait3A_745 = arith.constant 0 : i32
    %dma_wait3A_746 = arith.constant 0 : i32
    %dma_wait3A_747 = tpu.memref_slice %arg6[%dma_wait3A_743, %dma_wait3A_745, %dma_wait3A_746] : memref<2x128x64xf32, #tpu.memory_space<vmem>> -> memref<1x128x64xf32, #tpu.memory_space<vmem>>
    %dma_wait3A_748 = tpu.memref_squeeze %dma_wait3A_747 : memref<1x128x64xf32, #tpu.memory_space<vmem>> -> memref<128x64xf32, #tpu.memory_space<vmem>>
    %dma_wait3A_749 = arith.constant 0 : i32
    %dma_wait3A_750 = arith.constant 0 : i32
    %dma_wait3A_751 = tpu.memref_slice %arg4[%dma_wait3A_744, %dma_wait3A_749, %dma_wait3A_750] : memref<26x2048x64xf32, #tpu.memory_space<hbm>> -> memref<1x128x64xf32, #tpu.memory_space<hbm>>
    %dma_wait3A_752 = tpu.memref_squeeze %dma_wait3A_751 : memref<1x128x64xf32, #tpu.memory_space<hbm>> -> memref<128x64xf32, #tpu.memory_space<hbm>>
    %dma_wait3A_753 = arith.constant 0 : i32
    %dma_wait3A_754 = arith.constant 0 : i32
    %dma_wait3A_755 = tpu.memref_slice %arg4[%dma_wait3A_744, %dma_wait3A_753, %dma_wait3A_754] : memref<26x2048x64xf32, #tpu.memory_space<hbm>> -> memref<1x128x64xf32, #tpu.memory_space<hbm>>
    %dma_wait3A_756 = tpu.memref_squeeze %dma_wait3A_755 : memref<1x128x64xf32, #tpu.memory_space<hbm>> -> memref<128x64xf32, #tpu.memory_space<hbm>>
    %dma_wait3A_757 = arith.constant 0 : i32
    %dma_wait3A_758 = arith.constant 0 : i32
    %dma_wait3A_759 = tpu.memref_slice %arg6[%dma_wait3A_743, %dma_wait3A_757, %dma_wait3A_758] : memref<2x128x64xf32, #tpu.memory_space<vmem>> -> memref<1x128x64xf32, #tpu.memory_space<vmem>>
    %dma_wait3A_760 = tpu.memref_squeeze %dma_wait3A_759 : memref<1x128x64xf32, #tpu.memory_space<vmem>> -> memref<128x64xf32, #tpu.memory_space<vmem>>
    tpu.wait_dma2 semaphore(%arg9 : memref<!tpu.dma_semaphore, #tpu.memory_space<semaphore_mem>>) src(%dma_wait3A_760 : memref<128x64xf32, #tpu.memory_space<vmem>>) dst(%dma_wait3A_756 : memref<128x64xf32, #tpu.memory_space<hbm>>)
    %dma_start3A_761 = arith.constant 1 : i32
    %dma_start3A_762 = arith.constant 0 : i32
    %dma_start3A_763 = arith.constant 0 : i32
    %dma_start3A_764 = tpu.memref_slice %arg6[%dma_start3A_761, %dma_start3A_762, %dma_start3A_763] : memref<2x128x64xf32, #tpu.memory_space<vmem>> -> memref<1x128x64xf32, #tpu.memory_space<vmem>>
    %dma_start3A_765 = tpu.memref_squeeze %dma_start3A_764 : memref<1x128x64xf32, #tpu.memory_space<vmem>> -> memref<128x64xf32, #tpu.memory_space<vmem>>
    %dma_start3A_766 = arith.constant 1152 : i32
    %dma_start3A_767 = tpu.memref_slice %arg5[%dma_start3A_766] : memref<1664xi32, #tpu.memory_space<vmem>> -> memref<128xi32, #tpu.memory_space<vmem>>
    %dma_start3A_768 = arith.constant 0 : i32
    %dma_start3A_769 = arith.constant 0 : i32
    %dma_start3A_770 = tpu.memref_slice %arg3[%dma_start3A_768, %dma_start3A_769] : memref<100000x64xf32, #tpu.memory_space<hbm>> -> memref<100000x64xf32, #tpu.memory_space<hbm>>
    tpu.enqueue_indirect_dma source(%dma_start3A_770 : memref<100000x64xf32, #tpu.memory_space<hbm>>) target(%dma_start3A_765 : memref<128x64xf32, #tpu.memory_space<vmem>>) offsets(%dma_start3A_767 : memref<128xi32, #tpu.memory_space<vmem>>) semaphore(%arg8 : memref<!tpu.dma_semaphore, #tpu.memory_space<semaphore_mem>>)
    %dma_wait3A_771 = arith.constant 0 : i32
    %dma_wait3A_772 = arith.constant 0 : i32
    %dma_wait3A_773 = arith.constant 0 : i32
    %dma_wait3A_774 = tpu.memref_slice %arg6[%dma_wait3A_771, %dma_wait3A_772, %dma_wait3A_773] : memref<2x128x64xf32, #tpu.memory_space<vmem>> -> memref<1x128x64xf32, #tpu.memory_space<vmem>>
    %dma_wait3A_775 = tpu.memref_squeeze %dma_wait3A_774 : memref<1x128x64xf32, #tpu.memory_space<vmem>> -> memref<128x64xf32, #tpu.memory_space<vmem>>
    %dma_wait3A_776 = arith.constant 0 : i32
    %dma_wait3A_777 = tpu.memref_slice %arg5[%dma_wait3A_776] : memref<1664xi32, #tpu.memory_space<vmem>> -> memref<128xi32, #tpu.memory_space<vmem>>
    %dma_wait3A_778 = arith.constant 0 : i32
    %dma_wait3A_779 = arith.constant 0 : i32
    %dma_wait3A_780 = tpu.memref_slice %arg3[%dma_wait3A_778, %dma_wait3A_779] : memref<100000x64xf32, #tpu.memory_space<hbm>> -> memref<100000x64xf32, #tpu.memory_space<hbm>>
    tpu.wait_indirect_dma semaphore(%arg7 : memref<!tpu.dma_semaphore, #tpu.memory_space<semaphore_mem>>) src(%dma_wait3A_780 : memref<100000x64xf32, #tpu.memory_space<hbm>>) dst(%dma_wait3A_775 : memref<128x64xf32, #tpu.memory_space<vmem>>)
    %add3A_781 = arith.constant 1024 : i32
    %add3A_782 = arith.addi %mul3A_2, %add3A_781 : i32
    %jit3A_783 = arith.constant 2048 : i32
    %div3A_784 = arith.divsi %add3A_782, %jit3A_783 : i32
    %sign3A_785 = arith.constant 0 : i32
    %sign3A_786 = arith.cmpi sgt, %add3A_782, %sign3A_785 : i32
    %sign3A_787 = arith.extui %sign3A_786 : i1 to i32
    %sign3A_788 = arith.constant 0 : i32
    %sign3A_789 = arith.cmpi slt, %add3A_782, %sign3A_788 : i32
    %sign3A_790 = arith.extui %sign3A_789 : i1 to i32
    %sign3A_791 = arith.subi %sign3A_787, %sign3A_790 : i32
    %sign3A_792 = arith.constant 0 : i32
    %sign3A_793 = arith.cmpi sgt, %jit3A_783, %sign3A_792 : i32
    %sign3A_794 = arith.extui %sign3A_793 : i1 to i32
    %sign3A_795 = arith.constant 0 : i32
    %sign3A_796 = arith.cmpi slt, %jit3A_783, %sign3A_795 : i32
    %sign3A_797 = arith.extui %sign3A_796 : i1 to i32
    %sign3A_798 = arith.subi %sign3A_794, %sign3A_797 : i32
    %ne3A_799 = arith.cmpi ne, %sign3A_791, %sign3A_798 : i32
    %rem3A_800 = arith.remsi %add3A_782, %jit3A_783 : i32
    %ne3A_801 = arith.constant 0 : i32
    %ne3A_802 = arith.cmpi ne, %rem3A_800, %ne3A_801 : i32
    %and3A_803 = arith.andi %ne3A_799, %ne3A_802 : i1
    %sub3A_804 = arith.constant 1 : i32
    %sub3A_805 = arith.subi %div3A_784, %sub3A_804 : i32
    %select_n3A_806 = arith.select %and3A_803, %sub3A_805, %div3A_784 : i32
    %jit3A_807 = arith.constant 2048 : i32
    %eq3A_808 = arith.constant 0 : i32
    %eq3A_809 = arith.cmpi eq, %jit3A_807, %eq3A_808 : i32
    %jit3A_810 = arith.constant 1 : i32
    %select_n3A_811 = arith.select %eq3A_809, %jit3A_810, %jit3A_807 : i32
    %rem3A_812 = arith.remsi %add3A_782, %select_n3A_811 : i32
    %ne3A_813 = arith.constant 0 : i32
    %ne3A_814 = arith.cmpi ne, %rem3A_812, %ne3A_813 : i32
    %lt3A_815 = arith.constant 0 : i32
    %lt3A_816 = arith.cmpi slt, %rem3A_812, %lt3A_815 : i32
    %lt3A_817 = arith.constant 0 : i32
    %lt3A_818 = arith.cmpi slt, %select_n3A_811, %lt3A_817 : i32
    %ne3A_819 = arith.xori %lt3A_816, %lt3A_818 : i1
    %and3A_820 = arith.andi %ne3A_819, %ne3A_814 : i1
    %add3A_821 = arith.addi %rem3A_812, %select_n3A_811 : i32
    %select_n3A_822 = arith.select %and3A_820, %add3A_821, %rem3A_812 : i32
    %dma_start3A_823 = arith.constant 0 : i32
    %dma_start3A_824 = arith.constant 0 : i32
    %dma_start3A_825 = arith.constant 0 : i32
    %dma_start3A_826 = tpu.memref_slice %arg6[%dma_start3A_823, %dma_start3A_824, %dma_start3A_825] : memref<2x128x64xf32, #tpu.memory_space<vmem>> -> memref<1x128x64xf32, #tpu.memory_space<vmem>>
    %dma_start3A_827 = tpu.memref_squeeze %dma_start3A_826 : memref<1x128x64xf32, #tpu.memory_space<vmem>> -> memref<128x64xf32, #tpu.memory_space<vmem>>
    %dma_start3A_828 = arith.constant 0 : i32
    %dma_start3A_829 = tpu.memref_slice %arg4[%select_n3A_806, %select_n3A_822, %dma_start3A_828] : memref<26x2048x64xf32, #tpu.memory_space<hbm>> -> memref<1x128x64xf32, #tpu.memory_space<hbm>>
    %dma_start3A_830 = tpu.memref_squeeze %dma_start3A_829 : memref<1x128x64xf32, #tpu.memory_space<hbm>> -> memref<128x64xf32, #tpu.memory_space<hbm>>
    %dma_start3A_831 = arith.constant 0 : i32
    %dma_start3A_832 = tpu.memref_slice %arg4[%select_n3A_806, %select_n3A_822, %dma_start3A_831] : memref<26x2048x64xf32, #tpu.memory_space<hbm>> -> memref<1x128x64xf32, #tpu.memory_space<hbm>>
    %dma_start3A_833 = tpu.memref_squeeze %dma_start3A_832 : memref<1x128x64xf32, #tpu.memory_space<hbm>> -> memref<128x64xf32, #tpu.memory_space<hbm>>
    %dma_start3A_834 = arith.constant 0 : i32
    %dma_start3A_835 = arith.constant 0 : i32
    %dma_start3A_836 = tpu.memref_slice %arg6[%dma_start3A_823, %dma_start3A_834, %dma_start3A_835] : memref<2x128x64xf32, #tpu.memory_space<vmem>> -> memref<1x128x64xf32, #tpu.memory_space<vmem>>
    %dma_start3A_837 = tpu.memref_squeeze %dma_start3A_836 : memref<1x128x64xf32, #tpu.memory_space<vmem>> -> memref<128x64xf32, #tpu.memory_space<vmem>>
    tpu.enqueue_dma source(%dma_start3A_837 : memref<128x64xf32, #tpu.memory_space<vmem>>) target(%dma_start3A_833 : memref<128x64xf32, #tpu.memory_space<hbm>>) target_semaphore(%arg9 : memref<!tpu.dma_semaphore, #tpu.memory_space<semaphore_mem>>)
    %dma_wait3A_838 = arith.constant 0 : i32
    %dma_wait3A_839 = arith.constant 0 : i32
    %dma_wait3A_840 = arith.constant 0 : i32
    %dma_wait3A_841 = arith.constant 0 : i32
    %dma_wait3A_842 = tpu.memref_slice %arg6[%dma_wait3A_838, %dma_wait3A_840, %dma_wait3A_841] : memref<2x128x64xf32, #tpu.memory_space<vmem>> -> memref<1x128x64xf32, #tpu.memory_space<vmem>>
    %dma_wait3A_843 = tpu.memref_squeeze %dma_wait3A_842 : memref<1x128x64xf32, #tpu.memory_space<vmem>> -> memref<128x64xf32, #tpu.memory_space<vmem>>
    %dma_wait3A_844 = arith.constant 0 : i32
    %dma_wait3A_845 = arith.constant 0 : i32
    %dma_wait3A_846 = tpu.memref_slice %arg4[%dma_wait3A_839, %dma_wait3A_844, %dma_wait3A_845] : memref<26x2048x64xf32, #tpu.memory_space<hbm>> -> memref<1x128x64xf32, #tpu.memory_space<hbm>>
    %dma_wait3A_847 = tpu.memref_squeeze %dma_wait3A_846 : memref<1x128x64xf32, #tpu.memory_space<hbm>> -> memref<128x64xf32, #tpu.memory_space<hbm>>
    %dma_wait3A_848 = arith.constant 0 : i32
    %dma_wait3A_849 = arith.constant 0 : i32
    %dma_wait3A_850 = tpu.memref_slice %arg4[%dma_wait3A_839, %dma_wait3A_848, %dma_wait3A_849] : memref<26x2048x64xf32, #tpu.memory_space<hbm>> -> memref<1x128x64xf32, #tpu.memory_space<hbm>>
    %dma_wait3A_851 = tpu.memref_squeeze %dma_wait3A_850 : memref<1x128x64xf32, #tpu.memory_space<hbm>> -> memref<128x64xf32, #tpu.memory_space<hbm>>
    %dma_wait3A_852 = arith.constant 0 : i32
    %dma_wait3A_853 = arith.constant 0 : i32
    %dma_wait3A_854 = tpu.memref_slice %arg6[%dma_wait3A_838, %dma_wait3A_852, %dma_wait3A_853] : memref<2x128x64xf32, #tpu.memory_space<vmem>> -> memref<1x128x64xf32, #tpu.memory_space<vmem>>
    %dma_wait3A_855 = tpu.memref_squeeze %dma_wait3A_854 : memref<1x128x64xf32, #tpu.memory_space<vmem>> -> memref<128x64xf32, #tpu.memory_space<vmem>>
    tpu.wait_dma2 semaphore(%arg9 : memref<!tpu.dma_semaphore, #tpu.memory_space<semaphore_mem>>) src(%dma_wait3A_855 : memref<128x64xf32, #tpu.memory_space<vmem>>) dst(%dma_wait3A_851 : memref<128x64xf32, #tpu.memory_space<hbm>>)
    %dma_start3A_856 = arith.constant 0 : i32
    %dma_start3A_857 = arith.constant 0 : i32
    %dma_start3A_858 = arith.constant 0 : i32
    %dma_start3A_859 = tpu.memref_slice %arg6[%dma_start3A_856, %dma_start3A_857, %dma_start3A_858] : memref<2x128x64xf32, #tpu.memory_space<vmem>> -> memref<1x128x64xf32, #tpu.memory_space<vmem>>
    %dma_start3A_860 = tpu.memref_squeeze %dma_start3A_859 : memref<1x128x64xf32, #tpu.memory_space<vmem>> -> memref<128x64xf32, #tpu.memory_space<vmem>>
    %dma_start3A_861 = arith.constant 1280 : i32
    %dma_start3A_862 = tpu.memref_slice %arg5[%dma_start3A_861] : memref<1664xi32, #tpu.memory_space<vmem>> -> memref<128xi32, #tpu.memory_space<vmem>>
    %dma_start3A_863 = arith.constant 0 : i32
    %dma_start3A_864 = arith.constant 0 : i32
    %dma_start3A_865 = tpu.memref_slice %arg3[%dma_start3A_863, %dma_start3A_864] : memref<100000x64xf32, #tpu.memory_space<hbm>> -> memref<100000x64xf32, #tpu.memory_space<hbm>>
    tpu.enqueue_indirect_dma source(%dma_start3A_865 : memref<100000x64xf32, #tpu.memory_space<hbm>>) target(%dma_start3A_860 : memref<128x64xf32, #tpu.memory_space<vmem>>) offsets(%dma_start3A_862 : memref<128xi32, #tpu.memory_space<vmem>>) semaphore(%arg7 : memref<!tpu.dma_semaphore, #tpu.memory_space<semaphore_mem>>)
    %dma_wait3A_866 = arith.constant 1 : i32
    %dma_wait3A_867 = arith.constant 0 : i32
    %dma_wait3A_868 = arith.constant 0 : i32
    %dma_wait3A_869 = tpu.memref_slice %arg6[%dma_wait3A_866, %dma_wait3A_867, %dma_wait3A_868] : memref<2x128x64xf32, #tpu.memory_space<vmem>> -> memref<1x128x64xf32, #tpu.memory_space<vmem>>
    %dma_wait3A_870 = tpu.memref_squeeze %dma_wait3A_869 : memref<1x128x64xf32, #tpu.memory_space<vmem>> -> memref<128x64xf32, #tpu.memory_space<vmem>>
    %dma_wait3A_871 = arith.constant 0 : i32
    %dma_wait3A_872 = tpu.memref_slice %arg5[%dma_wait3A_871] : memref<1664xi32, #tpu.memory_space<vmem>> -> memref<128xi32, #tpu.memory_space<vmem>>
    %dma_wait3A_873 = arith.constant 0 : i32
    %dma_wait3A_874 = arith.constant 0 : i32
    %dma_wait3A_875 = tpu.memref_slice %arg3[%dma_wait3A_873, %dma_wait3A_874] : memref<100000x64xf32, #tpu.memory_space<hbm>> -> memref<100000x64xf32, #tpu.memory_space<hbm>>
    tpu.wait_indirect_dma semaphore(%arg8 : memref<!tpu.dma_semaphore, #tpu.memory_space<semaphore_mem>>) src(%dma_wait3A_875 : memref<100000x64xf32, #tpu.memory_space<hbm>>) dst(%dma_wait3A_870 : memref<128x64xf32, #tpu.memory_space<vmem>>)
    %add3A_876 = arith.constant 1152 : i32
    %add3A_877 = arith.addi %mul3A_2, %add3A_876 : i32
    %jit3A_878 = arith.constant 2048 : i32
    %div3A_879 = arith.divsi %add3A_877, %jit3A_878 : i32
    %sign3A_880 = arith.constant 0 : i32
    %sign3A_881 = arith.cmpi sgt, %add3A_877, %sign3A_880 : i32
    %sign3A_882 = arith.extui %sign3A_881 : i1 to i32
    %sign3A_883 = arith.constant 0 : i32
    %sign3A_884 = arith.cmpi slt, %add3A_877, %sign3A_883 : i32
    %sign3A_885 = arith.extui %sign3A_884 : i1 to i32
    %sign3A_886 = arith.subi %sign3A_882, %sign3A_885 : i32
    %sign3A_887 = arith.constant 0 : i32
    %sign3A_888 = arith.cmpi sgt, %jit3A_878, %sign3A_887 : i32
    %sign3A_889 = arith.extui %sign3A_888 : i1 to i32
    %sign3A_890 = arith.constant 0 : i32
    %sign3A_891 = arith.cmpi slt, %jit3A_878, %sign3A_890 : i32
    %sign3A_892 = arith.extui %sign3A_891 : i1 to i32
    %sign3A_893 = arith.subi %sign3A_889, %sign3A_892 : i32
    %ne3A_894 = arith.cmpi ne, %sign3A_886, %sign3A_893 : i32
    %rem3A_895 = arith.remsi %add3A_877, %jit3A_878 : i32
    %ne3A_896 = arith.constant 0 : i32
    %ne3A_897 = arith.cmpi ne, %rem3A_895, %ne3A_896 : i32
    %and3A_898 = arith.andi %ne3A_894, %ne3A_897 : i1
    %sub3A_899 = arith.constant 1 : i32
    %sub3A_900 = arith.subi %div3A_879, %sub3A_899 : i32
    %select_n3A_901 = arith.select %and3A_898, %sub3A_900, %div3A_879 : i32
    %jit3A_902 = arith.constant 2048 : i32
    %eq3A_903 = arith.constant 0 : i32
    %eq3A_904 = arith.cmpi eq, %jit3A_902, %eq3A_903 : i32
    %jit3A_905 = arith.constant 1 : i32
    %select_n3A_906 = arith.select %eq3A_904, %jit3A_905, %jit3A_902 : i32
    %rem3A_907 = arith.remsi %add3A_877, %select_n3A_906 : i32
    %ne3A_908 = arith.constant 0 : i32
    %ne3A_909 = arith.cmpi ne, %rem3A_907, %ne3A_908 : i32
    %lt3A_910 = arith.constant 0 : i32
    %lt3A_911 = arith.cmpi slt, %rem3A_907, %lt3A_910 : i32
    %lt3A_912 = arith.constant 0 : i32
    %lt3A_913 = arith.cmpi slt, %select_n3A_906, %lt3A_912 : i32
    %ne3A_914 = arith.xori %lt3A_911, %lt3A_913 : i1
    %and3A_915 = arith.andi %ne3A_914, %ne3A_909 : i1
    %add3A_916 = arith.addi %rem3A_907, %select_n3A_906 : i32
    %select_n3A_917 = arith.select %and3A_915, %add3A_916, %rem3A_907 : i32
    %dma_start3A_918 = arith.constant 1 : i32
    %dma_start3A_919 = arith.constant 0 : i32
    %dma_start3A_920 = arith.constant 0 : i32
    %dma_start3A_921 = tpu.memref_slice %arg6[%dma_start3A_918, %dma_start3A_919, %dma_start3A_920] : memref<2x128x64xf32, #tpu.memory_space<vmem>> -> memref<1x128x64xf32, #tpu.memory_space<vmem>>
    %dma_start3A_922 = tpu.memref_squeeze %dma_start3A_921 : memref<1x128x64xf32, #tpu.memory_space<vmem>> -> memref<128x64xf32, #tpu.memory_space<vmem>>
    %dma_start3A_923 = arith.constant 0 : i32
    %dma_start3A_924 = tpu.memref_slice %arg4[%select_n3A_901, %select_n3A_917, %dma_start3A_923] : memref<26x2048x64xf32, #tpu.memory_space<hbm>> -> memref<1x128x64xf32, #tpu.memory_space<hbm>>
    %dma_start3A_925 = tpu.memref_squeeze %dma_start3A_924 : memref<1x128x64xf32, #tpu.memory_space<hbm>> -> memref<128x64xf32, #tpu.memory_space<hbm>>
    %dma_start3A_926 = arith.constant 0 : i32
    %dma_start3A_927 = tpu.memref_slice %arg4[%select_n3A_901, %select_n3A_917, %dma_start3A_926] : memref<26x2048x64xf32, #tpu.memory_space<hbm>> -> memref<1x128x64xf32, #tpu.memory_space<hbm>>
    %dma_start3A_928 = tpu.memref_squeeze %dma_start3A_927 : memref<1x128x64xf32, #tpu.memory_space<hbm>> -> memref<128x64xf32, #tpu.memory_space<hbm>>
    %dma_start3A_929 = arith.constant 0 : i32
    %dma_start3A_930 = arith.constant 0 : i32
    %dma_start3A_931 = tpu.memref_slice %arg6[%dma_start3A_918, %dma_start3A_929, %dma_start3A_930] : memref<2x128x64xf32, #tpu.memory_space<vmem>> -> memref<1x128x64xf32, #tpu.memory_space<vmem>>
    %dma_start3A_932 = tpu.memref_squeeze %dma_start3A_931 : memref<1x128x64xf32, #tpu.memory_space<vmem>> -> memref<128x64xf32, #tpu.memory_space<vmem>>
    tpu.enqueue_dma source(%dma_start3A_932 : memref<128x64xf32, #tpu.memory_space<vmem>>) target(%dma_start3A_928 : memref<128x64xf32, #tpu.memory_space<hbm>>) target_semaphore(%arg9 : memref<!tpu.dma_semaphore, #tpu.memory_space<semaphore_mem>>)
    %dma_wait3A_933 = arith.constant 0 : i32
    %dma_wait3A_934 = arith.constant 0 : i32
    %dma_wait3A_935 = arith.constant 0 : i32
    %dma_wait3A_936 = arith.constant 0 : i32
    %dma_wait3A_937 = tpu.memref_slice %arg6[%dma_wait3A_933, %dma_wait3A_935, %dma_wait3A_936] : memref<2x128x64xf32, #tpu.memory_space<vmem>> -> memref<1x128x64xf32, #tpu.memory_space<vmem>>
    %dma_wait3A_938 = tpu.memref_squeeze %dma_wait3A_937 : memref<1x128x64xf32, #tpu.memory_space<vmem>> -> memref<128x64xf32, #tpu.memory_space<vmem>>
    %dma_wait3A_939 = arith.constant 0 : i32
    %dma_wait3A_940 = arith.constant 0 : i32
    %dma_wait3A_941 = tpu.memref_slice %arg4[%dma_wait3A_934, %dma_wait3A_939, %dma_wait3A_940] : memref<26x2048x64xf32, #tpu.memory_space<hbm>> -> memref<1x128x64xf32, #tpu.memory_space<hbm>>
    %dma_wait3A_942 = tpu.memref_squeeze %dma_wait3A_941 : memref<1x128x64xf32, #tpu.memory_space<hbm>> -> memref<128x64xf32, #tpu.memory_space<hbm>>
    %dma_wait3A_943 = arith.constant 0 : i32
    %dma_wait3A_944 = arith.constant 0 : i32
    %dma_wait3A_945 = tpu.memref_slice %arg4[%dma_wait3A_934, %dma_wait3A_943, %dma_wait3A_944] : memref<26x2048x64xf32, #tpu.memory_space<hbm>> -> memref<1x128x64xf32, #tpu.memory_space<hbm>>
    %dma_wait3A_946 = tpu.memref_squeeze %dma_wait3A_945 : memref<1x128x64xf32, #tpu.memory_space<hbm>> -> memref<128x64xf32, #tpu.memory_space<hbm>>
    %dma_wait3A_947 = arith.constant 0 : i32
    %dma_wait3A_948 = arith.constant 0 : i32
    %dma_wait3A_949 = tpu.memref_slice %arg6[%dma_wait3A_933, %dma_wait3A_947, %dma_wait3A_948] : memref<2x128x64xf32, #tpu.memory_space<vmem>> -> memref<1x128x64xf32, #tpu.memory_space<vmem>>
    %dma_wait3A_950 = tpu.memref_squeeze %dma_wait3A_949 : memref<1x128x64xf32, #tpu.memory_space<vmem>> -> memref<128x64xf32, #tpu.memory_space<vmem>>
    tpu.wait_dma2 semaphore(%arg9 : memref<!tpu.dma_semaphore, #tpu.memory_space<semaphore_mem>>) src(%dma_wait3A_950 : memref<128x64xf32, #tpu.memory_space<vmem>>) dst(%dma_wait3A_946 : memref<128x64xf32, #tpu.memory_space<hbm>>)
    %dma_start3A_951 = arith.constant 1 : i32
    %dma_start3A_952 = arith.constant 0 : i32
    %dma_start3A_953 = arith.constant 0 : i32
    %dma_start3A_954 = tpu.memref_slice %arg6[%dma_start3A_951, %dma_start3A_952, %dma_start3A_953] : memref<2x128x64xf32, #tpu.memory_space<vmem>> -> memref<1x128x64xf32, #tpu.memory_space<vmem>>
    %dma_start3A_955 = tpu.memref_squeeze %dma_start3A_954 : memref<1x128x64xf32, #tpu.memory_space<vmem>> -> memref<128x64xf32, #tpu.memory_space<vmem>>
    %dma_start3A_956 = arith.constant 1408 : i32
    %dma_start3A_957 = tpu.memref_slice %arg5[%dma_start3A_956] : memref<1664xi32, #tpu.memory_space<vmem>> -> memref<128xi32, #tpu.memory_space<vmem>>
    %dma_start3A_958 = arith.constant 0 : i32
    %dma_start3A_959 = arith.constant 0 : i32
    %dma_start3A_960 = tpu.memref_slice %arg3[%dma_start3A_958, %dma_start3A_959] : memref<100000x64xf32, #tpu.memory_space<hbm>> -> memref<100000x64xf32, #tpu.memory_space<hbm>>
    tpu.enqueue_indirect_dma source(%dma_start3A_960 : memref<100000x64xf32, #tpu.memory_space<hbm>>) target(%dma_start3A_955 : memref<128x64xf32, #tpu.memory_space<vmem>>) offsets(%dma_start3A_957 : memref<128xi32, #tpu.memory_space<vmem>>) semaphore(%arg8 : memref<!tpu.dma_semaphore, #tpu.memory_space<semaphore_mem>>)
    %dma_wait3A_961 = arith.constant 0 : i32
    %dma_wait3A_962 = arith.constant 0 : i32
    %dma_wait3A_963 = arith.constant 0 : i32
    %dma_wait3A_964 = tpu.memref_slice %arg6[%dma_wait3A_961, %dma_wait3A_962, %dma_wait3A_963] : memref<2x128x64xf32, #tpu.memory_space<vmem>> -> memref<1x128x64xf32, #tpu.memory_space<vmem>>
    %dma_wait3A_965 = tpu.memref_squeeze %dma_wait3A_964 : memref<1x128x64xf32, #tpu.memory_space<vmem>> -> memref<128x64xf32, #tpu.memory_space<vmem>>
    %dma_wait3A_966 = arith.constant 0 : i32
    %dma_wait3A_967 = tpu.memref_slice %arg5[%dma_wait3A_966] : memref<1664xi32, #tpu.memory_space<vmem>> -> memref<128xi32, #tpu.memory_space<vmem>>
    %dma_wait3A_968 = arith.constant 0 : i32
    %dma_wait3A_969 = arith.constant 0 : i32
    %dma_wait3A_970 = tpu.memref_slice %arg3[%dma_wait3A_968, %dma_wait3A_969] : memref<100000x64xf32, #tpu.memory_space<hbm>> -> memref<100000x64xf32, #tpu.memory_space<hbm>>
    tpu.wait_indirect_dma semaphore(%arg7 : memref<!tpu.dma_semaphore, #tpu.memory_space<semaphore_mem>>) src(%dma_wait3A_970 : memref<100000x64xf32, #tpu.memory_space<hbm>>) dst(%dma_wait3A_965 : memref<128x64xf32, #tpu.memory_space<vmem>>)
    %add3A_971 = arith.constant 1280 : i32
    %add3A_972 = arith.addi %mul3A_2, %add3A_971 : i32
    %jit3A_973 = arith.constant 2048 : i32
    %div3A_974 = arith.divsi %add3A_972, %jit3A_973 : i32
    %sign3A_975 = arith.constant 0 : i32
    %sign3A_976 = arith.cmpi sgt, %add3A_972, %sign3A_975 : i32
    %sign3A_977 = arith.extui %sign3A_976 : i1 to i32
    %sign3A_978 = arith.constant 0 : i32
    %sign3A_979 = arith.cmpi slt, %add3A_972, %sign3A_978 : i32
    %sign3A_980 = arith.extui %sign3A_979 : i1 to i32
    %sign3A_981 = arith.subi %sign3A_977, %sign3A_980 : i32
    %sign3A_982 = arith.constant 0 : i32
    %sign3A_983 = arith.cmpi sgt, %jit3A_973, %sign3A_982 : i32
    %sign3A_984 = arith.extui %sign3A_983 : i1 to i32
    %sign3A_985 = arith.constant 0 : i32
    %sign3A_986 = arith.cmpi slt, %jit3A_973, %sign3A_985 : i32
    %sign3A_987 = arith.extui %sign3A_986 : i1 to i32
    %sign3A_988 = arith.subi %sign3A_984, %sign3A_987 : i32
    %ne3A_989 = arith.cmpi ne, %sign3A_981, %sign3A_988 : i32
    %rem3A_990 = arith.remsi %add3A_972, %jit3A_973 : i32
    %ne3A_991 = arith.constant 0 : i32
    %ne3A_992 = arith.cmpi ne, %rem3A_990, %ne3A_991 : i32
    %and3A_993 = arith.andi %ne3A_989, %ne3A_992 : i1
    %sub3A_994 = arith.constant 1 : i32
    %sub3A_995 = arith.subi %div3A_974, %sub3A_994 : i32
    %select_n3A_996 = arith.select %and3A_993, %sub3A_995, %div3A_974 : i32
    %jit3A_997 = arith.constant 2048 : i32
    %eq3A_998 = arith.constant 0 : i32
    %eq3A_999 = arith.cmpi eq, %jit3A_997, %eq3A_998 : i32
    %jit3A_1000 = arith.constant 1 : i32
    %select_n3A_1001 = arith.select %eq3A_999, %jit3A_1000, %jit3A_997 : i32
    %rem3A_1002 = arith.remsi %add3A_972, %select_n3A_1001 : i32
    %ne3A_1003 = arith.constant 0 : i32
    %ne3A_1004 = arith.cmpi ne, %rem3A_1002, %ne3A_1003 : i32
    %lt3A_1005 = arith.constant 0 : i32
    %lt3A_1006 = arith.cmpi slt, %rem3A_1002, %lt3A_1005 : i32
    %lt3A_1007 = arith.constant 0 : i32
    %lt3A_1008 = arith.cmpi slt, %select_n3A_1001, %lt3A_1007 : i32
    %ne3A_1009 = arith.xori %lt3A_1006, %lt3A_1008 : i1
    %and3A_1010 = arith.andi %ne3A_1009, %ne3A_1004 : i1
    %add3A_1011 = arith.addi %rem3A_1002, %select_n3A_1001 : i32
    %select_n3A_1012 = arith.select %and3A_1010, %add3A_1011, %rem3A_1002 : i32
    %dma_start3A_1013 = arith.constant 0 : i32
    %dma_start3A_1014 = arith.constant 0 : i32
    %dma_start3A_1015 = arith.constant 0 : i32
    %dma_start3A_1016 = tpu.memref_slice %arg6[%dma_start3A_1013, %dma_start3A_1014, %dma_start3A_1015] : memref<2x128x64xf32, #tpu.memory_space<vmem>> -> memref<1x128x64xf32, #tpu.memory_space<vmem>>
    %dma_start3A_1017 = tpu.memref_squeeze %dma_start3A_1016 : memref<1x128x64xf32, #tpu.memory_space<vmem>> -> memref<128x64xf32, #tpu.memory_space<vmem>>
    %dma_start3A_1018 = arith.constant 0 : i32
    %dma_start3A_1019 = tpu.memref_slice %arg4[%select_n3A_996, %select_n3A_1012, %dma_start3A_1018] : memref<26x2048x64xf32, #tpu.memory_space<hbm>> -> memref<1x128x64xf32, #tpu.memory_space<hbm>>
    %dma_start3A_1020 = tpu.memref_squeeze %dma_start3A_1019 : memref<1x128x64xf32, #tpu.memory_space<hbm>> -> memref<128x64xf32, #tpu.memory_space<hbm>>
    %dma_start3A_1021 = arith.constant 0 : i32
    %dma_start3A_1022 = tpu.memref_slice %arg4[%select_n3A_996, %select_n3A_1012, %dma_start3A_1021] : memref<26x2048x64xf32, #tpu.memory_space<hbm>> -> memref<1x128x64xf32, #tpu.memory_space<hbm>>
    %dma_start3A_1023 = tpu.memref_squeeze %dma_start3A_1022 : memref<1x128x64xf32, #tpu.memory_space<hbm>> -> memref<128x64xf32, #tpu.memory_space<hbm>>
    %dma_start3A_1024 = arith.constant 0 : i32
    %dma_start3A_1025 = arith.constant 0 : i32
    %dma_start3A_1026 = tpu.memref_slice %arg6[%dma_start3A_1013, %dma_start3A_1024, %dma_start3A_1025] : memref<2x128x64xf32, #tpu.memory_space<vmem>> -> memref<1x128x64xf32, #tpu.memory_space<vmem>>
    %dma_start3A_1027 = tpu.memref_squeeze %dma_start3A_1026 : memref<1x128x64xf32, #tpu.memory_space<vmem>> -> memref<128x64xf32, #tpu.memory_space<vmem>>
    tpu.enqueue_dma source(%dma_start3A_1027 : memref<128x64xf32, #tpu.memory_space<vmem>>) target(%dma_start3A_1023 : memref<128x64xf32, #tpu.memory_space<hbm>>) target_semaphore(%arg9 : memref<!tpu.dma_semaphore, #tpu.memory_space<semaphore_mem>>)
    %dma_wait3A_1028 = arith.constant 0 : i32
    %dma_wait3A_1029 = arith.constant 0 : i32
    %dma_wait3A_1030 = arith.constant 0 : i32
    %dma_wait3A_1031 = arith.constant 0 : i32
    %dma_wait3A_1032 = tpu.memref_slice %arg6[%dma_wait3A_1028, %dma_wait3A_1030, %dma_wait3A_1031] : memref<2x128x64xf32, #tpu.memory_space<vmem>> -> memref<1x128x64xf32, #tpu.memory_space<vmem>>
    %dma_wait3A_1033 = tpu.memref_squeeze %dma_wait3A_1032 : memref<1x128x64xf32, #tpu.memory_space<vmem>> -> memref<128x64xf32, #tpu.memory_space<vmem>>
    %dma_wait3A_1034 = arith.constant 0 : i32
    %dma_wait3A_1035 = arith.constant 0 : i32
    %dma_wait3A_1036 = tpu.memref_slice %arg4[%dma_wait3A_1029, %dma_wait3A_1034, %dma_wait3A_1035] : memref<26x2048x64xf32, #tpu.memory_space<hbm>> -> memref<1x128x64xf32, #tpu.memory_space<hbm>>
    %dma_wait3A_1037 = tpu.memref_squeeze %dma_wait3A_1036 : memref<1x128x64xf32, #tpu.memory_space<hbm>> -> memref<128x64xf32, #tpu.memory_space<hbm>>
    %dma_wait3A_1038 = arith.constant 0 : i32
    %dma_wait3A_1039 = arith.constant 0 : i32
    %dma_wait3A_1040 = tpu.memref_slice %arg4[%dma_wait3A_1029, %dma_wait3A_1038, %dma_wait3A_1039] : memref<26x2048x64xf32, #tpu.memory_space<hbm>> -> memref<1x128x64xf32, #tpu.memory_space<hbm>>
    %dma_wait3A_1041 = tpu.memref_squeeze %dma_wait3A_1040 : memref<1x128x64xf32, #tpu.memory_space<hbm>> -> memref<128x64xf32, #tpu.memory_space<hbm>>
    %dma_wait3A_1042 = arith.constant 0 : i32
    %dma_wait3A_1043 = arith.constant 0 : i32
    %dma_wait3A_1044 = tpu.memref_slice %arg6[%dma_wait3A_1028, %dma_wait3A_1042, %dma_wait3A_1043] : memref<2x128x64xf32, #tpu.memory_space<vmem>> -> memref<1x128x64xf32, #tpu.memory_space<vmem>>
    %dma_wait3A_1045 = tpu.memref_squeeze %dma_wait3A_1044 : memref<1x128x64xf32, #tpu.memory_space<vmem>> -> memref<128x64xf32, #tpu.memory_space<vmem>>
    tpu.wait_dma2 semaphore(%arg9 : memref<!tpu.dma_semaphore, #tpu.memory_space<semaphore_mem>>) src(%dma_wait3A_1045 : memref<128x64xf32, #tpu.memory_space<vmem>>) dst(%dma_wait3A_1041 : memref<128x64xf32, #tpu.memory_space<hbm>>)
    %dma_start3A_1046 = arith.constant 0 : i32
    %dma_start3A_1047 = arith.constant 0 : i32
    %dma_start3A_1048 = arith.constant 0 : i32
    %dma_start3A_1049 = tpu.memref_slice %arg6[%dma_start3A_1046, %dma_start3A_1047, %dma_start3A_1048] : memref<2x128x64xf32, #tpu.memory_space<vmem>> -> memref<1x128x64xf32, #tpu.memory_space<vmem>>
    %dma_start3A_1050 = tpu.memref_squeeze %dma_start3A_1049 : memref<1x128x64xf32, #tpu.memory_space<vmem>> -> memref<128x64xf32, #tpu.memory_space<vmem>>
    %dma_start3A_1051 = arith.constant 1536 : i32
    %dma_start3A_1052 = tpu.memref_slice %arg5[%dma_start3A_1051] : memref<1664xi32, #tpu.memory_space<vmem>> -> memref<128xi32, #tpu.memory_space<vmem>>
    %dma_start3A_1053 = arith.constant 0 : i32
    %dma_start3A_1054 = arith.constant 0 : i32
    %dma_start3A_1055 = tpu.memref_slice %arg3[%dma_start3A_1053, %dma_start3A_1054] : memref<100000x64xf32, #tpu.memory_space<hbm>> -> memref<100000x64xf32, #tpu.memory_space<hbm>>
    tpu.enqueue_indirect_dma source(%dma_start3A_1055 : memref<100000x64xf32, #tpu.memory_space<hbm>>) target(%dma_start3A_1050 : memref<128x64xf32, #tpu.memory_space<vmem>>) offsets(%dma_start3A_1052 : memref<128xi32, #tpu.memory_space<vmem>>) semaphore(%arg7 : memref<!tpu.dma_semaphore, #tpu.memory_space<semaphore_mem>>)
    %dma_wait3A_1056 = arith.constant 1 : i32
    %dma_wait3A_1057 = arith.constant 0 : i32
    %dma_wait3A_1058 = arith.constant 0 : i32
    %dma_wait3A_1059 = tpu.memref_slice %arg6[%dma_wait3A_1056, %dma_wait3A_1057, %dma_wait3A_1058] : memref<2x128x64xf32, #tpu.memory_space<vmem>> -> memref<1x128x64xf32, #tpu.memory_space<vmem>>
    %dma_wait3A_1060 = tpu.memref_squeeze %dma_wait3A_1059 : memref<1x128x64xf32, #tpu.memory_space<vmem>> -> memref<128x64xf32, #tpu.memory_space<vmem>>
    %dma_wait3A_1061 = arith.constant 0 : i32
    %dma_wait3A_1062 = tpu.memref_slice %arg5[%dma_wait3A_1061] : memref<1664xi32, #tpu.memory_space<vmem>> -> memref<128xi32, #tpu.memory_space<vmem>>
    %dma_wait3A_1063 = arith.constant 0 : i32
    %dma_wait3A_1064 = arith.constant 0 : i32
    %dma_wait3A_1065 = tpu.memref_slice %arg3[%dma_wait3A_1063, %dma_wait3A_1064] : memref<100000x64xf32, #tpu.memory_space<hbm>> -> memref<100000x64xf32, #tpu.memory_space<hbm>>
    tpu.wait_indirect_dma semaphore(%arg8 : memref<!tpu.dma_semaphore, #tpu.memory_space<semaphore_mem>>) src(%dma_wait3A_1065 : memref<100000x64xf32, #tpu.memory_space<hbm>>) dst(%dma_wait3A_1060 : memref<128x64xf32, #tpu.memory_space<vmem>>)
    %add3A_1066 = arith.constant 1408 : i32
    %add3A_1067 = arith.addi %mul3A_2, %add3A_1066 : i32
    %jit3A_1068 = arith.constant 2048 : i32
    %div3A_1069 = arith.divsi %add3A_1067, %jit3A_1068 : i32
    %sign3A_1070 = arith.constant 0 : i32
    %sign3A_1071 = arith.cmpi sgt, %add3A_1067, %sign3A_1070 : i32
    %sign3A_1072 = arith.extui %sign3A_1071 : i1 to i32
    %sign3A_1073 = arith.constant 0 : i32
    %sign3A_1074 = arith.cmpi slt, %add3A_1067, %sign3A_1073 : i32
    %sign3A_1075 = arith.extui %sign3A_1074 : i1 to i32
    %sign3A_1076 = arith.subi %sign3A_1072, %sign3A_1075 : i32
    %sign3A_1077 = arith.constant 0 : i32
    %sign3A_1078 = arith.cmpi sgt, %jit3A_1068, %sign3A_1077 : i32
    %sign3A_1079 = arith.extui %sign3A_1078 : i1 to i32
    %sign3A_1080 = arith.constant 0 : i32
    %sign3A_1081 = arith.cmpi slt, %jit3A_1068, %sign3A_1080 : i32
    %sign3A_1082 = arith.extui %sign3A_1081 : i1 to i32
    %sign3A_1083 = arith.subi %sign3A_1079, %sign3A_1082 : i32
    %ne3A_1084 = arith.cmpi ne, %sign3A_1076, %sign3A_1083 : i32
    %rem3A_1085 = arith.remsi %add3A_1067, %jit3A_1068 : i32
    %ne3A_1086 = arith.constant 0 : i32
    %ne3A_1087 = arith.cmpi ne, %rem3A_1085, %ne3A_1086 : i32
    %and3A_1088 = arith.andi %ne3A_1084, %ne3A_1087 : i1
    %sub3A_1089 = arith.constant 1 : i32
    %sub3A_1090 = arith.subi %div3A_1069, %sub3A_1089 : i32
    %select_n3A_1091 = arith.select %and3A_1088, %sub3A_1090, %div3A_1069 : i32
    %jit3A_1092 = arith.constant 2048 : i32
    %eq3A_1093 = arith.constant 0 : i32
    %eq3A_1094 = arith.cmpi eq, %jit3A_1092, %eq3A_1093 : i32
    %jit3A_1095 = arith.constant 1 : i32
    %select_n3A_1096 = arith.select %eq3A_1094, %jit3A_1095, %jit3A_1092 : i32
    %rem3A_1097 = arith.remsi %add3A_1067, %select_n3A_1096 : i32
    %ne3A_1098 = arith.constant 0 : i32
    %ne3A_1099 = arith.cmpi ne, %rem3A_1097, %ne3A_1098 : i32
    %lt3A_1100 = arith.constant 0 : i32
    %lt3A_1101 = arith.cmpi slt, %rem3A_1097, %lt3A_1100 : i32
    %lt3A_1102 = arith.constant 0 : i32
    %lt3A_1103 = arith.cmpi slt, %select_n3A_1096, %lt3A_1102 : i32
    %ne3A_1104 = arith.xori %lt3A_1101, %lt3A_1103 : i1
    %and3A_1105 = arith.andi %ne3A_1104, %ne3A_1099 : i1
    %add3A_1106 = arith.addi %rem3A_1097, %select_n3A_1096 : i32
    %select_n3A_1107 = arith.select %and3A_1105, %add3A_1106, %rem3A_1097 : i32
    %dma_start3A_1108 = arith.constant 1 : i32
    %dma_start3A_1109 = arith.constant 0 : i32
    %dma_start3A_1110 = arith.constant 0 : i32
    %dma_start3A_1111 = tpu.memref_slice %arg6[%dma_start3A_1108, %dma_start3A_1109, %dma_start3A_1110] : memref<2x128x64xf32, #tpu.memory_space<vmem>> -> memref<1x128x64xf32, #tpu.memory_space<vmem>>
    %dma_start3A_1112 = tpu.memref_squeeze %dma_start3A_1111 : memref<1x128x64xf32, #tpu.memory_space<vmem>> -> memref<128x64xf32, #tpu.memory_space<vmem>>
    %dma_start3A_1113 = arith.constant 0 : i32
    %dma_start3A_1114 = tpu.memref_slice %arg4[%select_n3A_1091, %select_n3A_1107, %dma_start3A_1113] : memref<26x2048x64xf32, #tpu.memory_space<hbm>> -> memref<1x128x64xf32, #tpu.memory_space<hbm>>
    %dma_start3A_1115 = tpu.memref_squeeze %dma_start3A_1114 : memref<1x128x64xf32, #tpu.memory_space<hbm>> -> memref<128x64xf32, #tpu.memory_space<hbm>>
    %dma_start3A_1116 = arith.constant 0 : i32
    %dma_start3A_1117 = tpu.memref_slice %arg4[%select_n3A_1091, %select_n3A_1107, %dma_start3A_1116] : memref<26x2048x64xf32, #tpu.memory_space<hbm>> -> memref<1x128x64xf32, #tpu.memory_space<hbm>>
    %dma_start3A_1118 = tpu.memref_squeeze %dma_start3A_1117 : memref<1x128x64xf32, #tpu.memory_space<hbm>> -> memref<128x64xf32, #tpu.memory_space<hbm>>
    %dma_start3A_1119 = arith.constant 0 : i32
    %dma_start3A_1120 = arith.constant 0 : i32
    %dma_start3A_1121 = tpu.memref_slice %arg6[%dma_start3A_1108, %dma_start3A_1119, %dma_start3A_1120] : memref<2x128x64xf32, #tpu.memory_space<vmem>> -> memref<1x128x64xf32, #tpu.memory_space<vmem>>
    %dma_start3A_1122 = tpu.memref_squeeze %dma_start3A_1121 : memref<1x128x64xf32, #tpu.memory_space<vmem>> -> memref<128x64xf32, #tpu.memory_space<vmem>>
    tpu.enqueue_dma source(%dma_start3A_1122 : memref<128x64xf32, #tpu.memory_space<vmem>>) target(%dma_start3A_1118 : memref<128x64xf32, #tpu.memory_space<hbm>>) target_semaphore(%arg9 : memref<!tpu.dma_semaphore, #tpu.memory_space<semaphore_mem>>)
    %dma_wait3A_1123 = arith.constant 0 : i32
    %dma_wait3A_1124 = arith.constant 0 : i32
    %dma_wait3A_1125 = arith.constant 0 : i32
    %dma_wait3A_1126 = tpu.memref_slice %arg6[%dma_wait3A_1123, %dma_wait3A_1124, %dma_wait3A_1125] : memref<2x128x64xf32, #tpu.memory_space<vmem>> -> memref<1x128x64xf32, #tpu.memory_space<vmem>>
    %dma_wait3A_1127 = tpu.memref_squeeze %dma_wait3A_1126 : memref<1x128x64xf32, #tpu.memory_space<vmem>> -> memref<128x64xf32, #tpu.memory_space<vmem>>
    %dma_wait3A_1128 = arith.constant 0 : i32
    %dma_wait3A_1129 = tpu.memref_slice %arg5[%dma_wait3A_1128] : memref<1664xi32, #tpu.memory_space<vmem>> -> memref<128xi32, #tpu.memory_space<vmem>>
    %dma_wait3A_1130 = arith.constant 0 : i32
    %dma_wait3A_1131 = arith.constant 0 : i32
    %dma_wait3A_1132 = tpu.memref_slice %arg3[%dma_wait3A_1130, %dma_wait3A_1131] : memref<100000x64xf32, #tpu.memory_space<hbm>> -> memref<100000x64xf32, #tpu.memory_space<hbm>>
    tpu.wait_indirect_dma semaphore(%arg7 : memref<!tpu.dma_semaphore, #tpu.memory_space<semaphore_mem>>) src(%dma_wait3A_1132 : memref<100000x64xf32, #tpu.memory_space<hbm>>) dst(%dma_wait3A_1127 : memref<128x64xf32, #tpu.memory_space<vmem>>)
    %add3A_1133 = arith.constant 1536 : i32
    %add3A_1134 = arith.addi %mul3A_2, %add3A_1133 : i32
    %jit3A_1135 = arith.constant 2048 : i32
    %div3A_1136 = arith.divsi %add3A_1134, %jit3A_1135 : i32
    %sign3A_1137 = arith.constant 0 : i32
    %sign3A_1138 = arith.cmpi sgt, %add3A_1134, %sign3A_1137 : i32
    %sign3A_1139 = arith.extui %sign3A_1138 : i1 to i32
    %sign3A_1140 = arith.constant 0 : i32
    %sign3A_1141 = arith.cmpi slt, %add3A_1134, %sign3A_1140 : i32
    %sign3A_1142 = arith.extui %sign3A_1141 : i1 to i32
    %sign3A_1143 = arith.subi %sign3A_1139, %sign3A_1142 : i32
    %sign3A_1144 = arith.constant 0 : i32
    %sign3A_1145 = arith.cmpi sgt, %jit3A_1135, %sign3A_1144 : i32
    %sign3A_1146 = arith.extui %sign3A_1145 : i1 to i32
    %sign3A_1147 = arith.constant 0 : i32
    %sign3A_1148 = arith.cmpi slt, %jit3A_1135, %sign3A_1147 : i32
    %sign3A_1149 = arith.extui %sign3A_1148 : i1 to i32
    %sign3A_1150 = arith.subi %sign3A_1146, %sign3A_1149 : i32
    %ne3A_1151 = arith.cmpi ne, %sign3A_1143, %sign3A_1150 : i32
    %rem3A_1152 = arith.remsi %add3A_1134, %jit3A_1135 : i32
    %ne3A_1153 = arith.constant 0 : i32
    %ne3A_1154 = arith.cmpi ne, %rem3A_1152, %ne3A_1153 : i32
    %and3A_1155 = arith.andi %ne3A_1151, %ne3A_1154 : i1
    %sub3A_1156 = arith.constant 1 : i32
    %sub3A_1157 = arith.subi %div3A_1136, %sub3A_1156 : i32
    %select_n3A_1158 = arith.select %and3A_1155, %sub3A_1157, %div3A_1136 : i32
    %jit3A_1159 = arith.constant 2048 : i32
    %eq3A_1160 = arith.constant 0 : i32
    %eq3A_1161 = arith.cmpi eq, %jit3A_1159, %eq3A_1160 : i32
    %jit3A_1162 = arith.constant 1 : i32
    %select_n3A_1163 = arith.select %eq3A_1161, %jit3A_1162, %jit3A_1159 : i32
    %rem3A_1164 = arith.remsi %add3A_1134, %select_n3A_1163 : i32
    %ne3A_1165 = arith.constant 0 : i32
    %ne3A_1166 = arith.cmpi ne, %rem3A_1164, %ne3A_1165 : i32
    %lt3A_1167 = arith.constant 0 : i32
    %lt3A_1168 = arith.cmpi slt, %rem3A_1164, %lt3A_1167 : i32
    %lt3A_1169 = arith.constant 0 : i32
    %lt3A_1170 = arith.cmpi slt, %select_n3A_1163, %lt3A_1169 : i32
    %ne3A_1171 = arith.xori %lt3A_1168, %lt3A_1170 : i1
    %and3A_1172 = arith.andi %ne3A_1171, %ne3A_1166 : i1
    %add3A_1173 = arith.addi %rem3A_1164, %select_n3A_1163 : i32
    %select_n3A_1174 = arith.select %and3A_1172, %add3A_1173, %rem3A_1164 : i32
    %dma_start3A_1175 = arith.constant 0 : i32
    %dma_start3A_1176 = arith.constant 0 : i32
    %dma_start3A_1177 = arith.constant 0 : i32
    %dma_start3A_1178 = tpu.memref_slice %arg6[%dma_start3A_1175, %dma_start3A_1176, %dma_start3A_1177] : memref<2x128x64xf32, #tpu.memory_space<vmem>> -> memref<1x128x64xf32, #tpu.memory_space<vmem>>
    %dma_start3A_1179 = tpu.memref_squeeze %dma_start3A_1178 : memref<1x128x64xf32, #tpu.memory_space<vmem>> -> memref<128x64xf32, #tpu.memory_space<vmem>>
    %dma_start3A_1180 = arith.constant 0 : i32
    %dma_start3A_1181 = tpu.memref_slice %arg4[%select_n3A_1158, %select_n3A_1174, %dma_start3A_1180] : memref<26x2048x64xf32, #tpu.memory_space<hbm>> -> memref<1x128x64xf32, #tpu.memory_space<hbm>>
    %dma_start3A_1182 = tpu.memref_squeeze %dma_start3A_1181 : memref<1x128x64xf32, #tpu.memory_space<hbm>> -> memref<128x64xf32, #tpu.memory_space<hbm>>
    %dma_start3A_1183 = arith.constant 0 : i32
    %dma_start3A_1184 = tpu.memref_slice %arg4[%select_n3A_1158, %select_n3A_1174, %dma_start3A_1183] : memref<26x2048x64xf32, #tpu.memory_space<hbm>> -> memref<1x128x64xf32, #tpu.memory_space<hbm>>
    %dma_start3A_1185 = tpu.memref_squeeze %dma_start3A_1184 : memref<1x128x64xf32, #tpu.memory_space<hbm>> -> memref<128x64xf32, #tpu.memory_space<hbm>>
    %dma_start3A_1186 = arith.constant 0 : i32
    %dma_start3A_1187 = arith.constant 0 : i32
    %dma_start3A_1188 = tpu.memref_slice %arg6[%dma_start3A_1175, %dma_start3A_1186, %dma_start3A_1187] : memref<2x128x64xf32, #tpu.memory_space<vmem>> -> memref<1x128x64xf32, #tpu.memory_space<vmem>>
    %dma_start3A_1189 = tpu.memref_squeeze %dma_start3A_1188 : memref<1x128x64xf32, #tpu.memory_space<vmem>> -> memref<128x64xf32, #tpu.memory_space<vmem>>
    tpu.enqueue_dma source(%dma_start3A_1189 : memref<128x64xf32, #tpu.memory_space<vmem>>) target(%dma_start3A_1185 : memref<128x64xf32, #tpu.memory_space<hbm>>) target_semaphore(%arg9 : memref<!tpu.dma_semaphore, #tpu.memory_space<semaphore_mem>>)
    %dma_wait3A_1190 = arith.constant 0 : i32
    %dma_wait3A_1191 = arith.constant 0 : i32
    %dma_wait3A_1192 = arith.constant 0 : i32
    %dma_wait3A_1193 = arith.constant 0 : i32
    %dma_wait3A_1194 = tpu.memref_slice %arg6[%dma_wait3A_1190, %dma_wait3A_1192, %dma_wait3A_1193] : memref<2x128x64xf32, #tpu.memory_space<vmem>> -> memref<1x128x64xf32, #tpu.memory_space<vmem>>
    %dma_wait3A_1195 = tpu.memref_squeeze %dma_wait3A_1194 : memref<1x128x64xf32, #tpu.memory_space<vmem>> -> memref<128x64xf32, #tpu.memory_space<vmem>>
    %dma_wait3A_1196 = arith.constant 0 : i32
    %dma_wait3A_1197 = arith.constant 0 : i32
    %dma_wait3A_1198 = tpu.memref_slice %arg4[%dma_wait3A_1191, %dma_wait3A_1196, %dma_wait3A_1197] : memref<26x2048x64xf32, #tpu.memory_space<hbm>> -> memref<1x128x64xf32, #tpu.memory_space<hbm>>
    %dma_wait3A_1199 = tpu.memref_squeeze %dma_wait3A_1198 : memref<1x128x64xf32, #tpu.memory_space<hbm>> -> memref<128x64xf32, #tpu.memory_space<hbm>>
    %dma_wait3A_1200 = arith.constant 0 : i32
    %dma_wait3A_1201 = arith.constant 0 : i32
    %dma_wait3A_1202 = tpu.memref_slice %arg4[%dma_wait3A_1191, %dma_wait3A_1200, %dma_wait3A_1201] : memref<26x2048x64xf32, #tpu.memory_space<hbm>> -> memref<1x128x64xf32, #tpu.memory_space<hbm>>
    %dma_wait3A_1203 = tpu.memref_squeeze %dma_wait3A_1202 : memref<1x128x64xf32, #tpu.memory_space<hbm>> -> memref<128x64xf32, #tpu.memory_space<hbm>>
    %dma_wait3A_1204 = arith.constant 0 : i32
    %dma_wait3A_1205 = arith.constant 0 : i32
    %dma_wait3A_1206 = tpu.memref_slice %arg6[%dma_wait3A_1190, %dma_wait3A_1204, %dma_wait3A_1205] : memref<2x128x64xf32, #tpu.memory_space<vmem>> -> memref<1x128x64xf32, #tpu.memory_space<vmem>>
    %dma_wait3A_1207 = tpu.memref_squeeze %dma_wait3A_1206 : memref<1x128x64xf32, #tpu.memory_space<vmem>> -> memref<128x64xf32, #tpu.memory_space<vmem>>
    tpu.wait_dma2 semaphore(%arg9 : memref<!tpu.dma_semaphore, #tpu.memory_space<semaphore_mem>>) src(%dma_wait3A_1207 : memref<128x64xf32, #tpu.memory_space<vmem>>) dst(%dma_wait3A_1203 : memref<128x64xf32, #tpu.memory_space<hbm>>)
    %dma_wait3A_1208 = arith.constant 0 : i32
    %dma_wait3A_1209 = arith.constant 0 : i32
    %dma_wait3A_1210 = arith.constant 0 : i32
    %dma_wait3A_1211 = arith.constant 0 : i32
    %dma_wait3A_1212 = tpu.memref_slice %arg6[%dma_wait3A_1208, %dma_wait3A_1210, %dma_wait3A_1211] : memref<2x128x64xf32, #tpu.memory_space<vmem>> -> memref<1x128x64xf32, #tpu.memory_space<vmem>>
    %dma_wait3A_1213 = tpu.memref_squeeze %dma_wait3A_1212 : memref<1x128x64xf32, #tpu.memory_space<vmem>> -> memref<128x64xf32, #tpu.memory_space<vmem>>
    %dma_wait3A_1214 = arith.constant 0 : i32
    %dma_wait3A_1215 = arith.constant 0 : i32
    %dma_wait3A_1216 = tpu.memref_slice %arg4[%dma_wait3A_1209, %dma_wait3A_1214, %dma_wait3A_1215] : memref<26x2048x64xf32, #tpu.memory_space<hbm>> -> memref<1x128x64xf32, #tpu.memory_space<hbm>>
    %dma_wait3A_1217 = tpu.memref_squeeze %dma_wait3A_1216 : memref<1x128x64xf32, #tpu.memory_space<hbm>> -> memref<128x64xf32, #tpu.memory_space<hbm>>
    %dma_wait3A_1218 = arith.constant 0 : i32
    %dma_wait3A_1219 = arith.constant 0 : i32
    %dma_wait3A_1220 = tpu.memref_slice %arg4[%dma_wait3A_1209, %dma_wait3A_1218, %dma_wait3A_1219] : memref<26x2048x64xf32, #tpu.memory_space<hbm>> -> memref<1x128x64xf32, #tpu.memory_space<hbm>>
    %dma_wait3A_1221 = tpu.memref_squeeze %dma_wait3A_1220 : memref<1x128x64xf32, #tpu.memory_space<hbm>> -> memref<128x64xf32, #tpu.memory_space<hbm>>
    %dma_wait3A_1222 = arith.constant 0 : i32
    %dma_wait3A_1223 = arith.constant 0 : i32
    %dma_wait3A_1224 = tpu.memref_slice %arg6[%dma_wait3A_1208, %dma_wait3A_1222, %dma_wait3A_1223] : memref<2x128x64xf32, #tpu.memory_space<vmem>> -> memref<1x128x64xf32, #tpu.memory_space<vmem>>
    %dma_wait3A_1225 = tpu.memref_squeeze %dma_wait3A_1224 : memref<1x128x64xf32, #tpu.memory_space<vmem>> -> memref<128x64xf32, #tpu.memory_space<vmem>>
    tpu.wait_dma2 semaphore(%arg9 : memref<!tpu.dma_semaphore, #tpu.memory_space<semaphore_mem>>) src(%dma_wait3A_1225 : memref<128x64xf32, #tpu.memory_space<vmem>>) dst(%dma_wait3A_1221 : memref<128x64xf32, #tpu.memory_space<hbm>>)
    return
  }
}

module attributes {stable_mosaic.version = 14 : i64} {
  func.func @_tc_body(%arg0: i32, %arg1: memref<3xf32, #tpu.memory_space<smem>>, %arg2: memref<26x128x128xf32, #tpu.memory_space<vmem>>, %arg3: memref<1x2x128xf32, #tpu.memory_space<vmem>>) attributes {dimension_semantics = [#tpu.dimension_semantics<arbitrary>], iteration_bounds = array<i64: 8>, scalar_prefetch = 0 : i64, scratch_operands = 0 : i64, tpu.core_type = #tpu.core_type<tc>, window_params = [{transform_indices = @transform_0, window_bounds = array<i64: 3>}, {transform_indices = @transform_1, window_bounds = array<i64: 26, 128, 128>}, {transform_indices = @transform_2, window_bounds = array<i64: 1, 2, 128>}]} {
    %get3A = arith.constant 0 : index
    %get3A_0 = arith.constant 0 : index
    %get3A_1 = arith.constant 0 : index
    %get3A_2 = vector.load %arg2[%get3A, %get3A_0, %get3A_1] : memref<26x128x128xf32, #tpu.memory_space<vmem>>, vector<26x128x128xf32>
    %get3A_3 = arith.constant 0 : index
    %get3A_4 = memref.load %arg1[%get3A_3] : memref<3xf32, #tpu.memory_space<smem>>
    %get3A_5 = arith.constant 1 : index
    %get3A_6 = memref.load %arg1[%get3A_5] : memref<3xf32, #tpu.memory_space<smem>>
    %get3A_7 = arith.constant 2 : index
    %get3A_8 = memref.load %arg1[%get3A_7] : memref<3xf32, #tpu.memory_space<smem>>
    %iota3A = tpu.iota {dimensions = array<i32: 1>} : vector<1x33x1xi32>
    %slice3A = vector.extract_strided_slice %get3A_2 {offsets = [0, 0, 0], sizes = [26, 128, 64], strides = [1, 1, 1]} : vector<26x128x128xf32> to vector<26x128x64xf32>
    %transpose3A = tpu.transpose %slice3A, [0, 2, 1] : vector<26x128x64xf32> -> vector<26x64x128xf32>
    %slice3A_9 = vector.extract_strided_slice %transpose3A {offsets = [0, 0, 0], sizes = [26, 33, 128], strides = [1, 1, 1]} : vector<26x64x128xf32> to vector<26x33x128xf32>
    %eq3A = arith.constant 0 : i32
    %eq3A_10 = vector.broadcast %eq3A : i32 to vector<1x33x1xi32>
    %eq3A_11 = arith.cmpi eq, %iota3A, %eq3A_10 : vector<1x33x1xi32>
    %neg3A = arith.constant 0.000000e+00 : f32
    %neg3A_12 = vector.broadcast %neg3A : f32 to vector<26x33x128xf32>
    %neg3A_13 = arith.subf %neg3A_12, %slice3A_9 : vector<26x33x128xf32>
    %broadcast_in_dim3A = vector.shape_cast %eq3A_11 : vector<1x33x1xi1> to vector<1x33x1xi1>
    %broadcast_in_dim3A_14 = vector.broadcast %broadcast_in_dim3A : vector<1x33x1xi1> to vector<26x33x128xi1>
    %select_n3A = arith.select %broadcast_in_dim3A_14, %slice3A_9, %neg3A_13 : vector<26x33x128xi1>, vector<26x33x128xf32>
    %concatenate3A = tpu.concatenate %slice3A_9, %slice3A_9 in 0 : vector<26x33x128xf32>, vector<26x33x128xf32> -> vector<52x33x128xf32>
    %broadcast_in_dim3A_15 = arith.constant 0.000000e+00 : f32
    %broadcast_in_dim3A_16 = vector.broadcast %broadcast_in_dim3A_15 : f32 to vector<128xf32>
    %slice3A_17 = vector.extract_strided_slice %concatenate3A {offsets = [1, 0, 0], sizes = [26, 33, 128], strides = [1, 1, 1]} : vector<52x33x128xf32> to vector<26x33x128xf32>
    %mul3A = arith.mulf %select_n3A, %slice3A_17 : vector<26x33x128xf32>
    %reduce_sum3A = arith.constant dense<0.000000e+00> : vector<26x128xf32>
    %reduce_sum3A_18 = vector.multi_reduction <add>, %mul3A, %reduce_sum3A [1] : vector<26x33x128xf32> to vector<26x128xf32>
    %max3A = arith.constant 1.000000e+00 : f32
    %max3A_19 = vector.broadcast %max3A : f32 to vector<26x128xf32>
    %max3A_20 = arith.maximumf %reduce_sum3A_18, %max3A_19 : vector<26x128xf32>
    %mul3A_21 = arith.mulf %max3A_20, %max3A_20 : vector<26x128xf32>
    %sub3A = arith.constant 1.000000e+00 : f32
    %sub3A_22 = vector.broadcast %sub3A : f32 to vector<26x128xf32>
    %sub3A_23 = arith.subf %mul3A_21, %sub3A_22 : vector<26x128xf32>
    %max3A_24 = arith.constant 1.000000e-30 : f32
    %max3A_25 = vector.broadcast %max3A_24 : f32 to vector<26x128xf32>
    %max3A_26 = arith.maximumf %sub3A_23, %max3A_25 : vector<26x128xf32>
    %rsqrt3A = math.rsqrt %max3A_26 : vector<26x128xf32>
    %mul3A_27 = arith.mulf %max3A_26, %rsqrt3A : vector<26x128xf32>
    %add3A = arith.addf %max3A_20, %mul3A_27 : vector<26x128xf32>
    %log3A = math.log %add3A : vector<26x128xf32>
    %reduce_sum3A_28 = arith.constant dense<0.000000e+00> : vector<128xf32>
    %reduce_sum3A_29 = vector.multi_reduction <add>, %log3A, %reduce_sum3A_28 [0] : vector<26x128xf32> to vector<128xf32>
    %add3A_30 = arith.addf %broadcast_in_dim3A_16, %reduce_sum3A_29 : vector<128xf32>
    %slice3A_31 = vector.extract_strided_slice %concatenate3A {offsets = [2, 0, 0], sizes = [26, 33, 128], strides = [1, 1, 1]} : vector<52x33x128xf32> to vector<26x33x128xf32>
    %mul3A_32 = arith.mulf %select_n3A, %slice3A_31 : vector<26x33x128xf32>
    %reduce_sum3A_33 = arith.constant dense<0.000000e+00> : vector<26x128xf32>
    %reduce_sum3A_34 = vector.multi_reduction <add>, %mul3A_32, %reduce_sum3A_33 [1] : vector<26x33x128xf32> to vector<26x128xf32>
    %max3A_35 = arith.constant 1.000000e+00 : f32
    %max3A_36 = vector.broadcast %max3A_35 : f32 to vector<26x128xf32>
    %max3A_37 = arith.maximumf %reduce_sum3A_34, %max3A_36 : vector<26x128xf32>
    %mul3A_38 = arith.mulf %max3A_37, %max3A_37 : vector<26x128xf32>
    %sub3A_39 = arith.constant 1.000000e+00 : f32
    %sub3A_40 = vector.broadcast %sub3A_39 : f32 to vector<26x128xf32>
    %sub3A_41 = arith.subf %mul3A_38, %sub3A_40 : vector<26x128xf32>
    %max3A_42 = arith.constant 1.000000e-30 : f32
    %max3A_43 = vector.broadcast %max3A_42 : f32 to vector<26x128xf32>
    %max3A_44 = arith.maximumf %sub3A_41, %max3A_43 : vector<26x128xf32>
    %rsqrt3A_45 = math.rsqrt %max3A_44 : vector<26x128xf32>
    %mul3A_46 = arith.mulf %max3A_44, %rsqrt3A_45 : vector<26x128xf32>
    %add3A_47 = arith.addf %max3A_37, %mul3A_46 : vector<26x128xf32>
    %log3A_48 = math.log %add3A_47 : vector<26x128xf32>
    %reduce_sum3A_49 = arith.constant dense<0.000000e+00> : vector<128xf32>
    %reduce_sum3A_50 = vector.multi_reduction <add>, %log3A_48, %reduce_sum3A_49 [0] : vector<26x128xf32> to vector<128xf32>
    %add3A_51 = arith.addf %add3A_30, %reduce_sum3A_50 : vector<128xf32>
    %slice3A_52 = vector.extract_strided_slice %concatenate3A {offsets = [3, 0, 0], sizes = [26, 33, 128], strides = [1, 1, 1]} : vector<52x33x128xf32> to vector<26x33x128xf32>
    %mul3A_53 = arith.mulf %select_n3A, %slice3A_52 : vector<26x33x128xf32>
    %reduce_sum3A_54 = arith.constant dense<0.000000e+00> : vector<26x128xf32>
    %reduce_sum3A_55 = vector.multi_reduction <add>, %mul3A_53, %reduce_sum3A_54 [1] : vector<26x33x128xf32> to vector<26x128xf32>
    %max3A_56 = arith.constant 1.000000e+00 : f32
    %max3A_57 = vector.broadcast %max3A_56 : f32 to vector<26x128xf32>
    %max3A_58 = arith.maximumf %reduce_sum3A_55, %max3A_57 : vector<26x128xf32>
    %mul3A_59 = arith.mulf %max3A_58, %max3A_58 : vector<26x128xf32>
    %sub3A_60 = arith.constant 1.000000e+00 : f32
    %sub3A_61 = vector.broadcast %sub3A_60 : f32 to vector<26x128xf32>
    %sub3A_62 = arith.subf %mul3A_59, %sub3A_61 : vector<26x128xf32>
    %max3A_63 = arith.constant 1.000000e-30 : f32
    %max3A_64 = vector.broadcast %max3A_63 : f32 to vector<26x128xf32>
    %max3A_65 = arith.maximumf %sub3A_62, %max3A_64 : vector<26x128xf32>
    %rsqrt3A_66 = math.rsqrt %max3A_65 : vector<26x128xf32>
    %mul3A_67 = arith.mulf %max3A_65, %rsqrt3A_66 : vector<26x128xf32>
    %add3A_68 = arith.addf %max3A_58, %mul3A_67 : vector<26x128xf32>
    %log3A_69 = math.log %add3A_68 : vector<26x128xf32>
    %reduce_sum3A_70 = arith.constant dense<0.000000e+00> : vector<128xf32>
    %reduce_sum3A_71 = vector.multi_reduction <add>, %log3A_69, %reduce_sum3A_70 [0] : vector<26x128xf32> to vector<128xf32>
    %add3A_72 = arith.addf %add3A_51, %reduce_sum3A_71 : vector<128xf32>
    %slice3A_73 = vector.extract_strided_slice %concatenate3A {offsets = [4, 0, 0], sizes = [26, 33, 128], strides = [1, 1, 1]} : vector<52x33x128xf32> to vector<26x33x128xf32>
    %mul3A_74 = arith.mulf %select_n3A, %slice3A_73 : vector<26x33x128xf32>
    %reduce_sum3A_75 = arith.constant dense<0.000000e+00> : vector<26x128xf32>
    %reduce_sum3A_76 = vector.multi_reduction <add>, %mul3A_74, %reduce_sum3A_75 [1] : vector<26x33x128xf32> to vector<26x128xf32>
    %max3A_77 = arith.constant 1.000000e+00 : f32
    %max3A_78 = vector.broadcast %max3A_77 : f32 to vector<26x128xf32>
    %max3A_79 = arith.maximumf %reduce_sum3A_76, %max3A_78 : vector<26x128xf32>
    %mul3A_80 = arith.mulf %max3A_79, %max3A_79 : vector<26x128xf32>
    %sub3A_81 = arith.constant 1.000000e+00 : f32
    %sub3A_82 = vector.broadcast %sub3A_81 : f32 to vector<26x128xf32>
    %sub3A_83 = arith.subf %mul3A_80, %sub3A_82 : vector<26x128xf32>
    %max3A_84 = arith.constant 1.000000e-30 : f32
    %max3A_85 = vector.broadcast %max3A_84 : f32 to vector<26x128xf32>
    %max3A_86 = arith.maximumf %sub3A_83, %max3A_85 : vector<26x128xf32>
    %rsqrt3A_87 = math.rsqrt %max3A_86 : vector<26x128xf32>
    %mul3A_88 = arith.mulf %max3A_86, %rsqrt3A_87 : vector<26x128xf32>
    %add3A_89 = arith.addf %max3A_79, %mul3A_88 : vector<26x128xf32>
    %log3A_90 = math.log %add3A_89 : vector<26x128xf32>
    %reduce_sum3A_91 = arith.constant dense<0.000000e+00> : vector<128xf32>
    %reduce_sum3A_92 = vector.multi_reduction <add>, %log3A_90, %reduce_sum3A_91 [0] : vector<26x128xf32> to vector<128xf32>
    %add3A_93 = arith.addf %add3A_72, %reduce_sum3A_92 : vector<128xf32>
    %slice3A_94 = vector.extract_strided_slice %concatenate3A {offsets = [5, 0, 0], sizes = [26, 33, 128], strides = [1, 1, 1]} : vector<52x33x128xf32> to vector<26x33x128xf32>
    %mul3A_95 = arith.mulf %select_n3A, %slice3A_94 : vector<26x33x128xf32>
    %reduce_sum3A_96 = arith.constant dense<0.000000e+00> : vector<26x128xf32>
    %reduce_sum3A_97 = vector.multi_reduction <add>, %mul3A_95, %reduce_sum3A_96 [1] : vector<26x33x128xf32> to vector<26x128xf32>
    %max3A_98 = arith.constant 1.000000e+00 : f32
    %max3A_99 = vector.broadcast %max3A_98 : f32 to vector<26x128xf32>
    %max3A_100 = arith.maximumf %reduce_sum3A_97, %max3A_99 : vector<26x128xf32>
    %mul3A_101 = arith.mulf %max3A_100, %max3A_100 : vector<26x128xf32>
    %sub3A_102 = arith.constant 1.000000e+00 : f32
    %sub3A_103 = vector.broadcast %sub3A_102 : f32 to vector<26x128xf32>
    %sub3A_104 = arith.subf %mul3A_101, %sub3A_103 : vector<26x128xf32>
    %max3A_105 = arith.constant 1.000000e-30 : f32
    %max3A_106 = vector.broadcast %max3A_105 : f32 to vector<26x128xf32>
    %max3A_107 = arith.maximumf %sub3A_104, %max3A_106 : vector<26x128xf32>
    %rsqrt3A_108 = math.rsqrt %max3A_107 : vector<26x128xf32>
    %mul3A_109 = arith.mulf %max3A_107, %rsqrt3A_108 : vector<26x128xf32>
    %add3A_110 = arith.addf %max3A_100, %mul3A_109 : vector<26x128xf32>
    %log3A_111 = math.log %add3A_110 : vector<26x128xf32>
    %reduce_sum3A_112 = arith.constant dense<0.000000e+00> : vector<128xf32>
    %reduce_sum3A_113 = vector.multi_reduction <add>, %log3A_111, %reduce_sum3A_112 [0] : vector<26x128xf32> to vector<128xf32>
    %add3A_114 = arith.addf %add3A_93, %reduce_sum3A_113 : vector<128xf32>
    %slice3A_115 = vector.extract_strided_slice %concatenate3A {offsets = [6, 0, 0], sizes = [26, 33, 128], strides = [1, 1, 1]} : vector<52x33x128xf32> to vector<26x33x128xf32>
    %mul3A_116 = arith.mulf %select_n3A, %slice3A_115 : vector<26x33x128xf32>
    %reduce_sum3A_117 = arith.constant dense<0.000000e+00> : vector<26x128xf32>
    %reduce_sum3A_118 = vector.multi_reduction <add>, %mul3A_116, %reduce_sum3A_117 [1] : vector<26x33x128xf32> to vector<26x128xf32>
    %max3A_119 = arith.constant 1.000000e+00 : f32
    %max3A_120 = vector.broadcast %max3A_119 : f32 to vector<26x128xf32>
    %max3A_121 = arith.maximumf %reduce_sum3A_118, %max3A_120 : vector<26x128xf32>
    %mul3A_122 = arith.mulf %max3A_121, %max3A_121 : vector<26x128xf32>
    %sub3A_123 = arith.constant 1.000000e+00 : f32
    %sub3A_124 = vector.broadcast %sub3A_123 : f32 to vector<26x128xf32>
    %sub3A_125 = arith.subf %mul3A_122, %sub3A_124 : vector<26x128xf32>
    %max3A_126 = arith.constant 1.000000e-30 : f32
    %max3A_127 = vector.broadcast %max3A_126 : f32 to vector<26x128xf32>
    %max3A_128 = arith.maximumf %sub3A_125, %max3A_127 : vector<26x128xf32>
    %rsqrt3A_129 = math.rsqrt %max3A_128 : vector<26x128xf32>
    %mul3A_130 = arith.mulf %max3A_128, %rsqrt3A_129 : vector<26x128xf32>
    %add3A_131 = arith.addf %max3A_121, %mul3A_130 : vector<26x128xf32>
    %log3A_132 = math.log %add3A_131 : vector<26x128xf32>
    %reduce_sum3A_133 = arith.constant dense<0.000000e+00> : vector<128xf32>
    %reduce_sum3A_134 = vector.multi_reduction <add>, %log3A_132, %reduce_sum3A_133 [0] : vector<26x128xf32> to vector<128xf32>
    %add3A_135 = arith.addf %add3A_114, %reduce_sum3A_134 : vector<128xf32>
    %slice3A_136 = vector.extract_strided_slice %concatenate3A {offsets = [7, 0, 0], sizes = [26, 33, 128], strides = [1, 1, 1]} : vector<52x33x128xf32> to vector<26x33x128xf32>
    %mul3A_137 = arith.mulf %select_n3A, %slice3A_136 : vector<26x33x128xf32>
    %reduce_sum3A_138 = arith.constant dense<0.000000e+00> : vector<26x128xf32>
    %reduce_sum3A_139 = vector.multi_reduction <add>, %mul3A_137, %reduce_sum3A_138 [1] : vector<26x33x128xf32> to vector<26x128xf32>
    %max3A_140 = arith.constant 1.000000e+00 : f32
    %max3A_141 = vector.broadcast %max3A_140 : f32 to vector<26x128xf32>
    %max3A_142 = arith.maximumf %reduce_sum3A_139, %max3A_141 : vector<26x128xf32>
    %mul3A_143 = arith.mulf %max3A_142, %max3A_142 : vector<26x128xf32>
    %sub3A_144 = arith.constant 1.000000e+00 : f32
    %sub3A_145 = vector.broadcast %sub3A_144 : f32 to vector<26x128xf32>
    %sub3A_146 = arith.subf %mul3A_143, %sub3A_145 : vector<26x128xf32>
    %max3A_147 = arith.constant 1.000000e-30 : f32
    %max3A_148 = vector.broadcast %max3A_147 : f32 to vector<26x128xf32>
    %max3A_149 = arith.maximumf %sub3A_146, %max3A_148 : vector<26x128xf32>
    %rsqrt3A_150 = math.rsqrt %max3A_149 : vector<26x128xf32>
    %mul3A_151 = arith.mulf %max3A_149, %rsqrt3A_150 : vector<26x128xf32>
    %add3A_152 = arith.addf %max3A_142, %mul3A_151 : vector<26x128xf32>
    %log3A_153 = math.log %add3A_152 : vector<26x128xf32>
    %reduce_sum3A_154 = arith.constant dense<0.000000e+00> : vector<128xf32>
    %reduce_sum3A_155 = vector.multi_reduction <add>, %log3A_153, %reduce_sum3A_154 [0] : vector<26x128xf32> to vector<128xf32>
    %add3A_156 = arith.addf %add3A_135, %reduce_sum3A_155 : vector<128xf32>
    %slice3A_157 = vector.extract_strided_slice %concatenate3A {offsets = [8, 0, 0], sizes = [26, 33, 128], strides = [1, 1, 1]} : vector<52x33x128xf32> to vector<26x33x128xf32>
    %mul3A_158 = arith.mulf %select_n3A, %slice3A_157 : vector<26x33x128xf32>
    %reduce_sum3A_159 = arith.constant dense<0.000000e+00> : vector<26x128xf32>
    %reduce_sum3A_160 = vector.multi_reduction <add>, %mul3A_158, %reduce_sum3A_159 [1] : vector<26x33x128xf32> to vector<26x128xf32>
    %max3A_161 = arith.constant 1.000000e+00 : f32
    %max3A_162 = vector.broadcast %max3A_161 : f32 to vector<26x128xf32>
    %max3A_163 = arith.maximumf %reduce_sum3A_160, %max3A_162 : vector<26x128xf32>
    %mul3A_164 = arith.mulf %max3A_163, %max3A_163 : vector<26x128xf32>
    %sub3A_165 = arith.constant 1.000000e+00 : f32
    %sub3A_166 = vector.broadcast %sub3A_165 : f32 to vector<26x128xf32>
    %sub3A_167 = arith.subf %mul3A_164, %sub3A_166 : vector<26x128xf32>
    %max3A_168 = arith.constant 1.000000e-30 : f32
    %max3A_169 = vector.broadcast %max3A_168 : f32 to vector<26x128xf32>
    %max3A_170 = arith.maximumf %sub3A_167, %max3A_169 : vector<26x128xf32>
    %rsqrt3A_171 = math.rsqrt %max3A_170 : vector<26x128xf32>
    %mul3A_172 = arith.mulf %max3A_170, %rsqrt3A_171 : vector<26x128xf32>
    %add3A_173 = arith.addf %max3A_163, %mul3A_172 : vector<26x128xf32>
    %log3A_174 = math.log %add3A_173 : vector<26x128xf32>
    %reduce_sum3A_175 = arith.constant dense<0.000000e+00> : vector<128xf32>
    %reduce_sum3A_176 = vector.multi_reduction <add>, %log3A_174, %reduce_sum3A_175 [0] : vector<26x128xf32> to vector<128xf32>
    %add3A_177 = arith.addf %add3A_156, %reduce_sum3A_176 : vector<128xf32>
    %slice3A_178 = vector.extract_strided_slice %concatenate3A {offsets = [9, 0, 0], sizes = [26, 33, 128], strides = [1, 1, 1]} : vector<52x33x128xf32> to vector<26x33x128xf32>
    %mul3A_179 = arith.mulf %select_n3A, %slice3A_178 : vector<26x33x128xf32>
    %reduce_sum3A_180 = arith.constant dense<0.000000e+00> : vector<26x128xf32>
    %reduce_sum3A_181 = vector.multi_reduction <add>, %mul3A_179, %reduce_sum3A_180 [1] : vector<26x33x128xf32> to vector<26x128xf32>
    %max3A_182 = arith.constant 1.000000e+00 : f32
    %max3A_183 = vector.broadcast %max3A_182 : f32 to vector<26x128xf32>
    %max3A_184 = arith.maximumf %reduce_sum3A_181, %max3A_183 : vector<26x128xf32>
    %mul3A_185 = arith.mulf %max3A_184, %max3A_184 : vector<26x128xf32>
    %sub3A_186 = arith.constant 1.000000e+00 : f32
    %sub3A_187 = vector.broadcast %sub3A_186 : f32 to vector<26x128xf32>
    %sub3A_188 = arith.subf %mul3A_185, %sub3A_187 : vector<26x128xf32>
    %max3A_189 = arith.constant 1.000000e-30 : f32
    %max3A_190 = vector.broadcast %max3A_189 : f32 to vector<26x128xf32>
    %max3A_191 = arith.maximumf %sub3A_188, %max3A_190 : vector<26x128xf32>
    %rsqrt3A_192 = math.rsqrt %max3A_191 : vector<26x128xf32>
    %mul3A_193 = arith.mulf %max3A_191, %rsqrt3A_192 : vector<26x128xf32>
    %add3A_194 = arith.addf %max3A_184, %mul3A_193 : vector<26x128xf32>
    %log3A_195 = math.log %add3A_194 : vector<26x128xf32>
    %reduce_sum3A_196 = arith.constant dense<0.000000e+00> : vector<128xf32>
    %reduce_sum3A_197 = vector.multi_reduction <add>, %log3A_195, %reduce_sum3A_196 [0] : vector<26x128xf32> to vector<128xf32>
    %add3A_198 = arith.addf %add3A_177, %reduce_sum3A_197 : vector<128xf32>
    %slice3A_199 = vector.extract_strided_slice %concatenate3A {offsets = [10, 0, 0], sizes = [26, 33, 128], strides = [1, 1, 1]} : vector<52x33x128xf32> to vector<26x33x128xf32>
    %mul3A_200 = arith.mulf %select_n3A, %slice3A_199 : vector<26x33x128xf32>
    %reduce_sum3A_201 = arith.constant dense<0.000000e+00> : vector<26x128xf32>
    %reduce_sum3A_202 = vector.multi_reduction <add>, %mul3A_200, %reduce_sum3A_201 [1] : vector<26x33x128xf32> to vector<26x128xf32>
    %max3A_203 = arith.constant 1.000000e+00 : f32
    %max3A_204 = vector.broadcast %max3A_203 : f32 to vector<26x128xf32>
    %max3A_205 = arith.maximumf %reduce_sum3A_202, %max3A_204 : vector<26x128xf32>
    %mul3A_206 = arith.mulf %max3A_205, %max3A_205 : vector<26x128xf32>
    %sub3A_207 = arith.constant 1.000000e+00 : f32
    %sub3A_208 = vector.broadcast %sub3A_207 : f32 to vector<26x128xf32>
    %sub3A_209 = arith.subf %mul3A_206, %sub3A_208 : vector<26x128xf32>
    %max3A_210 = arith.constant 1.000000e-30 : f32
    %max3A_211 = vector.broadcast %max3A_210 : f32 to vector<26x128xf32>
    %max3A_212 = arith.maximumf %sub3A_209, %max3A_211 : vector<26x128xf32>
    %rsqrt3A_213 = math.rsqrt %max3A_212 : vector<26x128xf32>
    %mul3A_214 = arith.mulf %max3A_212, %rsqrt3A_213 : vector<26x128xf32>
    %add3A_215 = arith.addf %max3A_205, %mul3A_214 : vector<26x128xf32>
    %log3A_216 = math.log %add3A_215 : vector<26x128xf32>
    %reduce_sum3A_217 = arith.constant dense<0.000000e+00> : vector<128xf32>
    %reduce_sum3A_218 = vector.multi_reduction <add>, %log3A_216, %reduce_sum3A_217 [0] : vector<26x128xf32> to vector<128xf32>
    %add3A_219 = arith.addf %add3A_198, %reduce_sum3A_218 : vector<128xf32>
    %slice3A_220 = vector.extract_strided_slice %concatenate3A {offsets = [11, 0, 0], sizes = [26, 33, 128], strides = [1, 1, 1]} : vector<52x33x128xf32> to vector<26x33x128xf32>
    %mul3A_221 = arith.mulf %select_n3A, %slice3A_220 : vector<26x33x128xf32>
    %reduce_sum3A_222 = arith.constant dense<0.000000e+00> : vector<26x128xf32>
    %reduce_sum3A_223 = vector.multi_reduction <add>, %mul3A_221, %reduce_sum3A_222 [1] : vector<26x33x128xf32> to vector<26x128xf32>
    %max3A_224 = arith.constant 1.000000e+00 : f32
    %max3A_225 = vector.broadcast %max3A_224 : f32 to vector<26x128xf32>
    %max3A_226 = arith.maximumf %reduce_sum3A_223, %max3A_225 : vector<26x128xf32>
    %mul3A_227 = arith.mulf %max3A_226, %max3A_226 : vector<26x128xf32>
    %sub3A_228 = arith.constant 1.000000e+00 : f32
    %sub3A_229 = vector.broadcast %sub3A_228 : f32 to vector<26x128xf32>
    %sub3A_230 = arith.subf %mul3A_227, %sub3A_229 : vector<26x128xf32>
    %max3A_231 = arith.constant 1.000000e-30 : f32
    %max3A_232 = vector.broadcast %max3A_231 : f32 to vector<26x128xf32>
    %max3A_233 = arith.maximumf %sub3A_230, %max3A_232 : vector<26x128xf32>
    %rsqrt3A_234 = math.rsqrt %max3A_233 : vector<26x128xf32>
    %mul3A_235 = arith.mulf %max3A_233, %rsqrt3A_234 : vector<26x128xf32>
    %add3A_236 = arith.addf %max3A_226, %mul3A_235 : vector<26x128xf32>
    %log3A_237 = math.log %add3A_236 : vector<26x128xf32>
    %reduce_sum3A_238 = arith.constant dense<0.000000e+00> : vector<128xf32>
    %reduce_sum3A_239 = vector.multi_reduction <add>, %log3A_237, %reduce_sum3A_238 [0] : vector<26x128xf32> to vector<128xf32>
    %add3A_240 = arith.addf %add3A_219, %reduce_sum3A_239 : vector<128xf32>
    %slice3A_241 = vector.extract_strided_slice %concatenate3A {offsets = [12, 0, 0], sizes = [26, 33, 128], strides = [1, 1, 1]} : vector<52x33x128xf32> to vector<26x33x128xf32>
    %mul3A_242 = arith.mulf %select_n3A, %slice3A_241 : vector<26x33x128xf32>
    %reduce_sum3A_243 = arith.constant dense<0.000000e+00> : vector<26x128xf32>
    %reduce_sum3A_244 = vector.multi_reduction <add>, %mul3A_242, %reduce_sum3A_243 [1] : vector<26x33x128xf32> to vector<26x128xf32>
    %max3A_245 = arith.constant 1.000000e+00 : f32
    %max3A_246 = vector.broadcast %max3A_245 : f32 to vector<26x128xf32>
    %max3A_247 = arith.maximumf %reduce_sum3A_244, %max3A_246 : vector<26x128xf32>
    %mul3A_248 = arith.mulf %max3A_247, %max3A_247 : vector<26x128xf32>
    %sub3A_249 = arith.constant 1.000000e+00 : f32
    %sub3A_250 = vector.broadcast %sub3A_249 : f32 to vector<26x128xf32>
    %sub3A_251 = arith.subf %mul3A_248, %sub3A_250 : vector<26x128xf32>
    %max3A_252 = arith.constant 1.000000e-30 : f32
    %max3A_253 = vector.broadcast %max3A_252 : f32 to vector<26x128xf32>
    %max3A_254 = arith.maximumf %sub3A_251, %max3A_253 : vector<26x128xf32>
    %rsqrt3A_255 = math.rsqrt %max3A_254 : vector<26x128xf32>
    %mul3A_256 = arith.mulf %max3A_254, %rsqrt3A_255 : vector<26x128xf32>
    %add3A_257 = arith.addf %max3A_247, %mul3A_256 : vector<26x128xf32>
    %log3A_258 = math.log %add3A_257 : vector<26x128xf32>
    %reduce_sum3A_259 = arith.constant dense<0.000000e+00> : vector<128xf32>
    %reduce_sum3A_260 = vector.multi_reduction <add>, %log3A_258, %reduce_sum3A_259 [0] : vector<26x128xf32> to vector<128xf32>
    %add3A_261 = arith.addf %add3A_240, %reduce_sum3A_260 : vector<128xf32>
    %slice3A_262 = vector.extract_strided_slice %select_n3A {offsets = [0, 0, 0], sizes = [13, 33, 128], strides = [1, 1, 1]} : vector<26x33x128xf32> to vector<13x33x128xf32>
    %slice3A_263 = vector.extract_strided_slice %slice3A_9 {offsets = [13, 0, 0], sizes = [13, 33, 128], strides = [1, 1, 1]} : vector<26x33x128xf32> to vector<13x33x128xf32>
    %mul3A_264 = arith.mulf %slice3A_262, %slice3A_263 : vector<13x33x128xf32>
    %reduce_sum3A_265 = arith.constant dense<0.000000e+00> : vector<13x128xf32>
    %reduce_sum3A_266 = vector.multi_reduction <add>, %mul3A_264, %reduce_sum3A_265 [1] : vector<13x33x128xf32> to vector<13x128xf32>
    %max3A_267 = arith.constant 1.000000e+00 : f32
    %max3A_268 = vector.broadcast %max3A_267 : f32 to vector<13x128xf32>
    %max3A_269 = arith.maximumf %reduce_sum3A_266, %max3A_268 : vector<13x128xf32>
    %mul3A_270 = arith.mulf %max3A_269, %max3A_269 : vector<13x128xf32>
    %sub3A_271 = arith.constant 1.000000e+00 : f32
    %sub3A_272 = vector.broadcast %sub3A_271 : f32 to vector<13x128xf32>
    %sub3A_273 = arith.subf %mul3A_270, %sub3A_272 : vector<13x128xf32>
    %max3A_274 = arith.constant 1.000000e-30 : f32
    %max3A_275 = vector.broadcast %max3A_274 : f32 to vector<13x128xf32>
    %max3A_276 = arith.maximumf %sub3A_273, %max3A_275 : vector<13x128xf32>
    %rsqrt3A_277 = math.rsqrt %max3A_276 : vector<13x128xf32>
    %mul3A_278 = arith.mulf %max3A_276, %rsqrt3A_277 : vector<13x128xf32>
    %add3A_279 = arith.addf %max3A_269, %mul3A_278 : vector<13x128xf32>
    %log3A_280 = math.log %add3A_279 : vector<13x128xf32>
    %reduce_sum3A_281 = arith.constant dense<0.000000e+00> : vector<128xf32>
    %reduce_sum3A_282 = vector.multi_reduction <add>, %log3A_280, %reduce_sum3A_281 [0] : vector<13x128xf32> to vector<128xf32>
    %add3A_283 = arith.addf %add3A_261, %reduce_sum3A_282 : vector<128xf32>
    %slice3A_284 = vector.extract_strided_slice %transpose3A {offsets = [0, 33, 0], sizes = [26, 1, 128], strides = [1, 1, 1]} : vector<26x64x128xf32> to vector<26x1x128xf32>
    %squeeze3A = vector.shape_cast %slice3A_284 : vector<26x1x128xf32> to vector<26x128xf32>
    %reduce_sum3A_285 = arith.constant dense<0.000000e+00> : vector<128xf32>
    %reduce_sum3A_286 = vector.multi_reduction <add>, %squeeze3A, %reduce_sum3A_285 [0] : vector<26x128xf32> to vector<128xf32>
    %mul3A_287 = vector.broadcast %get3A_4 : f32 to vector<128xf32>
    %mul3A_288 = arith.mulf %mul3A_287, %add3A_283 : vector<128xf32>
    %mul3A_289 = arith.constant 3.250000e+02 : f32
    %mul3A_290 = arith.mulf %get3A_6, %mul3A_289 : f32
    %add3A_291 = arith.addf %mul3A_290, %get3A_8 : f32
    %add3A_292 = vector.broadcast %add3A_291 : f32 to vector<128xf32>
    %add3A_293 = arith.addf %mul3A_288, %add3A_292 : vector<128xf32>
    %add3A_294 = arith.addf %add3A_293, %reduce_sum3A_286 : vector<128xf32>
    %reshape3A = vector.shape_cast %add3A_294 : vector<128xf32> to vector<1x1x128xf32>
    %slice3A_295 = vector.extract_strided_slice %get3A_2 {offsets = [0, 0, 64], sizes = [26, 128, 64], strides = [1, 1, 1]} : vector<26x128x128xf32> to vector<26x128x64xf32>
    %transpose3A_296 = tpu.transpose %slice3A_295, [0, 2, 1] : vector<26x128x64xf32> -> vector<26x64x128xf32>
    %slice3A_297 = vector.extract_strided_slice %transpose3A_296 {offsets = [0, 0, 0], sizes = [26, 33, 128], strides = [1, 1, 1]} : vector<26x64x128xf32> to vector<26x33x128xf32>
    %eq3A_298 = arith.constant 0 : i32
    %eq3A_299 = vector.broadcast %eq3A_298 : i32 to vector<1x33x1xi32>
    %eq3A_300 = arith.cmpi eq, %iota3A, %eq3A_299 : vector<1x33x1xi32>
    %neg3A_301 = arith.constant 0.000000e+00 : f32
    %neg3A_302 = vector.broadcast %neg3A_301 : f32 to vector<26x33x128xf32>
    %neg3A_303 = arith.subf %neg3A_302, %slice3A_297 : vector<26x33x128xf32>
    %broadcast_in_dim3A_304 = vector.shape_cast %eq3A_300 : vector<1x33x1xi1> to vector<1x33x1xi1>
    %broadcast_in_dim3A_305 = vector.broadcast %broadcast_in_dim3A_304 : vector<1x33x1xi1> to vector<26x33x128xi1>
    %select_n3A_306 = arith.select %broadcast_in_dim3A_305, %slice3A_297, %neg3A_303 : vector<26x33x128xi1>, vector<26x33x128xf32>
    %concatenate3A_307 = tpu.concatenate %slice3A_297, %slice3A_297 in 0 : vector<26x33x128xf32>, vector<26x33x128xf32> -> vector<52x33x128xf32>
    %broadcast_in_dim3A_308 = arith.constant 0.000000e+00 : f32
    %broadcast_in_dim3A_309 = vector.broadcast %broadcast_in_dim3A_308 : f32 to vector<128xf32>
    %slice3A_310 = vector.extract_strided_slice %concatenate3A_307 {offsets = [1, 0, 0], sizes = [26, 33, 128], strides = [1, 1, 1]} : vector<52x33x128xf32> to vector<26x33x128xf32>
    %mul3A_311 = arith.mulf %select_n3A_306, %slice3A_310 : vector<26x33x128xf32>
    %reduce_sum3A_312 = arith.constant dense<0.000000e+00> : vector<26x128xf32>
    %reduce_sum3A_313 = vector.multi_reduction <add>, %mul3A_311, %reduce_sum3A_312 [1] : vector<26x33x128xf32> to vector<26x128xf32>
    %max3A_314 = arith.constant 1.000000e+00 : f32
    %max3A_315 = vector.broadcast %max3A_314 : f32 to vector<26x128xf32>
    %max3A_316 = arith.maximumf %reduce_sum3A_313, %max3A_315 : vector<26x128xf32>
    %mul3A_317 = arith.mulf %max3A_316, %max3A_316 : vector<26x128xf32>
    %sub3A_318 = arith.constant 1.000000e+00 : f32
    %sub3A_319 = vector.broadcast %sub3A_318 : f32 to vector<26x128xf32>
    %sub3A_320 = arith.subf %mul3A_317, %sub3A_319 : vector<26x128xf32>
    %max3A_321 = arith.constant 1.000000e-30 : f32
    %max3A_322 = vector.broadcast %max3A_321 : f32 to vector<26x128xf32>
    %max3A_323 = arith.maximumf %sub3A_320, %max3A_322 : vector<26x128xf32>
    %rsqrt3A_324 = math.rsqrt %max3A_323 : vector<26x128xf32>
    %mul3A_325 = arith.mulf %max3A_323, %rsqrt3A_324 : vector<26x128xf32>
    %add3A_326 = arith.addf %max3A_316, %mul3A_325 : vector<26x128xf32>
    %log3A_327 = math.log %add3A_326 : vector<26x128xf32>
    %reduce_sum3A_328 = arith.constant dense<0.000000e+00> : vector<128xf32>
    %reduce_sum3A_329 = vector.multi_reduction <add>, %log3A_327, %reduce_sum3A_328 [0] : vector<26x128xf32> to vector<128xf32>
    %add3A_330 = arith.addf %broadcast_in_dim3A_309, %reduce_sum3A_329 : vector<128xf32>
    %slice3A_331 = vector.extract_strided_slice %concatenate3A_307 {offsets = [2, 0, 0], sizes = [26, 33, 128], strides = [1, 1, 1]} : vector<52x33x128xf32> to vector<26x33x128xf32>
    %mul3A_332 = arith.mulf %select_n3A_306, %slice3A_331 : vector<26x33x128xf32>
    %reduce_sum3A_333 = arith.constant dense<0.000000e+00> : vector<26x128xf32>
    %reduce_sum3A_334 = vector.multi_reduction <add>, %mul3A_332, %reduce_sum3A_333 [1] : vector<26x33x128xf32> to vector<26x128xf32>
    %max3A_335 = arith.constant 1.000000e+00 : f32
    %max3A_336 = vector.broadcast %max3A_335 : f32 to vector<26x128xf32>
    %max3A_337 = arith.maximumf %reduce_sum3A_334, %max3A_336 : vector<26x128xf32>
    %mul3A_338 = arith.mulf %max3A_337, %max3A_337 : vector<26x128xf32>
    %sub3A_339 = arith.constant 1.000000e+00 : f32
    %sub3A_340 = vector.broadcast %sub3A_339 : f32 to vector<26x128xf32>
    %sub3A_341 = arith.subf %mul3A_338, %sub3A_340 : vector<26x128xf32>
    %max3A_342 = arith.constant 1.000000e-30 : f32
    %max3A_343 = vector.broadcast %max3A_342 : f32 to vector<26x128xf32>
    %max3A_344 = arith.maximumf %sub3A_341, %max3A_343 : vector<26x128xf32>
    %rsqrt3A_345 = math.rsqrt %max3A_344 : vector<26x128xf32>
    %mul3A_346 = arith.mulf %max3A_344, %rsqrt3A_345 : vector<26x128xf32>
    %add3A_347 = arith.addf %max3A_337, %mul3A_346 : vector<26x128xf32>
    %log3A_348 = math.log %add3A_347 : vector<26x128xf32>
    %reduce_sum3A_349 = arith.constant dense<0.000000e+00> : vector<128xf32>
    %reduce_sum3A_350 = vector.multi_reduction <add>, %log3A_348, %reduce_sum3A_349 [0] : vector<26x128xf32> to vector<128xf32>
    %add3A_351 = arith.addf %add3A_330, %reduce_sum3A_350 : vector<128xf32>
    %slice3A_352 = vector.extract_strided_slice %concatenate3A_307 {offsets = [3, 0, 0], sizes = [26, 33, 128], strides = [1, 1, 1]} : vector<52x33x128xf32> to vector<26x33x128xf32>
    %mul3A_353 = arith.mulf %select_n3A_306, %slice3A_352 : vector<26x33x128xf32>
    %reduce_sum3A_354 = arith.constant dense<0.000000e+00> : vector<26x128xf32>
    %reduce_sum3A_355 = vector.multi_reduction <add>, %mul3A_353, %reduce_sum3A_354 [1] : vector<26x33x128xf32> to vector<26x128xf32>
    %max3A_356 = arith.constant 1.000000e+00 : f32
    %max3A_357 = vector.broadcast %max3A_356 : f32 to vector<26x128xf32>
    %max3A_358 = arith.maximumf %reduce_sum3A_355, %max3A_357 : vector<26x128xf32>
    %mul3A_359 = arith.mulf %max3A_358, %max3A_358 : vector<26x128xf32>
    %sub3A_360 = arith.constant 1.000000e+00 : f32
    %sub3A_361 = vector.broadcast %sub3A_360 : f32 to vector<26x128xf32>
    %sub3A_362 = arith.subf %mul3A_359, %sub3A_361 : vector<26x128xf32>
    %max3A_363 = arith.constant 1.000000e-30 : f32
    %max3A_364 = vector.broadcast %max3A_363 : f32 to vector<26x128xf32>
    %max3A_365 = arith.maximumf %sub3A_362, %max3A_364 : vector<26x128xf32>
    %rsqrt3A_366 = math.rsqrt %max3A_365 : vector<26x128xf32>
    %mul3A_367 = arith.mulf %max3A_365, %rsqrt3A_366 : vector<26x128xf32>
    %add3A_368 = arith.addf %max3A_358, %mul3A_367 : vector<26x128xf32>
    %log3A_369 = math.log %add3A_368 : vector<26x128xf32>
    %reduce_sum3A_370 = arith.constant dense<0.000000e+00> : vector<128xf32>
    %reduce_sum3A_371 = vector.multi_reduction <add>, %log3A_369, %reduce_sum3A_370 [0] : vector<26x128xf32> to vector<128xf32>
    %add3A_372 = arith.addf %add3A_351, %reduce_sum3A_371 : vector<128xf32>
    %slice3A_373 = vector.extract_strided_slice %concatenate3A_307 {offsets = [4, 0, 0], sizes = [26, 33, 128], strides = [1, 1, 1]} : vector<52x33x128xf32> to vector<26x33x128xf32>
    %mul3A_374 = arith.mulf %select_n3A_306, %slice3A_373 : vector<26x33x128xf32>
    %reduce_sum3A_375 = arith.constant dense<0.000000e+00> : vector<26x128xf32>
    %reduce_sum3A_376 = vector.multi_reduction <add>, %mul3A_374, %reduce_sum3A_375 [1] : vector<26x33x128xf32> to vector<26x128xf32>
    %max3A_377 = arith.constant 1.000000e+00 : f32
    %max3A_378 = vector.broadcast %max3A_377 : f32 to vector<26x128xf32>
    %max3A_379 = arith.maximumf %reduce_sum3A_376, %max3A_378 : vector<26x128xf32>
    %mul3A_380 = arith.mulf %max3A_379, %max3A_379 : vector<26x128xf32>
    %sub3A_381 = arith.constant 1.000000e+00 : f32
    %sub3A_382 = vector.broadcast %sub3A_381 : f32 to vector<26x128xf32>
    %sub3A_383 = arith.subf %mul3A_380, %sub3A_382 : vector<26x128xf32>
    %max3A_384 = arith.constant 1.000000e-30 : f32
    %max3A_385 = vector.broadcast %max3A_384 : f32 to vector<26x128xf32>
    %max3A_386 = arith.maximumf %sub3A_383, %max3A_385 : vector<26x128xf32>
    %rsqrt3A_387 = math.rsqrt %max3A_386 : vector<26x128xf32>
    %mul3A_388 = arith.mulf %max3A_386, %rsqrt3A_387 : vector<26x128xf32>
    %add3A_389 = arith.addf %max3A_379, %mul3A_388 : vector<26x128xf32>
    %log3A_390 = math.log %add3A_389 : vector<26x128xf32>
    %reduce_sum3A_391 = arith.constant dense<0.000000e+00> : vector<128xf32>
    %reduce_sum3A_392 = vector.multi_reduction <add>, %log3A_390, %reduce_sum3A_391 [0] : vector<26x128xf32> to vector<128xf32>
    %add3A_393 = arith.addf %add3A_372, %reduce_sum3A_392 : vector<128xf32>
    %slice3A_394 = vector.extract_strided_slice %concatenate3A_307 {offsets = [5, 0, 0], sizes = [26, 33, 128], strides = [1, 1, 1]} : vector<52x33x128xf32> to vector<26x33x128xf32>
    %mul3A_395 = arith.mulf %select_n3A_306, %slice3A_394 : vector<26x33x128xf32>
    %reduce_sum3A_396 = arith.constant dense<0.000000e+00> : vector<26x128xf32>
    %reduce_sum3A_397 = vector.multi_reduction <add>, %mul3A_395, %reduce_sum3A_396 [1] : vector<26x33x128xf32> to vector<26x128xf32>
    %max3A_398 = arith.constant 1.000000e+00 : f32
    %max3A_399 = vector.broadcast %max3A_398 : f32 to vector<26x128xf32>
    %max3A_400 = arith.maximumf %reduce_sum3A_397, %max3A_399 : vector<26x128xf32>
    %mul3A_401 = arith.mulf %max3A_400, %max3A_400 : vector<26x128xf32>
    %sub3A_402 = arith.constant 1.000000e+00 : f32
    %sub3A_403 = vector.broadcast %sub3A_402 : f32 to vector<26x128xf32>
    %sub3A_404 = arith.subf %mul3A_401, %sub3A_403 : vector<26x128xf32>
    %max3A_405 = arith.constant 1.000000e-30 : f32
    %max3A_406 = vector.broadcast %max3A_405 : f32 to vector<26x128xf32>
    %max3A_407 = arith.maximumf %sub3A_404, %max3A_406 : vector<26x128xf32>
    %rsqrt3A_408 = math.rsqrt %max3A_407 : vector<26x128xf32>
    %mul3A_409 = arith.mulf %max3A_407, %rsqrt3A_408 : vector<26x128xf32>
    %add3A_410 = arith.addf %max3A_400, %mul3A_409 : vector<26x128xf32>
    %log3A_411 = math.log %add3A_410 : vector<26x128xf32>
    %reduce_sum3A_412 = arith.constant dense<0.000000e+00> : vector<128xf32>
    %reduce_sum3A_413 = vector.multi_reduction <add>, %log3A_411, %reduce_sum3A_412 [0] : vector<26x128xf32> to vector<128xf32>
    %add3A_414 = arith.addf %add3A_393, %reduce_sum3A_413 : vector<128xf32>
    %slice3A_415 = vector.extract_strided_slice %concatenate3A_307 {offsets = [6, 0, 0], sizes = [26, 33, 128], strides = [1, 1, 1]} : vector<52x33x128xf32> to vector<26x33x128xf32>
    %mul3A_416 = arith.mulf %select_n3A_306, %slice3A_415 : vector<26x33x128xf32>
    %reduce_sum3A_417 = arith.constant dense<0.000000e+00> : vector<26x128xf32>
    %reduce_sum3A_418 = vector.multi_reduction <add>, %mul3A_416, %reduce_sum3A_417 [1] : vector<26x33x128xf32> to vector<26x128xf32>
    %max3A_419 = arith.constant 1.000000e+00 : f32
    %max3A_420 = vector.broadcast %max3A_419 : f32 to vector<26x128xf32>
    %max3A_421 = arith.maximumf %reduce_sum3A_418, %max3A_420 : vector<26x128xf32>
    %mul3A_422 = arith.mulf %max3A_421, %max3A_421 : vector<26x128xf32>
    %sub3A_423 = arith.constant 1.000000e+00 : f32
    %sub3A_424 = vector.broadcast %sub3A_423 : f32 to vector<26x128xf32>
    %sub3A_425 = arith.subf %mul3A_422, %sub3A_424 : vector<26x128xf32>
    %max3A_426 = arith.constant 1.000000e-30 : f32
    %max3A_427 = vector.broadcast %max3A_426 : f32 to vector<26x128xf32>
    %max3A_428 = arith.maximumf %sub3A_425, %max3A_427 : vector<26x128xf32>
    %rsqrt3A_429 = math.rsqrt %max3A_428 : vector<26x128xf32>
    %mul3A_430 = arith.mulf %max3A_428, %rsqrt3A_429 : vector<26x128xf32>
    %add3A_431 = arith.addf %max3A_421, %mul3A_430 : vector<26x128xf32>
    %log3A_432 = math.log %add3A_431 : vector<26x128xf32>
    %reduce_sum3A_433 = arith.constant dense<0.000000e+00> : vector<128xf32>
    %reduce_sum3A_434 = vector.multi_reduction <add>, %log3A_432, %reduce_sum3A_433 [0] : vector<26x128xf32> to vector<128xf32>
    %add3A_435 = arith.addf %add3A_414, %reduce_sum3A_434 : vector<128xf32>
    %slice3A_436 = vector.extract_strided_slice %concatenate3A_307 {offsets = [7, 0, 0], sizes = [26, 33, 128], strides = [1, 1, 1]} : vector<52x33x128xf32> to vector<26x33x128xf32>
    %mul3A_437 = arith.mulf %select_n3A_306, %slice3A_436 : vector<26x33x128xf32>
    %reduce_sum3A_438 = arith.constant dense<0.000000e+00> : vector<26x128xf32>
    %reduce_sum3A_439 = vector.multi_reduction <add>, %mul3A_437, %reduce_sum3A_438 [1] : vector<26x33x128xf32> to vector<26x128xf32>
    %max3A_440 = arith.constant 1.000000e+00 : f32
    %max3A_441 = vector.broadcast %max3A_440 : f32 to vector<26x128xf32>
    %max3A_442 = arith.maximumf %reduce_sum3A_439, %max3A_441 : vector<26x128xf32>
    %mul3A_443 = arith.mulf %max3A_442, %max3A_442 : vector<26x128xf32>
    %sub3A_444 = arith.constant 1.000000e+00 : f32
    %sub3A_445 = vector.broadcast %sub3A_444 : f32 to vector<26x128xf32>
    %sub3A_446 = arith.subf %mul3A_443, %sub3A_445 : vector<26x128xf32>
    %max3A_447 = arith.constant 1.000000e-30 : f32
    %max3A_448 = vector.broadcast %max3A_447 : f32 to vector<26x128xf32>
    %max3A_449 = arith.maximumf %sub3A_446, %max3A_448 : vector<26x128xf32>
    %rsqrt3A_450 = math.rsqrt %max3A_449 : vector<26x128xf32>
    %mul3A_451 = arith.mulf %max3A_449, %rsqrt3A_450 : vector<26x128xf32>
    %add3A_452 = arith.addf %max3A_442, %mul3A_451 : vector<26x128xf32>
    %log3A_453 = math.log %add3A_452 : vector<26x128xf32>
    %reduce_sum3A_454 = arith.constant dense<0.000000e+00> : vector<128xf32>
    %reduce_sum3A_455 = vector.multi_reduction <add>, %log3A_453, %reduce_sum3A_454 [0] : vector<26x128xf32> to vector<128xf32>
    %add3A_456 = arith.addf %add3A_435, %reduce_sum3A_455 : vector<128xf32>
    %slice3A_457 = vector.extract_strided_slice %concatenate3A_307 {offsets = [8, 0, 0], sizes = [26, 33, 128], strides = [1, 1, 1]} : vector<52x33x128xf32> to vector<26x33x128xf32>
    %mul3A_458 = arith.mulf %select_n3A_306, %slice3A_457 : vector<26x33x128xf32>
    %reduce_sum3A_459 = arith.constant dense<0.000000e+00> : vector<26x128xf32>
    %reduce_sum3A_460 = vector.multi_reduction <add>, %mul3A_458, %reduce_sum3A_459 [1] : vector<26x33x128xf32> to vector<26x128xf32>
    %max3A_461 = arith.constant 1.000000e+00 : f32
    %max3A_462 = vector.broadcast %max3A_461 : f32 to vector<26x128xf32>
    %max3A_463 = arith.maximumf %reduce_sum3A_460, %max3A_462 : vector<26x128xf32>
    %mul3A_464 = arith.mulf %max3A_463, %max3A_463 : vector<26x128xf32>
    %sub3A_465 = arith.constant 1.000000e+00 : f32
    %sub3A_466 = vector.broadcast %sub3A_465 : f32 to vector<26x128xf32>
    %sub3A_467 = arith.subf %mul3A_464, %sub3A_466 : vector<26x128xf32>
    %max3A_468 = arith.constant 1.000000e-30 : f32
    %max3A_469 = vector.broadcast %max3A_468 : f32 to vector<26x128xf32>
    %max3A_470 = arith.maximumf %sub3A_467, %max3A_469 : vector<26x128xf32>
    %rsqrt3A_471 = math.rsqrt %max3A_470 : vector<26x128xf32>
    %mul3A_472 = arith.mulf %max3A_470, %rsqrt3A_471 : vector<26x128xf32>
    %add3A_473 = arith.addf %max3A_463, %mul3A_472 : vector<26x128xf32>
    %log3A_474 = math.log %add3A_473 : vector<26x128xf32>
    %reduce_sum3A_475 = arith.constant dense<0.000000e+00> : vector<128xf32>
    %reduce_sum3A_476 = vector.multi_reduction <add>, %log3A_474, %reduce_sum3A_475 [0] : vector<26x128xf32> to vector<128xf32>
    %add3A_477 = arith.addf %add3A_456, %reduce_sum3A_476 : vector<128xf32>
    %slice3A_478 = vector.extract_strided_slice %concatenate3A_307 {offsets = [9, 0, 0], sizes = [26, 33, 128], strides = [1, 1, 1]} : vector<52x33x128xf32> to vector<26x33x128xf32>
    %mul3A_479 = arith.mulf %select_n3A_306, %slice3A_478 : vector<26x33x128xf32>
    %reduce_sum3A_480 = arith.constant dense<0.000000e+00> : vector<26x128xf32>
    %reduce_sum3A_481 = vector.multi_reduction <add>, %mul3A_479, %reduce_sum3A_480 [1] : vector<26x33x128xf32> to vector<26x128xf32>
    %max3A_482 = arith.constant 1.000000e+00 : f32
    %max3A_483 = vector.broadcast %max3A_482 : f32 to vector<26x128xf32>
    %max3A_484 = arith.maximumf %reduce_sum3A_481, %max3A_483 : vector<26x128xf32>
    %mul3A_485 = arith.mulf %max3A_484, %max3A_484 : vector<26x128xf32>
    %sub3A_486 = arith.constant 1.000000e+00 : f32
    %sub3A_487 = vector.broadcast %sub3A_486 : f32 to vector<26x128xf32>
    %sub3A_488 = arith.subf %mul3A_485, %sub3A_487 : vector<26x128xf32>
    %max3A_489 = arith.constant 1.000000e-30 : f32
    %max3A_490 = vector.broadcast %max3A_489 : f32 to vector<26x128xf32>
    %max3A_491 = arith.maximumf %sub3A_488, %max3A_490 : vector<26x128xf32>
    %rsqrt3A_492 = math.rsqrt %max3A_491 : vector<26x128xf32>
    %mul3A_493 = arith.mulf %max3A_491, %rsqrt3A_492 : vector<26x128xf32>
    %add3A_494 = arith.addf %max3A_484, %mul3A_493 : vector<26x128xf32>
    %log3A_495 = math.log %add3A_494 : vector<26x128xf32>
    %reduce_sum3A_496 = arith.constant dense<0.000000e+00> : vector<128xf32>
    %reduce_sum3A_497 = vector.multi_reduction <add>, %log3A_495, %reduce_sum3A_496 [0] : vector<26x128xf32> to vector<128xf32>
    %add3A_498 = arith.addf %add3A_477, %reduce_sum3A_497 : vector<128xf32>
    %slice3A_499 = vector.extract_strided_slice %concatenate3A_307 {offsets = [10, 0, 0], sizes = [26, 33, 128], strides = [1, 1, 1]} : vector<52x33x128xf32> to vector<26x33x128xf32>
    %mul3A_500 = arith.mulf %select_n3A_306, %slice3A_499 : vector<26x33x128xf32>
    %reduce_sum3A_501 = arith.constant dense<0.000000e+00> : vector<26x128xf32>
    %reduce_sum3A_502 = vector.multi_reduction <add>, %mul3A_500, %reduce_sum3A_501 [1] : vector<26x33x128xf32> to vector<26x128xf32>
    %max3A_503 = arith.constant 1.000000e+00 : f32
    %max3A_504 = vector.broadcast %max3A_503 : f32 to vector<26x128xf32>
    %max3A_505 = arith.maximumf %reduce_sum3A_502, %max3A_504 : vector<26x128xf32>
    %mul3A_506 = arith.mulf %max3A_505, %max3A_505 : vector<26x128xf32>
    %sub3A_507 = arith.constant 1.000000e+00 : f32
    %sub3A_508 = vector.broadcast %sub3A_507 : f32 to vector<26x128xf32>
    %sub3A_509 = arith.subf %mul3A_506, %sub3A_508 : vector<26x128xf32>
    %max3A_510 = arith.constant 1.000000e-30 : f32
    %max3A_511 = vector.broadcast %max3A_510 : f32 to vector<26x128xf32>
    %max3A_512 = arith.maximumf %sub3A_509, %max3A_511 : vector<26x128xf32>
    %rsqrt3A_513 = math.rsqrt %max3A_512 : vector<26x128xf32>
    %mul3A_514 = arith.mulf %max3A_512, %rsqrt3A_513 : vector<26x128xf32>
    %add3A_515 = arith.addf %max3A_505, %mul3A_514 : vector<26x128xf32>
    %log3A_516 = math.log %add3A_515 : vector<26x128xf32>
    %reduce_sum3A_517 = arith.constant dense<0.000000e+00> : vector<128xf32>
    %reduce_sum3A_518 = vector.multi_reduction <add>, %log3A_516, %reduce_sum3A_517 [0] : vector<26x128xf32> to vector<128xf32>
    %add3A_519 = arith.addf %add3A_498, %reduce_sum3A_518 : vector<128xf32>
    %slice3A_520 = vector.extract_strided_slice %concatenate3A_307 {offsets = [11, 0, 0], sizes = [26, 33, 128], strides = [1, 1, 1]} : vector<52x33x128xf32> to vector<26x33x128xf32>
    %mul3A_521 = arith.mulf %select_n3A_306, %slice3A_520 : vector<26x33x128xf32>
    %reduce_sum3A_522 = arith.constant dense<0.000000e+00> : vector<26x128xf32>
    %reduce_sum3A_523 = vector.multi_reduction <add>, %mul3A_521, %reduce_sum3A_522 [1] : vector<26x33x128xf32> to vector<26x128xf32>
    %max3A_524 = arith.constant 1.000000e+00 : f32
    %max3A_525 = vector.broadcast %max3A_524 : f32 to vector<26x128xf32>
    %max3A_526 = arith.maximumf %reduce_sum3A_523, %max3A_525 : vector<26x128xf32>
    %mul3A_527 = arith.mulf %max3A_526, %max3A_526 : vector<26x128xf32>
    %sub3A_528 = arith.constant 1.000000e+00 : f32
    %sub3A_529 = vector.broadcast %sub3A_528 : f32 to vector<26x128xf32>
    %sub3A_530 = arith.subf %mul3A_527, %sub3A_529 : vector<26x128xf32>
    %max3A_531 = arith.constant 1.000000e-30 : f32
    %max3A_532 = vector.broadcast %max3A_531 : f32 to vector<26x128xf32>
    %max3A_533 = arith.maximumf %sub3A_530, %max3A_532 : vector<26x128xf32>
    %rsqrt3A_534 = math.rsqrt %max3A_533 : vector<26x128xf32>
    %mul3A_535 = arith.mulf %max3A_533, %rsqrt3A_534 : vector<26x128xf32>
    %add3A_536 = arith.addf %max3A_526, %mul3A_535 : vector<26x128xf32>
    %log3A_537 = math.log %add3A_536 : vector<26x128xf32>
    %reduce_sum3A_538 = arith.constant dense<0.000000e+00> : vector<128xf32>
    %reduce_sum3A_539 = vector.multi_reduction <add>, %log3A_537, %reduce_sum3A_538 [0] : vector<26x128xf32> to vector<128xf32>
    %add3A_540 = arith.addf %add3A_519, %reduce_sum3A_539 : vector<128xf32>
    %slice3A_541 = vector.extract_strided_slice %concatenate3A_307 {offsets = [12, 0, 0], sizes = [26, 33, 128], strides = [1, 1, 1]} : vector<52x33x128xf32> to vector<26x33x128xf32>
    %mul3A_542 = arith.mulf %select_n3A_306, %slice3A_541 : vector<26x33x128xf32>
    %reduce_sum3A_543 = arith.constant dense<0.000000e+00> : vector<26x128xf32>
    %reduce_sum3A_544 = vector.multi_reduction <add>, %mul3A_542, %reduce_sum3A_543 [1] : vector<26x33x128xf32> to vector<26x128xf32>
    %max3A_545 = arith.constant 1.000000e+00 : f32
    %max3A_546 = vector.broadcast %max3A_545 : f32 to vector<26x128xf32>
    %max3A_547 = arith.maximumf %reduce_sum3A_544, %max3A_546 : vector<26x128xf32>
    %mul3A_548 = arith.mulf %max3A_547, %max3A_547 : vector<26x128xf32>
    %sub3A_549 = arith.constant 1.000000e+00 : f32
    %sub3A_550 = vector.broadcast %sub3A_549 : f32 to vector<26x128xf32>
    %sub3A_551 = arith.subf %mul3A_548, %sub3A_550 : vector<26x128xf32>
    %max3A_552 = arith.constant 1.000000e-30 : f32
    %max3A_553 = vector.broadcast %max3A_552 : f32 to vector<26x128xf32>
    %max3A_554 = arith.maximumf %sub3A_551, %max3A_553 : vector<26x128xf32>
    %rsqrt3A_555 = math.rsqrt %max3A_554 : vector<26x128xf32>
    %mul3A_556 = arith.mulf %max3A_554, %rsqrt3A_555 : vector<26x128xf32>
    %add3A_557 = arith.addf %max3A_547, %mul3A_556 : vector<26x128xf32>
    %log3A_558 = math.log %add3A_557 : vector<26x128xf32>
    %reduce_sum3A_559 = arith.constant dense<0.000000e+00> : vector<128xf32>
    %reduce_sum3A_560 = vector.multi_reduction <add>, %log3A_558, %reduce_sum3A_559 [0] : vector<26x128xf32> to vector<128xf32>
    %add3A_561 = arith.addf %add3A_540, %reduce_sum3A_560 : vector<128xf32>
    %slice3A_562 = vector.extract_strided_slice %select_n3A_306 {offsets = [0, 0, 0], sizes = [13, 33, 128], strides = [1, 1, 1]} : vector<26x33x128xf32> to vector<13x33x128xf32>
    %slice3A_563 = vector.extract_strided_slice %slice3A_297 {offsets = [13, 0, 0], sizes = [13, 33, 128], strides = [1, 1, 1]} : vector<26x33x128xf32> to vector<13x33x128xf32>
    %mul3A_564 = arith.mulf %slice3A_562, %slice3A_563 : vector<13x33x128xf32>
    %reduce_sum3A_565 = arith.constant dense<0.000000e+00> : vector<13x128xf32>
    %reduce_sum3A_566 = vector.multi_reduction <add>, %mul3A_564, %reduce_sum3A_565 [1] : vector<13x33x128xf32> to vector<13x128xf32>
    %max3A_567 = arith.constant 1.000000e+00 : f32
    %max3A_568 = vector.broadcast %max3A_567 : f32 to vector<13x128xf32>
    %max3A_569 = arith.maximumf %reduce_sum3A_566, %max3A_568 : vector<13x128xf32>
    %mul3A_570 = arith.mulf %max3A_569, %max3A_569 : vector<13x128xf32>
    %sub3A_571 = arith.constant 1.000000e+00 : f32
    %sub3A_572 = vector.broadcast %sub3A_571 : f32 to vector<13x128xf32>
    %sub3A_573 = arith.subf %mul3A_570, %sub3A_572 : vector<13x128xf32>
    %max3A_574 = arith.constant 1.000000e-30 : f32
    %max3A_575 = vector.broadcast %max3A_574 : f32 to vector<13x128xf32>
    %max3A_576 = arith.maximumf %sub3A_573, %max3A_575 : vector<13x128xf32>
    %rsqrt3A_577 = math.rsqrt %max3A_576 : vector<13x128xf32>
    %mul3A_578 = arith.mulf %max3A_576, %rsqrt3A_577 : vector<13x128xf32>
    %add3A_579 = arith.addf %max3A_569, %mul3A_578 : vector<13x128xf32>
    %log3A_580 = math.log %add3A_579 : vector<13x128xf32>
    %reduce_sum3A_581 = arith.constant dense<0.000000e+00> : vector<128xf32>
    %reduce_sum3A_582 = vector.multi_reduction <add>, %log3A_580, %reduce_sum3A_581 [0] : vector<13x128xf32> to vector<128xf32>
    %add3A_583 = arith.addf %add3A_561, %reduce_sum3A_582 : vector<128xf32>
    %slice3A_584 = vector.extract_strided_slice %transpose3A_296 {offsets = [0, 33, 0], sizes = [26, 1, 128], strides = [1, 1, 1]} : vector<26x64x128xf32> to vector<26x1x128xf32>
    %squeeze3A_585 = vector.shape_cast %slice3A_584 : vector<26x1x128xf32> to vector<26x128xf32>
    %reduce_sum3A_586 = arith.constant dense<0.000000e+00> : vector<128xf32>
    %reduce_sum3A_587 = vector.multi_reduction <add>, %squeeze3A_585, %reduce_sum3A_586 [0] : vector<26x128xf32> to vector<128xf32>
    %mul3A_588 = vector.broadcast %get3A_4 : f32 to vector<128xf32>
    %mul3A_589 = arith.mulf %mul3A_588, %add3A_583 : vector<128xf32>
    %mul3A_590 = arith.constant 3.250000e+02 : f32
    %mul3A_591 = arith.mulf %get3A_6, %mul3A_590 : f32
    %add3A_592 = arith.addf %mul3A_591, %get3A_8 : f32
    %add3A_593 = vector.broadcast %add3A_592 : f32 to vector<128xf32>
    %add3A_594 = arith.addf %mul3A_589, %add3A_593 : vector<128xf32>
    %add3A_595 = arith.addf %add3A_594, %reduce_sum3A_587 : vector<128xf32>
    %reshape3A_596 = vector.shape_cast %add3A_595 : vector<128xf32> to vector<1x1x128xf32>
    %concatenate3A_597 = tpu.concatenate %reshape3A, %reshape3A_596 in 1 : vector<1x1x128xf32>, vector<1x1x128xf32> -> vector<1x2x128xf32>
    %swap3A = arith.constant 0 : index
    %swap3A_598 = arith.constant 0 : index
    %swap3A_599 = arith.constant 0 : index
    %swap3A_600 = vector.load %arg3[%swap3A, %swap3A_598, %swap3A_599] : memref<1x2x128xf32, #tpu.memory_space<vmem>>, vector<1x2x128xf32>
    tpu.vector_store %arg3[%swap3A, %swap3A_598, %swap3A_599], %concatenate3A_597 {strides = array<i32>} : memref<1x2x128xf32, #tpu.memory_space<vmem>>, vector<1x2x128xf32>,
    return
  }
  func.func @transform_0(%arg0: i32) -> i32 {
    %c0_i32 = arith.constant 0 : i32
    %c0_i32_0 = arith.constant 0 : i32
    return %c0_i32 : i32
  }
  func.func @transform_1(%arg0: i32) -> (i32, i32, i32) {
    %c0_i32 = arith.constant 0 : i32
    %c0_i32_0 = arith.constant 0 : i32
    %c0_i32_1 = arith.constant 0 : i32
    return %c0_i32, %arg0, %c0_i32_0 : i32, i32, i32
  }
  func.func @transform_2(%arg0: i32) -> (i32, i32, i32) {
    %c0_i32 = arith.constant 0 : i32
    %c0_i32_0 = arith.constant 0 : i32
    %c0_i32_1 = arith.constant 0 : i32
    return %arg0, %c0_i32, %c0_i32_0 : i32, i32, i32
  }
}

</mosaic_0001>

<sc_bundles>
// kernel: kernel.6.cloned.1.call-start
scs
__scs_entry_jumppad:
0x0: {  	(pc) =	sbr.rel $0x88, $3  }
0x1: {  	(tag) =	ssettag $0x0;
	lr =	simm.s32 $0x1  }
0x2: {  	[smem:$0x3F9B] =	sst lr;
	_ =	strace $0xD0000000  }
0x3: {  	_ = 	snop  }
0x4: {  	_ = 	snop  }
0x5: {  	_ = 	snop  }
0x6: {  	_ = 	snop  }
0x7: {  	_ = 	snop  }
__scs_overlays_trampoline_lowered:
0x8: {  	[smem:$0x3FAA] =	sst s0  }
0x9: {  	[smem:$0x3FAB] =	sst s1  }
0xa: {  	[smem:$0x3FAC] =	sst s2  }
0xb: {  	[smem:$0x3FAD] =	sst s3  }
0xc: {  	[smem:$0x3FAE] =	sst s4  }
0xd: {  	[smem:$0x3FAF] =	sst s5  }
0xe: {  	[smem:$0x3FB0] =	sst s6  }
0xf: {  	[smem:$0x3FB1] =	sst s7  }
0x10: {  	[smem:$0x3FB2] =	sst s8  }
0x11: {  	[smem:$0x3FB3] =	sst s9;
	s0 =	simm.s32 @!p0 $0x0  }
0x12: {  	s1 =	sld [smem:$0x3F99];
	s0 =	simm.s32 @p0 $0x1  }
0x13: {  	[smem:$0x3FB4] =	sst s0;
	s0 =	simm.s32 @!p1 $0x0  }
0x14: {  	s2 =	sld [smem:$0x3F98];
	s0 =	simm.s32 @p1 $0x1  }
0x15: {  	[smem:$0x3FB5] =	sst s0;
	s0 =	simm.s32 @!p2 $0x0  }
0x16: {  	s3 =	sld [smem:$0x3FDB];
	s0 =	simm.s32 @p2 $0x1  }
0x17: {  	s4 =	simm.s32 $0x1BF5;
	[smem:$0x3FB7] =	sst s0  }
0x18: {  	s0 =	sld [smem:$0x3F9A];
	_ =	swait.ge [sflag:s4], $0x0  }
0x19: {  	s7 =	sld [smem:$0x3F9B]  }
0x1a: {  	s8 =	sadd.s32 $0xFFFFE003, lr  }
0x1b: {  	s9 =	sadd.s32 $0xFFFFFEF7, lr;
	s5 =	simm.s32 $0xFFFFFFFF;
	p2 =	slt.u32 s8, $0xFFFFF086  }
0x1c: {  	p1 =	slt.u32 s9, $0xF7A;
	s5 =	simm.s32 @!p2 $0x0  }
0x1d: {  	s5 =	simm.s32 @p1 $0x1;
	p0 =	seq.s32 s7, s2  }
0x1e: {  	s7 =	smul.u32 @!p0 $0xF7A, s2;
	p2 =	seq.s32 @!p0 s5, $0x0  }
0x1f: {  	s9 =	smul.u32 $0xF7A, s1;
	s8 =	simm.s32 @!p0 $0x1BF5;
	p2 =	por !p2, p0  }
0x20: {  	[sflag:s8] =	ssyncset.s32 @!p0 $0xFFFFF086;
	s6 =	sadd.s32 @!p0 s3, s7;
	s7 =	simm.s32 @!p0 $0x108  }
0x21: {  	s3 =	sadd.s32 s3, s9;
	s6 =	sadd.s32 @!p0 $0x88, s6;
	s7 =	simm.s32 @p2 $0x1082  }
0x22: {  	[simem:s7], [sflag:s8] =	dma.local @!p0 [hbm:s6], $0xF7A  }
0x23: {  	s9 =	sor.u32 $0xD0000000, s2;
	s6 =	simm.s32 $0x108;
	_ =	swait.ge @!p0 [sflag:s8], $0x0  }
0x24: {  	s3 =	sadd.s32 $0x88, s3;
	s6 =	simm.s32 @!p1 $0x1082;
	[sflag:s4] =	ssyncset.s32 $0xFFFFF086  }
0x25: {  	[simem:s6], [sflag:s4] =	dma.local [hbm:s3], $0xF7A  }
0x26: {  	[smem:$0x3F9B] =	sst s1;
	(tag) =	ssettag s2;
	_ =	strace s9  }
0x27: {  	s1 =	sld [smem:$0x3FAB]  }
0x28: {  	s2 =	sld [smem:$0x3FAC]  }
0x29: {  	s4 =	sld [smem:$0x3FAE]  }
0x2a: {  	p0 =	seq.s32 s5, $0x0;
	s5 =	sld [smem:$0x3FAF]  }
0x2b: {  	s6 =	sld [smem:$0x3FB0]  }
0x2c: {  	s7 =	sld [smem:$0x3FB1]  }
0x2d: {  	s3 =	simm.s32 $0x108;
	s8 =	sld [smem:$0x3FB2]  }
0x2e: {  	s3 =	simm.s32 @!p0 $0x1082;
	s9 =	sld [smem:$0x3FB3]  }
0x2f: {  	lr =	sadd.s32 s0, s3;
	s0 =	sld [smem:$0x3FAA]  }
0x30: {  	s3 =	sld [smem:$0x3FAD]  }
0x31: {  	[smem:$0x3FB6] =	sst s10  }
0x32: {  	s10 =	sld [smem:$0x3FB4];
	_ =	sdelay $0x3  }
0x33: {  	p0 =	seq.s32 s10, $0x1;
	s10 =	sld [smem:$0x3FB6];
	_ =	sdelay $0x3  }
0x34: {  	[smem:$0x3FB6] =	sst s10  }
0x35: {  	s10 =	sld [smem:$0x3FB5];
	_ =	sdelay $0x3  }
0x36: {  	p1 =	seq.s32 s10, $0x1;
	s10 =	sld [smem:$0x3FB6];
	_ =	sdelay $0x3  }
0x37: {  	[smem:$0x3FB6] =	sst s10  }
0x38: {  	s10 =	sld [smem:$0x3FB7]  }
0x39: {  	_ = 	snop;
	(pc) =	sbr.ind lr, $3  }
0x3a: {  	_ = 	snop  }
0x3b: {  	_ = 	snop  }
0x3c: {  	p2 =	seq.s32 s10, $0x1;
	s10 =	sld [smem:$0x3FB6]  }
0x3d: {  	_ =	shalt  }
0x3e: {  	_ =	shalt  }
0x3f: {  	_ =	shalt  }
0x40: {  	_ =	shalt  }
0x41: {  	_ =	shalt  }
0x42: {  	_ =	shalt  }
0x43: {  	_ =	shalt  }
0x44: {  	_ =	shalt  }
0x45: {  	_ =	shalt  }
0x46: {  	_ =	shalt  }
0x47: {  	_ =	shalt  }
0x48: {  	_ =	shalt  }
0x49: {  	_ =	shalt  }
0x4a: {  	_ =	shalt  }
0x4b: {  	_ =	shalt  }
0x4c: {  	_ =	shalt  }
0x4d: {  	_ =	shalt  }
0x4e: {  	_ =	shalt  }
0x4f: {  	_ =	shalt  }
0x50: {  	_ =	shalt  }
0x51: {  	_ =	shalt  }
0x52: {  	_ =	shalt  }
0x53: {  	_ =	shalt  }
0x54: {  	_ =	shalt  }
0x55: {  	_ =	shalt  }
0x56: {  	_ =	shalt  }
0x57: {  	_ =	shalt  }
0x58: {  	_ =	shalt  }
0x59: {  	_ =	shalt  }
0x5a: {  	_ =	shalt  }
0x5b: {  	_ =	shalt  }
0x5c: {  	_ =	shalt  }
0x5d: {  	_ =	shalt  }
0x5e: {  	_ =	shalt  }
0x5f: {  	_ =	shalt  }
0x60: {  	_ =	shalt  }
0x61: {  	_ =	shalt  }
0x62: {  	_ =	shalt  }
0x63: {  	_ =	shalt  }
0x64: {  	_ =	shalt  }
0x65: {  	_ =	shalt  }
0x66: {  	_ =	shalt  }
0x67: {  	_ =	shalt  }
0x68: {  	_ =	shalt  }
0x69: {  	_ =	shalt  }
0x6a: {  	_ =	shalt  }
0x6b: {  	_ =	shalt  }
0x6c: {  	_ =	shalt  }
0x6d: {  	_ =	shalt  }
0x6e: {  	_ =	shalt  }
0x6f: {  	_ =	shalt  }
0x70: {  	_ =	shalt  }
0x71: {  	_ =	shalt  }
0x72: {  	_ =	shalt  }
0x73: {  	_ =	shalt  }
0x74: {  	_ =	shalt  }
0x75: {  	_ =	shalt  }
0x76: {  	_ =	shalt  }
0x77: {  	_ =	shalt  }
0x78: {  	_ =	shalt  }
0x79: {  	_ =	shalt  }
0x7a: {  	_ =	shalt  }
0x7b: {  	_ =	shalt  }
0x7c: {  	_ =	shalt  }
0x7d: {  	_ =	shalt  }
0x7e: {  	_ =	shalt  }
0x7f: {  	_ =	shalt  }
0x80: {  	_ =	shalt  }
0x81: {  	_ =	shalt  }
0x82: {  	_ =	shalt  }
0x83: {  	_ =	shalt  }
0x84: {  	_ =	shalt  }
0x85: {  	_ =	shalt  }
0x86: {  	_ =	shalt  }
0x87: {  	_ =	shalt  }
.Lfunc_end0:
.L_simem_size_0:
called_computation_lowered:
.L_overlay_start_0:
0x88: {  	s2 =	sld [smem:$0x3FD9]  }
0x89: {  	s3 =	sld [smem:$0x3FFE];
	_ =	sdelay $0x1  }
0x8a: {  	s1 =	srdreg.scid  }
0x8b: {  	s0 =	sand.u32 $0x1, s1  }
0x8c: {  	s16 =	sshll.u32 s0, $0xA;
	s2 =	sadd.s32 s3, s2  }
0x8d: {  	s2 =	sadd.s32 s2, s16  }
0x8e: {  	[smem:$0x3FC2] =	sst s2  }
0x8f: {  	_ = 	snop  }
0x90: {  	(tm) =	ssettm $0x1  }
0x91: {  	s17 =	sld [smem:$0x3FFB];
	_ =	sdelay $0x3  }
0x92: {  	_ =	strace s17  }
0x93: {  	s2 =	sld [smem:$0x3FFC];
	_ =	sdelay $0x3  }
0x94: {  	_ =	strace s2  }
0x95: {  	s2 =	sld [smem:$0x3FFD];
	_ =	sdelay $0x3  }
0x96: {  	_ =	strace s2  }
0x97: {  	_ =	strace $0x8FFFFFFF  }
0x98: {  	s18 =	sld [smem:$0x3FDB];
	_ =	sdelay $0x1  }
0x99: {  	s19 =	simm.s32 $_scs_section_size  }
0x9a: {  	s4 =	simm.s32 $_size__tile_overlayer_lowered;
	s5 =	simm.s32 $_tile_overlayer_lowered  }
0x9b: {  	s22 =	simm.s32 $0x1BFF;
	s21 =	sshll.u32 s5, $0x1;
	s2 =	sadd.s32 s19, s18  }
0x9c: {  	s6 =	simm.s32 $0x0;
	s20 =	sshll.u32 s4, $0x1;
	s4 =	sadd.s32 s21, s2  }
0x9d: {  	[timem:s6], [sflag:s22] =	dma.local [hbm:s4], s20  }
0x9e: {  	_ =	swait.ge [sflag:s22], s20  }
0x9f: {  	s3 =	ssub.s32 $0x0, s20;
	[sflag:s22] =	ssyncset.done $0x0  }
0xa0: {  	[sflag:s22] =	ssyncadd.s32 s3;
	_ =	sdelay $0x1  }
0xa1: {  	s23 =	simm.s32 $0x1B8B  }
0xa2: {  	_ =	swait.ge [sflag:s23], $0x1  }
0xa3: {  	[sflag:s23] =	ssyncset.done $0x0  }
0xa4: {  	s25 =	simm.s32 $0x1B8E;
	s24 =	sld [smem:$0x3FFE];
	[sflag:s23] =	ssyncadd.s32 $0xFFFFFFFF  }
0xa5: {  	s26 =	simm.s32 $execute0_lowered;
	[smem:$0x3FD2] =	sst s25  }
0xa6: {  	s4 =	sshll.u32 s26, $0x1;
	_ =	strace $0x80000046;
	[dreg:$0x1] =	wrdreg $0xFFFFFFFF  }
0xa7: {  	s28 =	simm.s32 $_size_execute0_lowered;
	s2 =	sadd.s32 s2, s4;
	[dreg:$0x0] =	wrdreg $0x0  }
0xa8: {  	s4 =	sshll.u32 s28, $0x1;
	[dreg:$0x2] =	wrdreg s2  }
0xa9: {  	[dreg:$0x3] =	wrdreg s4  }
0xaa: {  	[dreg:$0x4] =	wrdreg $0xC0  }
0xab: {  	_ =	task [dreg:s6], $0x5FFFF  }
0xac: {  	[dreg:$0x1] =	wrdreg $0xFFFFFFFF  }
0xad: {  	[dreg:$0x0] =	wrdreg $0x60  }
0xae: {  	[dreg:$0x2] =	wrdreg s24  }
0xaf: {  	[dreg:$0x3] =	wrdreg $0x9  }
0xb0: {  	_ =	task.clear_ibuf [dreg:s6], $0x4FFFF;
	_ =	strace $0x90000046  }
0xb1: {  	s29 =	simm.s32 $0x9;
	_ =	strace $0x80000048  }
0xb2: {  	_ =	swait.ge [sflag:s29], $0x1  }
0xb3: {  	[sflag:s29] =	ssyncadd.s32 $0xFFFFFFFF  }
0xb4: {  	_ =	strace $0x90000048  }
0xb5: {  	_ =	sfence  }
0xb6: {  	s30 =	sld [smem:$0x0];
	_ =	sdelay $0x2  }
0xb7: {  	s31 =	sshll.u32 s1, $0xD;
	s1 =	sshrl.u32 s1, $0x2  }
0xb8: {  	s3 =	sand.u32 $0x4000, s31;
	s1 =	sadd.s32 s1, s30  }
0xb9: {  	s0 =	sor.u32 s3, s0;
	s1 =	sshll.u32 s1, $0x11  }
0xba: {  	s0 =	sor.u32 s1, s0  }
0xbb: {  	s0 =	sadd.s32 $0x8F2B, s0  }
0xbc: {  	[sflag:s0] =	ssyncadd.remote.s32 $0x1  }
0xbd: {  	_ =	sfence.sel $0xFFFF  }
0xbe: {  	[dreg:$0x0] =	wrdreg $0xFFFFFFFF;
	(pc) =	sbr.abs _section_cstart, $3  }
0xbf: {  	[dreg:$0x1] =	wrdreg $0xFFFFFFFF  }
0xc0: {  	_ =	task.clear_ibuf [dreg:s6], $0x2FFFF;
	_ =	strace $0x9FFFFFFF  }
0xc1: {  	(tm) =	ssettm $0x7FFFFFFF  }
tec
execute0_lowered:
.L_overlay_start_1:
0x0: {  	(tag) =	ssettag $0x1  }
0x1: {  	s1 =	srdreg.scid;
	s0 =	stileid.u32  }
0x2: {  	s1 =	sand.u32 $0x1, s1;
	s2 =	sshll.u32 s0, $0x1  }
0x3: {  	s3 =	sor.u32 s1, s2  }
0x4: {  	s5 =	smul.u32 $0xD0, s3  }
0x5: {  	s4 =	rddreg [dreg:$0x0];
	s2 =	simm.s32 $0x0;
	s6 =	smul.u32 $0x1A000, s3  }
0x6: {  	[smem:$0x7FF] =	sst s2;
	s3 =	smul.u32 $0x3400, s3  }
0x7: {  	s7 =	sadd.s32 $0xC6200, s4;
	_ =	strace $0x80000047  }
0x8: {  	s5 =	sadd.s32 s5, s4;
	s6 =	sshrl.u32 s6, $0x3;
	s3 =	sadd.s32 s7, s3  }
0x9: {  	s5 =	sadd.s32 $0xC4800, s5;
	s31 =	sadd.s32 s7, s6;
	[dreg:$0x3] =	wrdreg s3  }
0xa: {  	[dreg:$0x2] =	wrdreg s5;
	s24 =	sadd.s32 $0x400, s31  }
0xb: {  	[dreg:$0x4] =	wrdreg s24  }
0xc: {  	s25 =	sadd.s32 $0x800, s31;
	s5 =	rddreg [dreg:$0x2]  }
0xd: {  	s26 =	sadd.s32 $0xC00, s31;
	[dreg:$0x5] =	wrdreg s25  }
0xe: {  	s3 =	simm.s32 $0x4;
	[dreg:$0x6] =	wrdreg s26  }
0xf: {  	[tilespmem:s2], [sflag:$0x4] =	stream.linear.gather [hbm4b:s5+s2], $0x680, $0x38;
	[tilespmem:$0x4680] =	vst v63  }
0x10: {  	_ =	swait.ge [sflag:s3], $0x680  }
0x11: {  	s4 =	sadd.s32 $0x1200, s4;
	[sflag:s3] =	ssyncset.done $0x0  }
0x12: {  	s6 =	simm.s32 $0x680;
	s5 =	simm.s32 $0x80;
	[sflag:s3] =	ssyncadd.s32 $0xFFFFF980  }
0x13: {  	[tilespmem:s6], [sflag:$0x1] =	stream.indirect.gather [hbm4b:s4+s5], $0x40, s2, s5, $0xb8;
	[tilespmem:$0x4680] =	vst v63  }
0x14: {  	s8 =	simm.s32 $0x1;
	s7 =	simm.s32 $0x2680  }
0x15: {  	[tilespmem:s7], [sflag:$0x2] =	stream.indirect.gather [hbm4b:s4+s5], $0x40, s5, s5, $0xb8;
	[tilespmem:$0x4680] =	vst v63  }
0x16: {  	_ =	swait.ge [sflag:s8], $0x2000  }
0x17: {  	[sflag:s8] =	ssyncset.done $0x0  }
0x18: {  	s9 =	simm.s32 $0x3;
	s10 =	rddreg [dreg:$0x3];
	[sflag:s8] =	ssyncadd.s32 $0xFFFFE000  }
0x19: {  	[hbm4b:s10+s2] =	stream.linear.scatter [tilespmem:s6], [sflag:$0x3], $0x2000, $0x38;
	[tilespmem:$0x4680] =	vst v63  }
0x1a: {  	_ =	swait.ge [sflag:s9], $0x2000  }
0x1b: {  	[sflag:s9] =	ssyncset.done $0x0  }
0x1c: {  	s11 =	simm.s32 $0x2;
	s10 =	simm.s32 $0x100;
	[sflag:s9] =	ssyncadd.s32 $0xFFFFE000  }
0x1d: {  	[tilespmem:s6], [sflag:$0x1] =	stream.indirect.gather [hbm4b:s4+s5], $0x40, s10, s5, $0xb8;
	[tilespmem:$0x4680] =	vst v63  }
0x1e: {  	_ =	swait.ge [sflag:s11], $0x2000  }
0x1f: {  	[sflag:s11] =	ssyncset.done $0x0  }
0x20: {  	s12 =	rddreg [dreg:$0x4];
	[sflag:s11] =	ssyncadd.s32 $0xFFFFE000  }
0x21: {  	[hbm4b:s12+s2] =	stream.linear.scatter [tilespmem:s7], [sflag:$0x3], $0x2000, $0x38;
	[tilespmem:$0x4680] =	vst v63  }
0x22: {  	_ =	swait.ge [sflag:s9], $0x2000  }
0x23: {  	[sflag:s9] =	ssyncset.done $0x0  }
0x24: {  	s12 =	simm.s32 $0x180;
	[sflag:s9] =	ssyncadd.s32 $0xFFFFE000  }
0x25: {  	[tilespmem:s7], [sflag:$0x2] =	stream.indirect.gather [hbm4b:s4+s5], $0x40, s12, s5, $0xb8;
	[tilespmem:$0x4680] =	vst v63  }
0x26: {  	_ =	swait.ge [sflag:s8], $0x2000  }
0x27: {  	[sflag:s8] =	ssyncset.done $0x0  }
0x28: {  	s13 =	rddreg [dreg:$0x5];
	[sflag:s8] =	ssyncadd.s32 $0xFFFFE000  }
0x29: {  	[hbm4b:s13+s2] =	stream.linear.scatter [tilespmem:s6], [sflag:$0x3], $0x2000, $0x38;
	[tilespmem:$0x4680] =	vst v63  }
0x2a: {  	_ =	swait.ge [sflag:s9], $0x2000  }
0x2b: {  	[sflag:s9] =	ssyncset.done $0x0  }
0x2c: {  	s13 =	simm.s32 $0x200;
	[sflag:s9] =	ssyncadd.s32 $0xFFFFE000  }
0x2d: {  	[tilespmem:s6], [sflag:$0x1] =	stream.indirect.gather [hbm4b:s4+s5], $0x40, s13, s5, $0xb8;
	[tilespmem:$0x4680] =	vst v63  }
0x2e: {  	_ =	swait.ge [sflag:s11], $0x2000  }
0x2f: {  	[sflag:s11] =	ssyncset.done $0x0  }
0x30: {  	s14 =	rddreg [dreg:$0x6];
	[sflag:s11] =	ssyncadd.s32 $0xFFFFE000  }
0x31: {  	[hbm4b:s14+s2] =	stream.linear.scatter [tilespmem:s7], [sflag:$0x3], $0x2000, $0x38;
	[tilespmem:$0x4680] =	vst v63  }
0x32: {  	_ =	swait.ge [sflag:s9], $0x2000  }
0x33: {  	[sflag:s9] =	ssyncset.done $0x0  }
0x34: {  	s14 =	simm.s32 $0x280;
	[sflag:s9] =	ssyncadd.s32 $0xFFFFE000  }
0x35: {  	[tilespmem:s7], [sflag:$0x2] =	stream.indirect.gather [hbm4b:s4+s5], $0x40, s14, s5, $0xb8;
	[tilespmem:$0x4680] =	vst v63  }
0x36: {  	_ =	swait.ge [sflag:s8], $0x2000  }
0x37: {  	[sflag:s8] =	ssyncset.done $0x0  }
0x38: {  	s15 =	sadd.s32 $0x1000, s31;
	[sflag:s8] =	ssyncadd.s32 $0xFFFFE000  }
0x39: {  	[hbm4b:s15+s2] =	stream.linear.scatter [tilespmem:s6], [sflag:$0x3], $0x2000, $0x38;
	[tilespmem:$0x4680] =	vst v63  }
0x3a: {  	_ =	swait.ge [sflag:s9], $0x2000  }
0x3b: {  	[sflag:s9] =	ssyncset.done $0x0  }
0x3c: {  	s16 =	simm.s32 $0x300;
	[sflag:s9] =	ssyncadd.s32 $0xFFFFE000  }
0x3d: {  	[tilespmem:s6], [sflag:$0x1] =	stream.indirect.gather [hbm4b:s4+s5], $0x40, s16, s5, $0xb8;
	[tilespmem:$0x4680] =	vst v63  }
0x3e: {  	_ =	swait.ge [sflag:s11], $0x2000  }
0x3f: {  	[sflag:s11] =	ssyncset.done $0x0  }
0x40: {  	s17 =	sadd.s32 $0x1400, s31;
	[sflag:s11] =	ssyncadd.s32 $0xFFFFE000  }
0x41: {  	[hbm4b:s17+s2] =	stream.linear.scatter [tilespmem:s7], [sflag:$0x3], $0x2000, $0x38;
	[tilespmem:$0x4680] =	vst v63  }
0x42: {  	_ =	swait.ge [sflag:s9], $0x2000  }
0x43: {  	[sflag:s9] =	ssyncset.done $0x0  }
0x44: {  	s18 =	simm.s32 $0x380;
	[sflag:s9] =	ssyncadd.s32 $0xFFFFE000  }
0x45: {  	[tilespmem:s7], [sflag:$0x2] =	stream.indirect.gather [hbm4b:s4+s5], $0x40, s18, s5, $0xb8;
	[tilespmem:$0x4680] =	vst v63  }
0x46: {  	_ =	swait.ge [sflag:s8], $0x2000  }
0x47: {  	[sflag:s8] =	ssyncset.done $0x0  }
0x48: {  	s19 =	sadd.s32 $0x1800, s31;
	[sflag:s8] =	ssyncadd.s32 $0xFFFFE000  }
0x49: {  	[hbm4b:s19+s2] =	stream.linear.scatter [tilespmem:s6], [sflag:$0x3], $0x2000, $0x38;
	[tilespmem:$0x4680] =	vst v63  }
0x4a: {  	_ =	swait.ge [sflag:s9], $0x2000  }
0x4b: {  	[sflag:s9] =	ssyncset.done $0x0  }
0x4c: {  	s20 =	simm.s32 $0x400;
	[sflag:s9] =	ssyncadd.s32 $0xFFFFE000  }
0x4d: {  	[tilespmem:s6], [sflag:$0x1] =	stream.indirect.gather [hbm4b:s4+s5], $0x40, s20, s5, $0xb8;
	[tilespmem:$0x4680] =	vst v63  }
0x4e: {  	_ =	swait.ge [sflag:s11], $0x2000  }
0x4f: {  	[sflag:s11] =	ssyncset.done $0x0  }
0x50: {  	s21 =	sadd.s32 $0x1C00, s31;
	[sflag:s11] =	ssyncadd.s32 $0xFFFFE000  }
0x51: {  	[hbm4b:s21+s2] =	stream.linear.scatter [tilespmem:s7], [sflag:$0x3], $0x2000, $0x38;
	[tilespmem:$0x4680] =	vst v63  }
0x52: {  	_ =	swait.ge [sflag:s9], $0x2000  }
0x53: {  	[sflag:s9] =	ssyncset.done $0x0  }
0x54: {  	s22 =	simm.s32 $0x480;
	[sflag:s9] =	ssyncadd.s32 $0xFFFFE000  }
0x55: {  	[tilespmem:s7], [sflag:$0x2] =	stream.indirect.gather [hbm4b:s4+s5], $0x40, s22, s5, $0xb8;
	[tilespmem:$0x4680] =	vst v63  }
0x56: {  	_ =	swait.ge [sflag:s8], $0x2000  }
0x57: {  	[sflag:s8] =	ssyncset.done $0x0  }
0x58: {  	s23 =	sadd.s32 $0x2000, s31;
	[sflag:s8] =	ssyncadd.s32 $0xFFFFE000  }
0x59: {  	[hbm4b:s23+s2] =	stream.linear.scatter [tilespmem:s6], [sflag:$0x3], $0x2000, $0x38;
	[tilespmem:$0x4680] =	vst v63  }
0x5a: {  	_ =	swait.ge [sflag:s9], $0x2000  }
0x5b: {  	[sflag:s9] =	ssyncset.done $0x0  }
0x5c: {  	s24 =	simm.s32 $0x500;
	[sflag:s9] =	ssyncadd.s32 $0xFFFFE000  }
0x5d: {  	[tilespmem:s6], [sflag:$0x1] =	stream.indirect.gather [hbm4b:s4+s5], $0x40, s24, s5, $0xb8;
	[tilespmem:$0x4680] =	vst v63  }
0x5e: {  	_ =	swait.ge [sflag:s11], $0x2000  }
0x5f: {  	[sflag:s11] =	ssyncset.done $0x0  }
0x60: {  	s25 =	sadd.s32 $0x2400, s31;
	[sflag:s11] =	ssyncadd.s32 $0xFFFFE000  }
0x61: {  	[hbm4b:s25+s2] =	stream.linear.scatter [tilespmem:s7], [sflag:$0x3], $0x2000, $0x38;
	[tilespmem:$0x4680] =	vst v63  }
0x62: {  	_ =	swait.ge [sflag:s9], $0x2000  }
0x63: {  	[sflag:s9] =	ssyncset.done $0x0  }
0x64: {  	s26 =	simm.s32 $0x580;
	[sflag:s9] =	ssyncadd.s32 $0xFFFFE000  }
0x65: {  	[tilespmem:s7], [sflag:$0x2] =	stream.indirect.gather [hbm4b:s4+s5], $0x40, s26, s5, $0xb8;
	[tilespmem:$0x4680] =	vst v63  }
0x66: {  	_ =	swait.ge [sflag:s8], $0x2000  }
0x67: {  	[sflag:s8] =	ssyncset.done $0x0  }
0x68: {  	s28 =	sadd.s32 $0x2800, s31;
	[sflag:s8] =	ssyncadd.s32 $0xFFFFE000  }
0x69: {  	[hbm4b:s28+s2] =	stream.linear.scatter [tilespmem:s6], [sflag:$0x3], $0x2000, $0x38;
	[tilespmem:$0x4680] =	vst v63  }
0x6a: {  	_ =	swait.ge [sflag:s9], $0x2000  }
0x6b: {  	[sflag:s9] =	ssyncset.done $0x0  }
0x6c: {  	s29 =	simm.s32 $0x600;
	[sflag:s9] =	ssyncadd.s32 $0xFFFFE000  }
0x6d: {  	[tilespmem:s6], [sflag:$0x1] =	stream.indirect.gather [hbm4b:s4+s5], $0x40, s29, s5, $0xb8;
	[tilespmem:$0x4680] =	vst v63  }
0x6e: {  	_ =	swait.ge [sflag:s11], $0x2000  }
0x6f: {  	s1 =	ssub.s32 $0x2, s1;
	[sflag:s11] =	ssyncset.done $0x0  }
0x70: {  	s0 =	sshrl.u32 s1, $0x1;
	s30 =	sadd.s32 $0x2C00, s31;
	[sflag:s11] =	ssyncadd.s32 $0xFFFFE000  }
0x71: {  	[hbm4b:s30+s2] =	stream.linear.scatter [tilespmem:s7], [sflag:$0x3], $0x2000, $0x38;
	[tilespmem:$0x4680] =	vst v63  }
0x72: {  	s0 =	ssub.s32 s1, s0;
	_ =	swait.ge [sflag:s8], $0x2000  }
0x73: {  	s0 =	smax.u32 s0, $0x1;
	[sflag:s8] =	ssyncset.done $0x0  }
0x74: {  	p0 =	sne.s32 s0, $0x1;
	s31 =	sadd.s32 $0x3000, s31;
	[sflag:s8] =	ssyncadd.s32 $0xFFFFE000  }
0x75: {  	[hbm4b:s31+s2] =	stream.linear.scatter [tilespmem:s6], [sflag:$0x3], $0x2000, $0x38;
	[tilespmem:$0x4680] =	vst v63  }
.Ltmp0:
0x76: {  	_ =	swait.ge [sflag:s9], $0x2000;
	(pc) =	sbr.rel @!p0 .LBB2_2-.Ltmp0, $4  }
0x77: {  	[sflag:s9] =	ssyncset.done $0x0  }
0x78: {  	[sflag:s9] =	ssyncadd.s32 $0xFFFFE000  }
0x79: {  	_ =	swait.ge [sflag:s9], $0x2000  }
0x7a: {  	s1 =	sadd.s32 $0xFFFFFFFF, s0;
	[sflag:s9] =	ssyncset.done $0x0  }
.LBB2_1:
0x7b: {  	s0 =	rddreg [dreg:$0x2];
	[sflag:s9] =	ssyncadd.s32 $0xFFFFE000  }
0x7c: {  	[tilespmem:s2], [sflag:$0x4] =	stream.linear.gather [hbm4b:s0+s2], $0x680, $0x38;
	[tilespmem:$0x4680] =	vst v63  }
0x7d: {  	_ =	swait.ge [sflag:s3], $0x680  }
0x7e: {  	[sflag:s3] =	ssyncset.done $0x0  }
0x7f: {  	[sflag:s3] =	ssyncadd.s32 $0xFFFFF980  }
0x80: {  	[tilespmem:s6], [sflag:$0x1] =	stream.indirect.gather [hbm4b:s4+s5], $0x40, s2, s5, $0xb8;
	[tilespmem:$0x4680] =	vst v63  }
0x81: {  	_ = 	snop  }
0x82: {  	[tilespmem:s7], [sflag:$0x2] =	stream.indirect.gather [hbm4b:s4+s5], $0x40, s5, s5, $0xb8;
	[tilespmem:$0x4680] =	vst v63  }
0x83: {  	_ =	swait.ge [sflag:s8], $0x2000  }
0x84: {  	[sflag:s8] =	ssyncset.done $0x0  }
0x85: {  	s0 =	rddreg [dreg:$0x3];
	[sflag:s8] =	ssyncadd.s32 $0xFFFFE000  }
0x86: {  	[hbm4b:s0+s2] =	stream.linear.scatter [tilespmem:s6], [sflag:$0x3], $0x2000, $0x38;
	[tilespmem:$0x4680] =	vst v63  }
0x87: {  	_ =	swait.ge [sflag:s9], $0x2000  }
0x88: {  	[sflag:s9] =	ssyncset.done $0x0  }
0x89: {  	[sflag:s9] =	ssyncadd.s32 $0xFFFFE000  }
0x8a: {  	[tilespmem:s6], [sflag:$0x1] =	stream.indirect.gather [hbm4b:s4+s5], $0x40, s10, s5, $0xb8;
	[tilespmem:$0x4680] =	vst v63  }
0x8b: {  	_ =	swait.ge [sflag:s11], $0x2000  }
0x8c: {  	[sflag:s11] =	ssyncset.done $0x0  }
0x8d: {  	s0 =	rddreg [dreg:$0x4];
	[sflag:s11] =	ssyncadd.s32 $0xFFFFE000  }
0x8e: {  	[hbm4b:s0+s2] =	stream.linear.scatter [tilespmem:s7], [sflag:$0x3], $0x2000, $0x38;
	[tilespmem:$0x4680] =	vst v63  }
0x8f: {  	_ =	swait.ge [sflag:s9], $0x2000  }
0x90: {  	[sflag:s9] =	ssyncset.done $0x0  }
0x91: {  	[sflag:s9] =	ssyncadd.s32 $0xFFFFE000  }
0x92: {  	[tilespmem:s7], [sflag:$0x2] =	stream.indirect.gather [hbm4b:s4+s5], $0x40, s12, s5, $0xb8;
	[tilespmem:$0x4680] =	vst v63  }
0x93: {  	_ =	swait.ge [sflag:s8], $0x2000  }
0x94: {  	[sflag:s8] =	ssyncset.done $0x0  }
0x95: {  	s0 =	rddreg [dreg:$0x5];
	[sflag:s8] =	ssyncadd.s32 $0xFFFFE000  }
0x96: {  	[hbm4b:s0+s2] =	stream.linear.scatter [tilespmem:s6], [sflag:$0x3], $0x2000, $0x38;
	[tilespmem:$0x4680] =	vst v63  }
0x97: {  	_ =	swait.ge [sflag:s9], $0x2000  }
0x98: {  	[sflag:s9] =	ssyncset.done $0x0  }
0x99: {  	[sflag:s9] =	ssyncadd.s32 $0xFFFFE000  }
0x9a: {  	[tilespmem:s6], [sflag:$0x1] =	stream.indirect.gather [hbm4b:s4+s5], $0x40, s13, s5, $0xb8;
	[tilespmem:$0x4680] =	vst v63  }
0x9b: {  	_ =	swait.ge [sflag:s11], $0x2000  }
0x9c: {  	[sflag:s11] =	ssyncset.done $0x0  }
0x9d: {  	s0 =	rddreg [dreg:$0x6];
	[sflag:s11] =	ssyncadd.s32 $0xFFFFE000  }
0x9e: {  	[hbm4b:s0+s2] =	stream.linear.scatter [tilespmem:s7], [sflag:$0x3], $0x2000, $0x38;
	[tilespmem:$0x4680] =	vst v63  }
0x9f: {  	_ =	swait.ge [sflag:s9], $0x2000  }
0xa0: {  	[sflag:s9] =	ssyncset.done $0x0  }
0xa1: {  	[sflag:s9] =	ssyncadd.s32 $0xFFFFE000  }
0xa2: {  	[tilespmem:s7], [sflag:$0x2] =	stream.indirect.gather [hbm4b:s4+s5], $0x40, s14, s5, $0xb8;
	[tilespmem:$0x4680] =	vst v63  }
0xa3: {  	_ =	swait.ge [sflag:s8], $0x2000  }
0xa4: {  	[sflag:s8] =	ssyncset.done $0x0  }
0xa5: {  	[sflag:s8] =	ssyncadd.s32 $0xFFFFE000  }
0xa6: {  	[hbm4b:s15+s2] =	stream.linear.scatter [tilespmem:s6], [sflag:$0x3], $0x2000, $0x38;
	[tilespmem:$0x4680] =	vst v63  }
0xa7: {  	_ =	swait.ge [sflag:s9], $0x2000  }
0xa8: {  	[sflag:s9] =	ssyncset.done $0x0  }
0xa9: {  	[sflag:s9] =	ssyncadd.s32 $0xFFFFE000  }
0xaa: {  	[tilespmem:s6], [sflag:$0x1] =	stream.indirect.gather [hbm4b:s4+s5], $0x40, s16, s5, $0xb8;
	[tilespmem:$0x4680] =	vst v63  }
0xab: {  	_ =	swait.ge [sflag:s11], $0x2000  }
0xac: {  	[sflag:s11] =	ssyncset.done $0x0  }
0xad: {  	[sflag:s11] =	ssyncadd.s32 $0xFFFFE000  }
0xae: {  	[hbm4b:s17+s2] =	stream.linear.scatter [tilespmem:s7], [sflag:$0x3], $0x2000, $0x38;
	[tilespmem:$0x4680] =	vst v63  }
0xaf: {  	_ =	swait.ge [sflag:s9], $0x2000  }
0xb0: {  	[sflag:s9] =	ssyncset.done $0x0  }
0xb1: {  	[sflag:s9] =	ssyncadd.s32 $0xFFFFE000  }
0xb2: {  	[tilespmem:s7], [sflag:$0x2] =	stream.indirect.gather [hbm4b:s4+s5], $0x40, s18, s5, $0xb8;
	[tilespmem:$0x4680] =	vst v63  }
0xb3: {  	_ =	swait.ge [sflag:s8], $0x2000  }
0xb4: {  	[sflag:s8] =	ssyncset.done $0x0  }
0xb5: {  	[sflag:s8] =	ssyncadd.s32 $0xFFFFE000  }
0xb6: {  	[hbm4b:s19+s2] =	stream.linear.scatter [tilespmem:s6], [sflag:$0x3], $0x2000, $0x38;
	[tilespmem:$0x4680] =	vst v63  }
0xb7: {  	_ =	swait.ge [sflag:s9], $0x2000  }
0xb8: {  	[sflag:s9] =	ssyncset.done $0x0  }
0xb9: {  	[sflag:s9] =	ssyncadd.s32 $0xFFFFE000  }
0xba: {  	[tilespmem:s6], [sflag:$0x1] =	stream.indirect.gather [hbm4b:s4+s5], $0x40, s20, s5, $0xb8;
	[tilespmem:$0x4680] =	vst v63  }
0xbb: {  	_ =	swait.ge [sflag:s11], $0x2000  }
0xbc: {  	[sflag:s11] =	ssyncset.done $0x0  }
0xbd: {  	[sflag:s11] =	ssyncadd.s32 $0xFFFFE000  }
0xbe: {  	[hbm4b:s21+s2] =	stream.linear.scatter [tilespmem:s7], [sflag:$0x3], $0x2000, $0x38;
	[tilespmem:$0x4680] =	vst v63  }
0xbf: {  	_ =	swait.ge [sflag:s9], $0x2000  }
0xc0: {  	[sflag:s9] =	ssyncset.done $0x0  }
0xc1: {  	[sflag:s9] =	ssyncadd.s32 $0xFFFFE000  }
0xc2: {  	[tilespmem:s7], [sflag:$0x2] =	stream.indirect.gather [hbm4b:s4+s5], $0x40, s22, s5, $0xb8;
	[tilespmem:$0x4680] =	vst v63  }
0xc3: {  	_ =	swait.ge [sflag:s8], $0x2000  }
0xc4: {  	[sflag:s8] =	ssyncset.done $0x0  }
0xc5: {  	[sflag:s8] =	ssyncadd.s32 $0xFFFFE000  }
0xc6: {  	[hbm4b:s23+s2] =	stream.linear.scatter [tilespmem:s6], [sflag:$0x3], $0x2000, $0x38;
	[tilespmem:$0x4680] =	vst v63  }
0xc7: {  	_ =	swait.ge [sflag:s9], $0x2000  }
0xc8: {  	[sflag:s9] =	ssyncset.done $0x0  }
0xc9: {  	[sflag:s9] =	ssyncadd.s32 $0xFFFFE000  }
0xca: {  	[tilespmem:s6], [sflag:$0x1] =	stream.indirect.gather [hbm4b:s4+s5], $0x40, s24, s5, $0xb8;
	[tilespmem:$0x4680] =	vst v63  }
0xcb: {  	_ =	swait.ge [sflag:s11], $0x2000  }
0xcc: {  	[sflag:s11] =	ssyncset.done $0x0  }
0xcd: {  	[sflag:s11] =	ssyncadd.s32 $0xFFFFE000  }
0xce: {  	[hbm4b:s25+s2] =	stream.linear.scatter [tilespmem:s7], [sflag:$0x3], $0x2000, $0x38;
	[tilespmem:$0x4680] =	vst v63  }
0xcf: {  	_ =	swait.ge [sflag:s9], $0x2000  }
0xd0: {  	[sflag:s9] =	ssyncset.done $0x0  }
0xd1: {  	[sflag:s9] =	ssyncadd.s32 $0xFFFFE000  }
0xd2: {  	[tilespmem:s7], [sflag:$0x2] =	stream.indirect.gather [hbm4b:s4+s5], $0x40, s26, s5, $0xb8;
	[tilespmem:$0x4680] =	vst v63  }
0xd3: {  	_ =	swait.ge [sflag:s8], $0x2000  }
0xd4: {  	[sflag:s8] =	ssyncset.done $0x0  }
0xd5: {  	[sflag:s8] =	ssyncadd.s32 $0xFFFFE000  }
0xd6: {  	[hbm4b:s28+s2] =	stream.linear.scatter [tilespmem:s6], [sflag:$0x3], $0x2000, $0x38;
	[tilespmem:$0x4680] =	vst v63  }
0xd7: {  	_ =	swait.ge [sflag:s9], $0x2000  }
0xd8: {  	[sflag:s9] =	ssyncset.done $0x0  }
0xd9: {  	[sflag:s9] =	ssyncadd.s32 $0xFFFFE000  }
0xda: {  	[tilespmem:s6], [sflag:$0x1] =	stream.indirect.gather [hbm4b:s4+s5], $0x40, s29, s5, $0xb8;
	[tilespmem:$0x4680] =	vst v63  }
0xdb: {  	_ =	swait.ge [sflag:s11], $0x2000  }
0xdc: {  	[sflag:s11] =	ssyncset.done $0x0  }
0xdd: {  	[sflag:s11] =	ssyncadd.s32 $0xFFFFE000  }
0xde: {  	[hbm4b:s30+s2] =	stream.linear.scatter [tilespmem:s7], [sflag:$0x3], $0x2000, $0x38;
	[tilespmem:$0x4680] =	vst v63  }
0xdf: {  	_ =	swait.ge [sflag:s8], $0x2000  }
0xe0: {  	[sflag:s8] =	ssyncset.done $0x0  }
0xe1: {  	p0 =	sne.s32 s1, $0x1;
	[sflag:s8] =	ssyncadd.s32 $0xFFFFE000  }
0xe2: {  	[hbm4b:s31+s2] =	stream.linear.scatter [tilespmem:s6], [sflag:$0x3], $0x2000, $0x38;
	[tilespmem:$0x4680] =	vst v63  }
.Ltmp1:
0xe3: {  	_ =	swait.ge [sflag:s9], $0x2000;
	(pc) =	sbr.rel @p0 .LBB2_1-.Ltmp1, $4  }
0xe4: {  	[sflag:s9] =	ssyncset.done $0x0  }
0xe5: {  	[sflag:s9] =	ssyncadd.s32 $0xFFFFE000  }
0xe6: {  	_ =	swait.ge [sflag:s9], $0x2000  }
0xe7: {  	s1 =	sadd.s32 $0xFFFFFFFF, s1;
	[sflag:s9] =	ssyncset.done $0x0  }
.LBB2_2:
0xe8: {  	[sflag:s9] =	ssyncadd.s32 $0xFFFFE000  }
0xe9: {  	_ =	sfence.sel $0x180000  }
0xea: {  	[bflag:$0x0] =	sbarrier.arrive $0xFFFF  }
0xeb: {  	_ =	strace $0x90000047  }
0xec: {  	s0 =	stileid.u32;
	[bflag:$0x2] =	sbarrier.arrive $0xFFFF  }
0xed: {  	p0 =	sne.s32 s0, $0x0;
	s0 =	rddreg [dreg:$0x1]  }
0xee: {  	s0 =	sadd.s32 @!p0 $0x100000, s0  }
0xef: {  	[sflag:s0] =	ssyncadd.tile.s32 @!p0 $0x1;
	_ =	shalt  }
.Lfunc_end2:
_tile_overlayer_lowered:
.L_overlay_start_2:
0xf0: {  	(tag) =	ssettag $0x2  }
0xf1: {  	s0 =	rddreg [dreg:$0x0];
	s2 =	stileid.u32  }
0xf2: {  	s1 =	rddreg [dreg:$0x1];
	p0 =	sne.s32 s2, $0x0  }
0xf3: {  	s3 =	rddreg [dreg:$0x2];
	[bflag:$0x3] =	sbarrier.arrive $0xFFFF;
	s2 =	simm.s32 @!p0 $0x1C04  }
0xf4: {  	[timem:s3], [sflag:s2] =	dma.local @!p0 [hbm:s0], s1  }
0xf5: {  	s0 =	simm.s32 @!p0 $0x4  }
0xf6: {  	_ =	swait.ge @!p0 [sflag:s0], s1  }
0xf7: {  	s1 =	ssub.s32 @!p0 $0x0, s1;
	[sflag:s0] =	ssyncset.done @!p0 $0x0  }
0xf8: {  	[sflag:s0] =	ssyncadd.s32 @!p0 s1  }
0xf9: {  	[bflag:$0x3] =	sbarrier.arrive $0xFFFF  }
0xfa: {  	_ =	shalt  }

// kernel: kernel.9.cloned.1.call-start
scs
__scs_entry_jumppad:
0x0: {  	(pc) =	sbr.rel $0x88, $3  }
0x1: {  	(tag) =	ssettag $0x0;
	lr =	simm.s32 $0x1  }
0x2: {  	[smem:$0x3F9B] =	sst lr;
	_ =	strace $0xD0000000  }
0x3: {  	_ = 	snop  }
0x4: {  	_ = 	snop  }
0x5: {  	_ = 	snop  }
0x6: {  	_ = 	snop  }
0x7: {  	_ = 	snop  }
__scs_overlays_trampoline_lowered:
0x8: {  	[smem:$0x3FAA] =	sst s0  }
0x9: {  	[smem:$0x3FAB] =	sst s1  }
0xa: {  	[smem:$0x3FAC] =	sst s2  }
0xb: {  	[smem:$0x3FAD] =	sst s3  }
0xc: {  	[smem:$0x3FAE] =	sst s4  }
0xd: {  	[smem:$0x3FAF] =	sst s5  }
0xe: {  	[smem:$0x3FB0] =	sst s6  }
0xf: {  	[smem:$0x3FB1] =	sst s7  }
0x10: {  	[smem:$0x3FB2] =	sst s8  }
0x11: {  	[smem:$0x3FB3] =	sst s9;
	s0 =	simm.s32 @!p0 $0x0  }
0x12: {  	s1 =	sld [smem:$0x3F99];
	s0 =	simm.s32 @p0 $0x1  }
0x13: {  	[smem:$0x3FB4] =	sst s0;
	s0 =	simm.s32 @!p1 $0x0  }
0x14: {  	s2 =	sld [smem:$0x3F98];
	s0 =	simm.s32 @p1 $0x1  }
0x15: {  	[smem:$0x3FB5] =	sst s0;
	s0 =	simm.s32 @!p2 $0x0  }
0x16: {  	s3 =	sld [smem:$0x3FDB];
	s0 =	simm.s32 @p2 $0x1  }
0x17: {  	s4 =	simm.s32 $0x1BF5;
	[smem:$0x3FB7] =	sst s0  }
0x18: {  	s0 =	sld [smem:$0x3F9A];
	_ =	swait.ge [sflag:s4], $0x0  }
0x19: {  	s7 =	sld [smem:$0x3F9B]  }
0x1a: {  	s8 =	sadd.s32 $0xFFFFE003, lr  }
0x1b: {  	s9 =	sadd.s32 $0xFFFFFEF7, lr;
	s5 =	simm.s32 $0xFFFFFFFF;
	p2 =	slt.u32 s8, $0xFFFFF086  }
0x1c: {  	p1 =	slt.u32 s9, $0xF7A;
	s5 =	simm.s32 @!p2 $0x0  }
0x1d: {  	s5 =	simm.s32 @p1 $0x1;
	p0 =	seq.s32 s7, s2  }
0x1e: {  	s7 =	smul.u32 @!p0 $0xF7A, s2;
	p2 =	seq.s32 @!p0 s5, $0x0  }
0x1f: {  	s9 =	smul.u32 $0xF7A, s1;
	s8 =	simm.s32 @!p0 $0x1BF5;
	p2 =	por !p2, p0  }
0x20: {  	[sflag:s8] =	ssyncset.s32 @!p0 $0xFFFFF086;
	s6 =	sadd.s32 @!p0 s3, s7;
	s7 =	simm.s32 @!p0 $0x108  }
0x21: {  	s3 =	sadd.s32 s3, s9;
	s6 =	sadd.s32 @!p0 $0x88, s6;
	s7 =	simm.s32 @p2 $0x1082  }
0x22: {  	[simem:s7], [sflag:s8] =	dma.local @!p0 [hbm:s6], $0xF7A  }
0x23: {  	s9 =	sor.u32 $0xD0000000, s2;
	s6 =	simm.s32 $0x108;
	_ =	swait.ge @!p0 [sflag:s8], $0x0  }
0x24: {  	s3 =	sadd.s32 $0x88, s3;
	s6 =	simm.s32 @!p1 $0x1082;
	[sflag:s4] =	ssyncset.s32 $0xFFFFF086  }
0x25: {  	[simem:s6], [sflag:s4] =	dma.local [hbm:s3], $0xF7A  }
0x26: {  	[smem:$0x3F9B] =	sst s1;
	(tag) =	ssettag s2;
	_ =	strace s9  }
0x27: {  	s1 =	sld [smem:$0x3FAB]  }
0x28: {  	s2 =	sld [smem:$0x3FAC]  }
0x29: {  	s4 =	sld [smem:$0x3FAE]  }
0x2a: {  	p0 =	seq.s32 s5, $0x0;
	s5 =	sld [smem:$0x3FAF]  }
0x2b: {  	s6 =	sld [smem:$0x3FB0]  }
0x2c: {  	s7 =	sld [smem:$0x3FB1]  }
0x2d: {  	s3 =	simm.s32 $0x108;
	s8 =	sld [smem:$0x3FB2]  }
0x2e: {  	s3 =	simm.s32 @!p0 $0x1082;
	s9 =	sld [smem:$0x3FB3]  }
0x2f: {  	lr =	sadd.s32 s0, s3;
	s0 =	sld [smem:$0x3FAA]  }
0x30: {  	s3 =	sld [smem:$0x3FAD]  }
0x31: {  	[smem:$0x3FB6] =	sst s10  }
0x32: {  	s10 =	sld [smem:$0x3FB4];
	_ =	sdelay $0x3  }
0x33: {  	p0 =	seq.s32 s10, $0x1;
	s10 =	sld [smem:$0x3FB6];
	_ =	sdelay $0x3  }
0x34: {  	[smem:$0x3FB6] =	sst s10  }
0x35: {  	s10 =	sld [smem:$0x3FB5];
	_ =	sdelay $0x3  }
0x36: {  	p1 =	seq.s32 s10, $0x1;
	s10 =	sld [smem:$0x3FB6];
	_ =	sdelay $0x3  }
0x37: {  	[smem:$0x3FB6] =	sst s10  }
0x38: {  	s10 =	sld [smem:$0x3FB7]  }
0x39: {  	_ = 	snop;
	(pc) =	sbr.ind lr, $3  }
0x3a: {  	_ = 	snop  }
0x3b: {  	_ = 	snop  }
0x3c: {  	p2 =	seq.s32 s10, $0x1;
	s10 =	sld [smem:$0x3FB6]  }
0x3d: {  	_ =	shalt  }
0x3e: {  	_ =	shalt  }
0x3f: {  	_ =	shalt  }
0x40: {  	_ =	shalt  }
0x41: {  	_ =	shalt  }
0x42: {  	_ =	shalt  }
0x43: {  	_ =	shalt  }
0x44: {  	_ =	shalt  }
0x45: {  	_ =	shalt  }
0x46: {  	_ =	shalt  }
0x47: {  	_ =	shalt  }
0x48: {  	_ =	shalt  }
0x49: {  	_ =	shalt  }
0x4a: {  	_ =	shalt  }
0x4b: {  	_ =	shalt  }
0x4c: {  	_ =	shalt  }
0x4d: {  	_ =	shalt  }
0x4e: {  	_ =	shalt  }
0x4f: {  	_ =	shalt  }
0x50: {  	_ =	shalt  }
0x51: {  	_ =	shalt  }
0x52: {  	_ =	shalt  }
0x53: {  	_ =	shalt  }
0x54: {  	_ =	shalt  }
0x55: {  	_ =	shalt  }
0x56: {  	_ =	shalt  }
0x57: {  	_ =	shalt  }
0x58: {  	_ =	shalt  }
0x59: {  	_ =	shalt  }
0x5a: {  	_ =	shalt  }
0x5b: {  	_ =	shalt  }
0x5c: {  	_ =	shalt  }
0x5d: {  	_ =	shalt  }
0x5e: {  	_ =	shalt  }
0x5f: {  	_ =	shalt  }
0x60: {  	_ =	shalt  }
0x61: {  	_ =	shalt  }
0x62: {  	_ =	shalt  }
0x63: {  	_ =	shalt  }
0x64: {  	_ =	shalt  }
0x65: {  	_ =	shalt  }
0x66: {  	_ =	shalt  }
0x67: {  	_ =	shalt  }
0x68: {  	_ =	shalt  }
0x69: {  	_ =	shalt  }
0x6a: {  	_ =	shalt  }
0x6b: {  	_ =	shalt  }
0x6c: {  	_ =	shalt  }
0x6d: {  	_ =	shalt  }
0x6e: {  	_ =	shalt  }
0x6f: {  	_ =	shalt  }
0x70: {  	_ =	shalt  }
0x71: {  	_ =	shalt  }
0x72: {  	_ =	shalt  }
0x73: {  	_ =	shalt  }
0x74: {  	_ =	shalt  }
0x75: {  	_ =	shalt  }
0x76: {  	_ =	shalt  }
0x77: {  	_ =	shalt  }
0x78: {  	_ =	shalt  }
0x79: {  	_ =	shalt  }
0x7a: {  	_ =	shalt  }
0x7b: {  	_ =	shalt  }
0x7c: {  	_ =	shalt  }
0x7d: {  	_ =	shalt  }
0x7e: {  	_ =	shalt  }
0x7f: {  	_ =	shalt  }
0x80: {  	_ =	shalt  }
0x81: {  	_ =	shalt  }
0x82: {  	_ =	shalt  }
0x83: {  	_ =	shalt  }
0x84: {  	_ =	shalt  }
0x85: {  	_ =	shalt  }
0x86: {  	_ =	shalt  }
0x87: {  	_ =	shalt  }
.Lfunc_end0:
.L_simem_size_0:
called_computation.1_lowered:
.L_overlay_start_0:
0x88: {  	s2 =	sld [smem:$0x3FD9]  }
0x89: {  	s3 =	sld [smem:$0x3FFE];
	_ =	sdelay $0x1  }
0x8a: {  	s1 =	srdreg.scid  }
0x8b: {  	s0 =	sand.u32 $0x1, s1  }
0x8c: {  	s17 =	sshll.u32 s0, $0xA;
	s2 =	sadd.s32 s3, s2  }
0x8d: {  	s2 =	sadd.s32 s2, s17  }
0x8e: {  	[smem:$0x3FC2] =	sst s2  }
0x8f: {  	_ = 	snop  }
0x90: {  	(tm) =	ssettm $0x1  }
0x91: {  	s18 =	sld [smem:$0x3FFB];
	_ =	sdelay $0x3  }
0x92: {  	_ =	strace s18  }
0x93: {  	s2 =	sld [smem:$0x3FFC];
	_ =	sdelay $0x3  }
0x94: {  	_ =	strace s2  }
0x95: {  	s2 =	sld [smem:$0x3FFD];
	_ =	sdelay $0x3  }
0x96: {  	_ =	strace s2  }
0x97: {  	_ =	strace $0x8FFFFFFF  }
0x98: {  	s19 =	sld [smem:$0x3FDB];
	_ =	sdelay $0x1  }
0x99: {  	s20 =	simm.s32 $_scs_section_size  }
0x9a: {  	s4 =	simm.s32 $_size__tile_overlayer_lowered;
	s5 =	simm.s32 $_tile_overlayer_lowered  }
0x9b: {  	s6 =	simm.s32 $0x1BFF;
	s21 =	sshll.u32 s5, $0x1;
	s3 =	sadd.s32 s20, s19  }
0x9c: {  	s22 =	simm.s32 $0x0;
	s4 =	sshll.u32 s4, $0x1;
	s5 =	sadd.s32 s21, s3  }
0x9d: {  	[timem:s22], [sflag:s6] =	dma.local [hbm:s5], s4  }
0x9e: {  	_ =	swait.ge [sflag:s6], s4  }
0x9f: {  	s4 =	ssub.s32 $0x0, s4;
	[sflag:s6] =	ssyncset.done $0x0  }
0xa0: {  	[sflag:s6] =	ssyncadd.s32 s4;
	_ =	sdelay $0x1  }
0xa1: {  	s23 =	simm.s32 $0x1B8B  }
0xa2: {  	_ =	swait.ge [sflag:s23], $0x1  }
0xa3: {  	[sflag:s23] =	ssyncset.done $0x0  }
0xa4: {  	[sflag:s23] =	ssyncadd.s32 $0xFFFFFFFF  }
0xa5: {  	s4 =	sld [smem:$0x0]  }
0xa6: {  	s5 =	sand.u32 $0xFFFFFFFE, s1  }
0xa7: {  	p0 =	sne.s32 s1, s5  }
0xa8: {  	s5 =	sshll.u32 @p0 s5, $0xE  }
0xa9: {  	s5 =	sadd.s32 @p0 $0x11B8D, s5;
	s6 =	sshll.u32 @p0 s4, $0x11  }
0xaa: {  	s5 =	sor.u32 @p0 s6, s5  }
0xab: {  	[sflag:s5] =	ssyncadd.remote.s32 @p0 $0x1;
	_ =	sdelay $0x1  }
0xac: {  	s5 =	simm.s32 @p0 $0x1B8D  }
0xad: {  	_ =	swait.eq @p0 [sflag:s5], $0x1  }
0xae: {  	[sflag:s5] =	ssyncadd.s32 @p0 $0xFFFFFFFF  }
0xaf: {  	s6 =	sshll.u32 @!p0 s1, $0xE  }
0xb0: {  	s6 =	sor.u32 @!p0 $0x4000, s6;
	s5 =	simm.s32 @!p0 $0x1B8D  }
0xb1: {  	s4 =	sshll.u32 @!p0 s4, $0x11;
	s6 =	sadd.s32 @!p0 $0x11B8D, s6;
	_ =	swait.eq @!p0 [sflag:s5], $0x1  }
0xb2: {  	s4 =	sor.u32 @!p0 s4, s6;
	[sflag:s5] =	ssyncadd.s32 @!p0 $0xFFFFFFFF  }
0xb3: {  	s25 =	simm.s32 $0x1B8E;
	s24 =	sld [smem:$0x3FFE];
	[sflag:s4] =	ssyncadd.remote.s32 @!p0 $0x1  }
0xb4: {  	s26 =	simm.s32 $execute0_lowered;
	[smem:$0x3FD2] =	sst s25  }
0xb5: {  	s5 =	sshll.u32 s26, $0x1;
	_ =	strace $0x80000049;
	[dreg:$0x1] =	wrdreg $0xFFFFFFFF  }
0xb6: {  	s28 =	simm.s32 $_size_execute0_lowered;
	s3 =	sadd.s32 s3, s5;
	[dreg:$0x0] =	wrdreg $0x0  }
0xb7: {  	s5 =	sshll.u32 s28, $0x1;
	[dreg:$0x2] =	wrdreg s3  }
0xb8: {  	[dreg:$0x3] =	wrdreg s5  }
0xb9: {  	[dreg:$0x4] =	wrdreg $0xC0  }
0xba: {  	_ =	task [dreg:s22], $0x5FFFF  }
0xbb: {  	[dreg:$0x1] =	wrdreg $0xFFFFFFFF  }
0xbc: {  	[dreg:$0x0] =	wrdreg $0x60  }
0xbd: {  	[dreg:$0x2] =	wrdreg s24  }
0xbe: {  	[dreg:$0x3] =	wrdreg $0xA  }
0xbf: {  	_ =	task.clear_ibuf [dreg:s22], $0x4FFFF;
	_ =	strace $0x90000049  }
0xc0: {  	s29 =	simm.s32 $0xA;
	_ =	strace $0x8000004B  }
0xc1: {  	_ =	swait.ge [sflag:s29], $0x1  }
0xc2: {  	[sflag:s29] =	ssyncadd.s32 $0xFFFFFFFF  }
0xc3: {  	_ =	strace $0x9000004B  }
0xc4: {  	_ =	sfence  }
0xc5: {  	s30 =	sld [smem:$0x0];
	_ =	sdelay $0x2  }
0xc6: {  	s31 =	sshll.u32 s1, $0xD;
	s1 =	sshrl.u32 s1, $0x2  }
0xc7: {  	s4 =	sand.u32 $0x4000, s31;
	s1 =	sadd.s32 s1, s30  }
0xc8: {  	s0 =	sor.u32 s4, s0;
	s1 =	sshll.u32 s1, $0x11  }
0xc9: {  	s0 =	sor.u32 s1, s0  }
0xca: {  	s0 =	sadd.s32 $0x8F2B, s0  }
0xcb: {  	[sflag:s0] =	ssyncadd.remote.s32 $0x1  }
0xcc: {  	_ =	sfence.sel $0xFFFF  }
0xcd: {  	[dreg:$0x0] =	wrdreg $0xFFFFFFFF;
	(pc) =	sbr.abs _section_cstart, $3  }
0xce: {  	[dreg:$0x1] =	wrdreg $0xFFFFFFFF  }
0xcf: {  	_ =	task.clear_ibuf [dreg:s22], $0x2FFFF;
	_ =	strace $0x9FFFFFFF  }
0xd0: {  	(tm) =	ssettm $0x7FFFFFFF  }
0xd1: {  	_ =	shalt  }
tec
execute0_lowered:
.L_overlay_start_1:
0x0: {  	(tag) =	ssettag $0x1  }
0x1: {  	s1 =	srdreg.scid;
	s0 =	stileid.u32  }
0x2: {  	s1 =	sand.u32 $0x1, s1;
	s2 =	sshll.u32 s0, $0x1  }
0x3: {  	s3 =	sor.u32 s1, s2  }
0x4: {  	s5 =	smul.u32 $0xD0, s3  }
0x5: {  	s4 =	rddreg [dreg:$0x0];
	s2 =	simm.s32 $0x0;
	s6 =	smul.u32 $0x1A000, s3  }
0x6: {  	[smem:$0x7FF] =	sst s2;
	s3 =	smul.u32 $0x3400, s3  }
0x7: {  	s7 =	sadd.s32 $0x12FC00, s4;
	_ =	strace $0x8000004A  }
0x8: {  	s5 =	sadd.s32 s5, s4;
	s6 =	sshrl.u32 s6, $0x3;
	s3 =	sadd.s32 s7, s3  }
0x9: {  	s5 =	sadd.s32 $0x12E200, s5;
	s31 =	sadd.s32 s7, s6;
	[dreg:$0x3] =	wrdreg s3  }
0xa: {  	[dreg:$0x2] =	wrdreg s5;
	s24 =	sadd.s32 $0x400, s31  }
0xb: {  	[dreg:$0x4] =	wrdreg s24  }
0xc: {  	s25 =	sadd.s32 $0x800, s31;
	s5 =	rddreg [dreg:$0x2]  }
0xd: {  	s26 =	sadd.s32 $0xC00, s31;
	[dreg:$0x5] =	wrdreg s25  }
0xe: {  	s3 =	simm.s32 $0x4;
	[dreg:$0x6] =	wrdreg s26  }
0xf: {  	[tilespmem:s2], [sflag:$0x4] =	stream.linear.gather [hbm4b:s5+s2], $0x680, $0x38;
	[tilespmem:$0x4680] =	vst v63  }
0x10: {  	_ =	swait.ge [sflag:s3], $0x680  }
0x11: {  	s4 =	sadd.s32 $0x1200, s4;
	[sflag:s3] =	ssyncset.done $0x0  }
0x12: {  	s6 =	simm.s32 $0x680;
	s5 =	simm.s32 $0x80;
	[sflag:s3] =	ssyncadd.s32 $0xFFFFF980  }
0x13: {  	[tilespmem:s6], [sflag:$0x1] =	stream.indirect.gather [hbm4b:s4+s5], $0x40, s2, s5, $0xb8;
	[tilespmem:$0x4680] =	vst v63  }
0x14: {  	s8 =	simm.s32 $0x1;
	s7 =	simm.s32 $0x2680  }
0x15: {  	[tilespmem:s7], [sflag:$0x2] =	stream.indirect.gather [hbm4b:s4+s5], $0x40, s5, s5, $0xb8;
	[tilespmem:$0x4680] =	vst v63  }
0x16: {  	_ =	swait.ge [sflag:s8], $0x2000  }
0x17: {  	[sflag:s8] =	ssyncset.done $0x0  }
0x18: {  	s9 =	simm.s32 $0x3;
	s10 =	rddreg [dreg:$0x3];
	[sflag:s8] =	ssyncadd.s32 $0xFFFFE000  }
0x19: {  	[hbm4b:s10+s2] =	stream.linear.scatter [tilespmem:s6], [sflag:$0x3], $0x2000, $0x38;
	[tilespmem:$0x4680] =	vst v63  }
0x1a: {  	_ =	swait.ge [sflag:s9], $0x2000  }
0x1b: {  	[sflag:s9] =	ssyncset.done $0x0  }
0x1c: {  	s11 =	simm.s32 $0x2;
	s10 =	simm.s32 $0x100;
	[sflag:s9] =	ssyncadd.s32 $0xFFFFE000  }
0x1d: {  	[tilespmem:s6], [sflag:$0x1] =	stream.indirect.gather [hbm4b:s4+s5], $0x40, s10, s5, $0xb8;
	[tilespmem:$0x4680] =	vst v63  }
0x1e: {  	_ =	swait.ge [sflag:s11], $0x2000  }
0x1f: {  	[sflag:s11] =	ssyncset.done $0x0  }
0x20: {  	s12 =	rddreg [dreg:$0x4];
	[sflag:s11] =	ssyncadd.s32 $0xFFFFE000  }
0x21: {  	[hbm4b:s12+s2] =	stream.linear.scatter [tilespmem:s7], [sflag:$0x3], $0x2000, $0x38;
	[tilespmem:$0x4680] =	vst v63  }
0x22: {  	_ =	swait.ge [sflag:s9], $0x2000  }
0x23: {  	[sflag:s9] =	ssyncset.done $0x0  }
0x24: {  	s12 =	simm.s32 $0x180;
	[sflag:s9] =	ssyncadd.s32 $0xFFFFE000  }
0x25: {  	[tilespmem:s7], [sflag:$0x2] =	stream.indirect.gather [hbm4b:s4+s5], $0x40, s12, s5, $0xb8;
	[tilespmem:$0x4680] =	vst v63  }
0x26: {  	_ =	swait.ge [sflag:s8], $0x2000  }
0x27: {  	[sflag:s8] =	ssyncset.done $0x0  }
0x28: {  	s13 =	rddreg [dreg:$0x5];
	[sflag:s8] =	ssyncadd.s32 $0xFFFFE000  }
0x29: {  	[hbm4b:s13+s2] =	stream.linear.scatter [tilespmem:s6], [sflag:$0x3], $0x2000, $0x38;
	[tilespmem:$0x4680] =	vst v63  }
0x2a: {  	_ =	swait.ge [sflag:s9], $0x2000  }
0x2b: {  	[sflag:s9] =	ssyncset.done $0x0  }
0x2c: {  	s13 =	simm.s32 $0x200;
	[sflag:s9] =	ssyncadd.s32 $0xFFFFE000  }
0x2d: {  	[tilespmem:s6], [sflag:$0x1] =	stream.indirect.gather [hbm4b:s4+s5], $0x40, s13, s5, $0xb8;
	[tilespmem:$0x4680] =	vst v63  }
0x2e: {  	_ =	swait.ge [sflag:s11], $0x2000  }
0x2f: {  	[sflag:s11] =	ssyncset.done $0x0  }
0x30: {  	s14 =	rddreg [dreg:$0x6];
	[sflag:s11] =	ssyncadd.s32 $0xFFFFE000  }
0x31: {  	[hbm4b:s14+s2] =	stream.linear.scatter [tilespmem:s7], [sflag:$0x3], $0x2000, $0x38;
	[tilespmem:$0x4680] =	vst v63  }
0x32: {  	_ =	swait.ge [sflag:s9], $0x2000  }
0x33: {  	[sflag:s9] =	ssyncset.done $0x0  }
0x34: {  	s14 =	simm.s32 $0x280;
	[sflag:s9] =	ssyncadd.s32 $0xFFFFE000  }
0x35: {  	[tilespmem:s7], [sflag:$0x2] =	stream.indirect.gather [hbm4b:s4+s5], $0x40, s14, s5, $0xb8;
	[tilespmem:$0x4680] =	vst v63  }
0x36: {  	_ =	swait.ge [sflag:s8], $0x2000  }
0x37: {  	[sflag:s8] =	ssyncset.done $0x0  }
0x38: {  	s15 =	sadd.s32 $0x1000, s31;
	[sflag:s8] =	ssyncadd.s32 $0xFFFFE000  }
0x39: {  	[hbm4b:s15+s2] =	stream.linear.scatter [tilespmem:s6], [sflag:$0x3], $0x2000, $0x38;
	[tilespmem:$0x4680] =	vst v63  }
0x3a: {  	_ =	swait.ge [sflag:s9], $0x2000  }
0x3b: {  	[sflag:s9] =	ssyncset.done $0x0  }
0x3c: {  	s16 =	simm.s32 $0x300;
	[sflag:s9] =	ssyncadd.s32 $0xFFFFE000  }
0x3d: {  	[tilespmem:s6], [sflag:$0x1] =	stream.indirect.gather [hbm4b:s4+s5], $0x40, s16, s5, $0xb8;
	[tilespmem:$0x4680] =	vst v63  }
0x3e: {  	_ =	swait.ge [sflag:s11], $0x2000  }
0x3f: {  	[sflag:s11] =	ssyncset.done $0x0  }
0x40: {  	s17 =	sadd.s32 $0x1400, s31;
	[sflag:s11] =	ssyncadd.s32 $0xFFFFE000  }
0x41: {  	[hbm4b:s17+s2] =	stream.linear.scatter [tilespmem:s7], [sflag:$0x3], $0x2000, $0x38;
	[tilespmem:$0x4680] =	vst v63  }
0x42: {  	_ =	swait.ge [sflag:s9], $0x2000  }
0x43: {  	[sflag:s9] =	ssyncset.done $0x0  }
0x44: {  	s18 =	simm.s32 $0x380;
	[sflag:s9] =	ssyncadd.s32 $0xFFFFE000  }
0x45: {  	[tilespmem:s7], [sflag:$0x2] =	stream.indirect.gather [hbm4b:s4+s5], $0x40, s18, s5, $0xb8;
	[tilespmem:$0x4680] =	vst v63  }
0x46: {  	_ =	swait.ge [sflag:s8], $0x2000  }
0x47: {  	[sflag:s8] =	ssyncset.done $0x0  }
0x48: {  	s19 =	sadd.s32 $0x1800, s31;
	[sflag:s8] =	ssyncadd.s32 $0xFFFFE000  }
0x49: {  	[hbm4b:s19+s2] =	stream.linear.scatter [tilespmem:s6], [sflag:$0x3], $0x2000, $0x38;
	[tilespmem:$0x4680] =	vst v63  }
0x4a: {  	_ =	swait.ge [sflag:s9], $0x2000  }
0x4b: {  	[sflag:s9] =	ssyncset.done $0x0  }
0x4c: {  	s20 =	simm.s32 $0x400;
	[sflag:s9] =	ssyncadd.s32 $0xFFFFE000  }
0x4d: {  	[tilespmem:s6], [sflag:$0x1] =	stream.indirect.gather [hbm4b:s4+s5], $0x40, s20, s5, $0xb8;
	[tilespmem:$0x4680] =	vst v63  }
0x4e: {  	_ =	swait.ge [sflag:s11], $0x2000  }
0x4f: {  	[sflag:s11] =	ssyncset.done $0x0  }
0x50: {  	s21 =	sadd.s32 $0x1C00, s31;
	[sflag:s11] =	ssyncadd.s32 $0xFFFFE000  }
0x51: {  	[hbm4b:s21+s2] =	stream.linear.scatter [tilespmem:s7], [sflag:$0x3], $0x2000, $0x38;
	[tilespmem:$0x4680] =	vst v63  }
0x52: {  	_ =	swait.ge [sflag:s9], $0x2000  }
0x53: {  	[sflag:s9] =	ssyncset.done $0x0  }
0x54: {  	s22 =	simm.s32 $0x480;
	[sflag:s9] =	ssyncadd.s32 $0xFFFFE000  }
0x55: {  	[tilespmem:s7], [sflag:$0x2] =	stream.indirect.gather [hbm4b:s4+s5], $0x40, s22, s5, $0xb8;
	[tilespmem:$0x4680] =	vst v63  }
0x56: {  	_ =	swait.ge [sflag:s8], $0x2000  }
0x57: {  	[sflag:s8] =	ssyncset.done $0x0  }
0x58: {  	s23 =	sadd.s32 $0x2000, s31;
	[sflag:s8] =	ssyncadd.s32 $0xFFFFE000  }
0x59: {  	[hbm4b:s23+s2] =	stream.linear.scatter [tilespmem:s6], [sflag:$0x3], $0x2000, $0x38;
	[tilespmem:$0x4680] =	vst v63  }
0x5a: {  	_ =	swait.ge [sflag:s9], $0x2000  }
0x5b: {  	[sflag:s9] =	ssyncset.done $0x0  }
0x5c: {  	s24 =	simm.s32 $0x500;
	[sflag:s9] =	ssyncadd.s32 $0xFFFFE000  }
0x5d: {  	[tilespmem:s6], [sflag:$0x1] =	stream.indirect.gather [hbm4b:s4+s5], $0x40, s24, s5, $0xb8;
	[tilespmem:$0x4680] =	vst v63  }
0x5e: {  	_ =	swait.ge [sflag:s11], $0x2000  }
0x5f: {  	[sflag:s11] =	ssyncset.done $0x0  }
0x60: {  	s25 =	sadd.s32 $0x2400, s31;
	[sflag:s11] =	ssyncadd.s32 $0xFFFFE000  }
0x61: {  	[hbm4b:s25+s2] =	stream.linear.scatter [tilespmem:s7], [sflag:$0x3], $0x2000, $0x38;
	[tilespmem:$0x4680] =	vst v63  }
0x62: {  	_ =	swait.ge [sflag:s9], $0x2000  }
0x63: {  	[sflag:s9] =	ssyncset.done $0x0  }
0x64: {  	s26 =	simm.s32 $0x580;
	[sflag:s9] =	ssyncadd.s32 $0xFFFFE000  }
0x65: {  	[tilespmem:s7], [sflag:$0x2] =	stream.indirect.gather [hbm4b:s4+s5], $0x40, s26, s5, $0xb8;
	[tilespmem:$0x4680] =	vst v63  }
0x66: {  	_ =	swait.ge [sflag:s8], $0x2000  }
0x67: {  	[sflag:s8] =	ssyncset.done $0x0  }
0x68: {  	s28 =	sadd.s32 $0x2800, s31;
	[sflag:s8] =	ssyncadd.s32 $0xFFFFE000  }
0x69: {  	[hbm4b:s28+s2] =	stream.linear.scatter [tilespmem:s6], [sflag:$0x3], $0x2000, $0x38;
	[tilespmem:$0x4680] =	vst v63  }
0x6a: {  	_ =	swait.ge [sflag:s9], $0x2000  }
0x6b: {  	[sflag:s9] =	ssyncset.done $0x0  }
0x6c: {  	s29 =	simm.s32 $0x600;
	[sflag:s9] =	ssyncadd.s32 $0xFFFFE000  }
0x6d: {  	[tilespmem:s6], [sflag:$0x1] =	stream.indirect.gather [hbm4b:s4+s5], $0x40, s29, s5, $0xb8;
	[tilespmem:$0x4680] =	vst v63  }
0x6e: {  	_ =	swait.ge [sflag:s11], $0x2000  }
0x6f: {  	s1 =	ssub.s32 $0x2, s1;
	[sflag:s11] =	ssyncset.done $0x0  }
0x70: {  	s0 =	sshrl.u32 s1, $0x1;
	s30 =	sadd.s32 $0x2C00, s31;
	[sflag:s11] =	ssyncadd.s32 $0xFFFFE000  }
0x71: {  	[hbm4b:s30+s2] =	stream.linear.scatter [tilespmem:s7], [sflag:$0x3], $0x2000, $0x38;
	[tilespmem:$0x4680] =	vst v63  }
0x72: {  	s0 =	ssub.s32 s1, s0;
	_ =	swait.ge [sflag:s8], $0x2000  }
0x73: {  	s0 =	smax.u32 s0, $0x1;
	[sflag:s8] =	ssyncset.done $0x0  }
0x74: {  	p0 =	sne.s32 s0, $0x1;
	s31 =	sadd.s32 $0x3000, s31;
	[sflag:s8] =	ssyncadd.s32 $0xFFFFE000  }
0x75: {  	[hbm4b:s31+s2] =	stream.linear.scatter [tilespmem:s6], [sflag:$0x3], $0x2000, $0x38;
	[tilespmem:$0x4680] =	vst v63  }
.Ltmp0:
0x76: {  	_ =	swait.ge [sflag:s9], $0x2000;
	(pc) =	sbr.rel @!p0 .LBB2_2-.Ltmp0, $4  }
0x77: {  	[sflag:s9] =	ssyncset.done $0x0  }
0x78: {  	[sflag:s9] =	ssyncadd.s32 $0xFFFFE000  }
0x79: {  	_ =	swait.ge [sflag:s9], $0x2000  }
0x7a: {  	s1 =	sadd.s32 $0xFFFFFFFF, s0;
	[sflag:s9] =	ssyncset.done $0x0  }
.LBB2_1:
0x7b: {  	s0 =	rddreg [dreg:$0x2];
	[sflag:s9] =	ssyncadd.s32 $0xFFFFE000  }
0x7c: {  	[tilespmem:s2], [sflag:$0x4] =	stream.linear.gather [hbm4b:s0+s2], $0x680, $0x38;
	[tilespmem:$0x4680] =	vst v63  }
0x7d: {  	_ =	swait.ge [sflag:s3], $0x680  }
0x7e: {  	[sflag:s3] =	ssyncset.done $0x0  }
0x7f: {  	[sflag:s3] =	ssyncadd.s32 $0xFFFFF980  }
0x80: {  	[tilespmem:s6], [sflag:$0x1] =	stream.indirect.gather [hbm4b:s4+s5], $0x40, s2, s5, $0xb8;
	[tilespmem:$0x4680] =	vst v63  }
0x81: {  	_ = 	snop  }
0x82: {  	[tilespmem:s7], [sflag:$0x2] =	stream.indirect.gather [hbm4b:s4+s5], $0x40, s5, s5, $0xb8;
	[tilespmem:$0x4680] =	vst v63  }
0x83: {  	_ =	swait.ge [sflag:s8], $0x2000  }
0x84: {  	[sflag:s8] =	ssyncset.done $0x0  }
0x85: {  	s0 =	rddreg [dreg:$0x3];
	[sflag:s8] =	ssyncadd.s32 $0xFFFFE000  }
0x86: {  	[hbm4b:s0+s2] =	stream.linear.scatter [tilespmem:s6], [sflag:$0x3], $0x2000, $0x38;
	[tilespmem:$0x4680] =	vst v63  }
0x87: {  	_ =	swait.ge [sflag:s9], $0x2000  }
0x88: {  	[sflag:s9] =	ssyncset.done $0x0  }
0x89: {  	[sflag:s9] =	ssyncadd.s32 $0xFFFFE000  }
0x8a: {  	[tilespmem:s6], [sflag:$0x1] =	stream.indirect.gather [hbm4b:s4+s5], $0x40, s10, s5, $0xb8;
	[tilespmem:$0x4680] =	vst v63  }
0x8b: {  	_ =	swait.ge [sflag:s11], $0x2000  }
0x8c: {  	[sflag:s11] =	ssyncset.done $0x0  }
0x8d: {  	s0 =	rddreg [dreg:$0x4];
	[sflag:s11] =	ssyncadd.s32 $0xFFFFE000  }
0x8e: {  	[hbm4b:s0+s2] =	stream.linear.scatter [tilespmem:s7], [sflag:$0x3], $0x2000, $0x38;
	[tilespmem:$0x4680] =	vst v63  }
0x8f: {  	_ =	swait.ge [sflag:s9], $0x2000  }
0x90: {  	[sflag:s9] =	ssyncset.done $0x0  }
0x91: {  	[sflag:s9] =	ssyncadd.s32 $0xFFFFE000  }
0x92: {  	[tilespmem:s7], [sflag:$0x2] =	stream.indirect.gather [hbm4b:s4+s5], $0x40, s12, s5, $0xb8;
	[tilespmem:$0x4680] =	vst v63  }
0x93: {  	_ =	swait.ge [sflag:s8], $0x2000  }
0x94: {  	[sflag:s8] =	ssyncset.done $0x0  }
0x95: {  	s0 =	rddreg [dreg:$0x5];
	[sflag:s8] =	ssyncadd.s32 $0xFFFFE000  }
0x96: {  	[hbm4b:s0+s2] =	stream.linear.scatter [tilespmem:s6], [sflag:$0x3], $0x2000, $0x38;
	[tilespmem:$0x4680] =	vst v63  }
0x97: {  	_ =	swait.ge [sflag:s9], $0x2000  }
0x98: {  	[sflag:s9] =	ssyncset.done $0x0  }
0x99: {  	[sflag:s9] =	ssyncadd.s32 $0xFFFFE000  }
0x9a: {  	[tilespmem:s6], [sflag:$0x1] =	stream.indirect.gather [hbm4b:s4+s5], $0x40, s13, s5, $0xb8;
	[tilespmem:$0x4680] =	vst v63  }
0x9b: {  	_ =	swait.ge [sflag:s11], $0x2000  }
0x9c: {  	[sflag:s11] =	ssyncset.done $0x0  }
0x9d: {  	s0 =	rddreg [dreg:$0x6];
	[sflag:s11] =	ssyncadd.s32 $0xFFFFE000  }
0x9e: {  	[hbm4b:s0+s2] =	stream.linear.scatter [tilespmem:s7], [sflag:$0x3], $0x2000, $0x38;
	[tilespmem:$0x4680] =	vst v63  }
0x9f: {  	_ =	swait.ge [sflag:s9], $0x2000  }
0xa0: {  	[sflag:s9] =	ssyncset.done $0x0  }
0xa1: {  	[sflag:s9] =	ssyncadd.s32 $0xFFFFE000  }
0xa2: {  	[tilespmem:s7], [sflag:$0x2] =	stream.indirect.gather [hbm4b:s4+s5], $0x40, s14, s5, $0xb8;
	[tilespmem:$0x4680] =	vst v63  }
0xa3: {  	_ =	swait.ge [sflag:s8], $0x2000  }
0xa4: {  	[sflag:s8] =	ssyncset.done $0x0  }
0xa5: {  	[sflag:s8] =	ssyncadd.s32 $0xFFFFE000  }
0xa6: {  	[hbm4b:s15+s2] =	stream.linear.scatter [tilespmem:s6], [sflag:$0x3], $0x2000, $0x38;
	[tilespmem:$0x4680] =	vst v63  }
0xa7: {  	_ =	swait.ge [sflag:s9], $0x2000  }
0xa8: {  	[sflag:s9] =	ssyncset.done $0x0  }
0xa9: {  	[sflag:s9] =	ssyncadd.s32 $0xFFFFE000  }
0xaa: {  	[tilespmem:s6], [sflag:$0x1] =	stream.indirect.gather [hbm4b:s4+s5], $0x40, s16, s5, $0xb8;
	[tilespmem:$0x4680] =	vst v63  }
0xab: {  	_ =	swait.ge [sflag:s11], $0x2000  }
0xac: {  	[sflag:s11] =	ssyncset.done $0x0  }
0xad: {  	[sflag:s11] =	ssyncadd.s32 $0xFFFFE000  }
0xae: {  	[hbm4b:s17+s2] =	stream.linear.scatter [tilespmem:s7], [sflag:$0x3], $0x2000, $0x38;
	[tilespmem:$0x4680] =	vst v63  }
0xaf: {  	_ =	swait.ge [sflag:s9], $0x2000  }
0xb0: {  	[sflag:s9] =	ssyncset.done $0x0  }
0xb1: {  	[sflag:s9] =	ssyncadd.s32 $0xFFFFE000  }
0xb2: {  	[tilespmem:s7], [sflag:$0x2] =	stream.indirect.gather [hbm4b:s4+s5], $0x40, s18, s5, $0xb8;
	[tilespmem:$0x4680] =	vst v63  }
0xb3: {  	_ =	swait.ge [sflag:s8], $0x2000  }
0xb4: {  	[sflag:s8] =	ssyncset.done $0x0  }
0xb5: {  	[sflag:s8] =	ssyncadd.s32 $0xFFFFE000  }
0xb6: {  	[hbm4b:s19+s2] =	stream.linear.scatter [tilespmem:s6], [sflag:$0x3], $0x2000, $0x38;
	[tilespmem:$0x4680] =	vst v63  }
0xb7: {  	_ =	swait.ge [sflag:s9], $0x2000  }
0xb8: {  	[sflag:s9] =	ssyncset.done $0x0  }
0xb9: {  	[sflag:s9] =	ssyncadd.s32 $0xFFFFE000  }
0xba: {  	[tilespmem:s6], [sflag:$0x1] =	stream.indirect.gather [hbm4b:s4+s5], $0x40, s20, s5, $0xb8;
	[tilespmem:$0x4680] =	vst v63  }
0xbb: {  	_ =	swait.ge [sflag:s11], $0x2000  }
0xbc: {  	[sflag:s11] =	ssyncset.done $0x0  }
0xbd: {  	[sflag:s11] =	ssyncadd.s32 $0xFFFFE000  }
0xbe: {  	[hbm4b:s21+s2] =	stream.linear.scatter [tilespmem:s7], [sflag:$0x3], $0x2000, $0x38;
	[tilespmem:$0x4680] =	vst v63  }
0xbf: {  	_ =	swait.ge [sflag:s9], $0x2000  }
0xc0: {  	[sflag:s9] =	ssyncset.done $0x0  }
0xc1: {  	[sflag:s9] =	ssyncadd.s32 $0xFFFFE000  }
0xc2: {  	[tilespmem:s7], [sflag:$0x2] =	stream.indirect.gather [hbm4b:s4+s5], $0x40, s22, s5, $0xb8;
	[tilespmem:$0x4680] =	vst v63  }
0xc3: {  	_ =	swait.ge [sflag:s8], $0x2000  }
0xc4: {  	[sflag:s8] =	ssyncset.done $0x0  }
0xc5: {  	[sflag:s8] =	ssyncadd.s32 $0xFFFFE000  }
0xc6: {  	[hbm4b:s23+s2] =	stream.linear.scatter [tilespmem:s6], [sflag:$0x3], $0x2000, $0x38;
	[tilespmem:$0x4680] =	vst v63  }
0xc7: {  	_ =	swait.ge [sflag:s9], $0x2000  }
0xc8: {  	[sflag:s9] =	ssyncset.done $0x0  }
0xc9: {  	[sflag:s9] =	ssyncadd.s32 $0xFFFFE000  }
0xca: {  	[tilespmem:s6], [sflag:$0x1] =	stream.indirect.gather [hbm4b:s4+s5], $0x40, s24, s5, $0xb8;
	[tilespmem:$0x4680] =	vst v63  }
0xcb: {  	_ =	swait.ge [sflag:s11], $0x2000  }
0xcc: {  	[sflag:s11] =	ssyncset.done $0x0  }
0xcd: {  	[sflag:s11] =	ssyncadd.s32 $0xFFFFE000  }
0xce: {  	[hbm4b:s25+s2] =	stream.linear.scatter [tilespmem:s7], [sflag:$0x3], $0x2000, $0x38;
	[tilespmem:$0x4680] =	vst v63  }
0xcf: {  	_ =	swait.ge [sflag:s9], $0x2000  }
0xd0: {  	[sflag:s9] =	ssyncset.done $0x0  }
0xd1: {  	[sflag:s9] =	ssyncadd.s32 $0xFFFFE000  }
0xd2: {  	[tilespmem:s7], [sflag:$0x2] =	stream.indirect.gather [hbm4b:s4+s5], $0x40, s26, s5, $0xb8;
	[tilespmem:$0x4680] =	vst v63  }
0xd3: {  	_ =	swait.ge [sflag:s8], $0x2000  }
0xd4: {  	[sflag:s8] =	ssyncset.done $0x0  }
0xd5: {  	[sflag:s8] =	ssyncadd.s32 $0xFFFFE000  }
0xd6: {  	[hbm4b:s28+s2] =	stream.linear.scatter [tilespmem:s6], [sflag:$0x3], $0x2000, $0x38;
	[tilespmem:$0x4680] =	vst v63  }
0xd7: {  	_ =	swait.ge [sflag:s9], $0x2000  }
0xd8: {  	[sflag:s9] =	ssyncset.done $0x0  }
0xd9: {  	[sflag:s9] =	ssyncadd.s32 $0xFFFFE000  }
0xda: {  	[tilespmem:s6], [sflag:$0x1] =	stream.indirect.gather [hbm4b:s4+s5], $0x40, s29, s5, $0xb8;
	[tilespmem:$0x4680] =	vst v63  }
0xdb: {  	_ =	swait.ge [sflag:s11], $0x2000  }
0xdc: {  	[sflag:s11] =	ssyncset.done $0x0  }
0xdd: {  	[sflag:s11] =	ssyncadd.s32 $0xFFFFE000  }
0xde: {  	[hbm4b:s30+s2] =	stream.linear.scatter [tilespmem:s7], [sflag:$0x3], $0x2000, $0x38;
	[tilespmem:$0x4680] =	vst v63  }
0xdf: {  	_ =	swait.ge [sflag:s8], $0x2000  }
0xe0: {  	[sflag:s8] =	ssyncset.done $0x0  }
0xe1: {  	p0 =	sne.s32 s1, $0x1;
	[sflag:s8] =	ssyncadd.s32 $0xFFFFE000  }
0xe2: {  	[hbm4b:s31+s2] =	stream.linear.scatter [tilespmem:s6], [sflag:$0x3], $0x2000, $0x38;
	[tilespmem:$0x4680] =	vst v63  }
.Ltmp1:
0xe3: {  	_ =	swait.ge [sflag:s9], $0x2000;
	(pc) =	sbr.rel @p0 .LBB2_1-.Ltmp1, $4  }
0xe4: {  	[sflag:s9] =	ssyncset.done $0x0  }
0xe5: {  	[sflag:s9] =	ssyncadd.s32 $0xFFFFE000  }
0xe6: {  	_ =	swait.ge [sflag:s9], $0x2000  }
0xe7: {  	s1 =	sadd.s32 $0xFFFFFFFF, s1;
	[sflag:s9] =	ssyncset.done $0x0  }
.LBB2_2:
0xe8: {  	[sflag:s9] =	ssyncadd.s32 $0xFFFFE000  }
0xe9: {  	_ =	sfence.sel $0x180000  }
0xea: {  	[bflag:$0x0] =	sbarrier.arrive $0xFFFF  }
0xeb: {  	_ =	strace $0x9000004A  }
0xec: {  	s0 =	stileid.u32;
	[bflag:$0x2] =	sbarrier.arrive $0xFFFF  }
0xed: {  	p0 =	sne.s32 s0, $0x0;
	s0 =	rddreg [dreg:$0x1]  }
0xee: {  	s0 =	sadd.s32 @!p0 $0x100000, s0  }
0xef: {  	[sflag:s0] =	ssyncadd.tile.s32 @!p0 $0x1;
	_ =	shalt  }
.Lfunc_end2:
_tile_overlayer_lowered:
.L_overlay_start_2:
0xf0: {  	(tag) =	ssettag $0x2  }
0xf1: {  	s0 =	rddreg [dreg:$0x0];
	s2 =	stileid.u32  }
0xf2: {  	s1 =	rddreg [dreg:$0x1];
	p0 =	sne.s32 s2, $0x0  }
0xf3: {  	s3 =	rddreg [dreg:$0x2];
	[bflag:$0x3] =	sbarrier.arrive $0xFFFF;
	s2 =	simm.s32 @!p0 $0x1C04  }
0xf4: {  	[timem:s3], [sflag:s2] =	dma.local @!p0 [hbm:s0], s1  }
0xf5: {  	s0 =	simm.s32 @!p0 $0x4  }
0xf6: {  	_ =	swait.ge @!p0 [sflag:s0], s1  }
0xf7: {  	s1 =	ssub.s32 @!p0 $0x0, s1;
	[sflag:s0] =	ssyncset.done @!p0 $0x0  }
0xf8: {  	[sflag:s0] =	ssyncadd.s32 @!p0 s1  }
0xf9: {  	[bflag:$0x3] =	sbarrier.arrive $0xFFFF  }
0xfa: {  	_ =	shalt  }

</sc_bundles>
